<compile_context>
chip_gen: v7x
topology: tpu7x:2x2x1
jax: 0.10.2.dev20260603
libtpu: 0.0.44.dev20260713+nightly
codegen_flags: <defaults>
</compile_context>

<pallas_src>
import functools

import jax
import jax.numpy as jnp
from jax import lax
from jax.experimental import pallas as pl
from jax.experimental.pallas import tpu as pltpu
from jax.experimental.pallas import tpu_sc as plsc

_N = 10000
_E = 320000
_D = 128
_G = 64
_NC = 10
_NUM_GCN = 4

_NTILES = 32
_CHUNK = 128
_NCHUNK = 120
_PHCHUNK = 40
_EPT = _CHUNK * _NCHUNK
_E_SLOW = 16 * 4640
_RPT = 640
_NPAD = _RPT * 16
_NTRASH = 512
_NACC = _NPAD + _NTRASH
_ROWBLK = 1000
_NBLK = _N // _ROWBLK


def _sc_body(m_hbm, src_hbm, dst_hbm, out_hbm, src_v, dst_v, rows, rows_b,
             acc, sem, sem_b):
    cid = lax.axis_index("c")
    sid = lax.axis_index("s")
    wid = cid * 16 + sid

    def _zrow(i, _):
        for j in range(8):
            rows[i, pl.ds(j * 16, 16)] = jnp.zeros((16,), jnp.float32)
        return 0

    lax.fori_loop(0, _CHUNK, _zrow, 0)
    for t in range(_RPT // _CHUNK):
        pltpu.sync_copy(rows, acc.at[pl.ds(sid * _RPT + t * _CHUNK, _CHUNK)])
    plsc.subcore_barrier()

    for p in range(_NCHUNK // _PHCHUNK):
        pltpu.sync_copy(src_hbm.at[wid, pl.ds(p * _PHCHUNK, _PHCHUNK)], src_v)
        pltpu.sync_copy(dst_hbm.at[wid, pl.ds(p * _PHCHUNK, _PHCHUNK)], dst_v)
        pltpu.async_copy(m_hbm.at[src_v.at[0]], rows, sem)
        pltpu.async_copy(m_hbm.at[src_v.at[1]], rows_b, sem_b)

        def _edge2(k, _):
            ja = 2 * k
            pltpu.make_async_copy(m_hbm.at[src_v.at[ja]], rows, sem).wait()
            pltpu.sync_copy(rows, acc.at[dst_v.at[ja]], add=True)
            pltpu.async_copy(m_hbm.at[src_v.at[ja + 2]], rows, sem)
            pltpu.make_async_copy(
                m_hbm.at[src_v.at[ja + 1]], rows_b, sem_b).wait()
            pltpu.sync_copy(rows_b, acc.at[dst_v.at[ja + 1]], add=True)
            pltpu.async_copy(m_hbm.at[src_v.at[ja + 3]], rows_b, sem_b)
            return 0

        lax.fori_loop(0, _PHCHUNK // 2 - 1, _edge2, 0)
        ja = _PHCHUNK - 2
        pltpu.make_async_copy(m_hbm.at[src_v.at[ja]], rows, sem).wait()
        pltpu.sync_copy(rows, acc.at[dst_v.at[ja]], add=True)
        pltpu.make_async_copy(m_hbm.at[src_v.at[ja + 1]], rows_b, sem_b).wait()
        pltpu.sync_copy(rows_b, acc.at[dst_v.at[ja + 1]], add=True)
    plsc.subcore_barrier()

    pltpu.sync_copy(
        acc.at[pl.ds(sid * _RPT, _RPT)],
        out_hbm.at[cid, pl.ds(sid * _RPT, _RPT)],
    )


@functools.lru_cache(maxsize=1)
def _sc_scatter_fn():
    return functools.partial(
        pl.kernel,
        out_type=jax.ShapeDtypeStruct((2, _NPAD, _D), jnp.float32),
        mesh=plsc.VectorSubcoreMesh(core_axis_name="c", subcore_axis_name="s"),
        scratch_types=[
            pltpu.VMEM((_PHCHUNK, _CHUNK), jnp.int32),
            pltpu.VMEM((_PHCHUNK, _CHUNK), jnp.int32),
            pltpu.VMEM((_CHUNK, _D), jnp.float32),
            pltpu.VMEM((_CHUNK, _D), jnp.float32),
            pltpu.VMEM_SHARED((_NACC, _D), jnp.float32),
            pltpu.SemaphoreType.DMA,
            pltpu.SemaphoreType.DMA,
        ],
    )(_sc_body)


def _sc_scatter(m, src_p, dst_p):
    return _sc_scatter_fn()(m, src_p, dst_p)


def _embed_body(x_ref, we_ref, be_ref, w0_ref, o_ref):
    h = jnp.dot(x_ref[...], we_ref[...], preferred_element_type=jnp.float32)
    h = h + be_ref[...]
    o_ref[...] = jnp.dot(h, w0_ref[...], preferred_element_type=jnp.float32)


def _layer_body(p_ref, b_ref, w_ref, o_ref):
    h = jax.nn.relu(p_ref[0] + p_ref[1] + b_ref[...])
    o_ref[...] = jnp.dot(h, w_ref[...], preferred_element_type=jnp.float32)


def _final_body(p_ref, b_ref, pmat_ref, w0_ref, b0_ref, w1_ref, b1_ref,
                w2_ref, b2_ref, o_ref, pooled, counts):
    i = pl.program_id(0)

    @pl.when(i == 0)
    def _init():
        pooled[...] = jnp.zeros_like(pooled)
        counts[...] = jnp.zeros_like(counts)

    h = jax.nn.relu(p_ref[0] + p_ref[1] + b_ref[...])
    pmat_t = pmat_ref[...]
    dn = (((0,), (0,)), ((), ()))
    pooled[...] += lax.dot_general(
        pmat_t, h, dn, preferred_element_type=jnp.float32)
    counts[...] += lax.dot_general(
        pmat_t, jnp.ones((_ROWBLK, _D), jnp.float32), dn,
        preferred_element_type=jnp.float32)

    @pl.when(i == _NBLK - 1)
    def _finish():
        hg = pooled[...] / jnp.maximum(counts[...], 1.0)
        y = jax.nn.relu(
            jnp.dot(hg, w0_ref[...], preferred_element_type=jnp.float32)
            + b0_ref[...])
        y = jax.nn.relu(
            jnp.dot(y, w1_ref[...], preferred_element_type=jnp.float32)
            + b1_ref[...])
        o_ref[...] = (
            jnp.dot(y, w2_ref[...], preferred_element_type=jnp.float32)
            + b2_ref[...])


_full_w = pl.BlockSpec((_D, _D), lambda i: (0, 0))
_row_b = pl.BlockSpec((1, _D), lambda i: (0, 0))
_xblk = pl.BlockSpec((_ROWBLK, _D), lambda i: (i, 0))
_pblk = pl.BlockSpec((2, _ROWBLK, _D), lambda i: (0, i, 0))


def _tc_embed(x, w_emb, b_emb, w0):
    return pl.pallas_call(
        _embed_body,
        grid=(_NBLK,),
        in_specs=[_xblk, _full_w, _row_b, _full_w],
        out_specs=_xblk,
        out_shape=jax.ShapeDtypeStruct((_N, _D), jnp.float32),
    )(x, w_emb, b_emb, w0)


def _tc_layer(parts, b_prev, w):
    return pl.pallas_call(
        _layer_body,
        grid=(_NBLK,),
        in_specs=[_pblk, _row_b, _full_w],
        out_specs=_xblk,
        out_shape=jax.ShapeDtypeStruct((_N, _D), jnp.float32),
    )(parts, b_prev, w)


def _tc_final(parts, b_prev, pmat, w0, b0, w1, b1, w2, b2):
    return pl.pallas_call(
        _final_body,
        grid=(_NBLK,),
        in_specs=[
            _pblk,
            _row_b,
            pl.BlockSpec((_ROWBLK, _G), lambda i: (i, 0)),
            pl.BlockSpec((_D, _D // 2), lambda i: (0, 0)),
            pl.BlockSpec((1, _D // 2), lambda i: (0, 0)),
            pl.BlockSpec((_D // 2, _D // 4), lambda i: (0, 0)),
            pl.BlockSpec((1, _D // 4), lambda i: (0, 0)),
            pl.BlockSpec((_D // 4, _NC), lambda i: (0, 0)),
            pl.BlockSpec((1, _NC), lambda i: (0, 0)),
        ],
        out_specs=pl.BlockSpec((_G, _NC), lambda i: (0, 0)),
        out_shape=jax.ShapeDtypeStruct((_G, _NC), jnp.float32),
        scratch_shapes=[
            pltpu.VMEM((_G, _D), jnp.float32),
            pltpu.VMEM((_G, _D), jnp.float32),
        ],
    )(parts, b_prev, pmat, w0, b0, w1, b1, w2, b2)


def kernel(x, edge_index, batch, W_emb, b_emb, W_gcn, b_gcn,
           W_mlp0, b_mlp0, W_mlp1, b_mlp1, W_mlp2, b_mlp2):
    src = edge_index[0]
    dst = edge_index[1]
    npd = _EPT - _E_SLOW // 16
    ddst = jnp.tile(_NPAD + (jnp.arange(npd, dtype=jnp.int32) % _NTRASH),
                    (16, 1))

    def _lay(v, dummy):
        a = v[:_E_SLOW].reshape(16, _E_SLOW // 16)
        a = jnp.concatenate([a, dummy], axis=1)
        b = v[_E_SLOW:].reshape(16, _EPT)
        return jnp.concatenate([a, b], axis=0).reshape(
            _NTILES, _NCHUNK, _CHUNK)

    src_p = _lay(src, jnp.zeros((16, npd), jnp.int32))
    dst_p = _lay(dst, ddst)
    pmat = (batch[:, None] == jnp.arange(_G, dtype=batch.dtype)[None, :]
            ).astype(jnp.float32)

    b_emb2 = b_emb.reshape(1, _D)
    m = _tc_embed(x, W_emb, b_emb2, W_gcn[0])
    for l in range(_NUM_GCN):
        parts = _sc_scatter(m, src_p, dst_p)
        bl = b_gcn[l].reshape(1, _D)
        if l + 1 < _NUM_GCN:
            m = _tc_layer(parts, bl, W_gcn[l + 1])
        else:
            logits = _tc_final(parts, bl, pmat,
                               W_mlp0, b_mlp0.reshape(1, -1),
                               W_mlp1, b_mlp1.reshape(1, -1),
                               W_mlp2, b_mlp2.reshape(1, -1))
    return logits

# --- scband reference (transcript-rebuilt; emitter-appended) ---
"""Pipeline reference for scband-gcnnet2-41016937677162 (READ-ONLY COPY).

The authoritative reference and input builder live on the scoring server;
editing this copy changes nothing except your own understanding.
"""

import jax, jax.numpy as jnp
import numpy as np

N = 10000
E = 320000
D = 128
G = 64
NC = 10
NUM_GCN = 4

def setup_inputs(seed: int = 0) -> dict:
    key = jax.random.key(seed)
    ks = jax.random.split(key, 16)
    inp = {}
    inp["x"] = jax.random.normal(ks[0], (N, D), dtype=jnp.float32)
    inp["edge_index"] = jax.random.randint(ks[1], (2, E), 0, N, dtype=jnp.int32)
    inp["batch"] = jnp.sort(jax.random.randint(ks[2], (N,), 0, G, dtype=jnp.int32))
    s = 1.0 / np.sqrt(D)
    inp["W_emb"] = jax.random.normal(ks[3], (D, D), dtype=jnp.float32) * s
    inp["b_emb"] = jnp.zeros((D,), dtype=jnp.float32)
    inp["W_gcn"] = jax.random.normal(ks[4], (NUM_GCN, D, D), dtype=jnp.float32) * s
    inp["b_gcn"] = jnp.zeros((NUM_GCN, D), dtype=jnp.float32)
    # MLPReadout (L=2): D -> D//2 -> D//4 -> NC
    inp["W_mlp0"] = jax.random.normal(ks[5], (D, D // 2), dtype=jnp.float32) * s
    inp["b_mlp0"] = jnp.zeros((D // 2,), dtype=jnp.float32)
    inp["W_mlp1"] = jax.random.normal(ks[6], (D // 2, D // 4), dtype=jnp.float32) * (1.0 / np.sqrt(D // 2))
    inp["b_mlp1"] = jnp.zeros((D // 4,), dtype=jnp.float32)
    inp["W_mlp2"] = jax.random.normal(ks[7], (D // 4, NC), dtype=jnp.float32) * (1.0 / np.sqrt(D // 4))
    inp["b_mlp2"] = jnp.zeros((NC,), dtype=jnp.float32)
    return inp

def reference(x, edge_index, batch, W_emb, b_emb, W_gcn, b_gcn, W_mlp0, b_mlp0, W_mlp1, b_mlp1, W_mlp2, b_mlp2):
    src = edge_index[0]
    dst = edge_index[1]
    # embedding_h
    h = x @ W_emb + b_emb
    # 4 x GCNConv(normalize=False): lin -> gather(src) -> scatter-add(dst) -> +bias -> relu
    for l in range(NUM_GCN):
        m = h @ W_gcn[l]
        agg = jax.ops.segment_sum(m[src], dst, num_segments=N)
        h = jax.nn.relu(agg + b_gcn[l])
    # global_mean_pool over batch vector
    counts = jax.ops.segment_sum(jnp.ones((N,), dtype=h.dtype), batch, num_segments=G)
    sums = jax.ops.segment_sum(h, batch, num_segments=G)
    hg = sums / jnp.maximum(counts, 1.0)[:, None]
    # MLPReadout
    y = jax.nn.relu(hg @ W_mlp0 + b_mlp0)
    y = jax.nn.relu(y @ W_mlp1 + b_mlp1)
    logits = y @ W_mlp2 + b_mlp2
    return logits

if __name__ == "__main__":
    import jax
    _d = setup_inputs()
    print(jax.jit(kernel)(*tuple(_d.values())))

</pallas_src>

<mosaic_0001>
#map = affine_map<(d0, d1) -> (0, 0)>
#map1 = affine_map<(d0, d1) -> (0, 0, 0)>
module attributes {stable_mosaic.version = 14 : i64} {
  func.func @_sc_body(%arg0: i32, %arg1: i32, %arg2: memref<10000x128xf32, #tpu.memory_space<hbm>>, %arg3: memref<32x120x128xi32, #tpu.memory_space<hbm>>, %arg4: memref<32x120x128xi32, #tpu.memory_space<hbm>>, %arg5: memref<2x10240x128xf32, #tpu.memory_space<hbm>>, %arg6: memref<40x128xi32, #tpu.memory_space<vmem>>, %arg7: memref<40x128xi32, #tpu.memory_space<vmem>>, %arg8: memref<128x128xf32, #tpu.memory_space<vmem>>, %arg9: memref<128x128xf32, #tpu.memory_space<vmem>>, %arg10: memref<10752x128xf32, #tpu.memory_space<vmem_shared>>, %arg11: memref<!tpu.dma_semaphore, #tpu.memory_space<semaphore_mem>>, %arg12: memref<!tpu.dma_semaphore, #tpu.memory_space<semaphore_mem>>) attributes {dimension_semantics = [#tpu.dimension_semantics<core_parallel>, #tpu.dimension_semantics<subcore_parallel>], iteration_bounds = array<i64: 2, 16>, scalar_prefetch = 0 : i64, scratch_operands = 7 : i64, tpu.core_type = #tpu.core_type<sc_vector_subcore>, window_params = [{transform_indices = #map}, {transform_indices = #map1}, {transform_indices = #map1}, {transform_indices = #map1}]} {
    %mul3A = arith.constant 16 : i32
    %mul3A_0 = arith.muli %arg0, %mul3A : i32
    %add3A = arith.addi %mul3A_0, %arg1 : i32
    %scan3A = arith.constant 0 : i32
    %scan3A_1 = arith.constant 0 : i32
    %scan3A_2 = arith.constant 128 : i32
    %scan3A_3 = arith.addi %scan3A_1, %scan3A_2 : i32
    %scan3A_4 = arith.constant 1 : i32
    %scan3A_5 = scf.for %scan3A_140 = %scan3A_1 to %scan3A_3 step %scan3A_4 iter_args(%scan3A_141 = %scan3A) -> (i32)  : i32 {
      %broadcast_in_dim3A = arith.constant 0.000000e+00 : f32
      %broadcast_in_dim3A_142 = vector.broadcast %broadcast_in_dim3A : f32 to vector<16xf32>
      %swap3A = arith.index_cast %scan3A_140 : i32 to index
      %swap3A_143 = arith.constant 0 : index
      %swap3A_144 = tpu.vector_load %arg8[%swap3A, %swap3A_143] {strides = array<i32>} : memref<128x128xf32, #tpu.memory_space<vmem>>, vector<1x16xf32>,
      %swap3A_145 = vector.shape_cast %swap3A_144 : vector<1x16xf32> to vector<16xf32>
      %swap3A_146 = vector.shape_cast %broadcast_in_dim3A_142 : vector<16xf32> to vector<1x16xf32>
      tpu.vector_store %arg8[%swap3A, %swap3A_143], %swap3A_146 {strides = array<i32>} : memref<128x128xf32, #tpu.memory_space<vmem>>, vector<1x16xf32>,
      %broadcast_in_dim3A_147 = arith.constant 0.000000e+00 : f32
      %broadcast_in_dim3A_148 = vector.broadcast %broadcast_in_dim3A_147 : f32 to vector<16xf32>
      %swap3A_149 = arith.index_cast %scan3A_140 : i32 to index
      %swap3A_150 = arith.constant 16 : index
      %swap3A_151 = tpu.vector_load %arg8[%swap3A_149, %swap3A_150] {strides = array<i32>} : memref<128x128xf32, #tpu.memory_space<vmem>>, vector<1x16xf32>,
      %swap3A_152 = vector.shape_cast %swap3A_151 : vector<1x16xf32> to vector<16xf32>
      %swap3A_153 = vector.shape_cast %broadcast_in_dim3A_148 : vector<16xf32> to vector<1x16xf32>
      tpu.vector_store %arg8[%swap3A_149, %swap3A_150], %swap3A_153 {strides = array<i32>} : memref<128x128xf32, #tpu.memory_space<vmem>>, vector<1x16xf32>,
      %broadcast_in_dim3A_154 = arith.constant 0.000000e+00 : f32
      %broadcast_in_dim3A_155 = vector.broadcast %broadcast_in_dim3A_154 : f32 to vector<16xf32>
      %swap3A_156 = arith.index_cast %scan3A_140 : i32 to index
      %swap3A_157 = arith.constant 32 : index
      %swap3A_158 = tpu.vector_load %arg8[%swap3A_156, %swap3A_157] {strides = array<i32>} : memref<128x128xf32, #tpu.memory_space<vmem>>, vector<1x16xf32>,
      %swap3A_159 = vector.shape_cast %swap3A_158 : vector<1x16xf32> to vector<16xf32>
      %swap3A_160 = vector.shape_cast %broadcast_in_dim3A_155 : vector<16xf32> to vector<1x16xf32>
      tpu.vector_store %arg8[%swap3A_156, %swap3A_157], %swap3A_160 {strides = array<i32>} : memref<128x128xf32, #tpu.memory_space<vmem>>, vector<1x16xf32>,
      %broadcast_in_dim3A_161 = arith.constant 0.000000e+00 : f32
      %broadcast_in_dim3A_162 = vector.broadcast %broadcast_in_dim3A_161 : f32 to vector<16xf32>
      %swap3A_163 = arith.index_cast %scan3A_140 : i32 to index
      %swap3A_164 = arith.constant 48 : index
      %swap3A_165 = tpu.vector_load %arg8[%swap3A_163, %swap3A_164] {strides = array<i32>} : memref<128x128xf32, #tpu.memory_space<vmem>>, vector<1x16xf32>,
      %swap3A_166 = vector.shape_cast %swap3A_165 : vector<1x16xf32> to vector<16xf32>
      %swap3A_167 = vector.shape_cast %broadcast_in_dim3A_162 : vector<16xf32> to vector<1x16xf32>
      tpu.vector_store %arg8[%swap3A_163, %swap3A_164], %swap3A_167 {strides = array<i32>} : memref<128x128xf32, #tpu.memory_space<vmem>>, vector<1x16xf32>,
      %broadcast_in_dim3A_168 = arith.constant 0.000000e+00 : f32
      %broadcast_in_dim3A_169 = vector.broadcast %broadcast_in_dim3A_168 : f32 to vector<16xf32>
      %swap3A_170 = arith.index_cast %scan3A_140 : i32 to index
      %swap3A_171 = arith.constant 64 : index
      %swap3A_172 = tpu.vector_load %arg8[%swap3A_170, %swap3A_171] {strides = array<i32>} : memref<128x128xf32, #tpu.memory_space<vmem>>, vector<1x16xf32>,
      %swap3A_173 = vector.shape_cast %swap3A_172 : vector<1x16xf32> to vector<16xf32>
      %swap3A_174 = vector.shape_cast %broadcast_in_dim3A_169 : vector<16xf32> to vector<1x16xf32>
      tpu.vector_store %arg8[%swap3A_170, %swap3A_171], %swap3A_174 {strides = array<i32>} : memref<128x128xf32, #tpu.memory_space<vmem>>, vector<1x16xf32>,
      %broadcast_in_dim3A_175 = arith.constant 0.000000e+00 : f32
      %broadcast_in_dim3A_176 = vector.broadcast %broadcast_in_dim3A_175 : f32 to vector<16xf32>
      %swap3A_177 = arith.index_cast %scan3A_140 : i32 to index
      %swap3A_178 = arith.constant 80 : index
      %swap3A_179 = tpu.vector_load %arg8[%swap3A_177, %swap3A_178] {strides = array<i32>} : memref<128x128xf32, #tpu.memory_space<vmem>>, vector<1x16xf32>,
      %swap3A_180 = vector.shape_cast %swap3A_179 : vector<1x16xf32> to vector<16xf32>
      %swap3A_181 = vector.shape_cast %broadcast_in_dim3A_176 : vector<16xf32> to vector<1x16xf32>
      tpu.vector_store %arg8[%swap3A_177, %swap3A_178], %swap3A_181 {strides = array<i32>} : memref<128x128xf32, #tpu.memory_space<vmem>>, vector<1x16xf32>,
      %broadcast_in_dim3A_182 = arith.constant 0.000000e+00 : f32
      %broadcast_in_dim3A_183 = vector.broadcast %broadcast_in_dim3A_182 : f32 to vector<16xf32>
      %swap3A_184 = arith.index_cast %scan3A_140 : i32 to index
      %swap3A_185 = arith.constant 96 : index
      %swap3A_186 = tpu.vector_load %arg8[%swap3A_184, %swap3A_185] {strides = array<i32>} : memref<128x128xf32, #tpu.memory_space<vmem>>, vector<1x16xf32>,
      %swap3A_187 = vector.shape_cast %swap3A_186 : vector<1x16xf32> to vector<16xf32>
      %swap3A_188 = vector.shape_cast %broadcast_in_dim3A_183 : vector<16xf32> to vector<1x16xf32>
      tpu.vector_store %arg8[%swap3A_184, %swap3A_185], %swap3A_188 {strides = array<i32>} : memref<128x128xf32, #tpu.memory_space<vmem>>, vector<1x16xf32>,
      %broadcast_in_dim3A_189 = arith.constant 0.000000e+00 : f32
      %broadcast_in_dim3A_190 = vector.broadcast %broadcast_in_dim3A_189 : f32 to vector<16xf32>
      %swap3A_191 = arith.index_cast %scan3A_140 : i32 to index
      %swap3A_192 = arith.constant 112 : index
      %swap3A_193 = tpu.vector_load %arg8[%swap3A_191, %swap3A_192] {strides = array<i32>} : memref<128x128xf32, #tpu.memory_space<vmem>>, vector<1x16xf32>,
      %swap3A_194 = vector.shape_cast %swap3A_193 : vector<1x16xf32> to vector<16xf32>
      %swap3A_195 = vector.shape_cast %broadcast_in_dim3A_190 : vector<16xf32> to vector<1x16xf32>
      tpu.vector_store %arg8[%swap3A_191, %swap3A_192], %swap3A_195 {strides = array<i32>} : memref<128x128xf32, #tpu.memory_space<vmem>>, vector<1x16xf32>,
      %scan3A_196 = arith.constant 0 : i32
      scf.yield %scan3A_196 : i32
    }
    %scan3A_6 = arith.constant 128 : i32
    %mul3A_7 = arith.constant 640 : i32
    %mul3A_8 = arith.muli %arg1, %mul3A_7 : i32
    %add3A_9 = arith.constant 0 : i32
    %add3A_10 = arith.addi %mul3A_8, %add3A_9 : i32
    "tpu.region"() ({
      %run_scoped3A_140 = tpu.sem_alloc : memref<!tpu.dma_semaphore, #tpu.memory_space<semaphore_mem>>
      %dma_start3A_141 = arith.constant 0 : i32
      %dma_start3A_142 = tpu.memref_slice %arg10[%add3A_10, %dma_start3A_141] : memref<10752x128xf32, #tpu.memory_space<vmem_shared>> -> memref<128x128xf32, #tpu.memory_space<vmem_shared>>
      %dma_start3A_143 = arith.constant 0 : i32
      %dma_start3A_144 = tpu.memref_slice %arg10[%add3A_10, %dma_start3A_143] : memref<10752x128xf32, #tpu.memory_space<vmem_shared>> -> memref<128x128xf32, #tpu.memory_space<vmem_shared>>
      tpu.enqueue_dma source(%arg8 : memref<128x128xf32, #tpu.memory_space<vmem>>) target(%dma_start3A_144 : memref<128x128xf32, #tpu.memory_space<vmem_shared>>) target_semaphore(%run_scoped3A_140 : memref<!tpu.dma_semaphore, #tpu.memory_space<semaphore_mem>>)
      %dma_wait3A_145 = arith.constant 0 : i32
      %dma_wait3A_146 = tpu.memref_slice %arg10[%add3A_10, %dma_wait3A_145] : memref<10752x128xf32, #tpu.memory_space<vmem_shared>> -> memref<128x128xf32, #tpu.memory_space<vmem_shared>>
      %dma_wait3A_147 = arith.constant 0 : i32
      %dma_wait3A_148 = tpu.memref_slice %arg10[%add3A_10, %dma_wait3A_147] : memref<10752x128xf32, #tpu.memory_space<vmem_shared>> -> memref<128x128xf32, #tpu.memory_space<vmem_shared>>
      tpu.wait_dma2 semaphore(%run_scoped3A_140 : memref<!tpu.dma_semaphore, #tpu.memory_space<semaphore_mem>>) src(%arg8 : memref<128x128xf32, #tpu.memory_space<vmem>>) dst(%dma_wait3A_148 : memref<128x128xf32, #tpu.memory_space<vmem_shared>>)
      tpu.yield
    }) : () -> ()
    %mul3A_11 = arith.constant 640 : i32
    %mul3A_12 = arith.muli %arg1, %mul3A_11 : i32
    %add3A_13 = arith.constant 128 : i32
    %add3A_14 = arith.addi %mul3A_12, %add3A_13 : i32
    "tpu.region"() ({
      %run_scoped3A_140 = tpu.sem_alloc : memref<!tpu.dma_semaphore, #tpu.memory_space<semaphore_mem>>
      %dma_start3A_141 = arith.constant 0 : i32
      %dma_start3A_142 = tpu.memref_slice %arg10[%add3A_14, %dma_start3A_141] : memref<10752x128xf32, #tpu.memory_space<vmem_shared>> -> memref<128x128xf32, #tpu.memory_space<vmem_shared>>
      %dma_start3A_143 = arith.constant 0 : i32
      %dma_start3A_144 = tpu.memref_slice %arg10[%add3A_14, %dma_start3A_143] : memref<10752x128xf32, #tpu.memory_space<vmem_shared>> -> memref<128x128xf32, #tpu.memory_space<vmem_shared>>
      tpu.enqueue_dma source(%arg8 : memref<128x128xf32, #tpu.memory_space<vmem>>) target(%dma_start3A_144 : memref<128x128xf32, #tpu.memory_space<vmem_shared>>) target_semaphore(%run_scoped3A_140 : memref<!tpu.dma_semaphore, #tpu.memory_space<semaphore_mem>>)
      %dma_wait3A_145 = arith.constant 0 : i32
      %dma_wait3A_146 = tpu.memref_slice %arg10[%add3A_14, %dma_wait3A_145] : memref<10752x128xf32, #tpu.memory_space<vmem_shared>> -> memref<128x128xf32, #tpu.memory_space<vmem_shared>>
      %dma_wait3A_147 = arith.constant 0 : i32
      %dma_wait3A_148 = tpu.memref_slice %arg10[%add3A_14, %dma_wait3A_147] : memref<10752x128xf32, #tpu.memory_space<vmem_shared>> -> memref<128x128xf32, #tpu.memory_space<vmem_shared>>
      tpu.wait_dma2 semaphore(%run_scoped3A_140 : memref<!tpu.dma_semaphore, #tpu.memory_space<semaphore_mem>>) src(%arg8 : memref<128x128xf32, #tpu.memory_space<vmem>>) dst(%dma_wait3A_148 : memref<128x128xf32, #tpu.memory_space<vmem_shared>>)
      tpu.yield
    }) : () -> ()
    %mul3A_15 = arith.constant 640 : i32
    %mul3A_16 = arith.muli %arg1, %mul3A_15 : i32
    %add3A_17 = arith.constant 256 : i32
    %add3A_18 = arith.addi %mul3A_16, %add3A_17 : i32
    "tpu.region"() ({
      %run_scoped3A_140 = tpu.sem_alloc : memref<!tpu.dma_semaphore, #tpu.memory_space<semaphore_mem>>
      %dma_start3A_141 = arith.constant 0 : i32
      %dma_start3A_142 = tpu.memref_slice %arg10[%add3A_18, %dma_start3A_141] : memref<10752x128xf32, #tpu.memory_space<vmem_shared>> -> memref<128x128xf32, #tpu.memory_space<vmem_shared>>
      %dma_start3A_143 = arith.constant 0 : i32
      %dma_start3A_144 = tpu.memref_slice %arg10[%add3A_18, %dma_start3A_143] : memref<10752x128xf32, #tpu.memory_space<vmem_shared>> -> memref<128x128xf32, #tpu.memory_space<vmem_shared>>
      tpu.enqueue_dma source(%arg8 : memref<128x128xf32, #tpu.memory_space<vmem>>) target(%dma_start3A_144 : memref<128x128xf32, #tpu.memory_space<vmem_shared>>) target_semaphore(%run_scoped3A_140 : memref<!tpu.dma_semaphore, #tpu.memory_space<semaphore_mem>>)
      %dma_wait3A_145 = arith.constant 0 : i32
      %dma_wait3A_146 = tpu.memref_slice %arg10[%add3A_18, %dma_wait3A_145] : memref<10752x128xf32, #tpu.memory_space<vmem_shared>> -> memref<128x128xf32, #tpu.memory_space<vmem_shared>>
      %dma_wait3A_147 = arith.constant 0 : i32
      %dma_wait3A_148 = tpu.memref_slice %arg10[%add3A_18, %dma_wait3A_147] : memref<10752x128xf32, #tpu.memory_space<vmem_shared>> -> memref<128x128xf32, #tpu.memory_space<vmem_shared>>
      tpu.wait_dma2 semaphore(%run_scoped3A_140 : memref<!tpu.dma_semaphore, #tpu.memory_space<semaphore_mem>>) src(%arg8 : memref<128x128xf32, #tpu.memory_space<vmem>>) dst(%dma_wait3A_148 : memref<128x128xf32, #tpu.memory_space<vmem_shared>>)
      tpu.yield
    }) : () -> ()
    %mul3A_19 = arith.constant 640 : i32
    %mul3A_20 = arith.muli %arg1, %mul3A_19 : i32
    %add3A_21 = arith.constant 384 : i32
    %add3A_22 = arith.addi %mul3A_20, %add3A_21 : i32
    "tpu.region"() ({
      %run_scoped3A_140 = tpu.sem_alloc : memref<!tpu.dma_semaphore, #tpu.memory_space<semaphore_mem>>
      %dma_start3A_141 = arith.constant 0 : i32
      %dma_start3A_142 = tpu.memref_slice %arg10[%add3A_22, %dma_start3A_141] : memref<10752x128xf32, #tpu.memory_space<vmem_shared>> -> memref<128x128xf32, #tpu.memory_space<vmem_shared>>
      %dma_start3A_143 = arith.constant 0 : i32
      %dma_start3A_144 = tpu.memref_slice %arg10[%add3A_22, %dma_start3A_143] : memref<10752x128xf32, #tpu.memory_space<vmem_shared>> -> memref<128x128xf32, #tpu.memory_space<vmem_shared>>
      tpu.enqueue_dma source(%arg8 : memref<128x128xf32, #tpu.memory_space<vmem>>) target(%dma_start3A_144 : memref<128x128xf32, #tpu.memory_space<vmem_shared>>) target_semaphore(%run_scoped3A_140 : memref<!tpu.dma_semaphore, #tpu.memory_space<semaphore_mem>>)
      %dma_wait3A_145 = arith.constant 0 : i32
      %dma_wait3A_146 = tpu.memref_slice %arg10[%add3A_22, %dma_wait3A_145] : memref<10752x128xf32, #tpu.memory_space<vmem_shared>> -> memref<128x128xf32, #tpu.memory_space<vmem_shared>>
      %dma_wait3A_147 = arith.constant 0 : i32
      %dma_wait3A_148 = tpu.memref_slice %arg10[%add3A_22, %dma_wait3A_147] : memref<10752x128xf32, #tpu.memory_space<vmem_shared>> -> memref<128x128xf32, #tpu.memory_space<vmem_shared>>
      tpu.wait_dma2 semaphore(%run_scoped3A_140 : memref<!tpu.dma_semaphore, #tpu.memory_space<semaphore_mem>>) src(%arg8 : memref<128x128xf32, #tpu.memory_space<vmem>>) dst(%dma_wait3A_148 : memref<128x128xf32, #tpu.memory_space<vmem_shared>>)
      tpu.yield
    }) : () -> ()
    %mul3A_23 = arith.constant 640 : i32
    %mul3A_24 = arith.muli %arg1, %mul3A_23 : i32
    %add3A_25 = arith.constant 512 : i32
    %add3A_26 = arith.addi %mul3A_24, %add3A_25 : i32
    "tpu.region"() ({
      %run_scoped3A_140 = tpu.sem_alloc : memref<!tpu.dma_semaphore, #tpu.memory_space<semaphore_mem>>
      %dma_start3A_141 = arith.constant 0 : i32
      %dma_start3A_142 = tpu.memref_slice %arg10[%add3A_26, %dma_start3A_141] : memref<10752x128xf32, #tpu.memory_space<vmem_shared>> -> memref<128x128xf32, #tpu.memory_space<vmem_shared>>
      %dma_start3A_143 = arith.constant 0 : i32
      %dma_start3A_144 = tpu.memref_slice %arg10[%add3A_26, %dma_start3A_143] : memref<10752x128xf32, #tpu.memory_space<vmem_shared>> -> memref<128x128xf32, #tpu.memory_space<vmem_shared>>
      tpu.enqueue_dma source(%arg8 : memref<128x128xf32, #tpu.memory_space<vmem>>) target(%dma_start3A_144 : memref<128x128xf32, #tpu.memory_space<vmem_shared>>) target_semaphore(%run_scoped3A_140 : memref<!tpu.dma_semaphore, #tpu.memory_space<semaphore_mem>>)
      %dma_wait3A_145 = arith.constant 0 : i32
      %dma_wait3A_146 = tpu.memref_slice %arg10[%add3A_26, %dma_wait3A_145] : memref<10752x128xf32, #tpu.memory_space<vmem_shared>> -> memref<128x128xf32, #tpu.memory_space<vmem_shared>>
      %dma_wait3A_147 = arith.constant 0 : i32
      %dma_wait3A_148 = tpu.memref_slice %arg10[%add3A_26, %dma_wait3A_147] : memref<10752x128xf32, #tpu.memory_space<vmem_shared>> -> memref<128x128xf32, #tpu.memory_space<vmem_shared>>
      tpu.wait_dma2 semaphore(%run_scoped3A_140 : memref<!tpu.dma_semaphore, #tpu.memory_space<semaphore_mem>>) src(%arg8 : memref<128x128xf32, #tpu.memory_space<vmem>>) dst(%dma_wait3A_148 : memref<128x128xf32, #tpu.memory_space<vmem_shared>>)
      tpu.yield
    }) : () -> ()
    %barrier3A = arith.constant 0 : index
    tpu.barrier barrier_id(%barrier3A)
    "tpu.region"() ({
      %run_scoped3A_140 = tpu.sem_alloc : memref<!tpu.dma_semaphore, #tpu.memory_space<semaphore_mem>>
      %dma_start3A_141 = arith.constant 0 : i32
      %dma_start3A_142 = arith.constant 0 : i32
      %dma_start3A_143 = tpu.memref_slice %arg3[%add3A, %dma_start3A_141, %dma_start3A_142] : memref<32x120x128xi32, #tpu.memory_space<hbm>> -> memref<1x40x128xi32, #tpu.memory_space<hbm>>
      %dma_start3A_144 = tpu.memref_squeeze %dma_start3A_143 : memref<1x40x128xi32, #tpu.memory_space<hbm>> -> memref<40x128xi32, #tpu.memory_space<hbm>>
      %dma_start3A_145 = arith.constant 0 : i32
      %dma_start3A_146 = arith.constant 0 : i32
      %dma_start3A_147 = tpu.memref_slice %arg3[%add3A, %dma_start3A_145, %dma_start3A_146] : memref<32x120x128xi32, #tpu.memory_space<hbm>> -> memref<1x40x128xi32, #tpu.memory_space<hbm>>
      %dma_start3A_148 = tpu.memref_squeeze %dma_start3A_147 : memref<1x40x128xi32, #tpu.memory_space<hbm>> -> memref<40x128xi32, #tpu.memory_space<hbm>>
      tpu.enqueue_dma source(%dma_start3A_148 : memref<40x128xi32, #tpu.memory_space<hbm>>) target(%arg6 : memref<40x128xi32, #tpu.memory_space<vmem>>) target_semaphore(%run_scoped3A_140 : memref<!tpu.dma_semaphore, #tpu.memory_space<semaphore_mem>>)
      %dma_wait3A_149 = arith.constant 0 : i32
      %dma_wait3A_150 = arith.constant 0 : i32
      %dma_wait3A_151 = tpu.memref_slice %arg3[%add3A, %dma_wait3A_149, %dma_wait3A_150] : memref<32x120x128xi32, #tpu.memory_space<hbm>> -> memref<1x40x128xi32, #tpu.memory_space<hbm>>
      %dma_wait3A_152 = tpu.memref_squeeze %dma_wait3A_151 : memref<1x40x128xi32, #tpu.memory_space<hbm>> -> memref<40x128xi32, #tpu.memory_space<hbm>>
      %dma_wait3A_153 = arith.constant 0 : i32
      %dma_wait3A_154 = arith.constant 0 : i32
      %dma_wait3A_155 = tpu.memref_slice %arg3[%add3A, %dma_wait3A_153, %dma_wait3A_154] : memref<32x120x128xi32, #tpu.memory_space<hbm>> -> memref<1x40x128xi32, #tpu.memory_space<hbm>>
      %dma_wait3A_156 = tpu.memref_squeeze %dma_wait3A_155 : memref<1x40x128xi32, #tpu.memory_space<hbm>> -> memref<40x128xi32, #tpu.memory_space<hbm>>
      tpu.wait_dma2 semaphore(%run_scoped3A_140 : memref<!tpu.dma_semaphore, #tpu.memory_space<semaphore_mem>>) src(%dma_wait3A_156 : memref<40x128xi32, #tpu.memory_space<hbm>>) dst(%arg6 : memref<40x128xi32, #tpu.memory_space<vmem>>)
      tpu.yield
    }) : () -> ()
    "tpu.region"() ({
      %run_scoped3A_140 = tpu.sem_alloc : memref<!tpu.dma_semaphore, #tpu.memory_space<semaphore_mem>>
      %dma_start3A_141 = arith.constant 0 : i32
      %dma_start3A_142 = arith.constant 0 : i32
      %dma_start3A_143 = tpu.memref_slice %arg4[%add3A, %dma_start3A_141, %dma_start3A_142] : memref<32x120x128xi32, #tpu.memory_space<hbm>> -> memref<1x40x128xi32, #tpu.memory_space<hbm>>
      %dma_start3A_144 = tpu.memref_squeeze %dma_start3A_143 : memref<1x40x128xi32, #tpu.memory_space<hbm>> -> memref<40x128xi32, #tpu.memory_space<hbm>>
      %dma_start3A_145 = arith.constant 0 : i32
      %dma_start3A_146 = arith.constant 0 : i32
      %dma_start3A_147 = tpu.memref_slice %arg4[%add3A, %dma_start3A_145, %dma_start3A_146] : memref<32x120x128xi32, #tpu.memory_space<hbm>> -> memref<1x40x128xi32, #tpu.memory_space<hbm>>
      %dma_start3A_148 = tpu.memref_squeeze %dma_start3A_147 : memref<1x40x128xi32, #tpu.memory_space<hbm>> -> memref<40x128xi32, #tpu.memory_space<hbm>>
      tpu.enqueue_dma source(%dma_start3A_148 : memref<40x128xi32, #tpu.memory_space<hbm>>) target(%arg7 : memref<40x128xi32, #tpu.memory_space<vmem>>) target_semaphore(%run_scoped3A_140 : memref<!tpu.dma_semaphore, #tpu.memory_space<semaphore_mem>>)
      %dma_wait3A_149 = arith.constant 0 : i32
      %dma_wait3A_150 = arith.constant 0 : i32
      %dma_wait3A_151 = tpu.memref_slice %arg4[%add3A, %dma_wait3A_149, %dma_wait3A_150] : memref<32x120x128xi32, #tpu.memory_space<hbm>> -> memref<1x40x128xi32, #tpu.memory_space<hbm>>
      %dma_wait3A_152 = tpu.memref_squeeze %dma_wait3A_151 : memref<1x40x128xi32, #tpu.memory_space<hbm>> -> memref<40x128xi32, #tpu.memory_space<hbm>>
      %dma_wait3A_153 = arith.constant 0 : i32
      %dma_wait3A_154 = arith.constant 0 : i32
      %dma_wait3A_155 = tpu.memref_slice %arg4[%add3A, %dma_wait3A_153, %dma_wait3A_154] : memref<32x120x128xi32, #tpu.memory_space<hbm>> -> memref<1x40x128xi32, #tpu.memory_space<hbm>>
      %dma_wait3A_156 = tpu.memref_squeeze %dma_wait3A_155 : memref<1x40x128xi32, #tpu.memory_space<hbm>> -> memref<40x128xi32, #tpu.memory_space<hbm>>
      tpu.wait_dma2 semaphore(%run_scoped3A_140 : memref<!tpu.dma_semaphore, #tpu.memory_space<semaphore_mem>>) src(%dma_wait3A_156 : memref<40x128xi32, #tpu.memory_space<hbm>>) dst(%arg7 : memref<40x128xi32, #tpu.memory_space<vmem>>)
      tpu.yield
    }) : () -> ()
    %dma_start3A = arith.constant 0 : i32
    %dma_start3A_27 = arith.constant 0 : i32
    %dma_start3A_28 = tpu.memref_slice %arg6[%dma_start3A, %dma_start3A_27] : memref<40x128xi32, #tpu.memory_space<vmem>> -> memref<1x128xi32, #tpu.memory_space<vmem>>
    %dma_start3A_29 = tpu.memref_squeeze %dma_start3A_28 : memref<1x128xi32, #tpu.memory_space<vmem>> -> memref<128xi32, #tpu.memory_space<vmem>>
    %dma_start3A_30 = arith.constant 0 : i32
    %dma_start3A_31 = arith.constant 0 : i32
    %dma_start3A_32 = tpu.memref_slice %arg2[%dma_start3A_30, %dma_start3A_31] : memref<10000x128xf32, #tpu.memory_space<hbm>> -> memref<10000x128xf32, #tpu.memory_space<hbm>>
    tpu.enqueue_indirect_dma source(%dma_start3A_32 : memref<10000x128xf32, #tpu.memory_space<hbm>>) target(%arg8 : memref<128x128xf32, #tpu.memory_space<vmem>>) offsets(%dma_start3A_29 : memref<128xi32, #tpu.memory_space<vmem>>) semaphore(%arg11 : memref<!tpu.dma_semaphore, #tpu.memory_space<semaphore_mem>>)
    %dma_start3A_33 = arith.constant 1 : i32
    %dma_start3A_34 = arith.constant 0 : i32
    %dma_start3A_35 = tpu.memref_slice %arg6[%dma_start3A_33, %dma_start3A_34] : memref<40x128xi32, #tpu.memory_space<vmem>> -> memref<1x128xi32, #tpu.memory_space<vmem>>
    %dma_start3A_36 = tpu.memref_squeeze %dma_start3A_35 : memref<1x128xi32, #tpu.memory_space<vmem>> -> memref<128xi32, #tpu.memory_space<vmem>>
    %dma_start3A_37 = arith.constant 0 : i32
    %dma_start3A_38 = arith.constant 0 : i32
    %dma_start3A_39 = tpu.memref_slice %arg2[%dma_start3A_37, %dma_start3A_38] : memref<10000x128xf32, #tpu.memory_space<hbm>> -> memref<10000x128xf32, #tpu.memory_space<hbm>>
    tpu.enqueue_indirect_dma source(%dma_start3A_39 : memref<10000x128xf32, #tpu.memory_space<hbm>>) target(%arg9 : memref<128x128xf32, #tpu.memory_space<vmem>>) offsets(%dma_start3A_36 : memref<128xi32, #tpu.memory_space<vmem>>) semaphore(%arg12 : memref<!tpu.dma_semaphore, #tpu.memory_space<semaphore_mem>>)
    %scan3A_40 = arith.constant 0 : i32
    %scan3A_41 = arith.constant 0 : i32
    %scan3A_42 = arith.constant 19 : i32
    %scan3A_43 = arith.addi %scan3A_41, %scan3A_42 : i32
    %scan3A_44 = arith.constant 1 : i32
    %scan3A_45 = scf.for %scan3A_140 = %scan3A_41 to %scan3A_43 step %scan3A_44 iter_args(%scan3A_141 = %scan3A_40) -> (i32)  : i32 {
      %mul3A_142 = arith.constant 2 : i32
      %mul3A_143 = arith.muli %mul3A_142, %scan3A_140 : i32
      %dma_wait3A_144 = arith.constant 0 : i32
      %dma_wait3A_145 = tpu.memref_slice %arg6[%mul3A_143, %dma_wait3A_144] : memref<40x128xi32, #tpu.memory_space<vmem>> -> memref<1x128xi32, #tpu.memory_space<vmem>>
      %dma_wait3A_146 = tpu.memref_squeeze %dma_wait3A_145 : memref<1x128xi32, #tpu.memory_space<vmem>> -> memref<128xi32, #tpu.memory_space<vmem>>
      %dma_wait3A_147 = arith.constant 0 : i32
      %dma_wait3A_148 = arith.constant 0 : i32
      %dma_wait3A_149 = tpu.memref_slice %arg2[%dma_wait3A_147, %dma_wait3A_148] : memref<10000x128xf32, #tpu.memory_space<hbm>> -> memref<10000x128xf32, #tpu.memory_space<hbm>>
      tpu.wait_indirect_dma semaphore(%arg11 : memref<!tpu.dma_semaphore, #tpu.memory_space<semaphore_mem>>) src(%dma_wait3A_149 : memref<10000x128xf32, #tpu.memory_space<hbm>>) dst(%arg8 : memref<128x128xf32, #tpu.memory_space<vmem>>)
      "tpu.region"() ({
        %run_scoped3A_177 = tpu.sem_alloc : memref<!tpu.dma_semaphore, #tpu.memory_space<semaphore_mem>>
        %dma_start3A_178 = arith.constant 0 : i32
        %dma_start3A_179 = tpu.memref_slice %arg7[%mul3A_143, %dma_start3A_178] : memref<40x128xi32, #tpu.memory_space<vmem>> -> memref<1x128xi32, #tpu.memory_space<vmem>>
        %dma_start3A_180 = tpu.memref_squeeze %dma_start3A_179 : memref<1x128xi32, #tpu.memory_space<vmem>> -> memref<128xi32, #tpu.memory_space<vmem>>
        %dma_start3A_181 = arith.constant 0 : i32
        %dma_start3A_182 = arith.constant 0 : i32
        %dma_start3A_183 = tpu.memref_slice %arg10[%dma_start3A_181, %dma_start3A_182] : memref<10752x128xf32, #tpu.memory_space<vmem_shared>> -> memref<10752x128xf32, #tpu.memory_space<vmem_shared>>
        tpu.enqueue_indirect_dma source(%arg8 : memref<128x128xf32, #tpu.memory_space<vmem>>) target(%dma_start3A_183 : memref<10752x128xf32, #tpu.memory_space<vmem_shared>>) offsets(%dma_start3A_180 : memref<128xi32, #tpu.memory_space<vmem>>) semaphore(%run_scoped3A_177 : memref<!tpu.dma_semaphore, #tpu.memory_space<semaphore_mem>>) {add = true}
        %dma_wait3A_184 = arith.constant 0 : i32
        %dma_wait3A_185 = tpu.memref_slice %arg7[%mul3A_143, %dma_wait3A_184] : memref<40x128xi32, #tpu.memory_space<vmem>> -> memref<1x128xi32, #tpu.memory_space<vmem>>
        %dma_wait3A_186 = tpu.memref_squeeze %dma_wait3A_185 : memref<1x128xi32, #tpu.memory_space<vmem>> -> memref<128xi32, #tpu.memory_space<vmem>>
        %dma_wait3A_187 = arith.constant 0 : i32
        %dma_wait3A_188 = arith.constant 0 : i32
        %dma_wait3A_189 = tpu.memref_slice %arg10[%dma_wait3A_187, %dma_wait3A_188] : memref<10752x128xf32, #tpu.memory_space<vmem_shared>> -> memref<10752x128xf32, #tpu.memory_space<vmem_shared>>
        tpu.wait_indirect_dma semaphore(%run_scoped3A_177 : memref<!tpu.dma_semaphore, #tpu.memory_space<semaphore_mem>>) src(%arg8 : memref<128x128xf32, #tpu.memory_space<vmem>>) dst(%dma_wait3A_189 : memref<10752x128xf32, #tpu.memory_space<vmem_shared>>)
        tpu.yield
      }) : () -> ()
      %add3A_150 = arith.constant 2 : i32
      %add3A_151 = arith.addi %mul3A_143, %add3A_150 : i32
      %dma_start3A_152 = arith.constant 0 : i32
      %dma_start3A_153 = tpu.memref_slice %arg6[%add3A_151, %dma_start3A_152] : memref<40x128xi32, #tpu.memory_space<vmem>> -> memref<1x128xi32, #tpu.memory_space<vmem>>
      %dma_start3A_154 = tpu.memref_squeeze %dma_start3A_153 : memref<1x128xi32, #tpu.memory_space<vmem>> -> memref<128xi32, #tpu.memory_space<vmem>>
      %dma_start3A_155 = arith.constant 0 : i32
      %dma_start3A_156 = arith.constant 0 : i32
      %dma_start3A_157 = tpu.memref_slice %arg2[%dma_start3A_155, %dma_start3A_156] : memref<10000x128xf32, #tpu.memory_space<hbm>> -> memref<10000x128xf32, #tpu.memory_space<hbm>>
      tpu.enqueue_indirect_dma source(%dma_start3A_157 : memref<10000x128xf32, #tpu.memory_space<hbm>>) target(%arg8 : memref<128x128xf32, #tpu.memory_space<vmem>>) offsets(%dma_start3A_154 : memref<128xi32, #tpu.memory_space<vmem>>) semaphore(%arg11 : memref<!tpu.dma_semaphore, #tpu.memory_space<semaphore_mem>>)
      %add3A_158 = arith.constant 1 : i32
      %add3A_159 = arith.addi %mul3A_143, %add3A_158 : i32
      %dma_wait3A_160 = arith.constant 0 : i32
      %dma_wait3A_161 = tpu.memref_slice %arg6[%add3A_159, %dma_wait3A_160] : memref<40x128xi32, #tpu.memory_space<vmem>> -> memref<1x128xi32, #tpu.memory_space<vmem>>
      %dma_wait3A_162 = tpu.memref_squeeze %dma_wait3A_161 : memref<1x128xi32, #tpu.memory_space<vmem>> -> memref<128xi32, #tpu.memory_space<vmem>>
      %dma_wait3A_163 = arith.constant 0 : i32
      %dma_wait3A_164 = arith.constant 0 : i32
      %dma_wait3A_165 = tpu.memref_slice %arg2[%dma_wait3A_163, %dma_wait3A_164] : memref<10000x128xf32, #tpu.memory_space<hbm>> -> memref<10000x128xf32, #tpu.memory_space<hbm>>
      tpu.wait_indirect_dma semaphore(%arg12 : memref<!tpu.dma_semaphore, #tpu.memory_space<semaphore_mem>>) src(%dma_wait3A_165 : memref<10000x128xf32, #tpu.memory_space<hbm>>) dst(%arg9 : memref<128x128xf32, #tpu.memory_space<vmem>>)
      %add3A_166 = arith.constant 1 : i32
      %add3A_167 = arith.addi %mul3A_143, %add3A_166 : i32
      "tpu.region"() ({
        %run_scoped3A_177 = tpu.sem_alloc : memref<!tpu.dma_semaphore, #tpu.memory_space<semaphore_mem>>
        %dma_start3A_178 = arith.constant 0 : i32
        %dma_start3A_179 = tpu.memref_slice %arg7[%add3A_167, %dma_start3A_178] : memref<40x128xi32, #tpu.memory_space<vmem>> -> memref<1x128xi32, #tpu.memory_space<vmem>>
        %dma_start3A_180 = tpu.memref_squeeze %dma_start3A_179 : memref<1x128xi32, #tpu.memory_space<vmem>> -> memref<128xi32, #tpu.memory_space<vmem>>
        %dma_start3A_181 = arith.constant 0 : i32
        %dma_start3A_182 = arith.constant 0 : i32
        %dma_start3A_183 = tpu.memref_slice %arg10[%dma_start3A_181, %dma_start3A_182] : memref<10752x128xf32, #tpu.memory_space<vmem_shared>> -> memref<10752x128xf32, #tpu.memory_space<vmem_shared>>
        tpu.enqueue_indirect_dma source(%arg9 : memref<128x128xf32, #tpu.memory_space<vmem>>) target(%dma_start3A_183 : memref<10752x128xf32, #tpu.memory_space<vmem_shared>>) offsets(%dma_start3A_180 : memref<128xi32, #tpu.memory_space<vmem>>) semaphore(%run_scoped3A_177 : memref<!tpu.dma_semaphore, #tpu.memory_space<semaphore_mem>>) {add = true}
        %dma_wait3A_184 = arith.constant 0 : i32
        %dma_wait3A_185 = tpu.memref_slice %arg7[%add3A_167, %dma_wait3A_184] : memref<40x128xi32, #tpu.memory_space<vmem>> -> memref<1x128xi32, #tpu.memory_space<vmem>>
        %dma_wait3A_186 = tpu.memref_squeeze %dma_wait3A_185 : memref<1x128xi32, #tpu.memory_space<vmem>> -> memref<128xi32, #tpu.memory_space<vmem>>
        %dma_wait3A_187 = arith.constant 0 : i32
        %dma_wait3A_188 = arith.constant 0 : i32
        %dma_wait3A_189 = tpu.memref_slice %arg10[%dma_wait3A_187, %dma_wait3A_188] : memref<10752x128xf32, #tpu.memory_space<vmem_shared>> -> memref<10752x128xf32, #tpu.memory_space<vmem_shared>>
        tpu.wait_indirect_dma semaphore(%run_scoped3A_177 : memref<!tpu.dma_semaphore, #tpu.memory_space<semaphore_mem>>) src(%arg9 : memref<128x128xf32, #tpu.memory_space<vmem>>) dst(%dma_wait3A_189 : memref<10752x128xf32, #tpu.memory_space<vmem_shared>>)
        tpu.yield
      }) : () -> ()
      %add3A_168 = arith.constant 3 : i32
      %add3A_169 = arith.addi %mul3A_143, %add3A_168 : i32
      %dma_start3A_170 = arith.constant 0 : i32
      %dma_start3A_171 = tpu.memref_slice %arg6[%add3A_169, %dma_start3A_170] : memref<40x128xi32, #tpu.memory_space<vmem>> -> memref<1x128xi32, #tpu.memory_space<vmem>>
      %dma_start3A_172 = tpu.memref_squeeze %dma_start3A_171 : memref<1x128xi32, #tpu.memory_space<vmem>> -> memref<128xi32, #tpu.memory_space<vmem>>
      %dma_start3A_173 = arith.constant 0 : i32
      %dma_start3A_174 = arith.constant 0 : i32
      %dma_start3A_175 = tpu.memref_slice %arg2[%dma_start3A_173, %dma_start3A_174] : memref<10000x128xf32, #tpu.memory_space<hbm>> -> memref<10000x128xf32, #tpu.memory_space<hbm>>
      tpu.enqueue_indirect_dma source(%dma_start3A_175 : memref<10000x128xf32, #tpu.memory_space<hbm>>) target(%arg9 : memref<128x128xf32, #tpu.memory_space<vmem>>) offsets(%dma_start3A_172 : memref<128xi32, #tpu.memory_space<vmem>>) semaphore(%arg12 : memref<!tpu.dma_semaphore, #tpu.memory_space<semaphore_mem>>)
      %scan3A_176 = arith.constant 0 : i32
      scf.yield %scan3A_176 : i32
    }
    %scan3A_46 = arith.constant 19 : i32
    %dma_wait3A = arith.constant 38 : i32
    %dma_wait3A_47 = arith.constant 0 : i32
    %dma_wait3A_48 = tpu.memref_slice %arg6[%dma_wait3A, %dma_wait3A_47] : memref<40x128xi32, #tpu.memory_space<vmem>> -> memref<1x128xi32, #tpu.memory_space<vmem>>
    %dma_wait3A_49 = tpu.memref_squeeze %dma_wait3A_48 : memref<1x128xi32, #tpu.memory_space<vmem>> -> memref<128xi32, #tpu.memory_space<vmem>>
    %dma_wait3A_50 = arith.constant 0 : i32
    %dma_wait3A_51 = arith.constant 0 : i32
    %dma_wait3A_52 = tpu.memref_slice %arg2[%dma_wait3A_50, %dma_wait3A_51] : memref<10000x128xf32, #tpu.memory_space<hbm>> -> memref<10000x128xf32, #tpu.memory_space<hbm>>
    tpu.wait_indirect_dma semaphore(%arg11 : memref<!tpu.dma_semaphore, #tpu.memory_space<semaphore_mem>>) src(%dma_wait3A_52 : memref<10000x128xf32, #tpu.memory_space<hbm>>) dst(%arg8 : memref<128x128xf32, #tpu.memory_space<vmem>>)
    %run_scoped3A = arith.constant 38 : i32
    "tpu.region"() ({
      %run_scoped3A_140 = tpu.sem_alloc : memref<!tpu.dma_semaphore, #tpu.memory_space<semaphore_mem>>
      %dma_start3A_141 = arith.constant 0 : i32
      %dma_start3A_142 = tpu.memref_slice %arg7[%run_scoped3A, %dma_start3A_141] : memref<40x128xi32, #tpu.memory_space<vmem>> -> memref<1x128xi32, #tpu.memory_space<vmem>>
      %dma_start3A_143 = tpu.memref_squeeze %dma_start3A_142 : memref<1x128xi32, #tpu.memory_space<vmem>> -> memref<128xi32, #tpu.memory_space<vmem>>
      %dma_start3A_144 = arith.constant 0 : i32
      %dma_start3A_145 = arith.constant 0 : i32
      %dma_start3A_146 = tpu.memref_slice %arg10[%dma_start3A_144, %dma_start3A_145] : memref<10752x128xf32, #tpu.memory_space<vmem_shared>> -> memref<10752x128xf32, #tpu.memory_space<vmem_shared>>
      tpu.enqueue_indirect_dma source(%arg8 : memref<128x128xf32, #tpu.memory_space<vmem>>) target(%dma_start3A_146 : memref<10752x128xf32, #tpu.memory_space<vmem_shared>>) offsets(%dma_start3A_143 : memref<128xi32, #tpu.memory_space<vmem>>) semaphore(%run_scoped3A_140 : memref<!tpu.dma_semaphore, #tpu.memory_space<semaphore_mem>>) {add = true}
      %dma_wait3A_147 = arith.constant 0 : i32
      %dma_wait3A_148 = tpu.memref_slice %arg7[%run_scoped3A, %dma_wait3A_147] : memref<40x128xi32, #tpu.memory_space<vmem>> -> memref<1x128xi32, #tpu.memory_space<vmem>>
      %dma_wait3A_149 = tpu.memref_squeeze %dma_wait3A_148 : memref<1x128xi32, #tpu.memory_space<vmem>> -> memref<128xi32, #tpu.memory_space<vmem>>
      %dma_wait3A_150 = arith.constant 0 : i32
      %dma_wait3A_151 = arith.constant 0 : i32
      %dma_wait3A_152 = tpu.memref_slice %arg10[%dma_wait3A_150, %dma_wait3A_151] : memref<10752x128xf32, #tpu.memory_space<vmem_shared>> -> memref<10752x128xf32, #tpu.memory_space<vmem_shared>>
      tpu.wait_indirect_dma semaphore(%run_scoped3A_140 : memref<!tpu.dma_semaphore, #tpu.memory_space<semaphore_mem>>) src(%arg8 : memref<128x128xf32, #tpu.memory_space<vmem>>) dst(%dma_wait3A_152 : memref<10752x128xf32, #tpu.memory_space<vmem_shared>>)
      tpu.yield
    }) : () -> ()
    %dma_wait3A_53 = arith.constant 39 : i32
    %dma_wait3A_54 = arith.constant 0 : i32
    %dma_wait3A_55 = tpu.memref_slice %arg6[%dma_wait3A_53, %dma_wait3A_54] : memref<40x128xi32, #tpu.memory_space<vmem>> -> memref<1x128xi32, #tpu.memory_space<vmem>>
    %dma_wait3A_56 = tpu.memref_squeeze %dma_wait3A_55 : memref<1x128xi32, #tpu.memory_space<vmem>> -> memref<128xi32, #tpu.memory_space<vmem>>
    %dma_wait3A_57 = arith.constant 0 : i32
    %dma_wait3A_58 = arith.constant 0 : i32
    %dma_wait3A_59 = tpu.memref_slice %arg2[%dma_wait3A_57, %dma_wait3A_58] : memref<10000x128xf32, #tpu.memory_space<hbm>> -> memref<10000x128xf32, #tpu.memory_space<hbm>>
    tpu.wait_indirect_dma semaphore(%arg12 : memref<!tpu.dma_semaphore, #tpu.memory_space<semaphore_mem>>) src(%dma_wait3A_59 : memref<10000x128xf32, #tpu.memory_space<hbm>>) dst(%arg9 : memref<128x128xf32, #tpu.memory_space<vmem>>)
    %run_scoped3A_60 = arith.constant 39 : i32
    "tpu.region"() ({
      %run_scoped3A_140 = tpu.sem_alloc : memref<!tpu.dma_semaphore, #tpu.memory_space<semaphore_mem>>
      %dma_start3A_141 = arith.constant 0 : i32
      %dma_start3A_142 = tpu.memref_slice %arg7[%run_scoped3A_60, %dma_start3A_141] : memref<40x128xi32, #tpu.memory_space<vmem>> -> memref<1x128xi32, #tpu.memory_space<vmem>>
      %dma_start3A_143 = tpu.memref_squeeze %dma_start3A_142 : memref<1x128xi32, #tpu.memory_space<vmem>> -> memref<128xi32, #tpu.memory_space<vmem>>
      %dma_start3A_144 = arith.constant 0 : i32
      %dma_start3A_145 = arith.constant 0 : i32
      %dma_start3A_146 = tpu.memref_slice %arg10[%dma_start3A_144, %dma_start3A_145] : memref<10752x128xf32, #tpu.memory_space<vmem_shared>> -> memref<10752x128xf32, #tpu.memory_space<vmem_shared>>
      tpu.enqueue_indirect_dma source(%arg9 : memref<128x128xf32, #tpu.memory_space<vmem>>) target(%dma_start3A_146 : memref<10752x128xf32, #tpu.memory_space<vmem_shared>>) offsets(%dma_start3A_143 : memref<128xi32, #tpu.memory_space<vmem>>) semaphore(%run_scoped3A_140 : memref<!tpu.dma_semaphore, #tpu.memory_space<semaphore_mem>>) {add = true}
      %dma_wait3A_147 = arith.constant 0 : i32
      %dma_wait3A_148 = tpu.memref_slice %arg7[%run_scoped3A_60, %dma_wait3A_147] : memref<40x128xi32, #tpu.memory_space<vmem>> -> memref<1x128xi32, #tpu.memory_space<vmem>>
      %dma_wait3A_149 = tpu.memref_squeeze %dma_wait3A_148 : memref<1x128xi32, #tpu.memory_space<vmem>> -> memref<128xi32, #tpu.memory_space<vmem>>
      %dma_wait3A_150 = arith.constant 0 : i32
      %dma_wait3A_151 = arith.constant 0 : i32
      %dma_wait3A_152 = tpu.memref_slice %arg10[%dma_wait3A_150, %dma_wait3A_151] : memref<10752x128xf32, #tpu.memory_space<vmem_shared>> -> memref<10752x128xf32, #tpu.memory_space<vmem_shared>>
      tpu.wait_indirect_dma semaphore(%run_scoped3A_140 : memref<!tpu.dma_semaphore, #tpu.memory_space<semaphore_mem>>) src(%arg9 : memref<128x128xf32, #tpu.memory_space<vmem>>) dst(%dma_wait3A_152 : memref<10752x128xf32, #tpu.memory_space<vmem_shared>>)
      tpu.yield
    }) : () -> ()
    "tpu.region"() ({
      %run_scoped3A_140 = tpu.sem_alloc : memref<!tpu.dma_semaphore, #tpu.memory_space<semaphore_mem>>
      %dma_start3A_141 = arith.constant 40 : i32
      %dma_start3A_142 = arith.constant 0 : i32
      %dma_start3A_143 = tpu.memref_slice %arg3[%add3A, %dma_start3A_141, %dma_start3A_142] : memref<32x120x128xi32, #tpu.memory_space<hbm>> -> memref<1x40x128xi32, #tpu.memory_space<hbm>>
      %dma_start3A_144 = tpu.memref_squeeze %dma_start3A_143 : memref<1x40x128xi32, #tpu.memory_space<hbm>> -> memref<40x128xi32, #tpu.memory_space<hbm>>
      %dma_start3A_145 = arith.constant 40 : i32
      %dma_start3A_146 = arith.constant 0 : i32
      %dma_start3A_147 = tpu.memref_slice %arg3[%add3A, %dma_start3A_145, %dma_start3A_146] : memref<32x120x128xi32, #tpu.memory_space<hbm>> -> memref<1x40x128xi32, #tpu.memory_space<hbm>>
      %dma_start3A_148 = tpu.memref_squeeze %dma_start3A_147 : memref<1x40x128xi32, #tpu.memory_space<hbm>> -> memref<40x128xi32, #tpu.memory_space<hbm>>
      tpu.enqueue_dma source(%dma_start3A_148 : memref<40x128xi32, #tpu.memory_space<hbm>>) target(%arg6 : memref<40x128xi32, #tpu.memory_space<vmem>>) target_semaphore(%run_scoped3A_140 : memref<!tpu.dma_semaphore, #tpu.memory_space<semaphore_mem>>)
      %dma_wait3A_149 = arith.constant 40 : i32
      %dma_wait3A_150 = arith.constant 0 : i32
      %dma_wait3A_151 = tpu.memref_slice %arg3[%add3A, %dma_wait3A_149, %dma_wait3A_150] : memref<32x120x128xi32, #tpu.memory_space<hbm>> -> memref<1x40x128xi32, #tpu.memory_space<hbm>>
      %dma_wait3A_152 = tpu.memref_squeeze %dma_wait3A_151 : memref<1x40x128xi32, #tpu.memory_space<hbm>> -> memref<40x128xi32, #tpu.memory_space<hbm>>
      %dma_wait3A_153 = arith.constant 40 : i32
      %dma_wait3A_154 = arith.constant 0 : i32
      %dma_wait3A_155 = tpu.memref_slice %arg3[%add3A, %dma_wait3A_153, %dma_wait3A_154] : memref<32x120x128xi32, #tpu.memory_space<hbm>> -> memref<1x40x128xi32, #tpu.memory_space<hbm>>
      %dma_wait3A_156 = tpu.memref_squeeze %dma_wait3A_155 : memref<1x40x128xi32, #tpu.memory_space<hbm>> -> memref<40x128xi32, #tpu.memory_space<hbm>>
      tpu.wait_dma2 semaphore(%run_scoped3A_140 : memref<!tpu.dma_semaphore, #tpu.memory_space<semaphore_mem>>) src(%dma_wait3A_156 : memref<40x128xi32, #tpu.memory_space<hbm>>) dst(%arg6 : memref<40x128xi32, #tpu.memory_space<vmem>>)
      tpu.yield
    }) : () -> ()
    "tpu.region"() ({
      %run_scoped3A_140 = tpu.sem_alloc : memref<!tpu.dma_semaphore, #tpu.memory_space<semaphore_mem>>
      %dma_start3A_141 = arith.constant 40 : i32
      %dma_start3A_142 = arith.constant 0 : i32
      %dma_start3A_143 = tpu.memref_slice %arg4[%add3A, %dma_start3A_141, %dma_start3A_142] : memref<32x120x128xi32, #tpu.memory_space<hbm>> -> memref<1x40x128xi32, #tpu.memory_space<hbm>>
      %dma_start3A_144 = tpu.memref_squeeze %dma_start3A_143 : memref<1x40x128xi32, #tpu.memory_space<hbm>> -> memref<40x128xi32, #tpu.memory_space<hbm>>
      %dma_start3A_145 = arith.constant 40 : i32
      %dma_start3A_146 = arith.constant 0 : i32
      %dma_start3A_147 = tpu.memref_slice %arg4[%add3A, %dma_start3A_145, %dma_start3A_146] : memref<32x120x128xi32, #tpu.memory_space<hbm>> -> memref<1x40x128xi32, #tpu.memory_space<hbm>>
      %dma_start3A_148 = tpu.memref_squeeze %dma_start3A_147 : memref<1x40x128xi32, #tpu.memory_space<hbm>> -> memref<40x128xi32, #tpu.memory_space<hbm>>
      tpu.enqueue_dma source(%dma_start3A_148 : memref<40x128xi32, #tpu.memory_space<hbm>>) target(%arg7 : memref<40x128xi32, #tpu.memory_space<vmem>>) target_semaphore(%run_scoped3A_140 : memref<!tpu.dma_semaphore, #tpu.memory_space<semaphore_mem>>)
      %dma_wait3A_149 = arith.constant 40 : i32
      %dma_wait3A_150 = arith.constant 0 : i32
      %dma_wait3A_151 = tpu.memref_slice %arg4[%add3A, %dma_wait3A_149, %dma_wait3A_150] : memref<32x120x128xi32, #tpu.memory_space<hbm>> -> memref<1x40x128xi32, #tpu.memory_space<hbm>>
      %dma_wait3A_152 = tpu.memref_squeeze %dma_wait3A_151 : memref<1x40x128xi32, #tpu.memory_space<hbm>> -> memref<40x128xi32, #tpu.memory_space<hbm>>
      %dma_wait3A_153 = arith.constant 40 : i32
      %dma_wait3A_154 = arith.constant 0 : i32
      %dma_wait3A_155 = tpu.memref_slice %arg4[%add3A, %dma_wait3A_153, %dma_wait3A_154] : memref<32x120x128xi32, #tpu.memory_space<hbm>> -> memref<1x40x128xi32, #tpu.memory_space<hbm>>
      %dma_wait3A_156 = tpu.memref_squeeze %dma_wait3A_155 : memref<1x40x128xi32, #tpu.memory_space<hbm>> -> memref<40x128xi32, #tpu.memory_space<hbm>>
      tpu.wait_dma2 semaphore(%run_scoped3A_140 : memref<!tpu.dma_semaphore, #tpu.memory_space<semaphore_mem>>) src(%dma_wait3A_156 : memref<40x128xi32, #tpu.memory_space<hbm>>) dst(%arg7 : memref<40x128xi32, #tpu.memory_space<vmem>>)
      tpu.yield
    }) : () -> ()
    %dma_start3A_61 = arith.constant 0 : i32
    %dma_start3A_62 = arith.constant 0 : i32
    %dma_start3A_63 = tpu.memref_slice %arg6[%dma_start3A_61, %dma_start3A_62] : memref<40x128xi32, #tpu.memory_space<vmem>> -> memref<1x128xi32, #tpu.memory_space<vmem>>
    %dma_start3A_64 = tpu.memref_squeeze %dma_start3A_63 : memref<1x128xi32, #tpu.memory_space<vmem>> -> memref<128xi32, #tpu.memory_space<vmem>>
    %dma_start3A_65 = arith.constant 0 : i32
    %dma_start3A_66 = arith.constant 0 : i32
    %dma_start3A_67 = tpu.memref_slice %arg2[%dma_start3A_65, %dma_start3A_66] : memref<10000x128xf32, #tpu.memory_space<hbm>> -> memref<10000x128xf32, #tpu.memory_space<hbm>>
    tpu.enqueue_indirect_dma source(%dma_start3A_67 : memref<10000x128xf32, #tpu.memory_space<hbm>>) target(%arg8 : memref<128x128xf32, #tpu.memory_space<vmem>>) offsets(%dma_start3A_64 : memref<128xi32, #tpu.memory_space<vmem>>) semaphore(%arg11 : memref<!tpu.dma_semaphore, #tpu.memory_space<semaphore_mem>>)
    %dma_start3A_68 = arith.constant 1 : i32
    %dma_start3A_69 = arith.constant 0 : i32
    %dma_start3A_70 = tpu.memref_slice %arg6[%dma_start3A_68, %dma_start3A_69] : memref<40x128xi32, #tpu.memory_space<vmem>> -> memref<1x128xi32, #tpu.memory_space<vmem>>
    %dma_start3A_71 = tpu.memref_squeeze %dma_start3A_70 : memref<1x128xi32, #tpu.memory_space<vmem>> -> memref<128xi32, #tpu.memory_space<vmem>>
    %dma_start3A_72 = arith.constant 0 : i32
    %dma_start3A_73 = arith.constant 0 : i32
    %dma_start3A_74 = tpu.memref_slice %arg2[%dma_start3A_72, %dma_start3A_73] : memref<10000x128xf32, #tpu.memory_space<hbm>> -> memref<10000x128xf32, #tpu.memory_space<hbm>>
    tpu.enqueue_indirect_dma source(%dma_start3A_74 : memref<10000x128xf32, #tpu.memory_space<hbm>>) target(%arg9 : memref<128x128xf32, #tpu.memory_space<vmem>>) offsets(%dma_start3A_71 : memref<128xi32, #tpu.memory_space<vmem>>) semaphore(%arg12 : memref<!tpu.dma_semaphore, #tpu.memory_space<semaphore_mem>>)
    %scan3A_75 = arith.constant 0 : i32
    %scan3A_76 = arith.constant 0 : i32
    %scan3A_77 = arith.constant 19 : i32
    %scan3A_78 = arith.addi %scan3A_76, %scan3A_77 : i32
    %scan3A_79 = arith.constant 1 : i32
    %scan3A_80 = scf.for %scan3A_140 = %scan3A_76 to %scan3A_78 step %scan3A_79 iter_args(%scan3A_141 = %scan3A_75) -> (i32)  : i32 {
      %mul3A_142 = arith.constant 2 : i32
      %mul3A_143 = arith.muli %mul3A_142, %scan3A_140 : i32
      %dma_wait3A_144 = arith.constant 0 : i32
      %dma_wait3A_145 = tpu.memref_slice %arg6[%mul3A_143, %dma_wait3A_144] : memref<40x128xi32, #tpu.memory_space<vmem>> -> memref<1x128xi32, #tpu.memory_space<vmem>>
      %dma_wait3A_146 = tpu.memref_squeeze %dma_wait3A_145 : memref<1x128xi32, #tpu.memory_space<vmem>> -> memref<128xi32, #tpu.memory_space<vmem>>
      %dma_wait3A_147 = arith.constant 0 : i32
      %dma_wait3A_148 = arith.constant 0 : i32
      %dma_wait3A_149 = tpu.memref_slice %arg2[%dma_wait3A_147, %dma_wait3A_148] : memref<10000x128xf32, #tpu.memory_space<hbm>> -> memref<10000x128xf32, #tpu.memory_space<hbm>>
      tpu.wait_indirect_dma semaphore(%arg11 : memref<!tpu.dma_semaphore, #tpu.memory_space<semaphore_mem>>) src(%dma_wait3A_149 : memref<10000x128xf32, #tpu.memory_space<hbm>>) dst(%arg8 : memref<128x128xf32, #tpu.memory_space<vmem>>)
      "tpu.region"() ({
        %run_scoped3A_177 = tpu.sem_alloc : memref<!tpu.dma_semaphore, #tpu.memory_space<semaphore_mem>>
        %dma_start3A_178 = arith.constant 0 : i32
        %dma_start3A_179 = tpu.memref_slice %arg7[%mul3A_143, %dma_start3A_178] : memref<40x128xi32, #tpu.memory_space<vmem>> -> memref<1x128xi32, #tpu.memory_space<vmem>>
        %dma_start3A_180 = tpu.memref_squeeze %dma_start3A_179 : memref<1x128xi32, #tpu.memory_space<vmem>> -> memref<128xi32, #tpu.memory_space<vmem>>
        %dma_start3A_181 = arith.constant 0 : i32
        %dma_start3A_182 = arith.constant 0 : i32
        %dma_start3A_183 = tpu.memref_slice %arg10[%dma_start3A_181, %dma_start3A_182] : memref<10752x128xf32, #tpu.memory_space<vmem_shared>> -> memref<10752x128xf32, #tpu.memory_space<vmem_shared>>
        tpu.enqueue_indirect_dma source(%arg8 : memref<128x128xf32, #tpu.memory_space<vmem>>) target(%dma_start3A_183 : memref<10752x128xf32, #tpu.memory_space<vmem_shared>>) offsets(%dma_start3A_180 : memref<128xi32, #tpu.memory_space<vmem>>) semaphore(%run_scoped3A_177 : memref<!tpu.dma_semaphore, #tpu.memory_space<semaphore_mem>>) {add = true}
        %dma_wait3A_184 = arith.constant 0 : i32
        %dma_wait3A_185 = tpu.memref_slice %arg7[%mul3A_143, %dma_wait3A_184] : memref<40x128xi32, #tpu.memory_space<vmem>> -> memref<1x128xi32, #tpu.memory_space<vmem>>
        %dma_wait3A_186 = tpu.memref_squeeze %dma_wait3A_185 : memref<1x128xi32, #tpu.memory_space<vmem>> -> memref<128xi32, #tpu.memory_space<vmem>>
        %dma_wait3A_187 = arith.constant 0 : i32
        %dma_wait3A_188 = arith.constant 0 : i32
        %dma_wait3A_189 = tpu.memref_slice %arg10[%dma_wait3A_187, %dma_wait3A_188] : memref<10752x128xf32, #tpu.memory_space<vmem_shared>> -> memref<10752x128xf32, #tpu.memory_space<vmem_shared>>
        tpu.wait_indirect_dma semaphore(%run_scoped3A_177 : memref<!tpu.dma_semaphore, #tpu.memory_space<semaphore_mem>>) src(%arg8 : memref<128x128xf32, #tpu.memory_space<vmem>>) dst(%dma_wait3A_189 : memref<10752x128xf32, #tpu.memory_space<vmem_shared>>)
        tpu.yield
      }) : () -> ()
      %add3A_150 = arith.constant 2 : i32
      %add3A_151 = arith.addi %mul3A_143, %add3A_150 : i32
      %dma_start3A_152 = arith.constant 0 : i32
      %dma_start3A_153 = tpu.memref_slice %arg6[%add3A_151, %dma_start3A_152] : memref<40x128xi32, #tpu.memory_space<vmem>> -> memref<1x128xi32, #tpu.memory_space<vmem>>
      %dma_start3A_154 = tpu.memref_squeeze %dma_start3A_153 : memref<1x128xi32, #tpu.memory_space<vmem>> -> memref<128xi32, #tpu.memory_space<vmem>>
      %dma_start3A_155 = arith.constant 0 : i32
      %dma_start3A_156 = arith.constant 0 : i32
      %dma_start3A_157 = tpu.memref_slice %arg2[%dma_start3A_155, %dma_start3A_156] : memref<10000x128xf32, #tpu.memory_space<hbm>> -> memref<10000x128xf32, #tpu.memory_space<hbm>>
      tpu.enqueue_indirect_dma source(%dma_start3A_157 : memref<10000x128xf32, #tpu.memory_space<hbm>>) target(%arg8 : memref<128x128xf32, #tpu.memory_space<vmem>>) offsets(%dma_start3A_154 : memref<128xi32, #tpu.memory_space<vmem>>) semaphore(%arg11 : memref<!tpu.dma_semaphore, #tpu.memory_space<semaphore_mem>>)
      %add3A_158 = arith.constant 1 : i32
      %add3A_159 = arith.addi %mul3A_143, %add3A_158 : i32
      %dma_wait3A_160 = arith.constant 0 : i32
      %dma_wait3A_161 = tpu.memref_slice %arg6[%add3A_159, %dma_wait3A_160] : memref<40x128xi32, #tpu.memory_space<vmem>> -> memref<1x128xi32, #tpu.memory_space<vmem>>
      %dma_wait3A_162 = tpu.memref_squeeze %dma_wait3A_161 : memref<1x128xi32, #tpu.memory_space<vmem>> -> memref<128xi32, #tpu.memory_space<vmem>>
      %dma_wait3A_163 = arith.constant 0 : i32
      %dma_wait3A_164 = arith.constant 0 : i32
      %dma_wait3A_165 = tpu.memref_slice %arg2[%dma_wait3A_163, %dma_wait3A_164] : memref<10000x128xf32, #tpu.memory_space<hbm>> -> memref<10000x128xf32, #tpu.memory_space<hbm>>
      tpu.wait_indirect_dma semaphore(%arg12 : memref<!tpu.dma_semaphore, #tpu.memory_space<semaphore_mem>>) src(%dma_wait3A_165 : memref<10000x128xf32, #tpu.memory_space<hbm>>) dst(%arg9 : memref<128x128xf32, #tpu.memory_space<vmem>>)
      %add3A_166 = arith.constant 1 : i32
      %add3A_167 = arith.addi %mul3A_143, %add3A_166 : i32
      "tpu.region"() ({
        %run_scoped3A_177 = tpu.sem_alloc : memref<!tpu.dma_semaphore, #tpu.memory_space<semaphore_mem>>
        %dma_start3A_178 = arith.constant 0 : i32
        %dma_start3A_179 = tpu.memref_slice %arg7[%add3A_167, %dma_start3A_178] : memref<40x128xi32, #tpu.memory_space<vmem>> -> memref<1x128xi32, #tpu.memory_space<vmem>>
        %dma_start3A_180 = tpu.memref_squeeze %dma_start3A_179 : memref<1x128xi32, #tpu.memory_space<vmem>> -> memref<128xi32, #tpu.memory_space<vmem>>
        %dma_start3A_181 = arith.constant 0 : i32
        %dma_start3A_182 = arith.constant 0 : i32
        %dma_start3A_183 = tpu.memref_slice %arg10[%dma_start3A_181, %dma_start3A_182] : memref<10752x128xf32, #tpu.memory_space<vmem_shared>> -> memref<10752x128xf32, #tpu.memory_space<vmem_shared>>
        tpu.enqueue_indirect_dma source(%arg9 : memref<128x128xf32, #tpu.memory_space<vmem>>) target(%dma_start3A_183 : memref<10752x128xf32, #tpu.memory_space<vmem_shared>>) offsets(%dma_start3A_180 : memref<128xi32, #tpu.memory_space<vmem>>) semaphore(%run_scoped3A_177 : memref<!tpu.dma_semaphore, #tpu.memory_space<semaphore_mem>>) {add = true}
        %dma_wait3A_184 = arith.constant 0 : i32
        %dma_wait3A_185 = tpu.memref_slice %arg7[%add3A_167, %dma_wait3A_184] : memref<40x128xi32, #tpu.memory_space<vmem>> -> memref<1x128xi32, #tpu.memory_space<vmem>>
        %dma_wait3A_186 = tpu.memref_squeeze %dma_wait3A_185 : memref<1x128xi32, #tpu.memory_space<vmem>> -> memref<128xi32, #tpu.memory_space<vmem>>
        %dma_wait3A_187 = arith.constant 0 : i32
        %dma_wait3A_188 = arith.constant 0 : i32
        %dma_wait3A_189 = tpu.memref_slice %arg10[%dma_wait3A_187, %dma_wait3A_188] : memref<10752x128xf32, #tpu.memory_space<vmem_shared>> -> memref<10752x128xf32, #tpu.memory_space<vmem_shared>>
        tpu.wait_indirect_dma semaphore(%run_scoped3A_177 : memref<!tpu.dma_semaphore, #tpu.memory_space<semaphore_mem>>) src(%arg9 : memref<128x128xf32, #tpu.memory_space<vmem>>) dst(%dma_wait3A_189 : memref<10752x128xf32, #tpu.memory_space<vmem_shared>>)
        tpu.yield
      }) : () -> ()
      %add3A_168 = arith.constant 3 : i32
      %add3A_169 = arith.addi %mul3A_143, %add3A_168 : i32
      %dma_start3A_170 = arith.constant 0 : i32
      %dma_start3A_171 = tpu.memref_slice %arg6[%add3A_169, %dma_start3A_170] : memref<40x128xi32, #tpu.memory_space<vmem>> -> memref<1x128xi32, #tpu.memory_space<vmem>>
      %dma_start3A_172 = tpu.memref_squeeze %dma_start3A_171 : memref<1x128xi32, #tpu.memory_space<vmem>> -> memref<128xi32, #tpu.memory_space<vmem>>
      %dma_start3A_173 = arith.constant 0 : i32
      %dma_start3A_174 = arith.constant 0 : i32
      %dma_start3A_175 = tpu.memref_slice %arg2[%dma_start3A_173, %dma_start3A_174] : memref<10000x128xf32, #tpu.memory_space<hbm>> -> memref<10000x128xf32, #tpu.memory_space<hbm>>
      tpu.enqueue_indirect_dma source(%dma_start3A_175 : memref<10000x128xf32, #tpu.memory_space<hbm>>) target(%arg9 : memref<128x128xf32, #tpu.memory_space<vmem>>) offsets(%dma_start3A_172 : memref<128xi32, #tpu.memory_space<vmem>>) semaphore(%arg12 : memref<!tpu.dma_semaphore, #tpu.memory_space<semaphore_mem>>)
      %scan3A_176 = arith.constant 0 : i32
      scf.yield %scan3A_176 : i32
    }
    %scan3A_81 = arith.constant 19 : i32
    %dma_wait3A_82 = arith.constant 38 : i32
    %dma_wait3A_83 = arith.constant 0 : i32
    %dma_wait3A_84 = tpu.memref_slice %arg6[%dma_wait3A_82, %dma_wait3A_83] : memref<40x128xi32, #tpu.memory_space<vmem>> -> memref<1x128xi32, #tpu.memory_space<vmem>>
    %dma_wait3A_85 = tpu.memref_squeeze %dma_wait3A_84 : memref<1x128xi32, #tpu.memory_space<vmem>> -> memref<128xi32, #tpu.memory_space<vmem>>
    %dma_wait3A_86 = arith.constant 0 : i32
    %dma_wait3A_87 = arith.constant 0 : i32
    %dma_wait3A_88 = tpu.memref_slice %arg2[%dma_wait3A_86, %dma_wait3A_87] : memref<10000x128xf32, #tpu.memory_space<hbm>> -> memref<10000x128xf32, #tpu.memory_space<hbm>>
    tpu.wait_indirect_dma semaphore(%arg11 : memref<!tpu.dma_semaphore, #tpu.memory_space<semaphore_mem>>) src(%dma_wait3A_88 : memref<10000x128xf32, #tpu.memory_space<hbm>>) dst(%arg8 : memref<128x128xf32, #tpu.memory_space<vmem>>)
    %run_scoped3A_89 = arith.constant 38 : i32
    "tpu.region"() ({
      %run_scoped3A_140 = tpu.sem_alloc : memref<!tpu.dma_semaphore, #tpu.memory_space<semaphore_mem>>
      %dma_start3A_141 = arith.constant 0 : i32
      %dma_start3A_142 = tpu.memref_slice %arg7[%run_scoped3A_89, %dma_start3A_141] : memref<40x128xi32, #tpu.memory_space<vmem>> -> memref<1x128xi32, #tpu.memory_space<vmem>>
      %dma_start3A_143 = tpu.memref_squeeze %dma_start3A_142 : memref<1x128xi32, #tpu.memory_space<vmem>> -> memref<128xi32, #tpu.memory_space<vmem>>
      %dma_start3A_144 = arith.constant 0 : i32
      %dma_start3A_145 = arith.constant 0 : i32
      %dma_start3A_146 = tpu.memref_slice %arg10[%dma_start3A_144, %dma_start3A_145] : memref<10752x128xf32, #tpu.memory_space<vmem_shared>> -> memref<10752x128xf32, #tpu.memory_space<vmem_shared>>
      tpu.enqueue_indirect_dma source(%arg8 : memref<128x128xf32, #tpu.memory_space<vmem>>) target(%dma_start3A_146 : memref<10752x128xf32, #tpu.memory_space<vmem_shared>>) offsets(%dma_start3A_143 : memref<128xi32, #tpu.memory_space<vmem>>) semaphore(%run_scoped3A_140 : memref<!tpu.dma_semaphore, #tpu.memory_space<semaphore_mem>>) {add = true}
      %dma_wait3A_147 = arith.constant 0 : i32
      %dma_wait3A_148 = tpu.memref_slice %arg7[%run_scoped3A_89, %dma_wait3A_147] : memref<40x128xi32, #tpu.memory_space<vmem>> -> memref<1x128xi32, #tpu.memory_space<vmem>>
      %dma_wait3A_149 = tpu.memref_squeeze %dma_wait3A_148 : memref<1x128xi32, #tpu.memory_space<vmem>> -> memref<128xi32, #tpu.memory_space<vmem>>
      %dma_wait3A_150 = arith.constant 0 : i32
      %dma_wait3A_151 = arith.constant 0 : i32
      %dma_wait3A_152 = tpu.memref_slice %arg10[%dma_wait3A_150, %dma_wait3A_151] : memref<10752x128xf32, #tpu.memory_space<vmem_shared>> -> memref<10752x128xf32, #tpu.memory_space<vmem_shared>>
      tpu.wait_indirect_dma semaphore(%run_scoped3A_140 : memref<!tpu.dma_semaphore, #tpu.memory_space<semaphore_mem>>) src(%arg8 : memref<128x128xf32, #tpu.memory_space<vmem>>) dst(%dma_wait3A_152 : memref<10752x128xf32, #tpu.memory_space<vmem_shared>>)
      tpu.yield
    }) : () -> ()
    %dma_wait3A_90 = arith.constant 39 : i32
    %dma_wait3A_91 = arith.constant 0 : i32
    %dma_wait3A_92 = tpu.memref_slice %arg6[%dma_wait3A_90, %dma_wait3A_91] : memref<40x128xi32, #tpu.memory_space<vmem>> -> memref<1x128xi32, #tpu.memory_space<vmem>>
    %dma_wait3A_93 = tpu.memref_squeeze %dma_wait3A_92 : memref<1x128xi32, #tpu.memory_space<vmem>> -> memref<128xi32, #tpu.memory_space<vmem>>
    %dma_wait3A_94 = arith.constant 0 : i32
    %dma_wait3A_95 = arith.constant 0 : i32
    %dma_wait3A_96 = tpu.memref_slice %arg2[%dma_wait3A_94, %dma_wait3A_95] : memref<10000x128xf32, #tpu.memory_space<hbm>> -> memref<10000x128xf32, #tpu.memory_space<hbm>>
    tpu.wait_indirect_dma semaphore(%arg12 : memref<!tpu.dma_semaphore, #tpu.memory_space<semaphore_mem>>) src(%dma_wait3A_96 : memref<10000x128xf32, #tpu.memory_space<hbm>>) dst(%arg9 : memref<128x128xf32, #tpu.memory_space<vmem>>)
    %run_scoped3A_97 = arith.constant 39 : i32
    "tpu.region"() ({
      %run_scoped3A_140 = tpu.sem_alloc : memref<!tpu.dma_semaphore, #tpu.memory_space<semaphore_mem>>
      %dma_start3A_141 = arith.constant 0 : i32
      %dma_start3A_142 = tpu.memref_slice %arg7[%run_scoped3A_97, %dma_start3A_141] : memref<40x128xi32, #tpu.memory_space<vmem>> -> memref<1x128xi32, #tpu.memory_space<vmem>>
      %dma_start3A_143 = tpu.memref_squeeze %dma_start3A_142 : memref<1x128xi32, #tpu.memory_space<vmem>> -> memref<128xi32, #tpu.memory_space<vmem>>
      %dma_start3A_144 = arith.constant 0 : i32
      %dma_start3A_145 = arith.constant 0 : i32
      %dma_start3A_146 = tpu.memref_slice %arg10[%dma_start3A_144, %dma_start3A_145] : memref<10752x128xf32, #tpu.memory_space<vmem_shared>> -> memref<10752x128xf32, #tpu.memory_space<vmem_shared>>
      tpu.enqueue_indirect_dma source(%arg9 : memref<128x128xf32, #tpu.memory_space<vmem>>) target(%dma_start3A_146 : memref<10752x128xf32, #tpu.memory_space<vmem_shared>>) offsets(%dma_start3A_143 : memref<128xi32, #tpu.memory_space<vmem>>) semaphore(%run_scoped3A_140 : memref<!tpu.dma_semaphore, #tpu.memory_space<semaphore_mem>>) {add = true}
      %dma_wait3A_147 = arith.constant 0 : i32
      %dma_wait3A_148 = tpu.memref_slice %arg7[%run_scoped3A_97, %dma_wait3A_147] : memref<40x128xi32, #tpu.memory_space<vmem>> -> memref<1x128xi32, #tpu.memory_space<vmem>>
      %dma_wait3A_149 = tpu.memref_squeeze %dma_wait3A_148 : memref<1x128xi32, #tpu.memory_space<vmem>> -> memref<128xi32, #tpu.memory_space<vmem>>
      %dma_wait3A_150 = arith.constant 0 : i32
      %dma_wait3A_151 = arith.constant 0 : i32
      %dma_wait3A_152 = tpu.memref_slice %arg10[%dma_wait3A_150, %dma_wait3A_151] : memref<10752x128xf32, #tpu.memory_space<vmem_shared>> -> memref<10752x128xf32, #tpu.memory_space<vmem_shared>>
      tpu.wait_indirect_dma semaphore(%run_scoped3A_140 : memref<!tpu.dma_semaphore, #tpu.memory_space<semaphore_mem>>) src(%arg9 : memref<128x128xf32, #tpu.memory_space<vmem>>) dst(%dma_wait3A_152 : memref<10752x128xf32, #tpu.memory_space<vmem_shared>>)
      tpu.yield
    }) : () -> ()
    "tpu.region"() ({
      %run_scoped3A_140 = tpu.sem_alloc : memref<!tpu.dma_semaphore, #tpu.memory_space<semaphore_mem>>
      %dma_start3A_141 = arith.constant 80 : i32
      %dma_start3A_142 = arith.constant 0 : i32
      %dma_start3A_143 = tpu.memref_slice %arg3[%add3A, %dma_start3A_141, %dma_start3A_142] : memref<32x120x128xi32, #tpu.memory_space<hbm>> -> memref<1x40x128xi32, #tpu.memory_space<hbm>>
      %dma_start3A_144 = tpu.memref_squeeze %dma_start3A_143 : memref<1x40x128xi32, #tpu.memory_space<hbm>> -> memref<40x128xi32, #tpu.memory_space<hbm>>
      %dma_start3A_145 = arith.constant 80 : i32
      %dma_start3A_146 = arith.constant 0 : i32
      %dma_start3A_147 = tpu.memref_slice %arg3[%add3A, %dma_start3A_145, %dma_start3A_146] : memref<32x120x128xi32, #tpu.memory_space<hbm>> -> memref<1x40x128xi32, #tpu.memory_space<hbm>>
      %dma_start3A_148 = tpu.memref_squeeze %dma_start3A_147 : memref<1x40x128xi32, #tpu.memory_space<hbm>> -> memref<40x128xi32, #tpu.memory_space<hbm>>
      tpu.enqueue_dma source(%dma_start3A_148 : memref<40x128xi32, #tpu.memory_space<hbm>>) target(%arg6 : memref<40x128xi32, #tpu.memory_space<vmem>>) target_semaphore(%run_scoped3A_140 : memref<!tpu.dma_semaphore, #tpu.memory_space<semaphore_mem>>)
      %dma_wait3A_149 = arith.constant 80 : i32
      %dma_wait3A_150 = arith.constant 0 : i32
      %dma_wait3A_151 = tpu.memref_slice %arg3[%add3A, %dma_wait3A_149, %dma_wait3A_150] : memref<32x120x128xi32, #tpu.memory_space<hbm>> -> memref<1x40x128xi32, #tpu.memory_space<hbm>>
      %dma_wait3A_152 = tpu.memref_squeeze %dma_wait3A_151 : memref<1x40x128xi32, #tpu.memory_space<hbm>> -> memref<40x128xi32, #tpu.memory_space<hbm>>
      %dma_wait3A_153 = arith.constant 80 : i32
      %dma_wait3A_154 = arith.constant 0 : i32
      %dma_wait3A_155 = tpu.memref_slice %arg3[%add3A, %dma_wait3A_153, %dma_wait3A_154] : memref<32x120x128xi32, #tpu.memory_space<hbm>> -> memref<1x40x128xi32, #tpu.memory_space<hbm>>
      %dma_wait3A_156 = tpu.memref_squeeze %dma_wait3A_155 : memref<1x40x128xi32, #tpu.memory_space<hbm>> -> memref<40x128xi32, #tpu.memory_space<hbm>>
      tpu.wait_dma2 semaphore(%run_scoped3A_140 : memref<!tpu.dma_semaphore, #tpu.memory_space<semaphore_mem>>) src(%dma_wait3A_156 : memref<40x128xi32, #tpu.memory_space<hbm>>) dst(%arg6 : memref<40x128xi32, #tpu.memory_space<vmem>>)
      tpu.yield
    }) : () -> ()
    "tpu.region"() ({
      %run_scoped3A_140 = tpu.sem_alloc : memref<!tpu.dma_semaphore, #tpu.memory_space<semaphore_mem>>
      %dma_start3A_141 = arith.constant 80 : i32
      %dma_start3A_142 = arith.constant 0 : i32
      %dma_start3A_143 = tpu.memref_slice %arg4[%add3A, %dma_start3A_141, %dma_start3A_142] : memref<32x120x128xi32, #tpu.memory_space<hbm>> -> memref<1x40x128xi32, #tpu.memory_space<hbm>>
      %dma_start3A_144 = tpu.memref_squeeze %dma_start3A_143 : memref<1x40x128xi32, #tpu.memory_space<hbm>> -> memref<40x128xi32, #tpu.memory_space<hbm>>
      %dma_start3A_145 = arith.constant 80 : i32
      %dma_start3A_146 = arith.constant 0 : i32
      %dma_start3A_147 = tpu.memref_slice %arg4[%add3A, %dma_start3A_145, %dma_start3A_146] : memref<32x120x128xi32, #tpu.memory_space<hbm>> -> memref<1x40x128xi32, #tpu.memory_space<hbm>>
      %dma_start3A_148 = tpu.memref_squeeze %dma_start3A_147 : memref<1x40x128xi32, #tpu.memory_space<hbm>> -> memref<40x128xi32, #tpu.memory_space<hbm>>
      tpu.enqueue_dma source(%dma_start3A_148 : memref<40x128xi32, #tpu.memory_space<hbm>>) target(%arg7 : memref<40x128xi32, #tpu.memory_space<vmem>>) target_semaphore(%run_scoped3A_140 : memref<!tpu.dma_semaphore, #tpu.memory_space<semaphore_mem>>)
      %dma_wait3A_149 = arith.constant 80 : i32
      %dma_wait3A_150 = arith.constant 0 : i32
      %dma_wait3A_151 = tpu.memref_slice %arg4[%add3A, %dma_wait3A_149, %dma_wait3A_150] : memref<32x120x128xi32, #tpu.memory_space<hbm>> -> memref<1x40x128xi32, #tpu.memory_space<hbm>>
      %dma_wait3A_152 = tpu.memref_squeeze %dma_wait3A_151 : memref<1x40x128xi32, #tpu.memory_space<hbm>> -> memref<40x128xi32, #tpu.memory_space<hbm>>
      %dma_wait3A_153 = arith.constant 80 : i32
      %dma_wait3A_154 = arith.constant 0 : i32
      %dma_wait3A_155 = tpu.memref_slice %arg4[%add3A, %dma_wait3A_153, %dma_wait3A_154] : memref<32x120x128xi32, #tpu.memory_space<hbm>> -> memref<1x40x128xi32, #tpu.memory_space<hbm>>
      %dma_wait3A_156 = tpu.memref_squeeze %dma_wait3A_155 : memref<1x40x128xi32, #tpu.memory_space<hbm>> -> memref<40x128xi32, #tpu.memory_space<hbm>>
      tpu.wait_dma2 semaphore(%run_scoped3A_140 : memref<!tpu.dma_semaphore, #tpu.memory_space<semaphore_mem>>) src(%dma_wait3A_156 : memref<40x128xi32, #tpu.memory_space<hbm>>) dst(%arg7 : memref<40x128xi32, #tpu.memory_space<vmem>>)
      tpu.yield
    }) : () -> ()
    %dma_start3A_98 = arith.constant 0 : i32
    %dma_start3A_99 = arith.constant 0 : i32
    %dma_start3A_100 = tpu.memref_slice %arg6[%dma_start3A_98, %dma_start3A_99] : memref<40x128xi32, #tpu.memory_space<vmem>> -> memref<1x128xi32, #tpu.memory_space<vmem>>
    %dma_start3A_101 = tpu.memref_squeeze %dma_start3A_100 : memref<1x128xi32, #tpu.memory_space<vmem>> -> memref<128xi32, #tpu.memory_space<vmem>>
    %dma_start3A_102 = arith.constant 0 : i32
    %dma_start3A_103 = arith.constant 0 : i32
    %dma_start3A_104 = tpu.memref_slice %arg2[%dma_start3A_102, %dma_start3A_103] : memref<10000x128xf32, #tpu.memory_space<hbm>> -> memref<10000x128xf32, #tpu.memory_space<hbm>>
    tpu.enqueue_indirect_dma source(%dma_start3A_104 : memref<10000x128xf32, #tpu.memory_space<hbm>>) target(%arg8 : memref<128x128xf32, #tpu.memory_space<vmem>>) offsets(%dma_start3A_101 : memref<128xi32, #tpu.memory_space<vmem>>) semaphore(%arg11 : memref<!tpu.dma_semaphore, #tpu.memory_space<semaphore_mem>>)
    %dma_start3A_105 = arith.constant 1 : i32
    %dma_start3A_106 = arith.constant 0 : i32
    %dma_start3A_107 = tpu.memref_slice %arg6[%dma_start3A_105, %dma_start3A_106] : memref<40x128xi32, #tpu.memory_space<vmem>> -> memref<1x128xi32, #tpu.memory_space<vmem>>
    %dma_start3A_108 = tpu.memref_squeeze %dma_start3A_107 : memref<1x128xi32, #tpu.memory_space<vmem>> -> memref<128xi32, #tpu.memory_space<vmem>>
    %dma_start3A_109 = arith.constant 0 : i32
    %dma_start3A_110 = arith.constant 0 : i32
    %dma_start3A_111 = tpu.memref_slice %arg2[%dma_start3A_109, %dma_start3A_110] : memref<10000x128xf32, #tpu.memory_space<hbm>> -> memref<10000x128xf32, #tpu.memory_space<hbm>>
    tpu.enqueue_indirect_dma source(%dma_start3A_111 : memref<10000x128xf32, #tpu.memory_space<hbm>>) target(%arg9 : memref<128x128xf32, #tpu.memory_space<vmem>>) offsets(%dma_start3A_108 : memref<128xi32, #tpu.memory_space<vmem>>) semaphore(%arg12 : memref<!tpu.dma_semaphore, #tpu.memory_space<semaphore_mem>>)
    %scan3A_112 = arith.constant 0 : i32
    %scan3A_113 = arith.constant 0 : i32
    %scan3A_114 = arith.constant 19 : i32
    %scan3A_115 = arith.addi %scan3A_113, %scan3A_114 : i32
    %scan3A_116 = arith.constant 1 : i32
    %scan3A_117 = scf.for %scan3A_140 = %scan3A_113 to %scan3A_115 step %scan3A_116 iter_args(%scan3A_141 = %scan3A_112) -> (i32)  : i32 {
      %mul3A_142 = arith.constant 2 : i32
      %mul3A_143 = arith.muli %mul3A_142, %scan3A_140 : i32
      %dma_wait3A_144 = arith.constant 0 : i32
      %dma_wait3A_145 = tpu.memref_slice %arg6[%mul3A_143, %dma_wait3A_144] : memref<40x128xi32, #tpu.memory_space<vmem>> -> memref<1x128xi32, #tpu.memory_space<vmem>>
      %dma_wait3A_146 = tpu.memref_squeeze %dma_wait3A_145 : memref<1x128xi32, #tpu.memory_space<vmem>> -> memref<128xi32, #tpu.memory_space<vmem>>
      %dma_wait3A_147 = arith.constant 0 : i32
      %dma_wait3A_148 = arith.constant 0 : i32
      %dma_wait3A_149 = tpu.memref_slice %arg2[%dma_wait3A_147, %dma_wait3A_148] : memref<10000x128xf32, #tpu.memory_space<hbm>> -> memref<10000x128xf32, #tpu.memory_space<hbm>>
      tpu.wait_indirect_dma semaphore(%arg11 : memref<!tpu.dma_semaphore, #tpu.memory_space<semaphore_mem>>) src(%dma_wait3A_149 : memref<10000x128xf32, #tpu.memory_space<hbm>>) dst(%arg8 : memref<128x128xf32, #tpu.memory_space<vmem>>)
      "tpu.region"() ({
        %run_scoped3A_177 = tpu.sem_alloc : memref<!tpu.dma_semaphore, #tpu.memory_space<semaphore_mem>>
        %dma_start3A_178 = arith.constant 0 : i32
        %dma_start3A_179 = tpu.memref_slice %arg7[%mul3A_143, %dma_start3A_178] : memref<40x128xi32, #tpu.memory_space<vmem>> -> memref<1x128xi32, #tpu.memory_space<vmem>>
        %dma_start3A_180 = tpu.memref_squeeze %dma_start3A_179 : memref<1x128xi32, #tpu.memory_space<vmem>> -> memref<128xi32, #tpu.memory_space<vmem>>
        %dma_start3A_181 = arith.constant 0 : i32
        %dma_start3A_182 = arith.constant 0 : i32
        %dma_start3A_183 = tpu.memref_slice %arg10[%dma_start3A_181, %dma_start3A_182] : memref<10752x128xf32, #tpu.memory_space<vmem_shared>> -> memref<10752x128xf32, #tpu.memory_space<vmem_shared>>
        tpu.enqueue_indirect_dma source(%arg8 : memref<128x128xf32, #tpu.memory_space<vmem>>) target(%dma_start3A_183 : memref<10752x128xf32, #tpu.memory_space<vmem_shared>>) offsets(%dma_start3A_180 : memref<128xi32, #tpu.memory_space<vmem>>) semaphore(%run_scoped3A_177 : memref<!tpu.dma_semaphore, #tpu.memory_space<semaphore_mem>>) {add = true}
        %dma_wait3A_184 = arith.constant 0 : i32
        %dma_wait3A_185 = tpu.memref_slice %arg7[%mul3A_143, %dma_wait3A_184] : memref<40x128xi32, #tpu.memory_space<vmem>> -> memref<1x128xi32, #tpu.memory_space<vmem>>
        %dma_wait3A_186 = tpu.memref_squeeze %dma_wait3A_185 : memref<1x128xi32, #tpu.memory_space<vmem>> -> memref<128xi32, #tpu.memory_space<vmem>>
        %dma_wait3A_187 = arith.constant 0 : i32
        %dma_wait3A_188 = arith.constant 0 : i32
        %dma_wait3A_189 = tpu.memref_slice %arg10[%dma_wait3A_187, %dma_wait3A_188] : memref<10752x128xf32, #tpu.memory_space<vmem_shared>> -> memref<10752x128xf32, #tpu.memory_space<vmem_shared>>
        tpu.wait_indirect_dma semaphore(%run_scoped3A_177 : memref<!tpu.dma_semaphore, #tpu.memory_space<semaphore_mem>>) src(%arg8 : memref<128x128xf32, #tpu.memory_space<vmem>>) dst(%dma_wait3A_189 : memref<10752x128xf32, #tpu.memory_space<vmem_shared>>)
        tpu.yield
      }) : () -> ()
      %add3A_150 = arith.constant 2 : i32
      %add3A_151 = arith.addi %mul3A_143, %add3A_150 : i32
      %dma_start3A_152 = arith.constant 0 : i32
      %dma_start3A_153 = tpu.memref_slice %arg6[%add3A_151, %dma_start3A_152] : memref<40x128xi32, #tpu.memory_space<vmem>> -> memref<1x128xi32, #tpu.memory_space<vmem>>
      %dma_start3A_154 = tpu.memref_squeeze %dma_start3A_153 : memref<1x128xi32, #tpu.memory_space<vmem>> -> memref<128xi32, #tpu.memory_space<vmem>>
      %dma_start3A_155 = arith.constant 0 : i32
      %dma_start3A_156 = arith.constant 0 : i32
      %dma_start3A_157 = tpu.memref_slice %arg2[%dma_start3A_155, %dma_start3A_156] : memref<10000x128xf32, #tpu.memory_space<hbm>> -> memref<10000x128xf32, #tpu.memory_space<hbm>>
      tpu.enqueue_indirect_dma source(%dma_start3A_157 : memref<10000x128xf32, #tpu.memory_space<hbm>>) target(%arg8 : memref<128x128xf32, #tpu.memory_space<vmem>>) offsets(%dma_start3A_154 : memref<128xi32, #tpu.memory_space<vmem>>) semaphore(%arg11 : memref<!tpu.dma_semaphore, #tpu.memory_space<semaphore_mem>>)
      %add3A_158 = arith.constant 1 : i32
      %add3A_159 = arith.addi %mul3A_143, %add3A_158 : i32
      %dma_wait3A_160 = arith.constant 0 : i32
      %dma_wait3A_161 = tpu.memref_slice %arg6[%add3A_159, %dma_wait3A_160] : memref<40x128xi32, #tpu.memory_space<vmem>> -> memref<1x128xi32, #tpu.memory_space<vmem>>
      %dma_wait3A_162 = tpu.memref_squeeze %dma_wait3A_161 : memref<1x128xi32, #tpu.memory_space<vmem>> -> memref<128xi32, #tpu.memory_space<vmem>>
      %dma_wait3A_163 = arith.constant 0 : i32
      %dma_wait3A_164 = arith.constant 0 : i32
      %dma_wait3A_165 = tpu.memref_slice %arg2[%dma_wait3A_163, %dma_wait3A_164] : memref<10000x128xf32, #tpu.memory_space<hbm>> -> memref<10000x128xf32, #tpu.memory_space<hbm>>
      tpu.wait_indirect_dma semaphore(%arg12 : memref<!tpu.dma_semaphore, #tpu.memory_space<semaphore_mem>>) src(%dma_wait3A_165 : memref<10000x128xf32, #tpu.memory_space<hbm>>) dst(%arg9 : memref<128x128xf32, #tpu.memory_space<vmem>>)
      %add3A_166 = arith.constant 1 : i32
      %add3A_167 = arith.addi %mul3A_143, %add3A_166 : i32
      "tpu.region"() ({
        %run_scoped3A_177 = tpu.sem_alloc : memref<!tpu.dma_semaphore, #tpu.memory_space<semaphore_mem>>
        %dma_start3A_178 = arith.constant 0 : i32
        %dma_start3A_179 = tpu.memref_slice %arg7[%add3A_167, %dma_start3A_178] : memref<40x128xi32, #tpu.memory_space<vmem>> -> memref<1x128xi32, #tpu.memory_space<vmem>>
        %dma_start3A_180 = tpu.memref_squeeze %dma_start3A_179 : memref<1x128xi32, #tpu.memory_space<vmem>> -> memref<128xi32, #tpu.memory_space<vmem>>
        %dma_start3A_181 = arith.constant 0 : i32
        %dma_start3A_182 = arith.constant 0 : i32
        %dma_start3A_183 = tpu.memref_slice %arg10[%dma_start3A_181, %dma_start3A_182] : memref<10752x128xf32, #tpu.memory_space<vmem_shared>> -> memref<10752x128xf32, #tpu.memory_space<vmem_shared>>
        tpu.enqueue_indirect_dma source(%arg9 : memref<128x128xf32, #tpu.memory_space<vmem>>) target(%dma_start3A_183 : memref<10752x128xf32, #tpu.memory_space<vmem_shared>>) offsets(%dma_start3A_180 : memref<128xi32, #tpu.memory_space<vmem>>) semaphore(%run_scoped3A_177 : memref<!tpu.dma_semaphore, #tpu.memory_space<semaphore_mem>>) {add = true}
        %dma_wait3A_184 = arith.constant 0 : i32
        %dma_wait3A_185 = tpu.memref_slice %arg7[%add3A_167, %dma_wait3A_184] : memref<40x128xi32, #tpu.memory_space<vmem>> -> memref<1x128xi32, #tpu.memory_space<vmem>>
        %dma_wait3A_186 = tpu.memref_squeeze %dma_wait3A_185 : memref<1x128xi32, #tpu.memory_space<vmem>> -> memref<128xi32, #tpu.memory_space<vmem>>
        %dma_wait3A_187 = arith.constant 0 : i32
        %dma_wait3A_188 = arith.constant 0 : i32
        %dma_wait3A_189 = tpu.memref_slice %arg10[%dma_wait3A_187, %dma_wait3A_188] : memref<10752x128xf32, #tpu.memory_space<vmem_shared>> -> memref<10752x128xf32, #tpu.memory_space<vmem_shared>>
        tpu.wait_indirect_dma semaphore(%run_scoped3A_177 : memref<!tpu.dma_semaphore, #tpu.memory_space<semaphore_mem>>) src(%arg9 : memref<128x128xf32, #tpu.memory_space<vmem>>) dst(%dma_wait3A_189 : memref<10752x128xf32, #tpu.memory_space<vmem_shared>>)
        tpu.yield
      }) : () -> ()
      %add3A_168 = arith.constant 3 : i32
      %add3A_169 = arith.addi %mul3A_143, %add3A_168 : i32
      %dma_start3A_170 = arith.constant 0 : i32
      %dma_start3A_171 = tpu.memref_slice %arg6[%add3A_169, %dma_start3A_170] : memref<40x128xi32, #tpu.memory_space<vmem>> -> memref<1x128xi32, #tpu.memory_space<vmem>>
      %dma_start3A_172 = tpu.memref_squeeze %dma_start3A_171 : memref<1x128xi32, #tpu.memory_space<vmem>> -> memref<128xi32, #tpu.memory_space<vmem>>
      %dma_start3A_173 = arith.constant 0 : i32
      %dma_start3A_174 = arith.constant 0 : i32
      %dma_start3A_175 = tpu.memref_slice %arg2[%dma_start3A_173, %dma_start3A_174] : memref<10000x128xf32, #tpu.memory_space<hbm>> -> memref<10000x128xf32, #tpu.memory_space<hbm>>
      tpu.enqueue_indirect_dma source(%dma_start3A_175 : memref<10000x128xf32, #tpu.memory_space<hbm>>) target(%arg9 : memref<128x128xf32, #tpu.memory_space<vmem>>) offsets(%dma_start3A_172 : memref<128xi32, #tpu.memory_space<vmem>>) semaphore(%arg12 : memref<!tpu.dma_semaphore, #tpu.memory_space<semaphore_mem>>)
      %scan3A_176 = arith.constant 0 : i32
      scf.yield %scan3A_176 : i32
    }
    %scan3A_118 = arith.constant 19 : i32
    %dma_wait3A_119 = arith.constant 38 : i32
    %dma_wait3A_120 = arith.constant 0 : i32
    %dma_wait3A_121 = tpu.memref_slice %arg6[%dma_wait3A_119, %dma_wait3A_120] : memref<40x128xi32, #tpu.memory_space<vmem>> -> memref<1x128xi32, #tpu.memory_space<vmem>>
    %dma_wait3A_122 = tpu.memref_squeeze %dma_wait3A_121 : memref<1x128xi32, #tpu.memory_space<vmem>> -> memref<128xi32, #tpu.memory_space<vmem>>
    %dma_wait3A_123 = arith.constant 0 : i32
    %dma_wait3A_124 = arith.constant 0 : i32
    %dma_wait3A_125 = tpu.memref_slice %arg2[%dma_wait3A_123, %dma_wait3A_124] : memref<10000x128xf32, #tpu.memory_space<hbm>> -> memref<10000x128xf32, #tpu.memory_space<hbm>>
    tpu.wait_indirect_dma semaphore(%arg11 : memref<!tpu.dma_semaphore, #tpu.memory_space<semaphore_mem>>) src(%dma_wait3A_125 : memref<10000x128xf32, #tpu.memory_space<hbm>>) dst(%arg8 : memref<128x128xf32, #tpu.memory_space<vmem>>)
    %run_scoped3A_126 = arith.constant 38 : i32
    "tpu.region"() ({
      %run_scoped3A_140 = tpu.sem_alloc : memref<!tpu.dma_semaphore, #tpu.memory_space<semaphore_mem>>
      %dma_start3A_141 = arith.constant 0 : i32
      %dma_start3A_142 = tpu.memref_slice %arg7[%run_scoped3A_126, %dma_start3A_141] : memref<40x128xi32, #tpu.memory_space<vmem>> -> memref<1x128xi32, #tpu.memory_space<vmem>>
      %dma_start3A_143 = tpu.memref_squeeze %dma_start3A_142 : memref<1x128xi32, #tpu.memory_space<vmem>> -> memref<128xi32, #tpu.memory_space<vmem>>
      %dma_start3A_144 = arith.constant 0 : i32
      %dma_start3A_145 = arith.constant 0 : i32
      %dma_start3A_146 = tpu.memref_slice %arg10[%dma_start3A_144, %dma_start3A_145] : memref<10752x128xf32, #tpu.memory_space<vmem_shared>> -> memref<10752x128xf32, #tpu.memory_space<vmem_shared>>
      tpu.enqueue_indirect_dma source(%arg8 : memref<128x128xf32, #tpu.memory_space<vmem>>) target(%dma_start3A_146 : memref<10752x128xf32, #tpu.memory_space<vmem_shared>>) offsets(%dma_start3A_143 : memref<128xi32, #tpu.memory_space<vmem>>) semaphore(%run_scoped3A_140 : memref<!tpu.dma_semaphore, #tpu.memory_space<semaphore_mem>>) {add = true}
      %dma_wait3A_147 = arith.constant 0 : i32
      %dma_wait3A_148 = tpu.memref_slice %arg7[%run_scoped3A_126, %dma_wait3A_147] : memref<40x128xi32, #tpu.memory_space<vmem>> -> memref<1x128xi32, #tpu.memory_space<vmem>>
      %dma_wait3A_149 = tpu.memref_squeeze %dma_wait3A_148 : memref<1x128xi32, #tpu.memory_space<vmem>> -> memref<128xi32, #tpu.memory_space<vmem>>
      %dma_wait3A_150 = arith.constant 0 : i32
      %dma_wait3A_151 = arith.constant 0 : i32
      %dma_wait3A_152 = tpu.memref_slice %arg10[%dma_wait3A_150, %dma_wait3A_151] : memref<10752x128xf32, #tpu.memory_space<vmem_shared>> -> memref<10752x128xf32, #tpu.memory_space<vmem_shared>>
      tpu.wait_indirect_dma semaphore(%run_scoped3A_140 : memref<!tpu.dma_semaphore, #tpu.memory_space<semaphore_mem>>) src(%arg8 : memref<128x128xf32, #tpu.memory_space<vmem>>) dst(%dma_wait3A_152 : memref<10752x128xf32, #tpu.memory_space<vmem_shared>>)
      tpu.yield
    }) : () -> ()
    %dma_wait3A_127 = arith.constant 39 : i32
    %dma_wait3A_128 = arith.constant 0 : i32
    %dma_wait3A_129 = tpu.memref_slice %arg6[%dma_wait3A_127, %dma_wait3A_128] : memref<40x128xi32, #tpu.memory_space<vmem>> -> memref<1x128xi32, #tpu.memory_space<vmem>>
    %dma_wait3A_130 = tpu.memref_squeeze %dma_wait3A_129 : memref<1x128xi32, #tpu.memory_space<vmem>> -> memref<128xi32, #tpu.memory_space<vmem>>
    %dma_wait3A_131 = arith.constant 0 : i32
    %dma_wait3A_132 = arith.constant 0 : i32
    %dma_wait3A_133 = tpu.memref_slice %arg2[%dma_wait3A_131, %dma_wait3A_132] : memref<10000x128xf32, #tpu.memory_space<hbm>> -> memref<10000x128xf32, #tpu.memory_space<hbm>>
    tpu.wait_indirect_dma semaphore(%arg12 : memref<!tpu.dma_semaphore, #tpu.memory_space<semaphore_mem>>) src(%dma_wait3A_133 : memref<10000x128xf32, #tpu.memory_space<hbm>>) dst(%arg9 : memref<128x128xf32, #tpu.memory_space<vmem>>)
    %run_scoped3A_134 = arith.constant 39 : i32
    "tpu.region"() ({
      %run_scoped3A_140 = tpu.sem_alloc : memref<!tpu.dma_semaphore, #tpu.memory_space<semaphore_mem>>
      %dma_start3A_141 = arith.constant 0 : i32
      %dma_start3A_142 = tpu.memref_slice %arg7[%run_scoped3A_134, %dma_start3A_141] : memref<40x128xi32, #tpu.memory_space<vmem>> -> memref<1x128xi32, #tpu.memory_space<vmem>>
      %dma_start3A_143 = tpu.memref_squeeze %dma_start3A_142 : memref<1x128xi32, #tpu.memory_space<vmem>> -> memref<128xi32, #tpu.memory_space<vmem>>
      %dma_start3A_144 = arith.constant 0 : i32
      %dma_start3A_145 = arith.constant 0 : i32
      %dma_start3A_146 = tpu.memref_slice %arg10[%dma_start3A_144, %dma_start3A_145] : memref<10752x128xf32, #tpu.memory_space<vmem_shared>> -> memref<10752x128xf32, #tpu.memory_space<vmem_shared>>
      tpu.enqueue_indirect_dma source(%arg9 : memref<128x128xf32, #tpu.memory_space<vmem>>) target(%dma_start3A_146 : memref<10752x128xf32, #tpu.memory_space<vmem_shared>>) offsets(%dma_start3A_143 : memref<128xi32, #tpu.memory_space<vmem>>) semaphore(%run_scoped3A_140 : memref<!tpu.dma_semaphore, #tpu.memory_space<semaphore_mem>>) {add = true}
      %dma_wait3A_147 = arith.constant 0 : i32
      %dma_wait3A_148 = tpu.memref_slice %arg7[%run_scoped3A_134, %dma_wait3A_147] : memref<40x128xi32, #tpu.memory_space<vmem>> -> memref<1x128xi32, #tpu.memory_space<vmem>>
      %dma_wait3A_149 = tpu.memref_squeeze %dma_wait3A_148 : memref<1x128xi32, #tpu.memory_space<vmem>> -> memref<128xi32, #tpu.memory_space<vmem>>
      %dma_wait3A_150 = arith.constant 0 : i32
      %dma_wait3A_151 = arith.constant 0 : i32
      %dma_wait3A_152 = tpu.memref_slice %arg10[%dma_wait3A_150, %dma_wait3A_151] : memref<10752x128xf32, #tpu.memory_space<vmem_shared>> -> memref<10752x128xf32, #tpu.memory_space<vmem_shared>>
      tpu.wait_indirect_dma semaphore(%run_scoped3A_140 : memref<!tpu.dma_semaphore, #tpu.memory_space<semaphore_mem>>) src(%arg9 : memref<128x128xf32, #tpu.memory_space<vmem>>) dst(%dma_wait3A_152 : memref<10752x128xf32, #tpu.memory_space<vmem_shared>>)
      tpu.yield
    }) : () -> ()
    %barrier3A_135 = arith.constant 0 : index
    tpu.barrier barrier_id(%barrier3A_135)
    %mul3A_136 = arith.constant 640 : i32
    %mul3A_137 = arith.muli %arg1, %mul3A_136 : i32
    %mul3A_138 = arith.constant 640 : i32
    %mul3A_139 = arith.muli %arg1, %mul3A_138 : i32
    "tpu.region"() ({
      %run_scoped3A_140 = tpu.sem_alloc : memref<!tpu.dma_semaphore, #tpu.memory_space<semaphore_mem>>
      %dma_start3A_141 = arith.constant 0 : i32
      %dma_start3A_142 = tpu.memref_slice %arg5[%arg0, %mul3A_139, %dma_start3A_141] : memref<2x10240x128xf32, #tpu.memory_space<hbm>> -> memref<1x640x128xf32, #tpu.memory_space<hbm>>
      %dma_start3A_143 = tpu.memref_squeeze %dma_start3A_142 : memref<1x640x128xf32, #tpu.memory_space<hbm>> -> memref<640x128xf32, #tpu.memory_space<hbm>>
      %dma_start3A_144 = arith.constant 0 : i32
      %dma_start3A_145 = tpu.memref_slice %arg10[%mul3A_137, %dma_start3A_144] : memref<10752x128xf32, #tpu.memory_space<vmem_shared>> -> memref<640x128xf32, #tpu.memory_space<vmem_shared>>
      tpu.enqueue_dma source(%dma_start3A_145 : memref<640x128xf32, #tpu.memory_space<vmem_shared>>) target(%dma_start3A_143 : memref<640x128xf32, #tpu.memory_space<hbm>>) target_semaphore(%run_scoped3A_140 : memref<!tpu.dma_semaphore, #tpu.memory_space<semaphore_mem>>)
      %dma_wait3A_146 = arith.constant 0 : i32
      %dma_wait3A_147 = tpu.memref_slice %arg5[%arg0, %mul3A_139, %dma_wait3A_146] : memref<2x10240x128xf32, #tpu.memory_space<hbm>> -> memref<1x640x128xf32, #tpu.memory_space<hbm>>
      %dma_wait3A_148 = tpu.memref_squeeze %dma_wait3A_147 : memref<1x640x128xf32, #tpu.memory_space<hbm>> -> memref<640x128xf32, #tpu.memory_space<hbm>>
      %dma_wait3A_149 = arith.constant 0 : i32
      %dma_wait3A_150 = tpu.memref_slice %arg10[%mul3A_137, %dma_wait3A_149] : memref<10752x128xf32, #tpu.memory_space<vmem_shared>> -> memref<640x128xf32, #tpu.memory_space<vmem_shared>>
      tpu.wait_dma2 semaphore(%run_scoped3A_140 : memref<!tpu.dma_semaphore, #tpu.memory_space<semaphore_mem>>) src(%dma_wait3A_150 : memref<640x128xf32, #tpu.memory_space<vmem_shared>>) dst(%dma_wait3A_148 : memref<640x128xf32, #tpu.memory_space<hbm>>)
      tpu.yield
    }) : () -> ()
    return
  }
}

#map = affine_map<(d0, d1) -> (0, 0)>
#map1 = affine_map<(d0, d1) -> (0, 0, 0)>
module attributes {stable_mosaic.version = 14 : i64} {
  func.func @_sc_body(%arg0: i32, %arg1: i32, %arg2: memref<10000x128xf32, #tpu.memory_space<hbm>>, %arg3: memref<32x120x128xi32, #tpu.memory_space<hbm>>, %arg4: memref<32x120x128xi32, #tpu.memory_space<hbm>>, %arg5: memref<2x10240x128xf32, #tpu.memory_space<hbm>>, %arg6: memref<40x128xi32, #tpu.memory_space<vmem>>, %arg7: memref<40x128xi32, #tpu.memory_space<vmem>>, %arg8: memref<128x128xf32, #tpu.memory_space<vmem>>, %arg9: memref<128x128xf32, #tpu.memory_space<vmem>>, %arg10: memref<10752x128xf32, #tpu.memory_space<vmem_shared>>, %arg11: memref<!tpu.dma_semaphore, #tpu.memory_space<semaphore_mem>>, %arg12: memref<!tpu.dma_semaphore, #tpu.memory_space<semaphore_mem>>) attributes {dimension_semantics = [#tpu.dimension_semantics<core_parallel>, #tpu.dimension_semantics<subcore_parallel>], iteration_bounds = array<i64: 2, 16>, scalar_prefetch = 0 : i64, scratch_operands = 7 : i64, tpu.core_type = #tpu.core_type<sc_vector_subcore>, window_params = [{transform_indices = #map}, {transform_indices = #map1}, {transform_indices = #map1}, {transform_indices = #map1}]} {
    %mul3A = arith.constant 16 : i32
    %mul3A_0 = arith.muli %arg0, %mul3A : i32
    %add3A = arith.addi %mul3A_0, %arg1 : i32
    %scan3A = arith.constant 0 : i32
    %scan3A_1 = arith.constant 0 : i32
    %scan3A_2 = arith.constant 128 : i32
    %scan3A_3 = arith.addi %scan3A_1, %scan3A_2 : i32
    %scan3A_4 = arith.constant 1 : i32
    %scan3A_5 = scf.for %scan3A_140 = %scan3A_1 to %scan3A_3 step %scan3A_4 iter_args(%scan3A_141 = %scan3A) -> (i32)  : i32 {
      %broadcast_in_dim3A = arith.constant 0.000000e+00 : f32
      %broadcast_in_dim3A_142 = vector.broadcast %broadcast_in_dim3A : f32 to vector<16xf32>
      %swap3A = arith.index_cast %scan3A_140 : i32 to index
      %swap3A_143 = arith.constant 0 : index
      %swap3A_144 = tpu.vector_load %arg8[%swap3A, %swap3A_143] {strides = array<i32>} : memref<128x128xf32, #tpu.memory_space<vmem>>, vector<1x16xf32>,
      %swap3A_145 = vector.shape_cast %swap3A_144 : vector<1x16xf32> to vector<16xf32>
      %swap3A_146 = vector.shape_cast %broadcast_in_dim3A_142 : vector<16xf32> to vector<1x16xf32>
      tpu.vector_store %arg8[%swap3A, %swap3A_143], %swap3A_146 {strides = array<i32>} : memref<128x128xf32, #tpu.memory_space<vmem>>, vector<1x16xf32>,
      %broadcast_in_dim3A_147 = arith.constant 0.000000e+00 : f32
      %broadcast_in_dim3A_148 = vector.broadcast %broadcast_in_dim3A_147 : f32 to vector<16xf32>
      %swap3A_149 = arith.index_cast %scan3A_140 : i32 to index
      %swap3A_150 = arith.constant 16 : index
      %swap3A_151 = tpu.vector_load %arg8[%swap3A_149, %swap3A_150] {strides = array<i32>} : memref<128x128xf32, #tpu.memory_space<vmem>>, vector<1x16xf32>,
      %swap3A_152 = vector.shape_cast %swap3A_151 : vector<1x16xf32> to vector<16xf32>
      %swap3A_153 = vector.shape_cast %broadcast_in_dim3A_148 : vector<16xf32> to vector<1x16xf32>
      tpu.vector_store %arg8[%swap3A_149, %swap3A_150], %swap3A_153 {strides = array<i32>} : memref<128x128xf32, #tpu.memory_space<vmem>>, vector<1x16xf32>,
      %broadcast_in_dim3A_154 = arith.constant 0.000000e+00 : f32
      %broadcast_in_dim3A_155 = vector.broadcast %broadcast_in_dim3A_154 : f32 to vector<16xf32>
      %swap3A_156 = arith.index_cast %scan3A_140 : i32 to index
      %swap3A_157 = arith.constant 32 : index
      %swap3A_158 = tpu.vector_load %arg8[%swap3A_156, %swap3A_157] {strides = array<i32>} : memref<128x128xf32, #tpu.memory_space<vmem>>, vector<1x16xf32>,
      %swap3A_159 = vector.shape_cast %swap3A_158 : vector<1x16xf32> to vector<16xf32>
      %swap3A_160 = vector.shape_cast %broadcast_in_dim3A_155 : vector<16xf32> to vector<1x16xf32>
      tpu.vector_store %arg8[%swap3A_156, %swap3A_157], %swap3A_160 {strides = array<i32>} : memref<128x128xf32, #tpu.memory_space<vmem>>, vector<1x16xf32>,
      %broadcast_in_dim3A_161 = arith.constant 0.000000e+00 : f32
      %broadcast_in_dim3A_162 = vector.broadcast %broadcast_in_dim3A_161 : f32 to vector<16xf32>
      %swap3A_163 = arith.index_cast %scan3A_140 : i32 to index
      %swap3A_164 = arith.constant 48 : index
      %swap3A_165 = tpu.vector_load %arg8[%swap3A_163, %swap3A_164] {strides = array<i32>} : memref<128x128xf32, #tpu.memory_space<vmem>>, vector<1x16xf32>,
      %swap3A_166 = vector.shape_cast %swap3A_165 : vector<1x16xf32> to vector<16xf32>
      %swap3A_167 = vector.shape_cast %broadcast_in_dim3A_162 : vector<16xf32> to vector<1x16xf32>
      tpu.vector_store %arg8[%swap3A_163, %swap3A_164], %swap3A_167 {strides = array<i32>} : memref<128x128xf32, #tpu.memory_space<vmem>>, vector<1x16xf32>,
      %broadcast_in_dim3A_168 = arith.constant 0.000000e+00 : f32
      %broadcast_in_dim3A_169 = vector.broadcast %broadcast_in_dim3A_168 : f32 to vector<16xf32>
      %swap3A_170 = arith.index_cast %scan3A_140 : i32 to index
      %swap3A_171 = arith.constant 64 : index
      %swap3A_172 = tpu.vector_load %arg8[%swap3A_170, %swap3A_171] {strides = array<i32>} : memref<128x128xf32, #tpu.memory_space<vmem>>, vector<1x16xf32>,
      %swap3A_173 = vector.shape_cast %swap3A_172 : vector<1x16xf32> to vector<16xf32>
      %swap3A_174 = vector.shape_cast %broadcast_in_dim3A_169 : vector<16xf32> to vector<1x16xf32>
      tpu.vector_store %arg8[%swap3A_170, %swap3A_171], %swap3A_174 {strides = array<i32>} : memref<128x128xf32, #tpu.memory_space<vmem>>, vector<1x16xf32>,
      %broadcast_in_dim3A_175 = arith.constant 0.000000e+00 : f32
      %broadcast_in_dim3A_176 = vector.broadcast %broadcast_in_dim3A_175 : f32 to vector<16xf32>
      %swap3A_177 = arith.index_cast %scan3A_140 : i32 to index
      %swap3A_178 = arith.constant 80 : index
      %swap3A_179 = tpu.vector_load %arg8[%swap3A_177, %swap3A_178] {strides = array<i32>} : memref<128x128xf32, #tpu.memory_space<vmem>>, vector<1x16xf32>,
      %swap3A_180 = vector.shape_cast %swap3A_179 : vector<1x16xf32> to vector<16xf32>
      %swap3A_181 = vector.shape_cast %broadcast_in_dim3A_176 : vector<16xf32> to vector<1x16xf32>
      tpu.vector_store %arg8[%swap3A_177, %swap3A_178], %swap3A_181 {strides = array<i32>} : memref<128x128xf32, #tpu.memory_space<vmem>>, vector<1x16xf32>,
      %broadcast_in_dim3A_182 = arith.constant 0.000000e+00 : f32
      %broadcast_in_dim3A_183 = vector.broadcast %broadcast_in_dim3A_182 : f32 to vector<16xf32>
      %swap3A_184 = arith.index_cast %scan3A_140 : i32 to index
      %swap3A_185 = arith.constant 96 : index
      %swap3A_186 = tpu.vector_load %arg8[%swap3A_184, %swap3A_185] {strides = array<i32>} : memref<128x128xf32, #tpu.memory_space<vmem>>, vector<1x16xf32>,
      %swap3A_187 = vector.shape_cast %swap3A_186 : vector<1x16xf32> to vector<16xf32>
      %swap3A_188 = vector.shape_cast %broadcast_in_dim3A_183 : vector<16xf32> to vector<1x16xf32>
      tpu.vector_store %arg8[%swap3A_184, %swap3A_185], %swap3A_188 {strides = array<i32>} : memref<128x128xf32, #tpu.memory_space<vmem>>, vector<1x16xf32>,
      %broadcast_in_dim3A_189 = arith.constant 0.000000e+00 : f32
      %broadcast_in_dim3A_190 = vector.broadcast %broadcast_in_dim3A_189 : f32 to vector<16xf32>
      %swap3A_191 = arith.index_cast %scan3A_140 : i32 to index
      %swap3A_192 = arith.constant 112 : index
      %swap3A_193 = tpu.vector_load %arg8[%swap3A_191, %swap3A_192] {strides = array<i32>} : memref<128x128xf32, #tpu.memory_space<vmem>>, vector<1x16xf32>,
      %swap3A_194 = vector.shape_cast %swap3A_193 : vector<1x16xf32> to vector<16xf32>
      %swap3A_195 = vector.shape_cast %broadcast_in_dim3A_190 : vector<16xf32> to vector<1x16xf32>
      tpu.vector_store %arg8[%swap3A_191, %swap3A_192], %swap3A_195 {strides = array<i32>} : memref<128x128xf32, #tpu.memory_space<vmem>>, vector<1x16xf32>,
      %scan3A_196 = arith.constant 0 : i32
      scf.yield %scan3A_196 : i32
    }
    %scan3A_6 = arith.constant 128 : i32
    %mul3A_7 = arith.constant 640 : i32
    %mul3A_8 = arith.muli %arg1, %mul3A_7 : i32
    %add3A_9 = arith.constant 0 : i32
    %add3A_10 = arith.addi %mul3A_8, %add3A_9 : i32
    "tpu.region"() ({
      %run_scoped3A_140 = tpu.sem_alloc : memref<!tpu.dma_semaphore, #tpu.memory_space<semaphore_mem>>
      %dma_start3A_141 = arith.constant 0 : i32
      %dma_start3A_142 = tpu.memref_slice %arg10[%add3A_10, %dma_start3A_141] : memref<10752x128xf32, #tpu.memory_space<vmem_shared>> -> memref<128x128xf32, #tpu.memory_space<vmem_shared>>
      %dma_start3A_143 = arith.constant 0 : i32
      %dma_start3A_144 = tpu.memref_slice %arg10[%add3A_10, %dma_start3A_143] : memref<10752x128xf32, #tpu.memory_space<vmem_shared>> -> memref<128x128xf32, #tpu.memory_space<vmem_shared>>
      tpu.enqueue_dma source(%arg8 : memref<128x128xf32, #tpu.memory_space<vmem>>) target(%dma_start3A_144 : memref<128x128xf32, #tpu.memory_space<vmem_shared>>) target_semaphore(%run_scoped3A_140 : memref<!tpu.dma_semaphore, #tpu.memory_space<semaphore_mem>>)
      %dma_wait3A_145 = arith.constant 0 : i32
      %dma_wait3A_146 = tpu.memref_slice %arg10[%add3A_10, %dma_wait3A_145] : memref<10752x128xf32, #tpu.memory_space<vmem_shared>> -> memref<128x128xf32, #tpu.memory_space<vmem_shared>>
      %dma_wait3A_147 = arith.constant 0 : i32
      %dma_wait3A_148 = tpu.memref_slice %arg10[%add3A_10, %dma_wait3A_147] : memref<10752x128xf32, #tpu.memory_space<vmem_shared>> -> memref<128x128xf32, #tpu.memory_space<vmem_shared>>
      tpu.wait_dma2 semaphore(%run_scoped3A_140 : memref<!tpu.dma_semaphore, #tpu.memory_space<semaphore_mem>>) src(%arg8 : memref<128x128xf32, #tpu.memory_space<vmem>>) dst(%dma_wait3A_148 : memref<128x128xf32, #tpu.memory_space<vmem_shared>>)
      tpu.yield
    }) : () -> ()
    %mul3A_11 = arith.constant 640 : i32
    %mul3A_12 = arith.muli %arg1, %mul3A_11 : i32
    %add3A_13 = arith.constant 128 : i32
    %add3A_14 = arith.addi %mul3A_12, %add3A_13 : i32
    "tpu.region"() ({
      %run_scoped3A_140 = tpu.sem_alloc : memref<!tpu.dma_semaphore, #tpu.memory_space<semaphore_mem>>
      %dma_start3A_141 = arith.constant 0 : i32
      %dma_start3A_142 = tpu.memref_slice %arg10[%add3A_14, %dma_start3A_141] : memref<10752x128xf32, #tpu.memory_space<vmem_shared>> -> memref<128x128xf32, #tpu.memory_space<vmem_shared>>
      %dma_start3A_143 = arith.constant 0 : i32
      %dma_start3A_144 = tpu.memref_slice %arg10[%add3A_14, %dma_start3A_143] : memref<10752x128xf32, #tpu.memory_space<vmem_shared>> -> memref<128x128xf32, #tpu.memory_space<vmem_shared>>
      tpu.enqueue_dma source(%arg8 : memref<128x128xf32, #tpu.memory_space<vmem>>) target(%dma_start3A_144 : memref<128x128xf32, #tpu.memory_space<vmem_shared>>) target_semaphore(%run_scoped3A_140 : memref<!tpu.dma_semaphore, #tpu.memory_space<semaphore_mem>>)
      %dma_wait3A_145 = arith.constant 0 : i32
      %dma_wait3A_146 = tpu.memref_slice %arg10[%add3A_14, %dma_wait3A_145] : memref<10752x128xf32, #tpu.memory_space<vmem_shared>> -> memref<128x128xf32, #tpu.memory_space<vmem_shared>>
      %dma_wait3A_147 = arith.constant 0 : i32
      %dma_wait3A_148 = tpu.memref_slice %arg10[%add3A_14, %dma_wait3A_147] : memref<10752x128xf32, #tpu.memory_space<vmem_shared>> -> memref<128x128xf32, #tpu.memory_space<vmem_shared>>
      tpu.wait_dma2 semaphore(%run_scoped3A_140 : memref<!tpu.dma_semaphore, #tpu.memory_space<semaphore_mem>>) src(%arg8 : memref<128x128xf32, #tpu.memory_space<vmem>>) dst(%dma_wait3A_148 : memref<128x128xf32, #tpu.memory_space<vmem_shared>>)
      tpu.yield
    }) : () -> ()
    %mul3A_15 = arith.constant 640 : i32
    %mul3A_16 = arith.muli %arg1, %mul3A_15 : i32
    %add3A_17 = arith.constant 256 : i32
    %add3A_18 = arith.addi %mul3A_16, %add3A_17 : i32
    "tpu.region"() ({
      %run_scoped3A_140 = tpu.sem_alloc : memref<!tpu.dma_semaphore, #tpu.memory_space<semaphore_mem>>
      %dma_start3A_141 = arith.constant 0 : i32
      %dma_start3A_142 = tpu.memref_slice %arg10[%add3A_18, %dma_start3A_141] : memref<10752x128xf32, #tpu.memory_space<vmem_shared>> -> memref<128x128xf32, #tpu.memory_space<vmem_shared>>
      %dma_start3A_143 = arith.constant 0 : i32
      %dma_start3A_144 = tpu.memref_slice %arg10[%add3A_18, %dma_start3A_143] : memref<10752x128xf32, #tpu.memory_space<vmem_shared>> -> memref<128x128xf32, #tpu.memory_space<vmem_shared>>
      tpu.enqueue_dma source(%arg8 : memref<128x128xf32, #tpu.memory_space<vmem>>) target(%dma_start3A_144 : memref<128x128xf32, #tpu.memory_space<vmem_shared>>) target_semaphore(%run_scoped3A_140 : memref<!tpu.dma_semaphore, #tpu.memory_space<semaphore_mem>>)
      %dma_wait3A_145 = arith.constant 0 : i32
      %dma_wait3A_146 = tpu.memref_slice %arg10[%add3A_18, %dma_wait3A_145] : memref<10752x128xf32, #tpu.memory_space<vmem_shared>> -> memref<128x128xf32, #tpu.memory_space<vmem_shared>>
      %dma_wait3A_147 = arith.constant 0 : i32
      %dma_wait3A_148 = tpu.memref_slice %arg10[%add3A_18, %dma_wait3A_147] : memref<10752x128xf32, #tpu.memory_space<vmem_shared>> -> memref<128x128xf32, #tpu.memory_space<vmem_shared>>
      tpu.wait_dma2 semaphore(%run_scoped3A_140 : memref<!tpu.dma_semaphore, #tpu.memory_space<semaphore_mem>>) src(%arg8 : memref<128x128xf32, #tpu.memory_space<vmem>>) dst(%dma_wait3A_148 : memref<128x128xf32, #tpu.memory_space<vmem_shared>>)
      tpu.yield
    }) : () -> ()
    %mul3A_19 = arith.constant 640 : i32
    %mul3A_20 = arith.muli %arg1, %mul3A_19 : i32
    %add3A_21 = arith.constant 384 : i32
    %add3A_22 = arith.addi %mul3A_20, %add3A_21 : i32
    "tpu.region"() ({
      %run_scoped3A_140 = tpu.sem_alloc : memref<!tpu.dma_semaphore, #tpu.memory_space<semaphore_mem>>
      %dma_start3A_141 = arith.constant 0 : i32
      %dma_start3A_142 = tpu.memref_slice %arg10[%add3A_22, %dma_start3A_141] : memref<10752x128xf32, #tpu.memory_space<vmem_shared>> -> memref<128x128xf32, #tpu.memory_space<vmem_shared>>
      %dma_start3A_143 = arith.constant 0 : i32
      %dma_start3A_144 = tpu.memref_slice %arg10[%add3A_22, %dma_start3A_143] : memref<10752x128xf32, #tpu.memory_space<vmem_shared>> -> memref<128x128xf32, #tpu.memory_space<vmem_shared>>
      tpu.enqueue_dma source(%arg8 : memref<128x128xf32, #tpu.memory_space<vmem>>) target(%dma_start3A_144 : memref<128x128xf32, #tpu.memory_space<vmem_shared>>) target_semaphore(%run_scoped3A_140 : memref<!tpu.dma_semaphore, #tpu.memory_space<semaphore_mem>>)
      %dma_wait3A_145 = arith.constant 0 : i32
      %dma_wait3A_146 = tpu.memref_slice %arg10[%add3A_22, %dma_wait3A_145] : memref<10752x128xf32, #tpu.memory_space<vmem_shared>> -> memref<128x128xf32, #tpu.memory_space<vmem_shared>>
      %dma_wait3A_147 = arith.constant 0 : i32
      %dma_wait3A_148 = tpu.memref_slice %arg10[%add3A_22, %dma_wait3A_147] : memref<10752x128xf32, #tpu.memory_space<vmem_shared>> -> memref<128x128xf32, #tpu.memory_space<vmem_shared>>
      tpu.wait_dma2 semaphore(%run_scoped3A_140 : memref<!tpu.dma_semaphore, #tpu.memory_space<semaphore_mem>>) src(%arg8 : memref<128x128xf32, #tpu.memory_space<vmem>>) dst(%dma_wait3A_148 : memref<128x128xf32, #tpu.memory_space<vmem_shared>>)
      tpu.yield
    }) : () -> ()
    %mul3A_23 = arith.constant 640 : i32
    %mul3A_24 = arith.muli %arg1, %mul3A_23 : i32
    %add3A_25 = arith.constant 512 : i32
    %add3A_26 = arith.addi %mul3A_24, %add3A_25 : i32
    "tpu.region"() ({
      %run_scoped3A_140 = tpu.sem_alloc : memref<!tpu.dma_semaphore, #tpu.memory_space<semaphore_mem>>
      %dma_start3A_141 = arith.constant 0 : i32
      %dma_start3A_142 = tpu.memref_slice %arg10[%add3A_26, %dma_start3A_141] : memref<10752x128xf32, #tpu.memory_space<vmem_shared>> -> memref<128x128xf32, #tpu.memory_space<vmem_shared>>
      %dma_start3A_143 = arith.constant 0 : i32
      %dma_start3A_144 = tpu.memref_slice %arg10[%add3A_26, %dma_start3A_143] : memref<10752x128xf32, #tpu.memory_space<vmem_shared>> -> memref<128x128xf32, #tpu.memory_space<vmem_shared>>
      tpu.enqueue_dma source(%arg8 : memref<128x128xf32, #tpu.memory_space<vmem>>) target(%dma_start3A_144 : memref<128x128xf32, #tpu.memory_space<vmem_shared>>) target_semaphore(%run_scoped3A_140 : memref<!tpu.dma_semaphore, #tpu.memory_space<semaphore_mem>>)
      %dma_wait3A_145 = arith.constant 0 : i32
      %dma_wait3A_146 = tpu.memref_slice %arg10[%add3A_26, %dma_wait3A_145] : memref<10752x128xf32, #tpu.memory_space<vmem_shared>> -> memref<128x128xf32, #tpu.memory_space<vmem_shared>>
      %dma_wait3A_147 = arith.constant 0 : i32
      %dma_wait3A_148 = tpu.memref_slice %arg10[%add3A_26, %dma_wait3A_147] : memref<10752x128xf32, #tpu.memory_space<vmem_shared>> -> memref<128x128xf32, #tpu.memory_space<vmem_shared>>
      tpu.wait_dma2 semaphore(%run_scoped3A_140 : memref<!tpu.dma_semaphore, #tpu.memory_space<semaphore_mem>>) src(%arg8 : memref<128x128xf32, #tpu.memory_space<vmem>>) dst(%dma_wait3A_148 : memref<128x128xf32, #tpu.memory_space<vmem_shared>>)
      tpu.yield
    }) : () -> ()
    %barrier3A = arith.constant 0 : index
    tpu.barrier barrier_id(%barrier3A)
    "tpu.region"() ({
      %run_scoped3A_140 = tpu.sem_alloc : memref<!tpu.dma_semaphore, #tpu.memory_space<semaphore_mem>>
      %dma_start3A_141 = arith.constant 0 : i32
      %dma_start3A_142 = arith.constant 0 : i32
      %dma_start3A_143 = tpu.memref_slice %arg3[%add3A, %dma_start3A_141, %dma_start3A_142] : memref<32x120x128xi32, #tpu.memory_space<hbm>> -> memref<1x40x128xi32, #tpu.memory_space<hbm>>
      %dma_start3A_144 = tpu.memref_squeeze %dma_start3A_143 : memref<1x40x128xi32, #tpu.memory_space<hbm>> -> memref<40x128xi32, #tpu.memory_space<hbm>>
      %dma_start3A_145 = arith.constant 0 : i32
      %dma_start3A_146 = arith.constant 0 : i32
      %dma_start3A_147 = tpu.memref_slice %arg3[%add3A, %dma_start3A_145, %dma_start3A_146] : memref<32x120x128xi32, #tpu.memory_space<hbm>> -> memref<1x40x128xi32, #tpu.memory_space<hbm>>
      %dma_start3A_148 = tpu.memref_squeeze %dma_start3A_147 : memref<1x40x128xi32, #tpu.memory_space<hbm>> -> memref<40x128xi32, #tpu.memory_space<hbm>>
      tpu.enqueue_dma source(%dma_start3A_148 : memref<40x128xi32, #tpu.memory_space<hbm>>) target(%arg6 : memref<40x128xi32, #tpu.memory_space<vmem>>) target_semaphore(%run_scoped3A_140 : memref<!tpu.dma_semaphore, #tpu.memory_space<semaphore_mem>>)
      %dma_wait3A_149 = arith.constant 0 : i32
      %dma_wait3A_150 = arith.constant 0 : i32
      %dma_wait3A_151 = tpu.memref_slice %arg3[%add3A, %dma_wait3A_149, %dma_wait3A_150] : memref<32x120x128xi32, #tpu.memory_space<hbm>> -> memref<1x40x128xi32, #tpu.memory_space<hbm>>
      %dma_wait3A_152 = tpu.memref_squeeze %dma_wait3A_151 : memref<1x40x128xi32, #tpu.memory_space<hbm>> -> memref<40x128xi32, #tpu.memory_space<hbm>>
      %dma_wait3A_153 = arith.constant 0 : i32
      %dma_wait3A_154 = arith.constant 0 : i32
      %dma_wait3A_155 = tpu.memref_slice %arg3[%add3A, %dma_wait3A_153, %dma_wait3A_154] : memref<32x120x128xi32, #tpu.memory_space<hbm>> -> memref<1x40x128xi32, #tpu.memory_space<hbm>>
      %dma_wait3A_156 = tpu.memref_squeeze %dma_wait3A_155 : memref<1x40x128xi32, #tpu.memory_space<hbm>> -> memref<40x128xi32, #tpu.memory_space<hbm>>
      tpu.wait_dma2 semaphore(%run_scoped3A_140 : memref<!tpu.dma_semaphore, #tpu.memory_space<semaphore_mem>>) src(%dma_wait3A_156 : memref<40x128xi32, #tpu.memory_space<hbm>>) dst(%arg6 : memref<40x128xi32, #tpu.memory_space<vmem>>)
      tpu.yield
    }) : () -> ()
    "tpu.region"() ({
      %run_scoped3A_140 = tpu.sem_alloc : memref<!tpu.dma_semaphore, #tpu.memory_space<semaphore_mem>>
      %dma_start3A_141 = arith.constant 0 : i32
      %dma_start3A_142 = arith.constant 0 : i32
      %dma_start3A_143 = tpu.memref_slice %arg4[%add3A, %dma_start3A_141, %dma_start3A_142] : memref<32x120x128xi32, #tpu.memory_space<hbm>> -> memref<1x40x128xi32, #tpu.memory_space<hbm>>
      %dma_start3A_144 = tpu.memref_squeeze %dma_start3A_143 : memref<1x40x128xi32, #tpu.memory_space<hbm>> -> memref<40x128xi32, #tpu.memory_space<hbm>>
      %dma_start3A_145 = arith.constant 0 : i32
      %dma_start3A_146 = arith.constant 0 : i32
      %dma_start3A_147 = tpu.memref_slice %arg4[%add3A, %dma_start3A_145, %dma_start3A_146] : memref<32x120x128xi32, #tpu.memory_space<hbm>> -> memref<1x40x128xi32, #tpu.memory_space<hbm>>
      %dma_start3A_148 = tpu.memref_squeeze %dma_start3A_147 : memref<1x40x128xi32, #tpu.memory_space<hbm>> -> memref<40x128xi32, #tpu.memory_space<hbm>>
      tpu.enqueue_dma source(%dma_start3A_148 : memref<40x128xi32, #tpu.memory_space<hbm>>) target(%arg7 : memref<40x128xi32, #tpu.memory_space<vmem>>) target_semaphore(%run_scoped3A_140 : memref<!tpu.dma_semaphore, #tpu.memory_space<semaphore_mem>>)
      %dma_wait3A_149 = arith.constant 0 : i32
      %dma_wait3A_150 = arith.constant 0 : i32
      %dma_wait3A_151 = tpu.memref_slice %arg4[%add3A, %dma_wait3A_149, %dma_wait3A_150] : memref<32x120x128xi32, #tpu.memory_space<hbm>> -> memref<1x40x128xi32, #tpu.memory_space<hbm>>
      %dma_wait3A_152 = tpu.memref_squeeze %dma_wait3A_151 : memref<1x40x128xi32, #tpu.memory_space<hbm>> -> memref<40x128xi32, #tpu.memory_space<hbm>>
      %dma_wait3A_153 = arith.constant 0 : i32
      %dma_wait3A_154 = arith.constant 0 : i32
      %dma_wait3A_155 = tpu.memref_slice %arg4[%add3A, %dma_wait3A_153, %dma_wait3A_154] : memref<32x120x128xi32, #tpu.memory_space<hbm>> -> memref<1x40x128xi32, #tpu.memory_space<hbm>>
      %dma_wait3A_156 = tpu.memref_squeeze %dma_wait3A_155 : memref<1x40x128xi32, #tpu.memory_space<hbm>> -> memref<40x128xi32, #tpu.memory_space<hbm>>
      tpu.wait_dma2 semaphore(%run_scoped3A_140 : memref<!tpu.dma_semaphore, #tpu.memory_space<semaphore_mem>>) src(%dma_wait3A_156 : memref<40x128xi32, #tpu.memory_space<hbm>>) dst(%arg7 : memref<40x128xi32, #tpu.memory_space<vmem>>)
      tpu.yield
    }) : () -> ()
    %dma_start3A = arith.constant 0 : i32
    %dma_start3A_27 = arith.constant 0 : i32
    %dma_start3A_28 = tpu.memref_slice %arg6[%dma_start3A, %dma_start3A_27] : memref<40x128xi32, #tpu.memory_space<vmem>> -> memref<1x128xi32, #tpu.memory_space<vmem>>
    %dma_start3A_29 = tpu.memref_squeeze %dma_start3A_28 : memref<1x128xi32, #tpu.memory_space<vmem>> -> memref<128xi32, #tpu.memory_space<vmem>>
    %dma_start3A_30 = arith.constant 0 : i32
    %dma_start3A_31 = arith.constant 0 : i32
    %dma_start3A_32 = tpu.memref_slice %arg2[%dma_start3A_30, %dma_start3A_31] : memref<10000x128xf32, #tpu.memory_space<hbm>> -> memref<10000x128xf32, #tpu.memory_space<hbm>>
    tpu.enqueue_indirect_dma source(%dma_start3A_32 : memref<10000x128xf32, #tpu.memory_space<hbm>>) target(%arg8 : memref<128x128xf32, #tpu.memory_space<vmem>>) offsets(%dma_start3A_29 : memref<128xi32, #tpu.memory_space<vmem>>) semaphore(%arg11 : memref<!tpu.dma_semaphore, #tpu.memory_space<semaphore_mem>>)
    %dma_start3A_33 = arith.constant 1 : i32
    %dma_start3A_34 = arith.constant 0 : i32
    %dma_start3A_35 = tpu.memref_slice %arg6[%dma_start3A_33, %dma_start3A_34] : memref<40x128xi32, #tpu.memory_space<vmem>> -> memref<1x128xi32, #tpu.memory_space<vmem>>
    %dma_start3A_36 = tpu.memref_squeeze %dma_start3A_35 : memref<1x128xi32, #tpu.memory_space<vmem>> -> memref<128xi32, #tpu.memory_space<vmem>>
    %dma_start3A_37 = arith.constant 0 : i32
    %dma_start3A_38 = arith.constant 0 : i32
    %dma_start3A_39 = tpu.memref_slice %arg2[%dma_start3A_37, %dma_start3A_38] : memref<10000x128xf32, #tpu.memory_space<hbm>> -> memref<10000x128xf32, #tpu.memory_space<hbm>>
    tpu.enqueue_indirect_dma source(%dma_start3A_39 : memref<10000x128xf32, #tpu.memory_space<hbm>>) target(%arg9 : memref<128x128xf32, #tpu.memory_space<vmem>>) offsets(%dma_start3A_36 : memref<128xi32, #tpu.memory_space<vmem>>) semaphore(%arg12 : memref<!tpu.dma_semaphore, #tpu.memory_space<semaphore_mem>>)
    %scan3A_40 = arith.constant 0 : i32
    %scan3A_41 = arith.constant 0 : i32
    %scan3A_42 = arith.constant 19 : i32
    %scan3A_43 = arith.addi %scan3A_41, %scan3A_42 : i32
    %scan3A_44 = arith.constant 1 : i32
    %scan3A_45 = scf.for %scan3A_140 = %scan3A_41 to %scan3A_43 step %scan3A_44 iter_args(%scan3A_141 = %scan3A_40) -> (i32)  : i32 {
      %mul3A_142 = arith.constant 2 : i32
      %mul3A_143 = arith.muli %mul3A_142, %scan3A_140 : i32
      %dma_wait3A_144 = arith.constant 0 : i32
      %dma_wait3A_145 = tpu.memref_slice %arg6[%mul3A_143, %dma_wait3A_144] : memref<40x128xi32, #tpu.memory_space<vmem>> -> memref<1x128xi32, #tpu.memory_space<vmem>>
      %dma_wait3A_146 = tpu.memref_squeeze %dma_wait3A_145 : memref<1x128xi32, #tpu.memory_space<vmem>> -> memref<128xi32, #tpu.memory_space<vmem>>
      %dma_wait3A_147 = arith.constant 0 : i32
      %dma_wait3A_148 = arith.constant 0 : i32
      %dma_wait3A_149 = tpu.memref_slice %arg2[%dma_wait3A_147, %dma_wait3A_148] : memref<10000x128xf32, #tpu.memory_space<hbm>> -> memref<10000x128xf32, #tpu.memory_space<hbm>>
      tpu.wait_indirect_dma semaphore(%arg11 : memref<!tpu.dma_semaphore, #tpu.memory_space<semaphore_mem>>) src(%dma_wait3A_149 : memref<10000x128xf32, #tpu.memory_space<hbm>>) dst(%arg8 : memref<128x128xf32, #tpu.memory_space<vmem>>)
      "tpu.region"() ({
        %run_scoped3A_177 = tpu.sem_alloc : memref<!tpu.dma_semaphore, #tpu.memory_space<semaphore_mem>>
        %dma_start3A_178 = arith.constant 0 : i32
        %dma_start3A_179 = tpu.memref_slice %arg7[%mul3A_143, %dma_start3A_178] : memref<40x128xi32, #tpu.memory_space<vmem>> -> memref<1x128xi32, #tpu.memory_space<vmem>>
        %dma_start3A_180 = tpu.memref_squeeze %dma_start3A_179 : memref<1x128xi32, #tpu.memory_space<vmem>> -> memref<128xi32, #tpu.memory_space<vmem>>
        %dma_start3A_181 = arith.constant 0 : i32
        %dma_start3A_182 = arith.constant 0 : i32
        %dma_start3A_183 = tpu.memref_slice %arg10[%dma_start3A_181, %dma_start3A_182] : memref<10752x128xf32, #tpu.memory_space<vmem_shared>> -> memref<10752x128xf32, #tpu.memory_space<vmem_shared>>
        tpu.enqueue_indirect_dma source(%arg8 : memref<128x128xf32, #tpu.memory_space<vmem>>) target(%dma_start3A_183 : memref<10752x128xf32, #tpu.memory_space<vmem_shared>>) offsets(%dma_start3A_180 : memref<128xi32, #tpu.memory_space<vmem>>) semaphore(%run_scoped3A_177 : memref<!tpu.dma_semaphore, #tpu.memory_space<semaphore_mem>>) {add = true}
        %dma_wait3A_184 = arith.constant 0 : i32
        %dma_wait3A_185 = tpu.memref_slice %arg7[%mul3A_143, %dma_wait3A_184] : memref<40x128xi32, #tpu.memory_space<vmem>> -> memref<1x128xi32, #tpu.memory_space<vmem>>
        %dma_wait3A_186 = tpu.memref_squeeze %dma_wait3A_185 : memref<1x128xi32, #tpu.memory_space<vmem>> -> memref<128xi32, #tpu.memory_space<vmem>>
        %dma_wait3A_187 = arith.constant 0 : i32
        %dma_wait3A_188 = arith.constant 0 : i32
        %dma_wait3A_189 = tpu.memref_slice %arg10[%dma_wait3A_187, %dma_wait3A_188] : memref<10752x128xf32, #tpu.memory_space<vmem_shared>> -> memref<10752x128xf32, #tpu.memory_space<vmem_shared>>
        tpu.wait_indirect_dma semaphore(%run_scoped3A_177 : memref<!tpu.dma_semaphore, #tpu.memory_space<semaphore_mem>>) src(%arg8 : memref<128x128xf32, #tpu.memory_space<vmem>>) dst(%dma_wait3A_189 : memref<10752x128xf32, #tpu.memory_space<vmem_shared>>)
        tpu.yield
      }) : () -> ()
      %add3A_150 = arith.constant 2 : i32
      %add3A_151 = arith.addi %mul3A_143, %add3A_150 : i32
      %dma_start3A_152 = arith.constant 0 : i32
      %dma_start3A_153 = tpu.memref_slice %arg6[%add3A_151, %dma_start3A_152] : memref<40x128xi32, #tpu.memory_space<vmem>> -> memref<1x128xi32, #tpu.memory_space<vmem>>
      %dma_start3A_154 = tpu.memref_squeeze %dma_start3A_153 : memref<1x128xi32, #tpu.memory_space<vmem>> -> memref<128xi32, #tpu.memory_space<vmem>>
      %dma_start3A_155 = arith.constant 0 : i32
      %dma_start3A_156 = arith.constant 0 : i32
      %dma_start3A_157 = tpu.memref_slice %arg2[%dma_start3A_155, %dma_start3A_156] : memref<10000x128xf32, #tpu.memory_space<hbm>> -> memref<10000x128xf32, #tpu.memory_space<hbm>>
      tpu.enqueue_indirect_dma source(%dma_start3A_157 : memref<10000x128xf32, #tpu.memory_space<hbm>>) target(%arg8 : memref<128x128xf32, #tpu.memory_space<vmem>>) offsets(%dma_start3A_154 : memref<128xi32, #tpu.memory_space<vmem>>) semaphore(%arg11 : memref<!tpu.dma_semaphore, #tpu.memory_space<semaphore_mem>>)
      %add3A_158 = arith.constant 1 : i32
      %add3A_159 = arith.addi %mul3A_143, %add3A_158 : i32
      %dma_wait3A_160 = arith.constant 0 : i32
      %dma_wait3A_161 = tpu.memref_slice %arg6[%add3A_159, %dma_wait3A_160] : memref<40x128xi32, #tpu.memory_space<vmem>> -> memref<1x128xi32, #tpu.memory_space<vmem>>
      %dma_wait3A_162 = tpu.memref_squeeze %dma_wait3A_161 : memref<1x128xi32, #tpu.memory_space<vmem>> -> memref<128xi32, #tpu.memory_space<vmem>>
      %dma_wait3A_163 = arith.constant 0 : i32
      %dma_wait3A_164 = arith.constant 0 : i32
      %dma_wait3A_165 = tpu.memref_slice %arg2[%dma_wait3A_163, %dma_wait3A_164] : memref<10000x128xf32, #tpu.memory_space<hbm>> -> memref<10000x128xf32, #tpu.memory_space<hbm>>
      tpu.wait_indirect_dma semaphore(%arg12 : memref<!tpu.dma_semaphore, #tpu.memory_space<semaphore_mem>>) src(%dma_wait3A_165 : memref<10000x128xf32, #tpu.memory_space<hbm>>) dst(%arg9 : memref<128x128xf32, #tpu.memory_space<vmem>>)
      %add3A_166 = arith.constant 1 : i32
      %add3A_167 = arith.addi %mul3A_143, %add3A_166 : i32
      "tpu.region"() ({
        %run_scoped3A_177 = tpu.sem_alloc : memref<!tpu.dma_semaphore, #tpu.memory_space<semaphore_mem>>
        %dma_start3A_178 = arith.constant 0 : i32
        %dma_start3A_179 = tpu.memref_slice %arg7[%add3A_167, %dma_start3A_178] : memref<40x128xi32, #tpu.memory_space<vmem>> -> memref<1x128xi32, #tpu.memory_space<vmem>>
        %dma_start3A_180 = tpu.memref_squeeze %dma_start3A_179 : memref<1x128xi32, #tpu.memory_space<vmem>> -> memref<128xi32, #tpu.memory_space<vmem>>
        %dma_start3A_181 = arith.constant 0 : i32
        %dma_start3A_182 = arith.constant 0 : i32
        %dma_start3A_183 = tpu.memref_slice %arg10[%dma_start3A_181, %dma_start3A_182] : memref<10752x128xf32, #tpu.memory_space<vmem_shared>> -> memref<10752x128xf32, #tpu.memory_space<vmem_shared>>
        tpu.enqueue_indirect_dma source(%arg9 : memref<128x128xf32, #tpu.memory_space<vmem>>) target(%dma_start3A_183 : memref<10752x128xf32, #tpu.memory_space<vmem_shared>>) offsets(%dma_start3A_180 : memref<128xi32, #tpu.memory_space<vmem>>) semaphore(%run_scoped3A_177 : memref<!tpu.dma_semaphore, #tpu.memory_space<semaphore_mem>>) {add = true}
        %dma_wait3A_184 = arith.constant 0 : i32
        %dma_wait3A_185 = tpu.memref_slice %arg7[%add3A_167, %dma_wait3A_184] : memref<40x128xi32, #tpu.memory_space<vmem>> -> memref<1x128xi32, #tpu.memory_space<vmem>>
        %dma_wait3A_186 = tpu.memref_squeeze %dma_wait3A_185 : memref<1x128xi32, #tpu.memory_space<vmem>> -> memref<128xi32, #tpu.memory_space<vmem>>
        %dma_wait3A_187 = arith.constant 0 : i32
        %dma_wait3A_188 = arith.constant 0 : i32
        %dma_wait3A_189 = tpu.memref_slice %arg10[%dma_wait3A_187, %dma_wait3A_188] : memref<10752x128xf32, #tpu.memory_space<vmem_shared>> -> memref<10752x128xf32, #tpu.memory_space<vmem_shared>>
        tpu.wait_indirect_dma semaphore(%run_scoped3A_177 : memref<!tpu.dma_semaphore, #tpu.memory_space<semaphore_mem>>) src(%arg9 : memref<128x128xf32, #tpu.memory_space<vmem>>) dst(%dma_wait3A_189 : memref<10752x128xf32, #tpu.memory_space<vmem_shared>>)
        tpu.yield
      }) : () -> ()
      %add3A_168 = arith.constant 3 : i32
      %add3A_169 = arith.addi %mul3A_143, %add3A_168 : i32
      %dma_start3A_170 = arith.constant 0 : i32
      %dma_start3A_171 = tpu.memref_slice %arg6[%add3A_169, %dma_start3A_170] : memref<40x128xi32, #tpu.memory_space<vmem>> -> memref<1x128xi32, #tpu.memory_space<vmem>>
      %dma_start3A_172 = tpu.memref_squeeze %dma_start3A_171 : memref<1x128xi32, #tpu.memory_space<vmem>> -> memref<128xi32, #tpu.memory_space<vmem>>
      %dma_start3A_173 = arith.constant 0 : i32
      %dma_start3A_174 = arith.constant 0 : i32
      %dma_start3A_175 = tpu.memref_slice %arg2[%dma_start3A_173, %dma_start3A_174] : memref<10000x128xf32, #tpu.memory_space<hbm>> -> memref<10000x128xf32, #tpu.memory_space<hbm>>
      tpu.enqueue_indirect_dma source(%dma_start3A_175 : memref<10000x128xf32, #tpu.memory_space<hbm>>) target(%arg9 : memref<128x128xf32, #tpu.memory_space<vmem>>) offsets(%dma_start3A_172 : memref<128xi32, #tpu.memory_space<vmem>>) semaphore(%arg12 : memref<!tpu.dma_semaphore, #tpu.memory_space<semaphore_mem>>)
      %scan3A_176 = arith.constant 0 : i32
      scf.yield %scan3A_176 : i32
    }
    %scan3A_46 = arith.constant 19 : i32
    %dma_wait3A = arith.constant 38 : i32
    %dma_wait3A_47 = arith.constant 0 : i32
    %dma_wait3A_48 = tpu.memref_slice %arg6[%dma_wait3A, %dma_wait3A_47] : memref<40x128xi32, #tpu.memory_space<vmem>> -> memref<1x128xi32, #tpu.memory_space<vmem>>
    %dma_wait3A_49 = tpu.memref_squeeze %dma_wait3A_48 : memref<1x128xi32, #tpu.memory_space<vmem>> -> memref<128xi32, #tpu.memory_space<vmem>>
    %dma_wait3A_50 = arith.constant 0 : i32
    %dma_wait3A_51 = arith.constant 0 : i32
    %dma_wait3A_52 = tpu.memref_slice %arg2[%dma_wait3A_50, %dma_wait3A_51] : memref<10000x128xf32, #tpu.memory_space<hbm>> -> memref<10000x128xf32, #tpu.memory_space<hbm>>
    tpu.wait_indirect_dma semaphore(%arg11 : memref<!tpu.dma_semaphore, #tpu.memory_space<semaphore_mem>>) src(%dma_wait3A_52 : memref<10000x128xf32, #tpu.memory_space<hbm>>) dst(%arg8 : memref<128x128xf32, #tpu.memory_space<vmem>>)
    %run_scoped3A = arith.constant 38 : i32
    "tpu.region"() ({
      %run_scoped3A_140 = tpu.sem_alloc : memref<!tpu.dma_semaphore, #tpu.memory_space<semaphore_mem>>
      %dma_start3A_141 = arith.constant 0 : i32
      %dma_start3A_142 = tpu.memref_slice %arg7[%run_scoped3A, %dma_start3A_141] : memref<40x128xi32, #tpu.memory_space<vmem>> -> memref<1x128xi32, #tpu.memory_space<vmem>>
      %dma_start3A_143 = tpu.memref_squeeze %dma_start3A_142 : memref<1x128xi32, #tpu.memory_space<vmem>> -> memref<128xi32, #tpu.memory_space<vmem>>
      %dma_start3A_144 = arith.constant 0 : i32
      %dma_start3A_145 = arith.constant 0 : i32
      %dma_start3A_146 = tpu.memref_slice %arg10[%dma_start3A_144, %dma_start3A_145] : memref<10752x128xf32, #tpu.memory_space<vmem_shared>> -> memref<10752x128xf32, #tpu.memory_space<vmem_shared>>
      tpu.enqueue_indirect_dma source(%arg8 : memref<128x128xf32, #tpu.memory_space<vmem>>) target(%dma_start3A_146 : memref<10752x128xf32, #tpu.memory_space<vmem_shared>>) offsets(%dma_start3A_143 : memref<128xi32, #tpu.memory_space<vmem>>) semaphore(%run_scoped3A_140 : memref<!tpu.dma_semaphore, #tpu.memory_space<semaphore_mem>>) {add = true}
      %dma_wait3A_147 = arith.constant 0 : i32
      %dma_wait3A_148 = tpu.memref_slice %arg7[%run_scoped3A, %dma_wait3A_147] : memref<40x128xi32, #tpu.memory_space<vmem>> -> memref<1x128xi32, #tpu.memory_space<vmem>>
      %dma_wait3A_149 = tpu.memref_squeeze %dma_wait3A_148 : memref<1x128xi32, #tpu.memory_space<vmem>> -> memref<128xi32, #tpu.memory_space<vmem>>
      %dma_wait3A_150 = arith.constant 0 : i32
      %dma_wait3A_151 = arith.constant 0 : i32
      %dma_wait3A_152 = tpu.memref_slice %arg10[%dma_wait3A_150, %dma_wait3A_151] : memref<10752x128xf32, #tpu.memory_space<vmem_shared>> -> memref<10752x128xf32, #tpu.memory_space<vmem_shared>>
      tpu.wait_indirect_dma semaphore(%run_scoped3A_140 : memref<!tpu.dma_semaphore, #tpu.memory_space<semaphore_mem>>) src(%arg8 : memref<128x128xf32, #tpu.memory_space<vmem>>) dst(%dma_wait3A_152 : memref<10752x128xf32, #tpu.memory_space<vmem_shared>>)
      tpu.yield
    }) : () -> ()
    %dma_wait3A_53 = arith.constant 39 : i32
    %dma_wait3A_54 = arith.constant 0 : i32
    %dma_wait3A_55 = tpu.memref_slice %arg6[%dma_wait3A_53, %dma_wait3A_54] : memref<40x128xi32, #tpu.memory_space<vmem>> -> memref<1x128xi32, #tpu.memory_space<vmem>>
    %dma_wait3A_56 = tpu.memref_squeeze %dma_wait3A_55 : memref<1x128xi32, #tpu.memory_space<vmem>> -> memref<128xi32, #tpu.memory_space<vmem>>
    %dma_wait3A_57 = arith.constant 0 : i32
    %dma_wait3A_58 = arith.constant 0 : i32
    %dma_wait3A_59 = tpu.memref_slice %arg2[%dma_wait3A_57, %dma_wait3A_58] : memref<10000x128xf32, #tpu.memory_space<hbm>> -> memref<10000x128xf32, #tpu.memory_space<hbm>>
    tpu.wait_indirect_dma semaphore(%arg12 : memref<!tpu.dma_semaphore, #tpu.memory_space<semaphore_mem>>) src(%dma_wait3A_59 : memref<10000x128xf32, #tpu.memory_space<hbm>>) dst(%arg9 : memref<128x128xf32, #tpu.memory_space<vmem>>)
    %run_scoped3A_60 = arith.constant 39 : i32
    "tpu.region"() ({
      %run_scoped3A_140 = tpu.sem_alloc : memref<!tpu.dma_semaphore, #tpu.memory_space<semaphore_mem>>
      %dma_start3A_141 = arith.constant 0 : i32
      %dma_start3A_142 = tpu.memref_slice %arg7[%run_scoped3A_60, %dma_start3A_141] : memref<40x128xi32, #tpu.memory_space<vmem>> -> memref<1x128xi32, #tpu.memory_space<vmem>>
      %dma_start3A_143 = tpu.memref_squeeze %dma_start3A_142 : memref<1x128xi32, #tpu.memory_space<vmem>> -> memref<128xi32, #tpu.memory_space<vmem>>
      %dma_start3A_144 = arith.constant 0 : i32
      %dma_start3A_145 = arith.constant 0 : i32
      %dma_start3A_146 = tpu.memref_slice %arg10[%dma_start3A_144, %dma_start3A_145] : memref<10752x128xf32, #tpu.memory_space<vmem_shared>> -> memref<10752x128xf32, #tpu.memory_space<vmem_shared>>
      tpu.enqueue_indirect_dma source(%arg9 : memref<128x128xf32, #tpu.memory_space<vmem>>) target(%dma_start3A_146 : memref<10752x128xf32, #tpu.memory_space<vmem_shared>>) offsets(%dma_start3A_143 : memref<128xi32, #tpu.memory_space<vmem>>) semaphore(%run_scoped3A_140 : memref<!tpu.dma_semaphore, #tpu.memory_space<semaphore_mem>>) {add = true}
      %dma_wait3A_147 = arith.constant 0 : i32
      %dma_wait3A_148 = tpu.memref_slice %arg7[%run_scoped3A_60, %dma_wait3A_147] : memref<40x128xi32, #tpu.memory_space<vmem>> -> memref<1x128xi32, #tpu.memory_space<vmem>>
      %dma_wait3A_149 = tpu.memref_squeeze %dma_wait3A_148 : memref<1x128xi32, #tpu.memory_space<vmem>> -> memref<128xi32, #tpu.memory_space<vmem>>
      %dma_wait3A_150 = arith.constant 0 : i32
      %dma_wait3A_151 = arith.constant 0 : i32
      %dma_wait3A_152 = tpu.memref_slice %arg10[%dma_wait3A_150, %dma_wait3A_151] : memref<10752x128xf32, #tpu.memory_space<vmem_shared>> -> memref<10752x128xf32, #tpu.memory_space<vmem_shared>>
      tpu.wait_indirect_dma semaphore(%run_scoped3A_140 : memref<!tpu.dma_semaphore, #tpu.memory_space<semaphore_mem>>) src(%arg9 : memref<128x128xf32, #tpu.memory_space<vmem>>) dst(%dma_wait3A_152 : memref<10752x128xf32, #tpu.memory_space<vmem_shared>>)
      tpu.yield
    }) : () -> ()
    "tpu.region"() ({
      %run_scoped3A_140 = tpu.sem_alloc : memref<!tpu.dma_semaphore, #tpu.memory_space<semaphore_mem>>
      %dma_start3A_141 = arith.constant 40 : i32
      %dma_start3A_142 = arith.constant 0 : i32
      %dma_start3A_143 = tpu.memref_slice %arg3[%add3A, %dma_start3A_141, %dma_start3A_142] : memref<32x120x128xi32, #tpu.memory_space<hbm>> -> memref<1x40x128xi32, #tpu.memory_space<hbm>>
      %dma_start3A_144 = tpu.memref_squeeze %dma_start3A_143 : memref<1x40x128xi32, #tpu.memory_space<hbm>> -> memref<40x128xi32, #tpu.memory_space<hbm>>
      %dma_start3A_145 = arith.constant 40 : i32
      %dma_start3A_146 = arith.constant 0 : i32
      %dma_start3A_147 = tpu.memref_slice %arg3[%add3A, %dma_start3A_145, %dma_start3A_146] : memref<32x120x128xi32, #tpu.memory_space<hbm>> -> memref<1x40x128xi32, #tpu.memory_space<hbm>>
      %dma_start3A_148 = tpu.memref_squeeze %dma_start3A_147 : memref<1x40x128xi32, #tpu.memory_space<hbm>> -> memref<40x128xi32, #tpu.memory_space<hbm>>
      tpu.enqueue_dma source(%dma_start3A_148 : memref<40x128xi32, #tpu.memory_space<hbm>>) target(%arg6 : memref<40x128xi32, #tpu.memory_space<vmem>>) target_semaphore(%run_scoped3A_140 : memref<!tpu.dma_semaphore, #tpu.memory_space<semaphore_mem>>)
      %dma_wait3A_149 = arith.constant 40 : i32
      %dma_wait3A_150 = arith.constant 0 : i32
      %dma_wait3A_151 = tpu.memref_slice %arg3[%add3A, %dma_wait3A_149, %dma_wait3A_150] : memref<32x120x128xi32, #tpu.memory_space<hbm>> -> memref<1x40x128xi32, #tpu.memory_space<hbm>>
      %dma_wait3A_152 = tpu.memref_squeeze %dma_wait3A_151 : memref<1x40x128xi32, #tpu.memory_space<hbm>> -> memref<40x128xi32, #tpu.memory_space<hbm>>
      %dma_wait3A_153 = arith.constant 40 : i32
      %dma_wait3A_154 = arith.constant 0 : i32
      %dma_wait3A_155 = tpu.memref_slice %arg3[%add3A, %dma_wait3A_153, %dma_wait3A_154] : memref<32x120x128xi32, #tpu.memory_space<hbm>> -> memref<1x40x128xi32, #tpu.memory_space<hbm>>
      %dma_wait3A_156 = tpu.memref_squeeze %dma_wait3A_155 : memref<1x40x128xi32, #tpu.memory_space<hbm>> -> memref<40x128xi32, #tpu.memory_space<hbm>>
      tpu.wait_dma2 semaphore(%run_scoped3A_140 : memref<!tpu.dma_semaphore, #tpu.memory_space<semaphore_mem>>) src(%dma_wait3A_156 : memref<40x128xi32, #tpu.memory_space<hbm>>) dst(%arg6 : memref<40x128xi32, #tpu.memory_space<vmem>>)
      tpu.yield
    }) : () -> ()
    "tpu.region"() ({
      %run_scoped3A_140 = tpu.sem_alloc : memref<!tpu.dma_semaphore, #tpu.memory_space<semaphore_mem>>
      %dma_start3A_141 = arith.constant 40 : i32
      %dma_start3A_142 = arith.constant 0 : i32
      %dma_start3A_143 = tpu.memref_slice %arg4[%add3A, %dma_start3A_141, %dma_start3A_142] : memref<32x120x128xi32, #tpu.memory_space<hbm>> -> memref<1x40x128xi32, #tpu.memory_space<hbm>>
      %dma_start3A_144 = tpu.memref_squeeze %dma_start3A_143 : memref<1x40x128xi32, #tpu.memory_space<hbm>> -> memref<40x128xi32, #tpu.memory_space<hbm>>
      %dma_start3A_145 = arith.constant 40 : i32
      %dma_start3A_146 = arith.constant 0 : i32
      %dma_start3A_147 = tpu.memref_slice %arg4[%add3A, %dma_start3A_145, %dma_start3A_146] : memref<32x120x128xi32, #tpu.memory_space<hbm>> -> memref<1x40x128xi32, #tpu.memory_space<hbm>>
      %dma_start3A_148 = tpu.memref_squeeze %dma_start3A_147 : memref<1x40x128xi32, #tpu.memory_space<hbm>> -> memref<40x128xi32, #tpu.memory_space<hbm>>
      tpu.enqueue_dma source(%dma_start3A_148 : memref<40x128xi32, #tpu.memory_space<hbm>>) target(%arg7 : memref<40x128xi32, #tpu.memory_space<vmem>>) target_semaphore(%run_scoped3A_140 : memref<!tpu.dma_semaphore, #tpu.memory_space<semaphore_mem>>)
      %dma_wait3A_149 = arith.constant 40 : i32
      %dma_wait3A_150 = arith.constant 0 : i32
      %dma_wait3A_151 = tpu.memref_slice %arg4[%add3A, %dma_wait3A_149, %dma_wait3A_150] : memref<32x120x128xi32, #tpu.memory_space<hbm>> -> memref<1x40x128xi32, #tpu.memory_space<hbm>>
      %dma_wait3A_152 = tpu.memref_squeeze %dma_wait3A_151 : memref<1x40x128xi32, #tpu.memory_space<hbm>> -> memref<40x128xi32, #tpu.memory_space<hbm>>
      %dma_wait3A_153 = arith.constant 40 : i32
      %dma_wait3A_154 = arith.constant 0 : i32
      %dma_wait3A_155 = tpu.memref_slice %arg4[%add3A, %dma_wait3A_153, %dma_wait3A_154] : memref<32x120x128xi32, #tpu.memory_space<hbm>> -> memref<1x40x128xi32, #tpu.memory_space<hbm>>
      %dma_wait3A_156 = tpu.memref_squeeze %dma_wait3A_155 : memref<1x40x128xi32, #tpu.memory_space<hbm>> -> memref<40x128xi32, #tpu.memory_space<hbm>>
      tpu.wait_dma2 semaphore(%run_scoped3A_140 : memref<!tpu.dma_semaphore, #tpu.memory_space<semaphore_mem>>) src(%dma_wait3A_156 : memref<40x128xi32, #tpu.memory_space<hbm>>) dst(%arg7 : memref<40x128xi32, #tpu.memory_space<vmem>>)
      tpu.yield
    }) : () -> ()
    %dma_start3A_61 = arith.constant 0 : i32
    %dma_start3A_62 = arith.constant 0 : i32
    %dma_start3A_63 = tpu.memref_slice %arg6[%dma_start3A_61, %dma_start3A_62] : memref<40x128xi32, #tpu.memory_space<vmem>> -> memref<1x128xi32, #tpu.memory_space<vmem>>
    %dma_start3A_64 = tpu.memref_squeeze %dma_start3A_63 : memref<1x128xi32, #tpu.memory_space<vmem>> -> memref<128xi32, #tpu.memory_space<vmem>>
    %dma_start3A_65 = arith.constant 0 : i32
    %dma_start3A_66 = arith.constant 0 : i32
    %dma_start3A_67 = tpu.memref_slice %arg2[%dma_start3A_65, %dma_start3A_66] : memref<10000x128xf32, #tpu.memory_space<hbm>> -> memref<10000x128xf32, #tpu.memory_space<hbm>>
    tpu.enqueue_indirect_dma source(%dma_start3A_67 : memref<10000x128xf32, #tpu.memory_space<hbm>>) target(%arg8 : memref<128x128xf32, #tpu.memory_space<vmem>>) offsets(%dma_start3A_64 : memref<128xi32, #tpu.memory_space<vmem>>) semaphore(%arg11 : memref<!tpu.dma_semaphore, #tpu.memory_space<semaphore_mem>>)
    %dma_start3A_68 = arith.constant 1 : i32
    %dma_start3A_69 = arith.constant 0 : i32
    %dma_start3A_70 = tpu.memref_slice %arg6[%dma_start3A_68, %dma_start3A_69] : memref<40x128xi32, #tpu.memory_space<vmem>> -> memref<1x128xi32, #tpu.memory_space<vmem>>
    %dma_start3A_71 = tpu.memref_squeeze %dma_start3A_70 : memref<1x128xi32, #tpu.memory_space<vmem>> -> memref<128xi32, #tpu.memory_space<vmem>>
    %dma_start3A_72 = arith.constant 0 : i32
    %dma_start3A_73 = arith.constant 0 : i32
    %dma_start3A_74 = tpu.memref_slice %arg2[%dma_start3A_72, %dma_start3A_73] : memref<10000x128xf32, #tpu.memory_space<hbm>> -> memref<10000x128xf32, #tpu.memory_space<hbm>>
    tpu.enqueue_indirect_dma source(%dma_start3A_74 : memref<10000x128xf32, #tpu.memory_space<hbm>>) target(%arg9 : memref<128x128xf32, #tpu.memory_space<vmem>>) offsets(%dma_start3A_71 : memref<128xi32, #tpu.memory_space<vmem>>) semaphore(%arg12 : memref<!tpu.dma_semaphore, #tpu.memory_space<semaphore_mem>>)
    %scan3A_75 = arith.constant 0 : i32
    %scan3A_76 = arith.constant 0 : i32
    %scan3A_77 = arith.constant 19 : i32
    %scan3A_78 = arith.addi %scan3A_76, %scan3A_77 : i32
    %scan3A_79 = arith.constant 1 : i32
    %scan3A_80 = scf.for %scan3A_140 = %scan3A_76 to %scan3A_78 step %scan3A_79 iter_args(%scan3A_141 = %scan3A_75) -> (i32)  : i32 {
      %mul3A_142 = arith.constant 2 : i32
      %mul3A_143 = arith.muli %mul3A_142, %scan3A_140 : i32
      %dma_wait3A_144 = arith.constant 0 : i32
      %dma_wait3A_145 = tpu.memref_slice %arg6[%mul3A_143, %dma_wait3A_144] : memref<40x128xi32, #tpu.memory_space<vmem>> -> memref<1x128xi32, #tpu.memory_space<vmem>>
      %dma_wait3A_146 = tpu.memref_squeeze %dma_wait3A_145 : memref<1x128xi32, #tpu.memory_space<vmem>> -> memref<128xi32, #tpu.memory_space<vmem>>
      %dma_wait3A_147 = arith.constant 0 : i32
      %dma_wait3A_148 = arith.constant 0 : i32
      %dma_wait3A_149 = tpu.memref_slice %arg2[%dma_wait3A_147, %dma_wait3A_148] : memref<10000x128xf32, #tpu.memory_space<hbm>> -> memref<10000x128xf32, #tpu.memory_space<hbm>>
      tpu.wait_indirect_dma semaphore(%arg11 : memref<!tpu.dma_semaphore, #tpu.memory_space<semaphore_mem>>) src(%dma_wait3A_149 : memref<10000x128xf32, #tpu.memory_space<hbm>>) dst(%arg8 : memref<128x128xf32, #tpu.memory_space<vmem>>)
      "tpu.region"() ({
        %run_scoped3A_177 = tpu.sem_alloc : memref<!tpu.dma_semaphore, #tpu.memory_space<semaphore_mem>>
        %dma_start3A_178 = arith.constant 0 : i32
        %dma_start3A_179 = tpu.memref_slice %arg7[%mul3A_143, %dma_start3A_178] : memref<40x128xi32, #tpu.memory_space<vmem>> -> memref<1x128xi32, #tpu.memory_space<vmem>>
        %dma_start3A_180 = tpu.memref_squeeze %dma_start3A_179 : memref<1x128xi32, #tpu.memory_space<vmem>> -> memref<128xi32, #tpu.memory_space<vmem>>
        %dma_start3A_181 = arith.constant 0 : i32
        %dma_start3A_182 = arith.constant 0 : i32
        %dma_start3A_183 = tpu.memref_slice %arg10[%dma_start3A_181, %dma_start3A_182] : memref<10752x128xf32, #tpu.memory_space<vmem_shared>> -> memref<10752x128xf32, #tpu.memory_space<vmem_shared>>
        tpu.enqueue_indirect_dma source(%arg8 : memref<128x128xf32, #tpu.memory_space<vmem>>) target(%dma_start3A_183 : memref<10752x128xf32, #tpu.memory_space<vmem_shared>>) offsets(%dma_start3A_180 : memref<128xi32, #tpu.memory_space<vmem>>) semaphore(%run_scoped3A_177 : memref<!tpu.dma_semaphore, #tpu.memory_space<semaphore_mem>>) {add = true}
        %dma_wait3A_184 = arith.constant 0 : i32
        %dma_wait3A_185 = tpu.memref_slice %arg7[%mul3A_143, %dma_wait3A_184] : memref<40x128xi32, #tpu.memory_space<vmem>> -> memref<1x128xi32, #tpu.memory_space<vmem>>
        %dma_wait3A_186 = tpu.memref_squeeze %dma_wait3A_185 : memref<1x128xi32, #tpu.memory_space<vmem>> -> memref<128xi32, #tpu.memory_space<vmem>>
        %dma_wait3A_187 = arith.constant 0 : i32
        %dma_wait3A_188 = arith.constant 0 : i32
        %dma_wait3A_189 = tpu.memref_slice %arg10[%dma_wait3A_187, %dma_wait3A_188] : memref<10752x128xf32, #tpu.memory_space<vmem_shared>> -> memref<10752x128xf32, #tpu.memory_space<vmem_shared>>
        tpu.wait_indirect_dma semaphore(%run_scoped3A_177 : memref<!tpu.dma_semaphore, #tpu.memory_space<semaphore_mem>>) src(%arg8 : memref<128x128xf32, #tpu.memory_space<vmem>>) dst(%dma_wait3A_189 : memref<10752x128xf32, #tpu.memory_space<vmem_shared>>)
        tpu.yield
      }) : () -> ()
      %add3A_150 = arith.constant 2 : i32
      %add3A_151 = arith.addi %mul3A_143, %add3A_150 : i32
      %dma_start3A_152 = arith.constant 0 : i32
      %dma_start3A_153 = tpu.memref_slice %arg6[%add3A_151, %dma_start3A_152] : memref<40x128xi32, #tpu.memory_space<vmem>> -> memref<1x128xi32, #tpu.memory_space<vmem>>
      %dma_start3A_154 = tpu.memref_squeeze %dma_start3A_153 : memref<1x128xi32, #tpu.memory_space<vmem>> -> memref<128xi32, #tpu.memory_space<vmem>>
      %dma_start3A_155 = arith.constant 0 : i32
      %dma_start3A_156 = arith.constant 0 : i32
      %dma_start3A_157 = tpu.memref_slice %arg2[%dma_start3A_155, %dma_start3A_156] : memref<10000x128xf32, #tpu.memory_space<hbm>> -> memref<10000x128xf32, #tpu.memory_space<hbm>>
      tpu.enqueue_indirect_dma source(%dma_start3A_157 : memref<10000x128xf32, #tpu.memory_space<hbm>>) target(%arg8 : memref<128x128xf32, #tpu.memory_space<vmem>>) offsets(%dma_start3A_154 : memref<128xi32, #tpu.memory_space<vmem>>) semaphore(%arg11 : memref<!tpu.dma_semaphore, #tpu.memory_space<semaphore_mem>>)
      %add3A_158 = arith.constant 1 : i32
      %add3A_159 = arith.addi %mul3A_143, %add3A_158 : i32
      %dma_wait3A_160 = arith.constant 0 : i32
      %dma_wait3A_161 = tpu.memref_slice %arg6[%add3A_159, %dma_wait3A_160] : memref<40x128xi32, #tpu.memory_space<vmem>> -> memref<1x128xi32, #tpu.memory_space<vmem>>
      %dma_wait3A_162 = tpu.memref_squeeze %dma_wait3A_161 : memref<1x128xi32, #tpu.memory_space<vmem>> -> memref<128xi32, #tpu.memory_space<vmem>>
      %dma_wait3A_163 = arith.constant 0 : i32
      %dma_wait3A_164 = arith.constant 0 : i32
      %dma_wait3A_165 = tpu.memref_slice %arg2[%dma_wait3A_163, %dma_wait3A_164] : memref<10000x128xf32, #tpu.memory_space<hbm>> -> memref<10000x128xf32, #tpu.memory_space<hbm>>
      tpu.wait_indirect_dma semaphore(%arg12 : memref<!tpu.dma_semaphore, #tpu.memory_space<semaphore_mem>>) src(%dma_wait3A_165 : memref<10000x128xf32, #tpu.memory_space<hbm>>) dst(%arg9 : memref<128x128xf32, #tpu.memory_space<vmem>>)
      %add3A_166 = arith.constant 1 : i32
      %add3A_167 = arith.addi %mul3A_143, %add3A_166 : i32
      "tpu.region"() ({
        %run_scoped3A_177 = tpu.sem_alloc : memref<!tpu.dma_semaphore, #tpu.memory_space<semaphore_mem>>
        %dma_start3A_178 = arith.constant 0 : i32
        %dma_start3A_179 = tpu.memref_slice %arg7[%add3A_167, %dma_start3A_178] : memref<40x128xi32, #tpu.memory_space<vmem>> -> memref<1x128xi32, #tpu.memory_space<vmem>>
        %dma_start3A_180 = tpu.memref_squeeze %dma_start3A_179 : memref<1x128xi32, #tpu.memory_space<vmem>> -> memref<128xi32, #tpu.memory_space<vmem>>
        %dma_start3A_181 = arith.constant 0 : i32
        %dma_start3A_182 = arith.constant 0 : i32
        %dma_start3A_183 = tpu.memref_slice %arg10[%dma_start3A_181, %dma_start3A_182] : memref<10752x128xf32, #tpu.memory_space<vmem_shared>> -> memref<10752x128xf32, #tpu.memory_space<vmem_shared>>
        tpu.enqueue_indirect_dma source(%arg9 : memref<128x128xf32, #tpu.memory_space<vmem>>) target(%dma_start3A_183 : memref<10752x128xf32, #tpu.memory_space<vmem_shared>>) offsets(%dma_start3A_180 : memref<128xi32, #tpu.memory_space<vmem>>) semaphore(%run_scoped3A_177 : memref<!tpu.dma_semaphore, #tpu.memory_space<semaphore_mem>>) {add = true}
        %dma_wait3A_184 = arith.constant 0 : i32
        %dma_wait3A_185 = tpu.memref_slice %arg7[%add3A_167, %dma_wait3A_184] : memref<40x128xi32, #tpu.memory_space<vmem>> -> memref<1x128xi32, #tpu.memory_space<vmem>>
        %dma_wait3A_186 = tpu.memref_squeeze %dma_wait3A_185 : memref<1x128xi32, #tpu.memory_space<vmem>> -> memref<128xi32, #tpu.memory_space<vmem>>
        %dma_wait3A_187 = arith.constant 0 : i32
        %dma_wait3A_188 = arith.constant 0 : i32
        %dma_wait3A_189 = tpu.memref_slice %arg10[%dma_wait3A_187, %dma_wait3A_188] : memref<10752x128xf32, #tpu.memory_space<vmem_shared>> -> memref<10752x128xf32, #tpu.memory_space<vmem_shared>>
        tpu.wait_indirect_dma semaphore(%run_scoped3A_177 : memref<!tpu.dma_semaphore, #tpu.memory_space<semaphore_mem>>) src(%arg9 : memref<128x128xf32, #tpu.memory_space<vmem>>) dst(%dma_wait3A_189 : memref<10752x128xf32, #tpu.memory_space<vmem_shared>>)
        tpu.yield
      }) : () -> ()
      %add3A_168 = arith.constant 3 : i32
      %add3A_169 = arith.addi %mul3A_143, %add3A_168 : i32
      %dma_start3A_170 = arith.constant 0 : i32
      %dma_start3A_171 = tpu.memref_slice %arg6[%add3A_169, %dma_start3A_170] : memref<40x128xi32, #tpu.memory_space<vmem>> -> memref<1x128xi32, #tpu.memory_space<vmem>>
      %dma_start3A_172 = tpu.memref_squeeze %dma_start3A_171 : memref<1x128xi32, #tpu.memory_space<vmem>> -> memref<128xi32, #tpu.memory_space<vmem>>
      %dma_start3A_173 = arith.constant 0 : i32
      %dma_start3A_174 = arith.constant 0 : i32
      %dma_start3A_175 = tpu.memref_slice %arg2[%dma_start3A_173, %dma_start3A_174] : memref<10000x128xf32, #tpu.memory_space<hbm>> -> memref<10000x128xf32, #tpu.memory_space<hbm>>
      tpu.enqueue_indirect_dma source(%dma_start3A_175 : memref<10000x128xf32, #tpu.memory_space<hbm>>) target(%arg9 : memref<128x128xf32, #tpu.memory_space<vmem>>) offsets(%dma_start3A_172 : memref<128xi32, #tpu.memory_space<vmem>>) semaphore(%arg12 : memref<!tpu.dma_semaphore, #tpu.memory_space<semaphore_mem>>)
      %scan3A_176 = arith.constant 0 : i32
      scf.yield %scan3A_176 : i32
    }
    %scan3A_81 = arith.constant 19 : i32
    %dma_wait3A_82 = arith.constant 38 : i32
    %dma_wait3A_83 = arith.constant 0 : i32
    %dma_wait3A_84 = tpu.memref_slice %arg6[%dma_wait3A_82, %dma_wait3A_83] : memref<40x128xi32, #tpu.memory_space<vmem>> -> memref<1x128xi32, #tpu.memory_space<vmem>>
    %dma_wait3A_85 = tpu.memref_squeeze %dma_wait3A_84 : memref<1x128xi32, #tpu.memory_space<vmem>> -> memref<128xi32, #tpu.memory_space<vmem>>
    %dma_wait3A_86 = arith.constant 0 : i32
    %dma_wait3A_87 = arith.constant 0 : i32
    %dma_wait3A_88 = tpu.memref_slice %arg2[%dma_wait3A_86, %dma_wait3A_87] : memref<10000x128xf32, #tpu.memory_space<hbm>> -> memref<10000x128xf32, #tpu.memory_space<hbm>>
    tpu.wait_indirect_dma semaphore(%arg11 : memref<!tpu.dma_semaphore, #tpu.memory_space<semaphore_mem>>) src(%dma_wait3A_88 : memref<10000x128xf32, #tpu.memory_space<hbm>>) dst(%arg8 : memref<128x128xf32, #tpu.memory_space<vmem>>)
    %run_scoped3A_89 = arith.constant 38 : i32
    "tpu.region"() ({
      %run_scoped3A_140 = tpu.sem_alloc : memref<!tpu.dma_semaphore, #tpu.memory_space<semaphore_mem>>
      %dma_start3A_141 = arith.constant 0 : i32
      %dma_start3A_142 = tpu.memref_slice %arg7[%run_scoped3A_89, %dma_start3A_141] : memref<40x128xi32, #tpu.memory_space<vmem>> -> memref<1x128xi32, #tpu.memory_space<vmem>>
      %dma_start3A_143 = tpu.memref_squeeze %dma_start3A_142 : memref<1x128xi32, #tpu.memory_space<vmem>> -> memref<128xi32, #tpu.memory_space<vmem>>
      %dma_start3A_144 = arith.constant 0 : i32
      %dma_start3A_145 = arith.constant 0 : i32
      %dma_start3A_146 = tpu.memref_slice %arg10[%dma_start3A_144, %dma_start3A_145] : memref<10752x128xf32, #tpu.memory_space<vmem_shared>> -> memref<10752x128xf32, #tpu.memory_space<vmem_shared>>
      tpu.enqueue_indirect_dma source(%arg8 : memref<128x128xf32, #tpu.memory_space<vmem>>) target(%dma_start3A_146 : memref<10752x128xf32, #tpu.memory_space<vmem_shared>>) offsets(%dma_start3A_143 : memref<128xi32, #tpu.memory_space<vmem>>) semaphore(%run_scoped3A_140 : memref<!tpu.dma_semaphore, #tpu.memory_space<semaphore_mem>>) {add = true}
      %dma_wait3A_147 = arith.constant 0 : i32
      %dma_wait3A_148 = tpu.memref_slice %arg7[%run_scoped3A_89, %dma_wait3A_147] : memref<40x128xi32, #tpu.memory_space<vmem>> -> memref<1x128xi32, #tpu.memory_space<vmem>>
      %dma_wait3A_149 = tpu.memref_squeeze %dma_wait3A_148 : memref<1x128xi32, #tpu.memory_space<vmem>> -> memref<128xi32, #tpu.memory_space<vmem>>
      %dma_wait3A_150 = arith.constant 0 : i32
      %dma_wait3A_151 = arith.constant 0 : i32
      %dma_wait3A_152 = tpu.memref_slice %arg10[%dma_wait3A_150, %dma_wait3A_151] : memref<10752x128xf32, #tpu.memory_space<vmem_shared>> -> memref<10752x128xf32, #tpu.memory_space<vmem_shared>>
      tpu.wait_indirect_dma semaphore(%run_scoped3A_140 : memref<!tpu.dma_semaphore, #tpu.memory_space<semaphore_mem>>) src(%arg8 : memref<128x128xf32, #tpu.memory_space<vmem>>) dst(%dma_wait3A_152 : memref<10752x128xf32, #tpu.memory_space<vmem_shared>>)
      tpu.yield
    }) : () -> ()
    %dma_wait3A_90 = arith.constant 39 : i32
    %dma_wait3A_91 = arith.constant 0 : i32
    %dma_wait3A_92 = tpu.memref_slice %arg6[%dma_wait3A_90, %dma_wait3A_91] : memref<40x128xi32, #tpu.memory_space<vmem>> -> memref<1x128xi32, #tpu.memory_space<vmem>>
    %dma_wait3A_93 = tpu.memref_squeeze %dma_wait3A_92 : memref<1x128xi32, #tpu.memory_space<vmem>> -> memref<128xi32, #tpu.memory_space<vmem>>
    %dma_wait3A_94 = arith.constant 0 : i32
    %dma_wait3A_95 = arith.constant 0 : i32
    %dma_wait3A_96 = tpu.memref_slice %arg2[%dma_wait3A_94, %dma_wait3A_95] : memref<10000x128xf32, #tpu.memory_space<hbm>> -> memref<10000x128xf32, #tpu.memory_space<hbm>>
    tpu.wait_indirect_dma semaphore(%arg12 : memref<!tpu.dma_semaphore, #tpu.memory_space<semaphore_mem>>) src(%dma_wait3A_96 : memref<10000x128xf32, #tpu.memory_space<hbm>>) dst(%arg9 : memref<128x128xf32, #tpu.memory_space<vmem>>)
    %run_scoped3A_97 = arith.constant 39 : i32
    "tpu.region"() ({
      %run_scoped3A_140 = tpu.sem_alloc : memref<!tpu.dma_semaphore, #tpu.memory_space<semaphore_mem>>
      %dma_start3A_141 = arith.constant 0 : i32
      %dma_start3A_142 = tpu.memref_slice %arg7[%run_scoped3A_97, %dma_start3A_141] : memref<40x128xi32, #tpu.memory_space<vmem>> -> memref<1x128xi32, #tpu.memory_space<vmem>>
      %dma_start3A_143 = tpu.memref_squeeze %dma_start3A_142 : memref<1x128xi32, #tpu.memory_space<vmem>> -> memref<128xi32, #tpu.memory_space<vmem>>
      %dma_start3A_144 = arith.constant 0 : i32
      %dma_start3A_145 = arith.constant 0 : i32
      %dma_start3A_146 = tpu.memref_slice %arg10[%dma_start3A_144, %dma_start3A_145] : memref<10752x128xf32, #tpu.memory_space<vmem_shared>> -> memref<10752x128xf32, #tpu.memory_space<vmem_shared>>
      tpu.enqueue_indirect_dma source(%arg9 : memref<128x128xf32, #tpu.memory_space<vmem>>) target(%dma_start3A_146 : memref<10752x128xf32, #tpu.memory_space<vmem_shared>>) offsets(%dma_start3A_143 : memref<128xi32, #tpu.memory_space<vmem>>) semaphore(%run_scoped3A_140 : memref<!tpu.dma_semaphore, #tpu.memory_space<semaphore_mem>>) {add = true}
      %dma_wait3A_147 = arith.constant 0 : i32
      %dma_wait3A_148 = tpu.memref_slice %arg7[%run_scoped3A_97, %dma_wait3A_147] : memref<40x128xi32, #tpu.memory_space<vmem>> -> memref<1x128xi32, #tpu.memory_space<vmem>>
      %dma_wait3A_149 = tpu.memref_squeeze %dma_wait3A_148 : memref<1x128xi32, #tpu.memory_space<vmem>> -> memref<128xi32, #tpu.memory_space<vmem>>
      %dma_wait3A_150 = arith.constant 0 : i32
      %dma_wait3A_151 = arith.constant 0 : i32
      %dma_wait3A_152 = tpu.memref_slice %arg10[%dma_wait3A_150, %dma_wait3A_151] : memref<10752x128xf32, #tpu.memory_space<vmem_shared>> -> memref<10752x128xf32, #tpu.memory_space<vmem_shared>>
      tpu.wait_indirect_dma semaphore(%run_scoped3A_140 : memref<!tpu.dma_semaphore, #tpu.memory_space<semaphore_mem>>) src(%arg9 : memref<128x128xf32, #tpu.memory_space<vmem>>) dst(%dma_wait3A_152 : memref<10752x128xf32, #tpu.memory_space<vmem_shared>>)
      tpu.yield
    }) : () -> ()
    "tpu.region"() ({
      %run_scoped3A_140 = tpu.sem_alloc : memref<!tpu.dma_semaphore, #tpu.memory_space<semaphore_mem>>
      %dma_start3A_141 = arith.constant 80 : i32
      %dma_start3A_142 = arith.constant 0 : i32
      %dma_start3A_143 = tpu.memref_slice %arg3[%add3A, %dma_start3A_141, %dma_start3A_142] : memref<32x120x128xi32, #tpu.memory_space<hbm>> -> memref<1x40x128xi32, #tpu.memory_space<hbm>>
      %dma_start3A_144 = tpu.memref_squeeze %dma_start3A_143 : memref<1x40x128xi32, #tpu.memory_space<hbm>> -> memref<40x128xi32, #tpu.memory_space<hbm>>
      %dma_start3A_145 = arith.constant 80 : i32
      %dma_start3A_146 = arith.constant 0 : i32
      %dma_start3A_147 = tpu.memref_slice %arg3[%add3A, %dma_start3A_145, %dma_start3A_146] : memref<32x120x128xi32, #tpu.memory_space<hbm>> -> memref<1x40x128xi32, #tpu.memory_space<hbm>>
      %dma_start3A_148 = tpu.memref_squeeze %dma_start3A_147 : memref<1x40x128xi32, #tpu.memory_space<hbm>> -> memref<40x128xi32, #tpu.memory_space<hbm>>
      tpu.enqueue_dma source(%dma_start3A_148 : memref<40x128xi32, #tpu.memory_space<hbm>>) target(%arg6 : memref<40x128xi32, #tpu.memory_space<vmem>>) target_semaphore(%run_scoped3A_140 : memref<!tpu.dma_semaphore, #tpu.memory_space<semaphore_mem>>)
      %dma_wait3A_149 = arith.constant 80 : i32
      %dma_wait3A_150 = arith.constant 0 : i32
      %dma_wait3A_151 = tpu.memref_slice %arg3[%add3A, %dma_wait3A_149, %dma_wait3A_150] : memref<32x120x128xi32, #tpu.memory_space<hbm>> -> memref<1x40x128xi32, #tpu.memory_space<hbm>>
      %dma_wait3A_152 = tpu.memref_squeeze %dma_wait3A_151 : memref<1x40x128xi32, #tpu.memory_space<hbm>> -> memref<40x128xi32, #tpu.memory_space<hbm>>
      %dma_wait3A_153 = arith.constant 80 : i32
      %dma_wait3A_154 = arith.constant 0 : i32
      %dma_wait3A_155 = tpu.memref_slice %arg3[%add3A, %dma_wait3A_153, %dma_wait3A_154] : memref<32x120x128xi32, #tpu.memory_space<hbm>> -> memref<1x40x128xi32, #tpu.memory_space<hbm>>
      %dma_wait3A_156 = tpu.memref_squeeze %dma_wait3A_155 : memref<1x40x128xi32, #tpu.memory_space<hbm>> -> memref<40x128xi32, #tpu.memory_space<hbm>>
      tpu.wait_dma2 semaphore(%run_scoped3A_140 : memref<!tpu.dma_semaphore, #tpu.memory_space<semaphore_mem>>) src(%dma_wait3A_156 : memref<40x128xi32, #tpu.memory_space<hbm>>) dst(%arg6 : memref<40x128xi32, #tpu.memory_space<vmem>>)
      tpu.yield
    }) : () -> ()
    "tpu.region"() ({
      %run_scoped3A_140 = tpu.sem_alloc : memref<!tpu.dma_semaphore, #tpu.memory_space<semaphore_mem>>
      %dma_start3A_141 = arith.constant 80 : i32
      %dma_start3A_142 = arith.constant 0 : i32
      %dma_start3A_143 = tpu.memref_slice %arg4[%add3A, %dma_start3A_141, %dma_start3A_142] : memref<32x120x128xi32, #tpu.memory_space<hbm>> -> memref<1x40x128xi32, #tpu.memory_space<hbm>>
      %dma_start3A_144 = tpu.memref_squeeze %dma_start3A_143 : memref<1x40x128xi32, #tpu.memory_space<hbm>> -> memref<40x128xi32, #tpu.memory_space<hbm>>
      %dma_start3A_145 = arith.constant 80 : i32
      %dma_start3A_146 = arith.constant 0 : i32
      %dma_start3A_147 = tpu.memref_slice %arg4[%add3A, %dma_start3A_145, %dma_start3A_146] : memref<32x120x128xi32, #tpu.memory_space<hbm>> -> memref<1x40x128xi32, #tpu.memory_space<hbm>>
      %dma_start3A_148 = tpu.memref_squeeze %dma_start3A_147 : memref<1x40x128xi32, #tpu.memory_space<hbm>> -> memref<40x128xi32, #tpu.memory_space<hbm>>
      tpu.enqueue_dma source(%dma_start3A_148 : memref<40x128xi32, #tpu.memory_space<hbm>>) target(%arg7 : memref<40x128xi32, #tpu.memory_space<vmem>>) target_semaphore(%run_scoped3A_140 : memref<!tpu.dma_semaphore, #tpu.memory_space<semaphore_mem>>)
      %dma_wait3A_149 = arith.constant 80 : i32
      %dma_wait3A_150 = arith.constant 0 : i32
      %dma_wait3A_151 = tpu.memref_slice %arg4[%add3A, %dma_wait3A_149, %dma_wait3A_150] : memref<32x120x128xi32, #tpu.memory_space<hbm>> -> memref<1x40x128xi32, #tpu.memory_space<hbm>>
      %dma_wait3A_152 = tpu.memref_squeeze %dma_wait3A_151 : memref<1x40x128xi32, #tpu.memory_space<hbm>> -> memref<40x128xi32, #tpu.memory_space<hbm>>
      %dma_wait3A_153 = arith.constant 80 : i32
      %dma_wait3A_154 = arith.constant 0 : i32
      %dma_wait3A_155 = tpu.memref_slice %arg4[%add3A, %dma_wait3A_153, %dma_wait3A_154] : memref<32x120x128xi32, #tpu.memory_space<hbm>> -> memref<1x40x128xi32, #tpu.memory_space<hbm>>
      %dma_wait3A_156 = tpu.memref_squeeze %dma_wait3A_155 : memref<1x40x128xi32, #tpu.memory_space<hbm>> -> memref<40x128xi32, #tpu.memory_space<hbm>>
      tpu.wait_dma2 semaphore(%run_scoped3A_140 : memref<!tpu.dma_semaphore, #tpu.memory_space<semaphore_mem>>) src(%dma_wait3A_156 : memref<40x128xi32, #tpu.memory_space<hbm>>) dst(%arg7 : memref<40x128xi32, #tpu.memory_space<vmem>>)
      tpu.yield
    }) : () -> ()
    %dma_start3A_98 = arith.constant 0 : i32
    %dma_start3A_99 = arith.constant 0 : i32
    %dma_start3A_100 = tpu.memref_slice %arg6[%dma_start3A_98, %dma_start3A_99] : memref<40x128xi32, #tpu.memory_space<vmem>> -> memref<1x128xi32, #tpu.memory_space<vmem>>
    %dma_start3A_101 = tpu.memref_squeeze %dma_start3A_100 : memref<1x128xi32, #tpu.memory_space<vmem>> -> memref<128xi32, #tpu.memory_space<vmem>>
    %dma_start3A_102 = arith.constant 0 : i32
    %dma_start3A_103 = arith.constant 0 : i32
    %dma_start3A_104 = tpu.memref_slice %arg2[%dma_start3A_102, %dma_start3A_103] : memref<10000x128xf32, #tpu.memory_space<hbm>> -> memref<10000x128xf32, #tpu.memory_space<hbm>>
    tpu.enqueue_indirect_dma source(%dma_start3A_104 : memref<10000x128xf32, #tpu.memory_space<hbm>>) target(%arg8 : memref<128x128xf32, #tpu.memory_space<vmem>>) offsets(%dma_start3A_101 : memref<128xi32, #tpu.memory_space<vmem>>) semaphore(%arg11 : memref<!tpu.dma_semaphore, #tpu.memory_space<semaphore_mem>>)
    %dma_start3A_105 = arith.constant 1 : i32
    %dma_start3A_106 = arith.constant 0 : i32
    %dma_start3A_107 = tpu.memref_slice %arg6[%dma_start3A_105, %dma_start3A_106] : memref<40x128xi32, #tpu.memory_space<vmem>> -> memref<1x128xi32, #tpu.memory_space<vmem>>
    %dma_start3A_108 = tpu.memref_squeeze %dma_start3A_107 : memref<1x128xi32, #tpu.memory_space<vmem>> -> memref<128xi32, #tpu.memory_space<vmem>>
    %dma_start3A_109 = arith.constant 0 : i32
    %dma_start3A_110 = arith.constant 0 : i32
    %dma_start3A_111 = tpu.memref_slice %arg2[%dma_start3A_109, %dma_start3A_110] : memref<10000x128xf32, #tpu.memory_space<hbm>> -> memref<10000x128xf32, #tpu.memory_space<hbm>>
    tpu.enqueue_indirect_dma source(%dma_start3A_111 : memref<10000x128xf32, #tpu.memory_space<hbm>>) target(%arg9 : memref<128x128xf32, #tpu.memory_space<vmem>>) offsets(%dma_start3A_108 : memref<128xi32, #tpu.memory_space<vmem>>) semaphore(%arg12 : memref<!tpu.dma_semaphore, #tpu.memory_space<semaphore_mem>>)
    %scan3A_112 = arith.constant 0 : i32
    %scan3A_113 = arith.constant 0 : i32
    %scan3A_114 = arith.constant 19 : i32
    %scan3A_115 = arith.addi %scan3A_113, %scan3A_114 : i32
    %scan3A_116 = arith.constant 1 : i32
    %scan3A_117 = scf.for %scan3A_140 = %scan3A_113 to %scan3A_115 step %scan3A_116 iter_args(%scan3A_141 = %scan3A_112) -> (i32)  : i32 {
      %mul3A_142 = arith.constant 2 : i32
      %mul3A_143 = arith.muli %mul3A_142, %scan3A_140 : i32
      %dma_wait3A_144 = arith.constant 0 : i32
      %dma_wait3A_145 = tpu.memref_slice %arg6[%mul3A_143, %dma_wait3A_144] : memref<40x128xi32, #tpu.memory_space<vmem>> -> memref<1x128xi32, #tpu.memory_space<vmem>>
      %dma_wait3A_146 = tpu.memref_squeeze %dma_wait3A_145 : memref<1x128xi32, #tpu.memory_space<vmem>> -> memref<128xi32, #tpu.memory_space<vmem>>
      %dma_wait3A_147 = arith.constant 0 : i32
      %dma_wait3A_148 = arith.constant 0 : i32
      %dma_wait3A_149 = tpu.memref_slice %arg2[%dma_wait3A_147, %dma_wait3A_148] : memref<10000x128xf32, #tpu.memory_space<hbm>> -> memref<10000x128xf32, #tpu.memory_space<hbm>>
      tpu.wait_indirect_dma semaphore(%arg11 : memref<!tpu.dma_semaphore, #tpu.memory_space<semaphore_mem>>) src(%dma_wait3A_149 : memref<10000x128xf32, #tpu.memory_space<hbm>>) dst(%arg8 : memref<128x128xf32, #tpu.memory_space<vmem>>)
      "tpu.region"() ({
        %run_scoped3A_177 = tpu.sem_alloc : memref<!tpu.dma_semaphore, #tpu.memory_space<semaphore_mem>>
        %dma_start3A_178 = arith.constant 0 : i32
        %dma_start3A_179 = tpu.memref_slice %arg7[%mul3A_143, %dma_start3A_178] : memref<40x128xi32, #tpu.memory_space<vmem>> -> memref<1x128xi32, #tpu.memory_space<vmem>>
        %dma_start3A_180 = tpu.memref_squeeze %dma_start3A_179 : memref<1x128xi32, #tpu.memory_space<vmem>> -> memref<128xi32, #tpu.memory_space<vmem>>
        %dma_start3A_181 = arith.constant 0 : i32
        %dma_start3A_182 = arith.constant 0 : i32
        %dma_start3A_183 = tpu.memref_slice %arg10[%dma_start3A_181, %dma_start3A_182] : memref<10752x128xf32, #tpu.memory_space<vmem_shared>> -> memref<10752x128xf32, #tpu.memory_space<vmem_shared>>
        tpu.enqueue_indirect_dma source(%arg8 : memref<128x128xf32, #tpu.memory_space<vmem>>) target(%dma_start3A_183 : memref<10752x128xf32, #tpu.memory_space<vmem_shared>>) offsets(%dma_start3A_180 : memref<128xi32, #tpu.memory_space<vmem>>) semaphore(%run_scoped3A_177 : memref<!tpu.dma_semaphore, #tpu.memory_space<semaphore_mem>>) {add = true}
        %dma_wait3A_184 = arith.constant 0 : i32
        %dma_wait3A_185 = tpu.memref_slice %arg7[%mul3A_143, %dma_wait3A_184] : memref<40x128xi32, #tpu.memory_space<vmem>> -> memref<1x128xi32, #tpu.memory_space<vmem>>
        %dma_wait3A_186 = tpu.memref_squeeze %dma_wait3A_185 : memref<1x128xi32, #tpu.memory_space<vmem>> -> memref<128xi32, #tpu.memory_space<vmem>>
        %dma_wait3A_187 = arith.constant 0 : i32
        %dma_wait3A_188 = arith.constant 0 : i32
        %dma_wait3A_189 = tpu.memref_slice %arg10[%dma_wait3A_187, %dma_wait3A_188] : memref<10752x128xf32, #tpu.memory_space<vmem_shared>> -> memref<10752x128xf32, #tpu.memory_space<vmem_shared>>
        tpu.wait_indirect_dma semaphore(%run_scoped3A_177 : memref<!tpu.dma_semaphore, #tpu.memory_space<semaphore_mem>>) src(%arg8 : memref<128x128xf32, #tpu.memory_space<vmem>>) dst(%dma_wait3A_189 : memref<10752x128xf32, #tpu.memory_space<vmem_shared>>)
        tpu.yield
      }) : () -> ()
      %add3A_150 = arith.constant 2 : i32
      %add3A_151 = arith.addi %mul3A_143, %add3A_150 : i32
      %dma_start3A_152 = arith.constant 0 : i32
      %dma_start3A_153 = tpu.memref_slice %arg6[%add3A_151, %dma_start3A_152] : memref<40x128xi32, #tpu.memory_space<vmem>> -> memref<1x128xi32, #tpu.memory_space<vmem>>
      %dma_start3A_154 = tpu.memref_squeeze %dma_start3A_153 : memref<1x128xi32, #tpu.memory_space<vmem>> -> memref<128xi32, #tpu.memory_space<vmem>>
      %dma_start3A_155 = arith.constant 0 : i32
      %dma_start3A_156 = arith.constant 0 : i32
      %dma_start3A_157 = tpu.memref_slice %arg2[%dma_start3A_155, %dma_start3A_156] : memref<10000x128xf32, #tpu.memory_space<hbm>> -> memref<10000x128xf32, #tpu.memory_space<hbm>>
      tpu.enqueue_indirect_dma source(%dma_start3A_157 : memref<10000x128xf32, #tpu.memory_space<hbm>>) target(%arg8 : memref<128x128xf32, #tpu.memory_space<vmem>>) offsets(%dma_start3A_154 : memref<128xi32, #tpu.memory_space<vmem>>) semaphore(%arg11 : memref<!tpu.dma_semaphore, #tpu.memory_space<semaphore_mem>>)
      %add3A_158 = arith.constant 1 : i32
      %add3A_159 = arith.addi %mul3A_143, %add3A_158 : i32
      %dma_wait3A_160 = arith.constant 0 : i32
      %dma_wait3A_161 = tpu.memref_slice %arg6[%add3A_159, %dma_wait3A_160] : memref<40x128xi32, #tpu.memory_space<vmem>> -> memref<1x128xi32, #tpu.memory_space<vmem>>
      %dma_wait3A_162 = tpu.memref_squeeze %dma_wait3A_161 : memref<1x128xi32, #tpu.memory_space<vmem>> -> memref<128xi32, #tpu.memory_space<vmem>>
      %dma_wait3A_163 = arith.constant 0 : i32
      %dma_wait3A_164 = arith.constant 0 : i32
      %dma_wait3A_165 = tpu.memref_slice %arg2[%dma_wait3A_163, %dma_wait3A_164] : memref<10000x128xf32, #tpu.memory_space<hbm>> -> memref<10000x128xf32, #tpu.memory_space<hbm>>
      tpu.wait_indirect_dma semaphore(%arg12 : memref<!tpu.dma_semaphore, #tpu.memory_space<semaphore_mem>>) src(%dma_wait3A_165 : memref<10000x128xf32, #tpu.memory_space<hbm>>) dst(%arg9 : memref<128x128xf32, #tpu.memory_space<vmem>>)
      %add3A_166 = arith.constant 1 : i32
      %add3A_167 = arith.addi %mul3A_143, %add3A_166 : i32
      "tpu.region"() ({
        %run_scoped3A_177 = tpu.sem_alloc : memref<!tpu.dma_semaphore, #tpu.memory_space<semaphore_mem>>
        %dma_start3A_178 = arith.constant 0 : i32
        %dma_start3A_179 = tpu.memref_slice %arg7[%add3A_167, %dma_start3A_178] : memref<40x128xi32, #tpu.memory_space<vmem>> -> memref<1x128xi32, #tpu.memory_space<vmem>>
        %dma_start3A_180 = tpu.memref_squeeze %dma_start3A_179 : memref<1x128xi32, #tpu.memory_space<vmem>> -> memref<128xi32, #tpu.memory_space<vmem>>
        %dma_start3A_181 = arith.constant 0 : i32
        %dma_start3A_182 = arith.constant 0 : i32
        %dma_start3A_183 = tpu.memref_slice %arg10[%dma_start3A_181, %dma_start3A_182] : memref<10752x128xf32, #tpu.memory_space<vmem_shared>> -> memref<10752x128xf32, #tpu.memory_space<vmem_shared>>
        tpu.enqueue_indirect_dma source(%arg9 : memref<128x128xf32, #tpu.memory_space<vmem>>) target(%dma_start3A_183 : memref<10752x128xf32, #tpu.memory_space<vmem_shared>>) offsets(%dma_start3A_180 : memref<128xi32, #tpu.memory_space<vmem>>) semaphore(%run_scoped3A_177 : memref<!tpu.dma_semaphore, #tpu.memory_space<semaphore_mem>>) {add = true}
        %dma_wait3A_184 = arith.constant 0 : i32
        %dma_wait3A_185 = tpu.memref_slice %arg7[%add3A_167, %dma_wait3A_184] : memref<40x128xi32, #tpu.memory_space<vmem>> -> memref<1x128xi32, #tpu.memory_space<vmem>>
        %dma_wait3A_186 = tpu.memref_squeeze %dma_wait3A_185 : memref<1x128xi32, #tpu.memory_space<vmem>> -> memref<128xi32, #tpu.memory_space<vmem>>
        %dma_wait3A_187 = arith.constant 0 : i32
        %dma_wait3A_188 = arith.constant 0 : i32
        %dma_wait3A_189 = tpu.memref_slice %arg10[%dma_wait3A_187, %dma_wait3A_188] : memref<10752x128xf32, #tpu.memory_space<vmem_shared>> -> memref<10752x128xf32, #tpu.memory_space<vmem_shared>>
        tpu.wait_indirect_dma semaphore(%run_scoped3A_177 : memref<!tpu.dma_semaphore, #tpu.memory_space<semaphore_mem>>) src(%arg9 : memref<128x128xf32, #tpu.memory_space<vmem>>) dst(%dma_wait3A_189 : memref<10752x128xf32, #tpu.memory_space<vmem_shared>>)
        tpu.yield
      }) : () -> ()
      %add3A_168 = arith.constant 3 : i32
      %add3A_169 = arith.addi %mul3A_143, %add3A_168 : i32
      %dma_start3A_170 = arith.constant 0 : i32
      %dma_start3A_171 = tpu.memref_slice %arg6[%add3A_169, %dma_start3A_170] : memref<40x128xi32, #tpu.memory_space<vmem>> -> memref<1x128xi32, #tpu.memory_space<vmem>>
      %dma_start3A_172 = tpu.memref_squeeze %dma_start3A_171 : memref<1x128xi32, #tpu.memory_space<vmem>> -> memref<128xi32, #tpu.memory_space<vmem>>
      %dma_start3A_173 = arith.constant 0 : i32
      %dma_start3A_174 = arith.constant 0 : i32
      %dma_start3A_175 = tpu.memref_slice %arg2[%dma_start3A_173, %dma_start3A_174] : memref<10000x128xf32, #tpu.memory_space<hbm>> -> memref<10000x128xf32, #tpu.memory_space<hbm>>
      tpu.enqueue_indirect_dma source(%dma_start3A_175 : memref<10000x128xf32, #tpu.memory_space<hbm>>) target(%arg9 : memref<128x128xf32, #tpu.memory_space<vmem>>) offsets(%dma_start3A_172 : memref<128xi32, #tpu.memory_space<vmem>>) semaphore(%arg12 : memref<!tpu.dma_semaphore, #tpu.memory_space<semaphore_mem>>)
      %scan3A_176 = arith.constant 0 : i32
      scf.yield %scan3A_176 : i32
    }
    %scan3A_118 = arith.constant 19 : i32
    %dma_wait3A_119 = arith.constant 38 : i32
    %dma_wait3A_120 = arith.constant 0 : i32
    %dma_wait3A_121 = tpu.memref_slice %arg6[%dma_wait3A_119, %dma_wait3A_120] : memref<40x128xi32, #tpu.memory_space<vmem>> -> memref<1x128xi32, #tpu.memory_space<vmem>>
    %dma_wait3A_122 = tpu.memref_squeeze %dma_wait3A_121 : memref<1x128xi32, #tpu.memory_space<vmem>> -> memref<128xi32, #tpu.memory_space<vmem>>
    %dma_wait3A_123 = arith.constant 0 : i32
    %dma_wait3A_124 = arith.constant 0 : i32
    %dma_wait3A_125 = tpu.memref_slice %arg2[%dma_wait3A_123, %dma_wait3A_124] : memref<10000x128xf32, #tpu.memory_space<hbm>> -> memref<10000x128xf32, #tpu.memory_space<hbm>>
    tpu.wait_indirect_dma semaphore(%arg11 : memref<!tpu.dma_semaphore, #tpu.memory_space<semaphore_mem>>) src(%dma_wait3A_125 : memref<10000x128xf32, #tpu.memory_space<hbm>>) dst(%arg8 : memref<128x128xf32, #tpu.memory_space<vmem>>)
    %run_scoped3A_126 = arith.constant 38 : i32
    "tpu.region"() ({
      %run_scoped3A_140 = tpu.sem_alloc : memref<!tpu.dma_semaphore, #tpu.memory_space<semaphore_mem>>
      %dma_start3A_141 = arith.constant 0 : i32
      %dma_start3A_142 = tpu.memref_slice %arg7[%run_scoped3A_126, %dma_start3A_141] : memref<40x128xi32, #tpu.memory_space<vmem>> -> memref<1x128xi32, #tpu.memory_space<vmem>>
      %dma_start3A_143 = tpu.memref_squeeze %dma_start3A_142 : memref<1x128xi32, #tpu.memory_space<vmem>> -> memref<128xi32, #tpu.memory_space<vmem>>
      %dma_start3A_144 = arith.constant 0 : i32
      %dma_start3A_145 = arith.constant 0 : i32
      %dma_start3A_146 = tpu.memref_slice %arg10[%dma_start3A_144, %dma_start3A_145] : memref<10752x128xf32, #tpu.memory_space<vmem_shared>> -> memref<10752x128xf32, #tpu.memory_space<vmem_shared>>
      tpu.enqueue_indirect_dma source(%arg8 : memref<128x128xf32, #tpu.memory_space<vmem>>) target(%dma_start3A_146 : memref<10752x128xf32, #tpu.memory_space<vmem_shared>>) offsets(%dma_start3A_143 : memref<128xi32, #tpu.memory_space<vmem>>) semaphore(%run_scoped3A_140 : memref<!tpu.dma_semaphore, #tpu.memory_space<semaphore_mem>>) {add = true}
      %dma_wait3A_147 = arith.constant 0 : i32
      %dma_wait3A_148 = tpu.memref_slice %arg7[%run_scoped3A_126, %dma_wait3A_147] : memref<40x128xi32, #tpu.memory_space<vmem>> -> memref<1x128xi32, #tpu.memory_space<vmem>>
      %dma_wait3A_149 = tpu.memref_squeeze %dma_wait3A_148 : memref<1x128xi32, #tpu.memory_space<vmem>> -> memref<128xi32, #tpu.memory_space<vmem>>
      %dma_wait3A_150 = arith.constant 0 : i32
      %dma_wait3A_151 = arith.constant 0 : i32
      %dma_wait3A_152 = tpu.memref_slice %arg10[%dma_wait3A_150, %dma_wait3A_151] : memref<10752x128xf32, #tpu.memory_space<vmem_shared>> -> memref<10752x128xf32, #tpu.memory_space<vmem_shared>>
      tpu.wait_indirect_dma semaphore(%run_scoped3A_140 : memref<!tpu.dma_semaphore, #tpu.memory_space<semaphore_mem>>) src(%arg8 : memref<128x128xf32, #tpu.memory_space<vmem>>) dst(%dma_wait3A_152 : memref<10752x128xf32, #tpu.memory_space<vmem_shared>>)
      tpu.yield
    }) : () -> ()
    %dma_wait3A_127 = arith.constant 39 : i32
    %dma_wait3A_128 = arith.constant 0 : i32
    %dma_wait3A_129 = tpu.memref_slice %arg6[%dma_wait3A_127, %dma_wait3A_128] : memref<40x128xi32, #tpu.memory_space<vmem>> -> memref<1x128xi32, #tpu.memory_space<vmem>>
    %dma_wait3A_130 = tpu.memref_squeeze %dma_wait3A_129 : memref<1x128xi32, #tpu.memory_space<vmem>> -> memref<128xi32, #tpu.memory_space<vmem>>
    %dma_wait3A_131 = arith.constant 0 : i32
    %dma_wait3A_132 = arith.constant 0 : i32
    %dma_wait3A_133 = tpu.memref_slice %arg2[%dma_wait3A_131, %dma_wait3A_132] : memref<10000x128xf32, #tpu.memory_space<hbm>> -> memref<10000x128xf32, #tpu.memory_space<hbm>>
    tpu.wait_indirect_dma semaphore(%arg12 : memref<!tpu.dma_semaphore, #tpu.memory_space<semaphore_mem>>) src(%dma_wait3A_133 : memref<10000x128xf32, #tpu.memory_space<hbm>>) dst(%arg9 : memref<128x128xf32, #tpu.memory_space<vmem>>)
    %run_scoped3A_134 = arith.constant 39 : i32
    "tpu.region"() ({
      %run_scoped3A_140 = tpu.sem_alloc : memref<!tpu.dma_semaphore, #tpu.memory_space<semaphore_mem>>
      %dma_start3A_141 = arith.constant 0 : i32
      %dma_start3A_142 = tpu.memref_slice %arg7[%run_scoped3A_134, %dma_start3A_141] : memref<40x128xi32, #tpu.memory_space<vmem>> -> memref<1x128xi32, #tpu.memory_space<vmem>>
      %dma_start3A_143 = tpu.memref_squeeze %dma_start3A_142 : memref<1x128xi32, #tpu.memory_space<vmem>> -> memref<128xi32, #tpu.memory_space<vmem>>
      %dma_start3A_144 = arith.constant 0 : i32
      %dma_start3A_145 = arith.constant 0 : i32
      %dma_start3A_146 = tpu.memref_slice %arg10[%dma_start3A_144, %dma_start3A_145] : memref<10752x128xf32, #tpu.memory_space<vmem_shared>> -> memref<10752x128xf32, #tpu.memory_space<vmem_shared>>
      tpu.enqueue_indirect_dma source(%arg9 : memref<128x128xf32, #tpu.memory_space<vmem>>) target(%dma_start3A_146 : memref<10752x128xf32, #tpu.memory_space<vmem_shared>>) offsets(%dma_start3A_143 : memref<128xi32, #tpu.memory_space<vmem>>) semaphore(%run_scoped3A_140 : memref<!tpu.dma_semaphore, #tpu.memory_space<semaphore_mem>>) {add = true}
      %dma_wait3A_147 = arith.constant 0 : i32
      %dma_wait3A_148 = tpu.memref_slice %arg7[%run_scoped3A_134, %dma_wait3A_147] : memref<40x128xi32, #tpu.memory_space<vmem>> -> memref<1x128xi32, #tpu.memory_space<vmem>>
      %dma_wait3A_149 = tpu.memref_squeeze %dma_wait3A_148 : memref<1x128xi32, #tpu.memory_space<vmem>> -> memref<128xi32, #tpu.memory_space<vmem>>
      %dma_wait3A_150 = arith.constant 0 : i32
      %dma_wait3A_151 = arith.constant 0 : i32
      %dma_wait3A_152 = tpu.memref_slice %arg10[%dma_wait3A_150, %dma_wait3A_151] : memref<10752x128xf32, #tpu.memory_space<vmem_shared>> -> memref<10752x128xf32, #tpu.memory_space<vmem_shared>>
      tpu.wait_indirect_dma semaphore(%run_scoped3A_140 : memref<!tpu.dma_semaphore, #tpu.memory_space<semaphore_mem>>) src(%arg9 : memref<128x128xf32, #tpu.memory_space<vmem>>) dst(%dma_wait3A_152 : memref<10752x128xf32, #tpu.memory_space<vmem_shared>>)
      tpu.yield
    }) : () -> ()
    %barrier3A_135 = arith.constant 0 : index
    tpu.barrier barrier_id(%barrier3A_135)
    %mul3A_136 = arith.constant 640 : i32
    %mul3A_137 = arith.muli %arg1, %mul3A_136 : i32
    %mul3A_138 = arith.constant 640 : i32
    %mul3A_139 = arith.muli %arg1, %mul3A_138 : i32
    "tpu.region"() ({
      %run_scoped3A_140 = tpu.sem_alloc : memref<!tpu.dma_semaphore, #tpu.memory_space<semaphore_mem>>
      %dma_start3A_141 = arith.constant 0 : i32
      %dma_start3A_142 = tpu.memref_slice %arg5[%arg0, %mul3A_139, %dma_start3A_141] : memref<2x10240x128xf32, #tpu.memory_space<hbm>> -> memref<1x640x128xf32, #tpu.memory_space<hbm>>
      %dma_start3A_143 = tpu.memref_squeeze %dma_start3A_142 : memref<1x640x128xf32, #tpu.memory_space<hbm>> -> memref<640x128xf32, #tpu.memory_space<hbm>>
      %dma_start3A_144 = arith.constant 0 : i32
      %dma_start3A_145 = tpu.memref_slice %arg10[%mul3A_137, %dma_start3A_144] : memref<10752x128xf32, #tpu.memory_space<vmem_shared>> -> memref<640x128xf32, #tpu.memory_space<vmem_shared>>
      tpu.enqueue_dma source(%dma_start3A_145 : memref<640x128xf32, #tpu.memory_space<vmem_shared>>) target(%dma_start3A_143 : memref<640x128xf32, #tpu.memory_space<hbm>>) target_semaphore(%run_scoped3A_140 : memref<!tpu.dma_semaphore, #tpu.memory_space<semaphore_mem>>)
      %dma_wait3A_146 = arith.constant 0 : i32
      %dma_wait3A_147 = tpu.memref_slice %arg5[%arg0, %mul3A_139, %dma_wait3A_146] : memref<2x10240x128xf32, #tpu.memory_space<hbm>> -> memref<1x640x128xf32, #tpu.memory_space<hbm>>
      %dma_wait3A_148 = tpu.memref_squeeze %dma_wait3A_147 : memref<1x640x128xf32, #tpu.memory_space<hbm>> -> memref<640x128xf32, #tpu.memory_space<hbm>>
      %dma_wait3A_149 = arith.constant 0 : i32
      %dma_wait3A_150 = tpu.memref_slice %arg10[%mul3A_137, %dma_wait3A_149] : memref<10752x128xf32, #tpu.memory_space<vmem_shared>> -> memref<640x128xf32, #tpu.memory_space<vmem_shared>>
      tpu.wait_dma2 semaphore(%run_scoped3A_140 : memref<!tpu.dma_semaphore, #tpu.memory_space<semaphore_mem>>) src(%dma_wait3A_150 : memref<640x128xf32, #tpu.memory_space<vmem_shared>>) dst(%dma_wait3A_148 : memref<640x128xf32, #tpu.memory_space<hbm>>)
      tpu.yield
    }) : () -> ()
    return
  }
}

#map = affine_map<(d0, d1) -> (0, 0)>
#map1 = affine_map<(d0, d1) -> (0, 0, 0)>
module attributes {stable_mosaic.version = 14 : i64} {
  func.func @_sc_body(%arg0: i32, %arg1: i32, %arg2: memref<10000x128xf32, #tpu.memory_space<hbm>>, %arg3: memref<32x120x128xi32, #tpu.memory_space<hbm>>, %arg4: memref<32x120x128xi32, #tpu.memory_space<hbm>>, %arg5: memref<2x10240x128xf32, #tpu.memory_space<hbm>>, %arg6: memref<40x128xi32, #tpu.memory_space<vmem>>, %arg7: memref<40x128xi32, #tpu.memory_space<vmem>>, %arg8: memref<128x128xf32, #tpu.memory_space<vmem>>, %arg9: memref<128x128xf32, #tpu.memory_space<vmem>>, %arg10: memref<10752x128xf32, #tpu.memory_space<vmem_shared>>, %arg11: memref<!tpu.dma_semaphore, #tpu.memory_space<semaphore_mem>>, %arg12: memref<!tpu.dma_semaphore, #tpu.memory_space<semaphore_mem>>) attributes {dimension_semantics = [#tpu.dimension_semantics<core_parallel>, #tpu.dimension_semantics<subcore_parallel>], iteration_bounds = array<i64: 2, 16>, scalar_prefetch = 0 : i64, scratch_operands = 7 : i64, tpu.core_type = #tpu.core_type<sc_vector_subcore>, window_params = [{transform_indices = #map}, {transform_indices = #map1}, {transform_indices = #map1}, {transform_indices = #map1}]} {
    %mul3A = arith.constant 16 : i32
    %mul3A_0 = arith.muli %arg0, %mul3A : i32
    %add3A = arith.addi %mul3A_0, %arg1 : i32
    %scan3A = arith.constant 0 : i32
    %scan3A_1 = arith.constant 0 : i32
    %scan3A_2 = arith.constant 128 : i32
    %scan3A_3 = arith.addi %scan3A_1, %scan3A_2 : i32
    %scan3A_4 = arith.constant 1 : i32
    %scan3A_5 = scf.for %scan3A_140 = %scan3A_1 to %scan3A_3 step %scan3A_4 iter_args(%scan3A_141 = %scan3A) -> (i32)  : i32 {
      %broadcast_in_dim3A = arith.constant 0.000000e+00 : f32
      %broadcast_in_dim3A_142 = vector.broadcast %broadcast_in_dim3A : f32 to vector<16xf32>
      %swap3A = arith.index_cast %scan3A_140 : i32 to index
      %swap3A_143 = arith.constant 0 : index
      %swap3A_144 = tpu.vector_load %arg8[%swap3A, %swap3A_143] {strides = array<i32>} : memref<128x128xf32, #tpu.memory_space<vmem>>, vector<1x16xf32>,
      %swap3A_145 = vector.shape_cast %swap3A_144 : vector<1x16xf32> to vector<16xf32>
      %swap3A_146 = vector.shape_cast %broadcast_in_dim3A_142 : vector<16xf32> to vector<1x16xf32>
      tpu.vector_store %arg8[%swap3A, %swap3A_143], %swap3A_146 {strides = array<i32>} : memref<128x128xf32, #tpu.memory_space<vmem>>, vector<1x16xf32>,
      %broadcast_in_dim3A_147 = arith.constant 0.000000e+00 : f32
      %broadcast_in_dim3A_148 = vector.broadcast %broadcast_in_dim3A_147 : f32 to vector<16xf32>
      %swap3A_149 = arith.index_cast %scan3A_140 : i32 to index
      %swap3A_150 = arith.constant 16 : index
      %swap3A_151 = tpu.vector_load %arg8[%swap3A_149, %swap3A_150] {strides = array<i32>} : memref<128x128xf32, #tpu.memory_space<vmem>>, vector<1x16xf32>,
      %swap3A_152 = vector.shape_cast %swap3A_151 : vector<1x16xf32> to vector<16xf32>
      %swap3A_153 = vector.shape_cast %broadcast_in_dim3A_148 : vector<16xf32> to vector<1x16xf32>
      tpu.vector_store %arg8[%swap3A_149, %swap3A_150], %swap3A_153 {strides = array<i32>} : memref<128x128xf32, #tpu.memory_space<vmem>>, vector<1x16xf32>,
      %broadcast_in_dim3A_154 = arith.constant 0.000000e+00 : f32
      %broadcast_in_dim3A_155 = vector.broadcast %broadcast_in_dim3A_154 : f32 to vector<16xf32>
      %swap3A_156 = arith.index_cast %scan3A_140 : i32 to index
      %swap3A_157 = arith.constant 32 : index
      %swap3A_158 = tpu.vector_load %arg8[%swap3A_156, %swap3A_157] {strides = array<i32>} : memref<128x128xf32, #tpu.memory_space<vmem>>, vector<1x16xf32>,
      %swap3A_159 = vector.shape_cast %swap3A_158 : vector<1x16xf32> to vector<16xf32>
      %swap3A_160 = vector.shape_cast %broadcast_in_dim3A_155 : vector<16xf32> to vector<1x16xf32>
      tpu.vector_store %arg8[%swap3A_156, %swap3A_157], %swap3A_160 {strides = array<i32>} : memref<128x128xf32, #tpu.memory_space<vmem>>, vector<1x16xf32>,
      %broadcast_in_dim3A_161 = arith.constant 0.000000e+00 : f32
      %broadcast_in_dim3A_162 = vector.broadcast %broadcast_in_dim3A_161 : f32 to vector<16xf32>
      %swap3A_163 = arith.index_cast %scan3A_140 : i32 to index
      %swap3A_164 = arith.constant 48 : index
      %swap3A_165 = tpu.vector_load %arg8[%swap3A_163, %swap3A_164] {strides = array<i32>} : memref<128x128xf32, #tpu.memory_space<vmem>>, vector<1x16xf32>,
      %swap3A_166 = vector.shape_cast %swap3A_165 : vector<1x16xf32> to vector<16xf32>
      %swap3A_167 = vector.shape_cast %broadcast_in_dim3A_162 : vector<16xf32> to vector<1x16xf32>
      tpu.vector_store %arg8[%swap3A_163, %swap3A_164], %swap3A_167 {strides = array<i32>} : memref<128x128xf32, #tpu.memory_space<vmem>>, vector<1x16xf32>,
      %broadcast_in_dim3A_168 = arith.constant 0.000000e+00 : f32
      %broadcast_in_dim3A_169 = vector.broadcast %broadcast_in_dim3A_168 : f32 to vector<16xf32>
      %swap3A_170 = arith.index_cast %scan3A_140 : i32 to index
      %swap3A_171 = arith.constant 64 : index
      %swap3A_172 = tpu.vector_load %arg8[%swap3A_170, %swap3A_171] {strides = array<i32>} : memref<128x128xf32, #tpu.memory_space<vmem>>, vector<1x16xf32>,
      %swap3A_173 = vector.shape_cast %swap3A_172 : vector<1x16xf32> to vector<16xf32>
      %swap3A_174 = vector.shape_cast %broadcast_in_dim3A_169 : vector<16xf32> to vector<1x16xf32>
      tpu.vector_store %arg8[%swap3A_170, %swap3A_171], %swap3A_174 {strides = array<i32>} : memref<128x128xf32, #tpu.memory_space<vmem>>, vector<1x16xf32>,
      %broadcast_in_dim3A_175 = arith.constant 0.000000e+00 : f32
      %broadcast_in_dim3A_176 = vector.broadcast %broadcast_in_dim3A_175 : f32 to vector<16xf32>
      %swap3A_177 = arith.index_cast %scan3A_140 : i32 to index
      %swap3A_178 = arith.constant 80 : index
      %swap3A_179 = tpu.vector_load %arg8[%swap3A_177, %swap3A_178] {strides = array<i32>} : memref<128x128xf32, #tpu.memory_space<vmem>>, vector<1x16xf32>,
      %swap3A_180 = vector.shape_cast %swap3A_179 : vector<1x16xf32> to vector<16xf32>
      %swap3A_181 = vector.shape_cast %broadcast_in_dim3A_176 : vector<16xf32> to vector<1x16xf32>
      tpu.vector_store %arg8[%swap3A_177, %swap3A_178], %swap3A_181 {strides = array<i32>} : memref<128x128xf32, #tpu.memory_space<vmem>>, vector<1x16xf32>,
      %broadcast_in_dim3A_182 = arith.constant 0.000000e+00 : f32
      %broadcast_in_dim3A_183 = vector.broadcast %broadcast_in_dim3A_182 : f32 to vector<16xf32>
      %swap3A_184 = arith.index_cast %scan3A_140 : i32 to index
      %swap3A_185 = arith.constant 96 : index
      %swap3A_186 = tpu.vector_load %arg8[%swap3A_184, %swap3A_185] {strides = array<i32>} : memref<128x128xf32, #tpu.memory_space<vmem>>, vector<1x16xf32>,
      %swap3A_187 = vector.shape_cast %swap3A_186 : vector<1x16xf32> to vector<16xf32>
      %swap3A_188 = vector.shape_cast %broadcast_in_dim3A_183 : vector<16xf32> to vector<1x16xf32>
      tpu.vector_store %arg8[%swap3A_184, %swap3A_185], %swap3A_188 {strides = array<i32>} : memref<128x128xf32, #tpu.memory_space<vmem>>, vector<1x16xf32>,
      %broadcast_in_dim3A_189 = arith.constant 0.000000e+00 : f32
      %broadcast_in_dim3A_190 = vector.broadcast %broadcast_in_dim3A_189 : f32 to vector<16xf32>
      %swap3A_191 = arith.index_cast %scan3A_140 : i32 to index
      %swap3A_192 = arith.constant 112 : index
      %swap3A_193 = tpu.vector_load %arg8[%swap3A_191, %swap3A_192] {strides = array<i32>} : memref<128x128xf32, #tpu.memory_space<vmem>>, vector<1x16xf32>,
      %swap3A_194 = vector.shape_cast %swap3A_193 : vector<1x16xf32> to vector<16xf32>
      %swap3A_195 = vector.shape_cast %broadcast_in_dim3A_190 : vector<16xf32> to vector<1x16xf32>
      tpu.vector_store %arg8[%swap3A_191, %swap3A_192], %swap3A_195 {strides = array<i32>} : memref<128x128xf32, #tpu.memory_space<vmem>>, vector<1x16xf32>,
      %scan3A_196 = arith.constant 0 : i32
      scf.yield %scan3A_196 : i32
    }
    %scan3A_6 = arith.constant 128 : i32
    %mul3A_7 = arith.constant 640 : i32
    %mul3A_8 = arith.muli %arg1, %mul3A_7 : i32
    %add3A_9 = arith.constant 0 : i32
    %add3A_10 = arith.addi %mul3A_8, %add3A_9 : i32
    "tpu.region"() ({
      %run_scoped3A_140 = tpu.sem_alloc : memref<!tpu.dma_semaphore, #tpu.memory_space<semaphore_mem>>
      %dma_start3A_141 = arith.constant 0 : i32
      %dma_start3A_142 = tpu.memref_slice %arg10[%add3A_10, %dma_start3A_141] : memref<10752x128xf32, #tpu.memory_space<vmem_shared>> -> memref<128x128xf32, #tpu.memory_space<vmem_shared>>
      %dma_start3A_143 = arith.constant 0 : i32
      %dma_start3A_144 = tpu.memref_slice %arg10[%add3A_10, %dma_start3A_143] : memref<10752x128xf32, #tpu.memory_space<vmem_shared>> -> memref<128x128xf32, #tpu.memory_space<vmem_shared>>
      tpu.enqueue_dma source(%arg8 : memref<128x128xf32, #tpu.memory_space<vmem>>) target(%dma_start3A_144 : memref<128x128xf32, #tpu.memory_space<vmem_shared>>) target_semaphore(%run_scoped3A_140 : memref<!tpu.dma_semaphore, #tpu.memory_space<semaphore_mem>>)
      %dma_wait3A_145 = arith.constant 0 : i32
      %dma_wait3A_146 = tpu.memref_slice %arg10[%add3A_10, %dma_wait3A_145] : memref<10752x128xf32, #tpu.memory_space<vmem_shared>> -> memref<128x128xf32, #tpu.memory_space<vmem_shared>>
      %dma_wait3A_147 = arith.constant 0 : i32
      %dma_wait3A_148 = tpu.memref_slice %arg10[%add3A_10, %dma_wait3A_147] : memref<10752x128xf32, #tpu.memory_space<vmem_shared>> -> memref<128x128xf32, #tpu.memory_space<vmem_shared>>
      tpu.wait_dma2 semaphore(%run_scoped3A_140 : memref<!tpu.dma_semaphore, #tpu.memory_space<semaphore_mem>>) src(%arg8 : memref<128x128xf32, #tpu.memory_space<vmem>>) dst(%dma_wait3A_148 : memref<128x128xf32, #tpu.memory_space<vmem_shared>>)
      tpu.yield
    }) : () -> ()
    %mul3A_11 = arith.constant 640 : i32
    %mul3A_12 = arith.muli %arg1, %mul3A_11 : i32
    %add3A_13 = arith.constant 128 : i32
    %add3A_14 = arith.addi %mul3A_12, %add3A_13 : i32
    "tpu.region"() ({
      %run_scoped3A_140 = tpu.sem_alloc : memref<!tpu.dma_semaphore, #tpu.memory_space<semaphore_mem>>
      %dma_start3A_141 = arith.constant 0 : i32
      %dma_start3A_142 = tpu.memref_slice %arg10[%add3A_14, %dma_start3A_141] : memref<10752x128xf32, #tpu.memory_space<vmem_shared>> -> memref<128x128xf32, #tpu.memory_space<vmem_shared>>
      %dma_start3A_143 = arith.constant 0 : i32
      %dma_start3A_144 = tpu.memref_slice %arg10[%add3A_14, %dma_start3A_143] : memref<10752x128xf32, #tpu.memory_space<vmem_shared>> -> memref<128x128xf32, #tpu.memory_space<vmem_shared>>
      tpu.enqueue_dma source(%arg8 : memref<128x128xf32, #tpu.memory_space<vmem>>) target(%dma_start3A_144 : memref<128x128xf32, #tpu.memory_space<vmem_shared>>) target_semaphore(%run_scoped3A_140 : memref<!tpu.dma_semaphore, #tpu.memory_space<semaphore_mem>>)
      %dma_wait3A_145 = arith.constant 0 : i32
      %dma_wait3A_146 = tpu.memref_slice %arg10[%add3A_14, %dma_wait3A_145] : memref<10752x128xf32, #tpu.memory_space<vmem_shared>> -> memref<128x128xf32, #tpu.memory_space<vmem_shared>>
      %dma_wait3A_147 = arith.constant 0 : i32
      %dma_wait3A_148 = tpu.memref_slice %arg10[%add3A_14, %dma_wait3A_147] : memref<10752x128xf32, #tpu.memory_space<vmem_shared>> -> memref<128x128xf32, #tpu.memory_space<vmem_shared>>
      tpu.wait_dma2 semaphore(%run_scoped3A_140 : memref<!tpu.dma_semaphore, #tpu.memory_space<semaphore_mem>>) src(%arg8 : memref<128x128xf32, #tpu.memory_space<vmem>>) dst(%dma_wait3A_148 : memref<128x128xf32, #tpu.memory_space<vmem_shared>>)
      tpu.yield
    }) : () -> ()
    %mul3A_15 = arith.constant 640 : i32
    %mul3A_16 = arith.muli %arg1, %mul3A_15 : i32
    %add3A_17 = arith.constant 256 : i32
    %add3A_18 = arith.addi %mul3A_16, %add3A_17 : i32
    "tpu.region"() ({
      %run_scoped3A_140 = tpu.sem_alloc : memref<!tpu.dma_semaphore, #tpu.memory_space<semaphore_mem>>
      %dma_start3A_141 = arith.constant 0 : i32
      %dma_start3A_142 = tpu.memref_slice %arg10[%add3A_18, %dma_start3A_141] : memref<10752x128xf32, #tpu.memory_space<vmem_shared>> -> memref<128x128xf32, #tpu.memory_space<vmem_shared>>
      %dma_start3A_143 = arith.constant 0 : i32
      %dma_start3A_144 = tpu.memref_slice %arg10[%add3A_18, %dma_start3A_143] : memref<10752x128xf32, #tpu.memory_space<vmem_shared>> -> memref<128x128xf32, #tpu.memory_space<vmem_shared>>
      tpu.enqueue_dma source(%arg8 : memref<128x128xf32, #tpu.memory_space<vmem>>) target(%dma_start3A_144 : memref<128x128xf32, #tpu.memory_space<vmem_shared>>) target_semaphore(%run_scoped3A_140 : memref<!tpu.dma_semaphore, #tpu.memory_space<semaphore_mem>>)
      %dma_wait3A_145 = arith.constant 0 : i32
      %dma_wait3A_146 = tpu.memref_slice %arg10[%add3A_18, %dma_wait3A_145] : memref<10752x128xf32, #tpu.memory_space<vmem_shared>> -> memref<128x128xf32, #tpu.memory_space<vmem_shared>>
      %dma_wait3A_147 = arith.constant 0 : i32
      %dma_wait3A_148 = tpu.memref_slice %arg10[%add3A_18, %dma_wait3A_147] : memref<10752x128xf32, #tpu.memory_space<vmem_shared>> -> memref<128x128xf32, #tpu.memory_space<vmem_shared>>
      tpu.wait_dma2 semaphore(%run_scoped3A_140 : memref<!tpu.dma_semaphore, #tpu.memory_space<semaphore_mem>>) src(%arg8 : memref<128x128xf32, #tpu.memory_space<vmem>>) dst(%dma_wait3A_148 : memref<128x128xf32, #tpu.memory_space<vmem_shared>>)
      tpu.yield
    }) : () -> ()
    %mul3A_19 = arith.constant 640 : i32
    %mul3A_20 = arith.muli %arg1, %mul3A_19 : i32
    %add3A_21 = arith.constant 384 : i32
    %add3A_22 = arith.addi %mul3A_20, %add3A_21 : i32
    "tpu.region"() ({
      %run_scoped3A_140 = tpu.sem_alloc : memref<!tpu.dma_semaphore, #tpu.memory_space<semaphore_mem>>
      %dma_start3A_141 = arith.constant 0 : i32
      %dma_start3A_142 = tpu.memref_slice %arg10[%add3A_22, %dma_start3A_141] : memref<10752x128xf32, #tpu.memory_space<vmem_shared>> -> memref<128x128xf32, #tpu.memory_space<vmem_shared>>
      %dma_start3A_143 = arith.constant 0 : i32
      %dma_start3A_144 = tpu.memref_slice %arg10[%add3A_22, %dma_start3A_143] : memref<10752x128xf32, #tpu.memory_space<vmem_shared>> -> memref<128x128xf32, #tpu.memory_space<vmem_shared>>
      tpu.enqueue_dma source(%arg8 : memref<128x128xf32, #tpu.memory_space<vmem>>) target(%dma_start3A_144 : memref<128x128xf32, #tpu.memory_space<vmem_shared>>) target_semaphore(%run_scoped3A_140 : memref<!tpu.dma_semaphore, #tpu.memory_space<semaphore_mem>>)
      %dma_wait3A_145 = arith.constant 0 : i32
      %dma_wait3A_146 = tpu.memref_slice %arg10[%add3A_22, %dma_wait3A_145] : memref<10752x128xf32, #tpu.memory_space<vmem_shared>> -> memref<128x128xf32, #tpu.memory_space<vmem_shared>>
      %dma_wait3A_147 = arith.constant 0 : i32
      %dma_wait3A_148 = tpu.memref_slice %arg10[%add3A_22, %dma_wait3A_147] : memref<10752x128xf32, #tpu.memory_space<vmem_shared>> -> memref<128x128xf32, #tpu.memory_space<vmem_shared>>
      tpu.wait_dma2 semaphore(%run_scoped3A_140 : memref<!tpu.dma_semaphore, #tpu.memory_space<semaphore_mem>>) src(%arg8 : memref<128x128xf32, #tpu.memory_space<vmem>>) dst(%dma_wait3A_148 : memref<128x128xf32, #tpu.memory_space<vmem_shared>>)
      tpu.yield
    }) : () -> ()
    %mul3A_23 = arith.constant 640 : i32
    %mul3A_24 = arith.muli %arg1, %mul3A_23 : i32
    %add3A_25 = arith.constant 512 : i32
    %add3A_26 = arith.addi %mul3A_24, %add3A_25 : i32
    "tpu.region"() ({
      %run_scoped3A_140 = tpu.sem_alloc : memref<!tpu.dma_semaphore, #tpu.memory_space<semaphore_mem>>
      %dma_start3A_141 = arith.constant 0 : i32
      %dma_start3A_142 = tpu.memref_slice %arg10[%add3A_26, %dma_start3A_141] : memref<10752x128xf32, #tpu.memory_space<vmem_shared>> -> memref<128x128xf32, #tpu.memory_space<vmem_shared>>
      %dma_start3A_143 = arith.constant 0 : i32
      %dma_start3A_144 = tpu.memref_slice %arg10[%add3A_26, %dma_start3A_143] : memref<10752x128xf32, #tpu.memory_space<vmem_shared>> -> memref<128x128xf32, #tpu.memory_space<vmem_shared>>
      tpu.enqueue_dma source(%arg8 : memref<128x128xf32, #tpu.memory_space<vmem>>) target(%dma_start3A_144 : memref<128x128xf32, #tpu.memory_space<vmem_shared>>) target_semaphore(%run_scoped3A_140 : memref<!tpu.dma_semaphore, #tpu.memory_space<semaphore_mem>>)
      %dma_wait3A_145 = arith.constant 0 : i32
      %dma_wait3A_146 = tpu.memref_slice %arg10[%add3A_26, %dma_wait3A_145] : memref<10752x128xf32, #tpu.memory_space<vmem_shared>> -> memref<128x128xf32, #tpu.memory_space<vmem_shared>>
      %dma_wait3A_147 = arith.constant 0 : i32
      %dma_wait3A_148 = tpu.memref_slice %arg10[%add3A_26, %dma_wait3A_147] : memref<10752x128xf32, #tpu.memory_space<vmem_shared>> -> memref<128x128xf32, #tpu.memory_space<vmem_shared>>
      tpu.wait_dma2 semaphore(%run_scoped3A_140 : memref<!tpu.dma_semaphore, #tpu.memory_space<semaphore_mem>>) src(%arg8 : memref<128x128xf32, #tpu.memory_space<vmem>>) dst(%dma_wait3A_148 : memref<128x128xf32, #tpu.memory_space<vmem_shared>>)
      tpu.yield
    }) : () -> ()
    %barrier3A = arith.constant 0 : index
    tpu.barrier barrier_id(%barrier3A)
    "tpu.region"() ({
      %run_scoped3A_140 = tpu.sem_alloc : memref<!tpu.dma_semaphore, #tpu.memory_space<semaphore_mem>>
      %dma_start3A_141 = arith.constant 0 : i32
      %dma_start3A_142 = arith.constant 0 : i32
      %dma_start3A_143 = tpu.memref_slice %arg3[%add3A, %dma_start3A_141, %dma_start3A_142] : memref<32x120x128xi32, #tpu.memory_space<hbm>> -> memref<1x40x128xi32, #tpu.memory_space<hbm>>
      %dma_start3A_144 = tpu.memref_squeeze %dma_start3A_143 : memref<1x40x128xi32, #tpu.memory_space<hbm>> -> memref<40x128xi32, #tpu.memory_space<hbm>>
      %dma_start3A_145 = arith.constant 0 : i32
      %dma_start3A_146 = arith.constant 0 : i32
      %dma_start3A_147 = tpu.memref_slice %arg3[%add3A, %dma_start3A_145, %dma_start3A_146] : memref<32x120x128xi32, #tpu.memory_space<hbm>> -> memref<1x40x128xi32, #tpu.memory_space<hbm>>
      %dma_start3A_148 = tpu.memref_squeeze %dma_start3A_147 : memref<1x40x128xi32, #tpu.memory_space<hbm>> -> memref<40x128xi32, #tpu.memory_space<hbm>>
      tpu.enqueue_dma source(%dma_start3A_148 : memref<40x128xi32, #tpu.memory_space<hbm>>) target(%arg6 : memref<40x128xi32, #tpu.memory_space<vmem>>) target_semaphore(%run_scoped3A_140 : memref<!tpu.dma_semaphore, #tpu.memory_space<semaphore_mem>>)
      %dma_wait3A_149 = arith.constant 0 : i32
      %dma_wait3A_150 = arith.constant 0 : i32
      %dma_wait3A_151 = tpu.memref_slice %arg3[%add3A, %dma_wait3A_149, %dma_wait3A_150] : memref<32x120x128xi32, #tpu.memory_space<hbm>> -> memref<1x40x128xi32, #tpu.memory_space<hbm>>
      %dma_wait3A_152 = tpu.memref_squeeze %dma_wait3A_151 : memref<1x40x128xi32, #tpu.memory_space<hbm>> -> memref<40x128xi32, #tpu.memory_space<hbm>>
      %dma_wait3A_153 = arith.constant 0 : i32
      %dma_wait3A_154 = arith.constant 0 : i32
      %dma_wait3A_155 = tpu.memref_slice %arg3[%add3A, %dma_wait3A_153, %dma_wait3A_154] : memref<32x120x128xi32, #tpu.memory_space<hbm>> -> memref<1x40x128xi32, #tpu.memory_space<hbm>>
      %dma_wait3A_156 = tpu.memref_squeeze %dma_wait3A_155 : memref<1x40x128xi32, #tpu.memory_space<hbm>> -> memref<40x128xi32, #tpu.memory_space<hbm>>
      tpu.wait_dma2 semaphore(%run_scoped3A_140 : memref<!tpu.dma_semaphore, #tpu.memory_space<semaphore_mem>>) src(%dma_wait3A_156 : memref<40x128xi32, #tpu.memory_space<hbm>>) dst(%arg6 : memref<40x128xi32, #tpu.memory_space<vmem>>)
      tpu.yield
    }) : () -> ()
    "tpu.region"() ({
      %run_scoped3A_140 = tpu.sem_alloc : memref<!tpu.dma_semaphore, #tpu.memory_space<semaphore_mem>>
      %dma_start3A_141 = arith.constant 0 : i32
      %dma_start3A_142 = arith.constant 0 : i32
      %dma_start3A_143 = tpu.memref_slice %arg4[%add3A, %dma_start3A_141, %dma_start3A_142] : memref<32x120x128xi32, #tpu.memory_space<hbm>> -> memref<1x40x128xi32, #tpu.memory_space<hbm>>
      %dma_start3A_144 = tpu.memref_squeeze %dma_start3A_143 : memref<1x40x128xi32, #tpu.memory_space<hbm>> -> memref<40x128xi32, #tpu.memory_space<hbm>>
      %dma_start3A_145 = arith.constant 0 : i32
      %dma_start3A_146 = arith.constant 0 : i32
      %dma_start3A_147 = tpu.memref_slice %arg4[%add3A, %dma_start3A_145, %dma_start3A_146] : memref<32x120x128xi32, #tpu.memory_space<hbm>> -> memref<1x40x128xi32, #tpu.memory_space<hbm>>
      %dma_start3A_148 = tpu.memref_squeeze %dma_start3A_147 : memref<1x40x128xi32, #tpu.memory_space<hbm>> -> memref<40x128xi32, #tpu.memory_space<hbm>>
      tpu.enqueue_dma source(%dma_start3A_148 : memref<40x128xi32, #tpu.memory_space<hbm>>) target(%arg7 : memref<40x128xi32, #tpu.memory_space<vmem>>) target_semaphore(%run_scoped3A_140 : memref<!tpu.dma_semaphore, #tpu.memory_space<semaphore_mem>>)
      %dma_wait3A_149 = arith.constant 0 : i32
      %dma_wait3A_150 = arith.constant 0 : i32
      %dma_wait3A_151 = tpu.memref_slice %arg4[%add3A, %dma_wait3A_149, %dma_wait3A_150] : memref<32x120x128xi32, #tpu.memory_space<hbm>> -> memref<1x40x128xi32, #tpu.memory_space<hbm>>
      %dma_wait3A_152 = tpu.memref_squeeze %dma_wait3A_151 : memref<1x40x128xi32, #tpu.memory_space<hbm>> -> memref<40x128xi32, #tpu.memory_space<hbm>>
      %dma_wait3A_153 = arith.constant 0 : i32
      %dma_wait3A_154 = arith.constant 0 : i32
      %dma_wait3A_155 = tpu.memref_slice %arg4[%add3A, %dma_wait3A_153, %dma_wait3A_154] : memref<32x120x128xi32, #tpu.memory_space<hbm>> -> memref<1x40x128xi32, #tpu.memory_space<hbm>>
      %dma_wait3A_156 = tpu.memref_squeeze %dma_wait3A_155 : memref<1x40x128xi32, #tpu.memory_space<hbm>> -> memref<40x128xi32, #tpu.memory_space<hbm>>
      tpu.wait_dma2 semaphore(%run_scoped3A_140 : memref<!tpu.dma_semaphore, #tpu.memory_space<semaphore_mem>>) src(%dma_wait3A_156 : memref<40x128xi32, #tpu.memory_space<hbm>>) dst(%arg7 : memref<40x128xi32, #tpu.memory_space<vmem>>)
      tpu.yield
    }) : () -> ()
    %dma_start3A = arith.constant 0 : i32
    %dma_start3A_27 = arith.constant 0 : i32
    %dma_start3A_28 = tpu.memref_slice %arg6[%dma_start3A, %dma_start3A_27] : memref<40x128xi32, #tpu.memory_space<vmem>> -> memref<1x128xi32, #tpu.memory_space<vmem>>
    %dma_start3A_29 = tpu.memref_squeeze %dma_start3A_28 : memref<1x128xi32, #tpu.memory_space<vmem>> -> memref<128xi32, #tpu.memory_space<vmem>>
    %dma_start3A_30 = arith.constant 0 : i32
    %dma_start3A_31 = arith.constant 0 : i32
    %dma_start3A_32 = tpu.memref_slice %arg2[%dma_start3A_30, %dma_start3A_31] : memref<10000x128xf32, #tpu.memory_space<hbm>> -> memref<10000x128xf32, #tpu.memory_space<hbm>>
    tpu.enqueue_indirect_dma source(%dma_start3A_32 : memref<10000x128xf32, #tpu.memory_space<hbm>>) target(%arg8 : memref<128x128xf32, #tpu.memory_space<vmem>>) offsets(%dma_start3A_29 : memref<128xi32, #tpu.memory_space<vmem>>) semaphore(%arg11 : memref<!tpu.dma_semaphore, #tpu.memory_space<semaphore_mem>>)
    %dma_start3A_33 = arith.constant 1 : i32
    %dma_start3A_34 = arith.constant 0 : i32
    %dma_start3A_35 = tpu.memref_slice %arg6[%dma_start3A_33, %dma_start3A_34] : memref<40x128xi32, #tpu.memory_space<vmem>> -> memref<1x128xi32, #tpu.memory_space<vmem>>
    %dma_start3A_36 = tpu.memref_squeeze %dma_start3A_35 : memref<1x128xi32, #tpu.memory_space<vmem>> -> memref<128xi32, #tpu.memory_space<vmem>>
    %dma_start3A_37 = arith.constant 0 : i32
    %dma_start3A_38 = arith.constant 0 : i32
    %dma_start3A_39 = tpu.memref_slice %arg2[%dma_start3A_37, %dma_start3A_38] : memref<10000x128xf32, #tpu.memory_space<hbm>> -> memref<10000x128xf32, #tpu.memory_space<hbm>>
    tpu.enqueue_indirect_dma source(%dma_start3A_39 : memref<10000x128xf32, #tpu.memory_space<hbm>>) target(%arg9 : memref<128x128xf32, #tpu.memory_space<vmem>>) offsets(%dma_start3A_36 : memref<128xi32, #tpu.memory_space<vmem>>) semaphore(%arg12 : memref<!tpu.dma_semaphore, #tpu.memory_space<semaphore_mem>>)
    %scan3A_40 = arith.constant 0 : i32
    %scan3A_41 = arith.constant 0 : i32
    %scan3A_42 = arith.constant 19 : i32
    %scan3A_43 = arith.addi %scan3A_41, %scan3A_42 : i32
    %scan3A_44 = arith.constant 1 : i32
    %scan3A_45 = scf.for %scan3A_140 = %scan3A_41 to %scan3A_43 step %scan3A_44 iter_args(%scan3A_141 = %scan3A_40) -> (i32)  : i32 {
      %mul3A_142 = arith.constant 2 : i32
      %mul3A_143 = arith.muli %mul3A_142, %scan3A_140 : i32
      %dma_wait3A_144 = arith.constant 0 : i32
      %dma_wait3A_145 = tpu.memref_slice %arg6[%mul3A_143, %dma_wait3A_144] : memref<40x128xi32, #tpu.memory_space<vmem>> -> memref<1x128xi32, #tpu.memory_space<vmem>>
      %dma_wait3A_146 = tpu.memref_squeeze %dma_wait3A_145 : memref<1x128xi32, #tpu.memory_space<vmem>> -> memref<128xi32, #tpu.memory_space<vmem>>
      %dma_wait3A_147 = arith.constant 0 : i32
      %dma_wait3A_148 = arith.constant 0 : i32
      %dma_wait3A_149 = tpu.memref_slice %arg2[%dma_wait3A_147, %dma_wait3A_148] : memref<10000x128xf32, #tpu.memory_space<hbm>> -> memref<10000x128xf32, #tpu.memory_space<hbm>>
      tpu.wait_indirect_dma semaphore(%arg11 : memref<!tpu.dma_semaphore, #tpu.memory_space<semaphore_mem>>) src(%dma_wait3A_149 : memref<10000x128xf32, #tpu.memory_space<hbm>>) dst(%arg8 : memref<128x128xf32, #tpu.memory_space<vmem>>)
      "tpu.region"() ({
        %run_scoped3A_177 = tpu.sem_alloc : memref<!tpu.dma_semaphore, #tpu.memory_space<semaphore_mem>>
        %dma_start3A_178 = arith.constant 0 : i32
        %dma_start3A_179 = tpu.memref_slice %arg7[%mul3A_143, %dma_start3A_178] : memref<40x128xi32, #tpu.memory_space<vmem>> -> memref<1x128xi32, #tpu.memory_space<vmem>>
        %dma_start3A_180 = tpu.memref_squeeze %dma_start3A_179 : memref<1x128xi32, #tpu.memory_space<vmem>> -> memref<128xi32, #tpu.memory_space<vmem>>
        %dma_start3A_181 = arith.constant 0 : i32
        %dma_start3A_182 = arith.constant 0 : i32
        %dma_start3A_183 = tpu.memref_slice %arg10[%dma_start3A_181, %dma_start3A_182] : memref<10752x128xf32, #tpu.memory_space<vmem_shared>> -> memref<10752x128xf32, #tpu.memory_space<vmem_shared>>
        tpu.enqueue_indirect_dma source(%arg8 : memref<128x128xf32, #tpu.memory_space<vmem>>) target(%dma_start3A_183 : memref<10752x128xf32, #tpu.memory_space<vmem_shared>>) offsets(%dma_start3A_180 : memref<128xi32, #tpu.memory_space<vmem>>) semaphore(%run_scoped3A_177 : memref<!tpu.dma_semaphore, #tpu.memory_space<semaphore_mem>>) {add = true}
        %dma_wait3A_184 = arith.constant 0 : i32
        %dma_wait3A_185 = tpu.memref_slice %arg7[%mul3A_143, %dma_wait3A_184] : memref<40x128xi32, #tpu.memory_space<vmem>> -> memref<1x128xi32, #tpu.memory_space<vmem>>
        %dma_wait3A_186 = tpu.memref_squeeze %dma_wait3A_185 : memref<1x128xi32, #tpu.memory_space<vmem>> -> memref<128xi32, #tpu.memory_space<vmem>>
        %dma_wait3A_187 = arith.constant 0 : i32
        %dma_wait3A_188 = arith.constant 0 : i32
        %dma_wait3A_189 = tpu.memref_slice %arg10[%dma_wait3A_187, %dma_wait3A_188] : memref<10752x128xf32, #tpu.memory_space<vmem_shared>> -> memref<10752x128xf32, #tpu.memory_space<vmem_shared>>
        tpu.wait_indirect_dma semaphore(%run_scoped3A_177 : memref<!tpu.dma_semaphore, #tpu.memory_space<semaphore_mem>>) src(%arg8 : memref<128x128xf32, #tpu.memory_space<vmem>>) dst(%dma_wait3A_189 : memref<10752x128xf32, #tpu.memory_space<vmem_shared>>)
        tpu.yield
      }) : () -> ()
      %add3A_150 = arith.constant 2 : i32
      %add3A_151 = arith.addi %mul3A_143, %add3A_150 : i32
      %dma_start3A_152 = arith.constant 0 : i32
      %dma_start3A_153 = tpu.memref_slice %arg6[%add3A_151, %dma_start3A_152] : memref<40x128xi32, #tpu.memory_space<vmem>> -> memref<1x128xi32, #tpu.memory_space<vmem>>
      %dma_start3A_154 = tpu.memref_squeeze %dma_start3A_153 : memref<1x128xi32, #tpu.memory_space<vmem>> -> memref<128xi32, #tpu.memory_space<vmem>>
      %dma_start3A_155 = arith.constant 0 : i32
      %dma_start3A_156 = arith.constant 0 : i32
      %dma_start3A_157 = tpu.memref_slice %arg2[%dma_start3A_155, %dma_start3A_156] : memref<10000x128xf32, #tpu.memory_space<hbm>> -> memref<10000x128xf32, #tpu.memory_space<hbm>>
      tpu.enqueue_indirect_dma source(%dma_start3A_157 : memref<10000x128xf32, #tpu.memory_space<hbm>>) target(%arg8 : memref<128x128xf32, #tpu.memory_space<vmem>>) offsets(%dma_start3A_154 : memref<128xi32, #tpu.memory_space<vmem>>) semaphore(%arg11 : memref<!tpu.dma_semaphore, #tpu.memory_space<semaphore_mem>>)
      %add3A_158 = arith.constant 1 : i32
      %add3A_159 = arith.addi %mul3A_143, %add3A_158 : i32
      %dma_wait3A_160 = arith.constant 0 : i32
      %dma_wait3A_161 = tpu.memref_slice %arg6[%add3A_159, %dma_wait3A_160] : memref<40x128xi32, #tpu.memory_space<vmem>> -> memref<1x128xi32, #tpu.memory_space<vmem>>
      %dma_wait3A_162 = tpu.memref_squeeze %dma_wait3A_161 : memref<1x128xi32, #tpu.memory_space<vmem>> -> memref<128xi32, #tpu.memory_space<vmem>>
      %dma_wait3A_163 = arith.constant 0 : i32
      %dma_wait3A_164 = arith.constant 0 : i32
      %dma_wait3A_165 = tpu.memref_slice %arg2[%dma_wait3A_163, %dma_wait3A_164] : memref<10000x128xf32, #tpu.memory_space<hbm>> -> memref<10000x128xf32, #tpu.memory_space<hbm>>
      tpu.wait_indirect_dma semaphore(%arg12 : memref<!tpu.dma_semaphore, #tpu.memory_space<semaphore_mem>>) src(%dma_wait3A_165 : memref<10000x128xf32, #tpu.memory_space<hbm>>) dst(%arg9 : memref<128x128xf32, #tpu.memory_space<vmem>>)
      %add3A_166 = arith.constant 1 : i32
      %add3A_167 = arith.addi %mul3A_143, %add3A_166 : i32
      "tpu.region"() ({
        %run_scoped3A_177 = tpu.sem_alloc : memref<!tpu.dma_semaphore, #tpu.memory_space<semaphore_mem>>
        %dma_start3A_178 = arith.constant 0 : i32
        %dma_start3A_179 = tpu.memref_slice %arg7[%add3A_167, %dma_start3A_178] : memref<40x128xi32, #tpu.memory_space<vmem>> -> memref<1x128xi32, #tpu.memory_space<vmem>>
        %dma_start3A_180 = tpu.memref_squeeze %dma_start3A_179 : memref<1x128xi32, #tpu.memory_space<vmem>> -> memref<128xi32, #tpu.memory_space<vmem>>
        %dma_start3A_181 = arith.constant 0 : i32
        %dma_start3A_182 = arith.constant 0 : i32
        %dma_start3A_183 = tpu.memref_slice %arg10[%dma_start3A_181, %dma_start3A_182] : memref<10752x128xf32, #tpu.memory_space<vmem_shared>> -> memref<10752x128xf32, #tpu.memory_space<vmem_shared>>
        tpu.enqueue_indirect_dma source(%arg9 : memref<128x128xf32, #tpu.memory_space<vmem>>) target(%dma_start3A_183 : memref<10752x128xf32, #tpu.memory_space<vmem_shared>>) offsets(%dma_start3A_180 : memref<128xi32, #tpu.memory_space<vmem>>) semaphore(%run_scoped3A_177 : memref<!tpu.dma_semaphore, #tpu.memory_space<semaphore_mem>>) {add = true}
        %dma_wait3A_184 = arith.constant 0 : i32
        %dma_wait3A_185 = tpu.memref_slice %arg7[%add3A_167, %dma_wait3A_184] : memref<40x128xi32, #tpu.memory_space<vmem>> -> memref<1x128xi32, #tpu.memory_space<vmem>>
        %dma_wait3A_186 = tpu.memref_squeeze %dma_wait3A_185 : memref<1x128xi32, #tpu.memory_space<vmem>> -> memref<128xi32, #tpu.memory_space<vmem>>
        %dma_wait3A_187 = arith.constant 0 : i32
        %dma_wait3A_188 = arith.constant 0 : i32
        %dma_wait3A_189 = tpu.memref_slice %arg10[%dma_wait3A_187, %dma_wait3A_188] : memref<10752x128xf32, #tpu.memory_space<vmem_shared>> -> memref<10752x128xf32, #tpu.memory_space<vmem_shared>>
        tpu.wait_indirect_dma semaphore(%run_scoped3A_177 : memref<!tpu.dma_semaphore, #tpu.memory_space<semaphore_mem>>) src(%arg9 : memref<128x128xf32, #tpu.memory_space<vmem>>) dst(%dma_wait3A_189 : memref<10752x128xf32, #tpu.memory_space<vmem_shared>>)
        tpu.yield
      }) : () -> ()
      %add3A_168 = arith.constant 3 : i32
      %add3A_169 = arith.addi %mul3A_143, %add3A_168 : i32
      %dma_start3A_170 = arith.constant 0 : i32
      %dma_start3A_171 = tpu.memref_slice %arg6[%add3A_169, %dma_start3A_170] : memref<40x128xi32, #tpu.memory_space<vmem>> -> memref<1x128xi32, #tpu.memory_space<vmem>>
      %dma_start3A_172 = tpu.memref_squeeze %dma_start3A_171 : memref<1x128xi32, #tpu.memory_space<vmem>> -> memref<128xi32, #tpu.memory_space<vmem>>
      %dma_start3A_173 = arith.constant 0 : i32
      %dma_start3A_174 = arith.constant 0 : i32
      %dma_start3A_175 = tpu.memref_slice %arg2[%dma_start3A_173, %dma_start3A_174] : memref<10000x128xf32, #tpu.memory_space<hbm>> -> memref<10000x128xf32, #tpu.memory_space<hbm>>
      tpu.enqueue_indirect_dma source(%dma_start3A_175 : memref<10000x128xf32, #tpu.memory_space<hbm>>) target(%arg9 : memref<128x128xf32, #tpu.memory_space<vmem>>) offsets(%dma_start3A_172 : memref<128xi32, #tpu.memory_space<vmem>>) semaphore(%arg12 : memref<!tpu.dma_semaphore, #tpu.memory_space<semaphore_mem>>)
      %scan3A_176 = arith.constant 0 : i32
      scf.yield %scan3A_176 : i32
    }
    %scan3A_46 = arith.constant 19 : i32
    %dma_wait3A = arith.constant 38 : i32
    %dma_wait3A_47 = arith.constant 0 : i32
    %dma_wait3A_48 = tpu.memref_slice %arg6[%dma_wait3A, %dma_wait3A_47] : memref<40x128xi32, #tpu.memory_space<vmem>> -> memref<1x128xi32, #tpu.memory_space<vmem>>
    %dma_wait3A_49 = tpu.memref_squeeze %dma_wait3A_48 : memref<1x128xi32, #tpu.memory_space<vmem>> -> memref<128xi32, #tpu.memory_space<vmem>>
    %dma_wait3A_50 = arith.constant 0 : i32
    %dma_wait3A_51 = arith.constant 0 : i32
    %dma_wait3A_52 = tpu.memref_slice %arg2[%dma_wait3A_50, %dma_wait3A_51] : memref<10000x128xf32, #tpu.memory_space<hbm>> -> memref<10000x128xf32, #tpu.memory_space<hbm>>
    tpu.wait_indirect_dma semaphore(%arg11 : memref<!tpu.dma_semaphore, #tpu.memory_space<semaphore_mem>>) src(%dma_wait3A_52 : memref<10000x128xf32, #tpu.memory_space<hbm>>) dst(%arg8 : memref<128x128xf32, #tpu.memory_space<vmem>>)
    %run_scoped3A = arith.constant 38 : i32
    "tpu.region"() ({
      %run_scoped3A_140 = tpu.sem_alloc : memref<!tpu.dma_semaphore, #tpu.memory_space<semaphore_mem>>
      %dma_start3A_141 = arith.constant 0 : i32
      %dma_start3A_142 = tpu.memref_slice %arg7[%run_scoped3A, %dma_start3A_141] : memref<40x128xi32, #tpu.memory_space<vmem>> -> memref<1x128xi32, #tpu.memory_space<vmem>>
      %dma_start3A_143 = tpu.memref_squeeze %dma_start3A_142 : memref<1x128xi32, #tpu.memory_space<vmem>> -> memref<128xi32, #tpu.memory_space<vmem>>
      %dma_start3A_144 = arith.constant 0 : i32
      %dma_start3A_145 = arith.constant 0 : i32
      %dma_start3A_146 = tpu.memref_slice %arg10[%dma_start3A_144, %dma_start3A_145] : memref<10752x128xf32, #tpu.memory_space<vmem_shared>> -> memref<10752x128xf32, #tpu.memory_space<vmem_shared>>
      tpu.enqueue_indirect_dma source(%arg8 : memref<128x128xf32, #tpu.memory_space<vmem>>) target(%dma_start3A_146 : memref<10752x128xf32, #tpu.memory_space<vmem_shared>>) offsets(%dma_start3A_143 : memref<128xi32, #tpu.memory_space<vmem>>) semaphore(%run_scoped3A_140 : memref<!tpu.dma_semaphore, #tpu.memory_space<semaphore_mem>>) {add = true}
      %dma_wait3A_147 = arith.constant 0 : i32
      %dma_wait3A_148 = tpu.memref_slice %arg7[%run_scoped3A, %dma_wait3A_147] : memref<40x128xi32, #tpu.memory_space<vmem>> -> memref<1x128xi32, #tpu.memory_space<vmem>>
      %dma_wait3A_149 = tpu.memref_squeeze %dma_wait3A_148 : memref<1x128xi32, #tpu.memory_space<vmem>> -> memref<128xi32, #tpu.memory_space<vmem>>
      %dma_wait3A_150 = arith.constant 0 : i32
      %dma_wait3A_151 = arith.constant 0 : i32
      %dma_wait3A_152 = tpu.memref_slice %arg10[%dma_wait3A_150, %dma_wait3A_151] : memref<10752x128xf32, #tpu.memory_space<vmem_shared>> -> memref<10752x128xf32, #tpu.memory_space<vmem_shared>>
      tpu.wait_indirect_dma semaphore(%run_scoped3A_140 : memref<!tpu.dma_semaphore, #tpu.memory_space<semaphore_mem>>) src(%arg8 : memref<128x128xf32, #tpu.memory_space<vmem>>) dst(%dma_wait3A_152 : memref<10752x128xf32, #tpu.memory_space<vmem_shared>>)
      tpu.yield
    }) : () -> ()
    %dma_wait3A_53 = arith.constant 39 : i32
    %dma_wait3A_54 = arith.constant 0 : i32
    %dma_wait3A_55 = tpu.memref_slice %arg6[%dma_wait3A_53, %dma_wait3A_54] : memref<40x128xi32, #tpu.memory_space<vmem>> -> memref<1x128xi32, #tpu.memory_space<vmem>>
    %dma_wait3A_56 = tpu.memref_squeeze %dma_wait3A_55 : memref<1x128xi32, #tpu.memory_space<vmem>> -> memref<128xi32, #tpu.memory_space<vmem>>
    %dma_wait3A_57 = arith.constant 0 : i32
    %dma_wait3A_58 = arith.constant 0 : i32
    %dma_wait3A_59 = tpu.memref_slice %arg2[%dma_wait3A_57, %dma_wait3A_58] : memref<10000x128xf32, #tpu.memory_space<hbm>> -> memref<10000x128xf32, #tpu.memory_space<hbm>>
    tpu.wait_indirect_dma semaphore(%arg12 : memref<!tpu.dma_semaphore, #tpu.memory_space<semaphore_mem>>) src(%dma_wait3A_59 : memref<10000x128xf32, #tpu.memory_space<hbm>>) dst(%arg9 : memref<128x128xf32, #tpu.memory_space<vmem>>)
    %run_scoped3A_60 = arith.constant 39 : i32
    "tpu.region"() ({
      %run_scoped3A_140 = tpu.sem_alloc : memref<!tpu.dma_semaphore, #tpu.memory_space<semaphore_mem>>
      %dma_start3A_141 = arith.constant 0 : i32
      %dma_start3A_142 = tpu.memref_slice %arg7[%run_scoped3A_60, %dma_start3A_141] : memref<40x128xi32, #tpu.memory_space<vmem>> -> memref<1x128xi32, #tpu.memory_space<vmem>>
      %dma_start3A_143 = tpu.memref_squeeze %dma_start3A_142 : memref<1x128xi32, #tpu.memory_space<vmem>> -> memref<128xi32, #tpu.memory_space<vmem>>
      %dma_start3A_144 = arith.constant 0 : i32
      %dma_start3A_145 = arith.constant 0 : i32
      %dma_start3A_146 = tpu.memref_slice %arg10[%dma_start3A_144, %dma_start3A_145] : memref<10752x128xf32, #tpu.memory_space<vmem_shared>> -> memref<10752x128xf32, #tpu.memory_space<vmem_shared>>
      tpu.enqueue_indirect_dma source(%arg9 : memref<128x128xf32, #tpu.memory_space<vmem>>) target(%dma_start3A_146 : memref<10752x128xf32, #tpu.memory_space<vmem_shared>>) offsets(%dma_start3A_143 : memref<128xi32, #tpu.memory_space<vmem>>) semaphore(%run_scoped3A_140 : memref<!tpu.dma_semaphore, #tpu.memory_space<semaphore_mem>>) {add = true}
      %dma_wait3A_147 = arith.constant 0 : i32
      %dma_wait3A_148 = tpu.memref_slice %arg7[%run_scoped3A_60, %dma_wait3A_147] : memref<40x128xi32, #tpu.memory_space<vmem>> -> memref<1x128xi32, #tpu.memory_space<vmem>>
      %dma_wait3A_149 = tpu.memref_squeeze %dma_wait3A_148 : memref<1x128xi32, #tpu.memory_space<vmem>> -> memref<128xi32, #tpu.memory_space<vmem>>
      %dma_wait3A_150 = arith.constant 0 : i32
      %dma_wait3A_151 = arith.constant 0 : i32
      %dma_wait3A_152 = tpu.memref_slice %arg10[%dma_wait3A_150, %dma_wait3A_151] : memref<10752x128xf32, #tpu.memory_space<vmem_shared>> -> memref<10752x128xf32, #tpu.memory_space<vmem_shared>>
      tpu.wait_indirect_dma semaphore(%run_scoped3A_140 : memref<!tpu.dma_semaphore, #tpu.memory_space<semaphore_mem>>) src(%arg9 : memref<128x128xf32, #tpu.memory_space<vmem>>) dst(%dma_wait3A_152 : memref<10752x128xf32, #tpu.memory_space<vmem_shared>>)
      tpu.yield
    }) : () -> ()
    "tpu.region"() ({
      %run_scoped3A_140 = tpu.sem_alloc : memref<!tpu.dma_semaphore, #tpu.memory_space<semaphore_mem>>
      %dma_start3A_141 = arith.constant 40 : i32
      %dma_start3A_142 = arith.constant 0 : i32
      %dma_start3A_143 = tpu.memref_slice %arg3[%add3A, %dma_start3A_141, %dma_start3A_142] : memref<32x120x128xi32, #tpu.memory_space<hbm>> -> memref<1x40x128xi32, #tpu.memory_space<hbm>>
      %dma_start3A_144 = tpu.memref_squeeze %dma_start3A_143 : memref<1x40x128xi32, #tpu.memory_space<hbm>> -> memref<40x128xi32, #tpu.memory_space<hbm>>
      %dma_start3A_145 = arith.constant 40 : i32
      %dma_start3A_146 = arith.constant 0 : i32
      %dma_start3A_147 = tpu.memref_slice %arg3[%add3A, %dma_start3A_145, %dma_start3A_146] : memref<32x120x128xi32, #tpu.memory_space<hbm>> -> memref<1x40x128xi32, #tpu.memory_space<hbm>>
      %dma_start3A_148 = tpu.memref_squeeze %dma_start3A_147 : memref<1x40x128xi32, #tpu.memory_space<hbm>> -> memref<40x128xi32, #tpu.memory_space<hbm>>
      tpu.enqueue_dma source(%dma_start3A_148 : memref<40x128xi32, #tpu.memory_space<hbm>>) target(%arg6 : memref<40x128xi32, #tpu.memory_space<vmem>>) target_semaphore(%run_scoped3A_140 : memref<!tpu.dma_semaphore, #tpu.memory_space<semaphore_mem>>)
      %dma_wait3A_149 = arith.constant 40 : i32
      %dma_wait3A_150 = arith.constant 0 : i32
      %dma_wait3A_151 = tpu.memref_slice %arg3[%add3A, %dma_wait3A_149, %dma_wait3A_150] : memref<32x120x128xi32, #tpu.memory_space<hbm>> -> memref<1x40x128xi32, #tpu.memory_space<hbm>>
      %dma_wait3A_152 = tpu.memref_squeeze %dma_wait3A_151 : memref<1x40x128xi32, #tpu.memory_space<hbm>> -> memref<40x128xi32, #tpu.memory_space<hbm>>
      %dma_wait3A_153 = arith.constant 40 : i32
      %dma_wait3A_154 = arith.constant 0 : i32
      %dma_wait3A_155 = tpu.memref_slice %arg3[%add3A, %dma_wait3A_153, %dma_wait3A_154] : memref<32x120x128xi32, #tpu.memory_space<hbm>> -> memref<1x40x128xi32, #tpu.memory_space<hbm>>
      %dma_wait3A_156 = tpu.memref_squeeze %dma_wait3A_155 : memref<1x40x128xi32, #tpu.memory_space<hbm>> -> memref<40x128xi32, #tpu.memory_space<hbm>>
      tpu.wait_dma2 semaphore(%run_scoped3A_140 : memref<!tpu.dma_semaphore, #tpu.memory_space<semaphore_mem>>) src(%dma_wait3A_156 : memref<40x128xi32, #tpu.memory_space<hbm>>) dst(%arg6 : memref<40x128xi32, #tpu.memory_space<vmem>>)
      tpu.yield
    }) : () -> ()
    "tpu.region"() ({
      %run_scoped3A_140 = tpu.sem_alloc : memref<!tpu.dma_semaphore, #tpu.memory_space<semaphore_mem>>
      %dma_start3A_141 = arith.constant 40 : i32
      %dma_start3A_142 = arith.constant 0 : i32
      %dma_start3A_143 = tpu.memref_slice %arg4[%add3A, %dma_start3A_141, %dma_start3A_142] : memref<32x120x128xi32, #tpu.memory_space<hbm>> -> memref<1x40x128xi32, #tpu.memory_space<hbm>>
      %dma_start3A_144 = tpu.memref_squeeze %dma_start3A_143 : memref<1x40x128xi32, #tpu.memory_space<hbm>> -> memref<40x128xi32, #tpu.memory_space<hbm>>
      %dma_start3A_145 = arith.constant 40 : i32
      %dma_start3A_146 = arith.constant 0 : i32
      %dma_start3A_147 = tpu.memref_slice %arg4[%add3A, %dma_start3A_145, %dma_start3A_146] : memref<32x120x128xi32, #tpu.memory_space<hbm>> -> memref<1x40x128xi32, #tpu.memory_space<hbm>>
      %dma_start3A_148 = tpu.memref_squeeze %dma_start3A_147 : memref<1x40x128xi32, #tpu.memory_space<hbm>> -> memref<40x128xi32, #tpu.memory_space<hbm>>
      tpu.enqueue_dma source(%dma_start3A_148 : memref<40x128xi32, #tpu.memory_space<hbm>>) target(%arg7 : memref<40x128xi32, #tpu.memory_space<vmem>>) target_semaphore(%run_scoped3A_140 : memref<!tpu.dma_semaphore, #tpu.memory_space<semaphore_mem>>)
      %dma_wait3A_149 = arith.constant 40 : i32
      %dma_wait3A_150 = arith.constant 0 : i32
      %dma_wait3A_151 = tpu.memref_slice %arg4[%add3A, %dma_wait3A_149, %dma_wait3A_150] : memref<32x120x128xi32, #tpu.memory_space<hbm>> -> memref<1x40x128xi32, #tpu.memory_space<hbm>>
      %dma_wait3A_152 = tpu.memref_squeeze %dma_wait3A_151 : memref<1x40x128xi32, #tpu.memory_space<hbm>> -> memref<40x128xi32, #tpu.memory_space<hbm>>
      %dma_wait3A_153 = arith.constant 40 : i32
      %dma_wait3A_154 = arith.constant 0 : i32
      %dma_wait3A_155 = tpu.memref_slice %arg4[%add3A, %dma_wait3A_153, %dma_wait3A_154] : memref<32x120x128xi32, #tpu.memory_space<hbm>> -> memref<1x40x128xi32, #tpu.memory_space<hbm>>
      %dma_wait3A_156 = tpu.memref_squeeze %dma_wait3A_155 : memref<1x40x128xi32, #tpu.memory_space<hbm>> -> memref<40x128xi32, #tpu.memory_space<hbm>>
      tpu.wait_dma2 semaphore(%run_scoped3A_140 : memref<!tpu.dma_semaphore, #tpu.memory_space<semaphore_mem>>) src(%dma_wait3A_156 : memref<40x128xi32, #tpu.memory_space<hbm>>) dst(%arg7 : memref<40x128xi32, #tpu.memory_space<vmem>>)
      tpu.yield
    }) : () -> ()
    %dma_start3A_61 = arith.constant 0 : i32
    %dma_start3A_62 = arith.constant 0 : i32
    %dma_start3A_63 = tpu.memref_slice %arg6[%dma_start3A_61, %dma_start3A_62] : memref<40x128xi32, #tpu.memory_space<vmem>> -> memref<1x128xi32, #tpu.memory_space<vmem>>
    %dma_start3A_64 = tpu.memref_squeeze %dma_start3A_63 : memref<1x128xi32, #tpu.memory_space<vmem>> -> memref<128xi32, #tpu.memory_space<vmem>>
    %dma_start3A_65 = arith.constant 0 : i32
    %dma_start3A_66 = arith.constant 0 : i32
    %dma_start3A_67 = tpu.memref_slice %arg2[%dma_start3A_65, %dma_start3A_66] : memref<10000x128xf32, #tpu.memory_space<hbm>> -> memref<10000x128xf32, #tpu.memory_space<hbm>>
    tpu.enqueue_indirect_dma source(%dma_start3A_67 : memref<10000x128xf32, #tpu.memory_space<hbm>>) target(%arg8 : memref<128x128xf32, #tpu.memory_space<vmem>>) offsets(%dma_start3A_64 : memref<128xi32, #tpu.memory_space<vmem>>) semaphore(%arg11 : memref<!tpu.dma_semaphore, #tpu.memory_space<semaphore_mem>>)
    %dma_start3A_68 = arith.constant 1 : i32
    %dma_start3A_69 = arith.constant 0 : i32
    %dma_start3A_70 = tpu.memref_slice %arg6[%dma_start3A_68, %dma_start3A_69] : memref<40x128xi32, #tpu.memory_space<vmem>> -> memref<1x128xi32, #tpu.memory_space<vmem>>
    %dma_start3A_71 = tpu.memref_squeeze %dma_start3A_70 : memref<1x128xi32, #tpu.memory_space<vmem>> -> memref<128xi32, #tpu.memory_space<vmem>>
    %dma_start3A_72 = arith.constant 0 : i32
    %dma_start3A_73 = arith.constant 0 : i32
    %dma_start3A_74 = tpu.memref_slice %arg2[%dma_start3A_72, %dma_start3A_73] : memref<10000x128xf32, #tpu.memory_space<hbm>> -> memref<10000x128xf32, #tpu.memory_space<hbm>>
    tpu.enqueue_indirect_dma source(%dma_start3A_74 : memref<10000x128xf32, #tpu.memory_space<hbm>>) target(%arg9 : memref<128x128xf32, #tpu.memory_space<vmem>>) offsets(%dma_start3A_71 : memref<128xi32, #tpu.memory_space<vmem>>) semaphore(%arg12 : memref<!tpu.dma_semaphore, #tpu.memory_space<semaphore_mem>>)
    %scan3A_75 = arith.constant 0 : i32
    %scan3A_76 = arith.constant 0 : i32
    %scan3A_77 = arith.constant 19 : i32
    %scan3A_78 = arith.addi %scan3A_76, %scan3A_77 : i32
    %scan3A_79 = arith.constant 1 : i32
    %scan3A_80 = scf.for %scan3A_140 = %scan3A_76 to %scan3A_78 step %scan3A_79 iter_args(%scan3A_141 = %scan3A_75) -> (i32)  : i32 {
      %mul3A_142 = arith.constant 2 : i32
      %mul3A_143 = arith.muli %mul3A_142, %scan3A_140 : i32
      %dma_wait3A_144 = arith.constant 0 : i32
      %dma_wait3A_145 = tpu.memref_slice %arg6[%mul3A_143, %dma_wait3A_144] : memref<40x128xi32, #tpu.memory_space<vmem>> -> memref<1x128xi32, #tpu.memory_space<vmem>>
      %dma_wait3A_146 = tpu.memref_squeeze %dma_wait3A_145 : memref<1x128xi32, #tpu.memory_space<vmem>> -> memref<128xi32, #tpu.memory_space<vmem>>
      %dma_wait3A_147 = arith.constant 0 : i32
      %dma_wait3A_148 = arith.constant 0 : i32
      %dma_wait3A_149 = tpu.memref_slice %arg2[%dma_wait3A_147, %dma_wait3A_148] : memref<10000x128xf32, #tpu.memory_space<hbm>> -> memref<10000x128xf32, #tpu.memory_space<hbm>>
      tpu.wait_indirect_dma semaphore(%arg11 : memref<!tpu.dma_semaphore, #tpu.memory_space<semaphore_mem>>) src(%dma_wait3A_149 : memref<10000x128xf32, #tpu.memory_space<hbm>>) dst(%arg8 : memref<128x128xf32, #tpu.memory_space<vmem>>)
      "tpu.region"() ({
        %run_scoped3A_177 = tpu.sem_alloc : memref<!tpu.dma_semaphore, #tpu.memory_space<semaphore_mem>>
        %dma_start3A_178 = arith.constant 0 : i32
        %dma_start3A_179 = tpu.memref_slice %arg7[%mul3A_143, %dma_start3A_178] : memref<40x128xi32, #tpu.memory_space<vmem>> -> memref<1x128xi32, #tpu.memory_space<vmem>>
        %dma_start3A_180 = tpu.memref_squeeze %dma_start3A_179 : memref<1x128xi32, #tpu.memory_space<vmem>> -> memref<128xi32, #tpu.memory_space<vmem>>
        %dma_start3A_181 = arith.constant 0 : i32
        %dma_start3A_182 = arith.constant 0 : i32
        %dma_start3A_183 = tpu.memref_slice %arg10[%dma_start3A_181, %dma_start3A_182] : memref<10752x128xf32, #tpu.memory_space<vmem_shared>> -> memref<10752x128xf32, #tpu.memory_space<vmem_shared>>
        tpu.enqueue_indirect_dma source(%arg8 : memref<128x128xf32, #tpu.memory_space<vmem>>) target(%dma_start3A_183 : memref<10752x128xf32, #tpu.memory_space<vmem_shared>>) offsets(%dma_start3A_180 : memref<128xi32, #tpu.memory_space<vmem>>) semaphore(%run_scoped3A_177 : memref<!tpu.dma_semaphore, #tpu.memory_space<semaphore_mem>>) {add = true}
        %dma_wait3A_184 = arith.constant 0 : i32
        %dma_wait3A_185 = tpu.memref_slice %arg7[%mul3A_143, %dma_wait3A_184] : memref<40x128xi32, #tpu.memory_space<vmem>> -> memref<1x128xi32, #tpu.memory_space<vmem>>
        %dma_wait3A_186 = tpu.memref_squeeze %dma_wait3A_185 : memref<1x128xi32, #tpu.memory_space<vmem>> -> memref<128xi32, #tpu.memory_space<vmem>>
        %dma_wait3A_187 = arith.constant 0 : i32
        %dma_wait3A_188 = arith.constant 0 : i32
        %dma_wait3A_189 = tpu.memref_slice %arg10[%dma_wait3A_187, %dma_wait3A_188] : memref<10752x128xf32, #tpu.memory_space<vmem_shared>> -> memref<10752x128xf32, #tpu.memory_space<vmem_shared>>
        tpu.wait_indirect_dma semaphore(%run_scoped3A_177 : memref<!tpu.dma_semaphore, #tpu.memory_space<semaphore_mem>>) src(%arg8 : memref<128x128xf32, #tpu.memory_space<vmem>>) dst(%dma_wait3A_189 : memref<10752x128xf32, #tpu.memory_space<vmem_shared>>)
        tpu.yield
      }) : () -> ()
      %add3A_150 = arith.constant 2 : i32
      %add3A_151 = arith.addi %mul3A_143, %add3A_150 : i32
      %dma_start3A_152 = arith.constant 0 : i32
      %dma_start3A_153 = tpu.memref_slice %arg6[%add3A_151, %dma_start3A_152] : memref<40x128xi32, #tpu.memory_space<vmem>> -> memref<1x128xi32, #tpu.memory_space<vmem>>
      %dma_start3A_154 = tpu.memref_squeeze %dma_start3A_153 : memref<1x128xi32, #tpu.memory_space<vmem>> -> memref<128xi32, #tpu.memory_space<vmem>>
      %dma_start3A_155 = arith.constant 0 : i32
      %dma_start3A_156 = arith.constant 0 : i32
      %dma_start3A_157 = tpu.memref_slice %arg2[%dma_start3A_155, %dma_start3A_156] : memref<10000x128xf32, #tpu.memory_space<hbm>> -> memref<10000x128xf32, #tpu.memory_space<hbm>>
      tpu.enqueue_indirect_dma source(%dma_start3A_157 : memref<10000x128xf32, #tpu.memory_space<hbm>>) target(%arg8 : memref<128x128xf32, #tpu.memory_space<vmem>>) offsets(%dma_start3A_154 : memref<128xi32, #tpu.memory_space<vmem>>) semaphore(%arg11 : memref<!tpu.dma_semaphore, #tpu.memory_space<semaphore_mem>>)
      %add3A_158 = arith.constant 1 : i32
      %add3A_159 = arith.addi %mul3A_143, %add3A_158 : i32
      %dma_wait3A_160 = arith.constant 0 : i32
      %dma_wait3A_161 = tpu.memref_slice %arg6[%add3A_159, %dma_wait3A_160] : memref<40x128xi32, #tpu.memory_space<vmem>> -> memref<1x128xi32, #tpu.memory_space<vmem>>
      %dma_wait3A_162 = tpu.memref_squeeze %dma_wait3A_161 : memref<1x128xi32, #tpu.memory_space<vmem>> -> memref<128xi32, #tpu.memory_space<vmem>>
      %dma_wait3A_163 = arith.constant 0 : i32
      %dma_wait3A_164 = arith.constant 0 : i32
      %dma_wait3A_165 = tpu.memref_slice %arg2[%dma_wait3A_163, %dma_wait3A_164] : memref<10000x128xf32, #tpu.memory_space<hbm>> -> memref<10000x128xf32, #tpu.memory_space<hbm>>
      tpu.wait_indirect_dma semaphore(%arg12 : memref<!tpu.dma_semaphore, #tpu.memory_space<semaphore_mem>>) src(%dma_wait3A_165 : memref<10000x128xf32, #tpu.memory_space<hbm>>) dst(%arg9 : memref<128x128xf32, #tpu.memory_space<vmem>>)
      %add3A_166 = arith.constant 1 : i32
      %add3A_167 = arith.addi %mul3A_143, %add3A_166 : i32
      "tpu.region"() ({
        %run_scoped3A_177 = tpu.sem_alloc : memref<!tpu.dma_semaphore, #tpu.memory_space<semaphore_mem>>
        %dma_start3A_178 = arith.constant 0 : i32
        %dma_start3A_179 = tpu.memref_slice %arg7[%add3A_167, %dma_start3A_178] : memref<40x128xi32, #tpu.memory_space<vmem>> -> memref<1x128xi32, #tpu.memory_space<vmem>>
        %dma_start3A_180 = tpu.memref_squeeze %dma_start3A_179 : memref<1x128xi32, #tpu.memory_space<vmem>> -> memref<128xi32, #tpu.memory_space<vmem>>
        %dma_start3A_181 = arith.constant 0 : i32
        %dma_start3A_182 = arith.constant 0 : i32
        %dma_start3A_183 = tpu.memref_slice %arg10[%dma_start3A_181, %dma_start3A_182] : memref<10752x128xf32, #tpu.memory_space<vmem_shared>> -> memref<10752x128xf32, #tpu.memory_space<vmem_shared>>
        tpu.enqueue_indirect_dma source(%arg9 : memref<128x128xf32, #tpu.memory_space<vmem>>) target(%dma_start3A_183 : memref<10752x128xf32, #tpu.memory_space<vmem_shared>>) offsets(%dma_start3A_180 : memref<128xi32, #tpu.memory_space<vmem>>) semaphore(%run_scoped3A_177 : memref<!tpu.dma_semaphore, #tpu.memory_space<semaphore_mem>>) {add = true}
        %dma_wait3A_184 = arith.constant 0 : i32
        %dma_wait3A_185 = tpu.memref_slice %arg7[%add3A_167, %dma_wait3A_184] : memref<40x128xi32, #tpu.memory_space<vmem>> -> memref<1x128xi32, #tpu.memory_space<vmem>>
        %dma_wait3A_186 = tpu.memref_squeeze %dma_wait3A_185 : memref<1x128xi32, #tpu.memory_space<vmem>> -> memref<128xi32, #tpu.memory_space<vmem>>
        %dma_wait3A_187 = arith.constant 0 : i32
        %dma_wait3A_188 = arith.constant 0 : i32
        %dma_wait3A_189 = tpu.memref_slice %arg10[%dma_wait3A_187, %dma_wait3A_188] : memref<10752x128xf32, #tpu.memory_space<vmem_shared>> -> memref<10752x128xf32, #tpu.memory_space<vmem_shared>>
        tpu.wait_indirect_dma semaphore(%run_scoped3A_177 : memref<!tpu.dma_semaphore, #tpu.memory_space<semaphore_mem>>) src(%arg9 : memref<128x128xf32, #tpu.memory_space<vmem>>) dst(%dma_wait3A_189 : memref<10752x128xf32, #tpu.memory_space<vmem_shared>>)
        tpu.yield
      }) : () -> ()
      %add3A_168 = arith.constant 3 : i32
      %add3A_169 = arith.addi %mul3A_143, %add3A_168 : i32
      %dma_start3A_170 = arith.constant 0 : i32
      %dma_start3A_171 = tpu.memref_slice %arg6[%add3A_169, %dma_start3A_170] : memref<40x128xi32, #tpu.memory_space<vmem>> -> memref<1x128xi32, #tpu.memory_space<vmem>>
      %dma_start3A_172 = tpu.memref_squeeze %dma_start3A_171 : memref<1x128xi32, #tpu.memory_space<vmem>> -> memref<128xi32, #tpu.memory_space<vmem>>
      %dma_start3A_173 = arith.constant 0 : i32
      %dma_start3A_174 = arith.constant 0 : i32
      %dma_start3A_175 = tpu.memref_slice %arg2[%dma_start3A_173, %dma_start3A_174] : memref<10000x128xf32, #tpu.memory_space<hbm>> -> memref<10000x128xf32, #tpu.memory_space<hbm>>
      tpu.enqueue_indirect_dma source(%dma_start3A_175 : memref<10000x128xf32, #tpu.memory_space<hbm>>) target(%arg9 : memref<128x128xf32, #tpu.memory_space<vmem>>) offsets(%dma_start3A_172 : memref<128xi32, #tpu.memory_space<vmem>>) semaphore(%arg12 : memref<!tpu.dma_semaphore, #tpu.memory_space<semaphore_mem>>)
      %scan3A_176 = arith.constant 0 : i32
      scf.yield %scan3A_176 : i32
    }
    %scan3A_81 = arith.constant 19 : i32
    %dma_wait3A_82 = arith.constant 38 : i32
    %dma_wait3A_83 = arith.constant 0 : i32
    %dma_wait3A_84 = tpu.memref_slice %arg6[%dma_wait3A_82, %dma_wait3A_83] : memref<40x128xi32, #tpu.memory_space<vmem>> -> memref<1x128xi32, #tpu.memory_space<vmem>>
    %dma_wait3A_85 = tpu.memref_squeeze %dma_wait3A_84 : memref<1x128xi32, #tpu.memory_space<vmem>> -> memref<128xi32, #tpu.memory_space<vmem>>
    %dma_wait3A_86 = arith.constant 0 : i32
    %dma_wait3A_87 = arith.constant 0 : i32
    %dma_wait3A_88 = tpu.memref_slice %arg2[%dma_wait3A_86, %dma_wait3A_87] : memref<10000x128xf32, #tpu.memory_space<hbm>> -> memref<10000x128xf32, #tpu.memory_space<hbm>>
    tpu.wait_indirect_dma semaphore(%arg11 : memref<!tpu.dma_semaphore, #tpu.memory_space<semaphore_mem>>) src(%dma_wait3A_88 : memref<10000x128xf32, #tpu.memory_space<hbm>>) dst(%arg8 : memref<128x128xf32, #tpu.memory_space<vmem>>)
    %run_scoped3A_89 = arith.constant 38 : i32
    "tpu.region"() ({
      %run_scoped3A_140 = tpu.sem_alloc : memref<!tpu.dma_semaphore, #tpu.memory_space<semaphore_mem>>
      %dma_start3A_141 = arith.constant 0 : i32
      %dma_start3A_142 = tpu.memref_slice %arg7[%run_scoped3A_89, %dma_start3A_141] : memref<40x128xi32, #tpu.memory_space<vmem>> -> memref<1x128xi32, #tpu.memory_space<vmem>>
      %dma_start3A_143 = tpu.memref_squeeze %dma_start3A_142 : memref<1x128xi32, #tpu.memory_space<vmem>> -> memref<128xi32, #tpu.memory_space<vmem>>
      %dma_start3A_144 = arith.constant 0 : i32
      %dma_start3A_145 = arith.constant 0 : i32
      %dma_start3A_146 = tpu.memref_slice %arg10[%dma_start3A_144, %dma_start3A_145] : memref<10752x128xf32, #tpu.memory_space<vmem_shared>> -> memref<10752x128xf32, #tpu.memory_space<vmem_shared>>
      tpu.enqueue_indirect_dma source(%arg8 : memref<128x128xf32, #tpu.memory_space<vmem>>) target(%dma_start3A_146 : memref<10752x128xf32, #tpu.memory_space<vmem_shared>>) offsets(%dma_start3A_143 : memref<128xi32, #tpu.memory_space<vmem>>) semaphore(%run_scoped3A_140 : memref<!tpu.dma_semaphore, #tpu.memory_space<semaphore_mem>>) {add = true}
      %dma_wait3A_147 = arith.constant 0 : i32
      %dma_wait3A_148 = tpu.memref_slice %arg7[%run_scoped3A_89, %dma_wait3A_147] : memref<40x128xi32, #tpu.memory_space<vmem>> -> memref<1x128xi32, #tpu.memory_space<vmem>>
      %dma_wait3A_149 = tpu.memref_squeeze %dma_wait3A_148 : memref<1x128xi32, #tpu.memory_space<vmem>> -> memref<128xi32, #tpu.memory_space<vmem>>
      %dma_wait3A_150 = arith.constant 0 : i32
      %dma_wait3A_151 = arith.constant 0 : i32
      %dma_wait3A_152 = tpu.memref_slice %arg10[%dma_wait3A_150, %dma_wait3A_151] : memref<10752x128xf32, #tpu.memory_space<vmem_shared>> -> memref<10752x128xf32, #tpu.memory_space<vmem_shared>>
      tpu.wait_indirect_dma semaphore(%run_scoped3A_140 : memref<!tpu.dma_semaphore, #tpu.memory_space<semaphore_mem>>) src(%arg8 : memref<128x128xf32, #tpu.memory_space<vmem>>) dst(%dma_wait3A_152 : memref<10752x128xf32, #tpu.memory_space<vmem_shared>>)
      tpu.yield
    }) : () -> ()
    %dma_wait3A_90 = arith.constant 39 : i32
    %dma_wait3A_91 = arith.constant 0 : i32
    %dma_wait3A_92 = tpu.memref_slice %arg6[%dma_wait3A_90, %dma_wait3A_91] : memref<40x128xi32, #tpu.memory_space<vmem>> -> memref<1x128xi32, #tpu.memory_space<vmem>>
    %dma_wait3A_93 = tpu.memref_squeeze %dma_wait3A_92 : memref<1x128xi32, #tpu.memory_space<vmem>> -> memref<128xi32, #tpu.memory_space<vmem>>
    %dma_wait3A_94 = arith.constant 0 : i32
    %dma_wait3A_95 = arith.constant 0 : i32
    %dma_wait3A_96 = tpu.memref_slice %arg2[%dma_wait3A_94, %dma_wait3A_95] : memref<10000x128xf32, #tpu.memory_space<hbm>> -> memref<10000x128xf32, #tpu.memory_space<hbm>>
    tpu.wait_indirect_dma semaphore(%arg12 : memref<!tpu.dma_semaphore, #tpu.memory_space<semaphore_mem>>) src(%dma_wait3A_96 : memref<10000x128xf32, #tpu.memory_space<hbm>>) dst(%arg9 : memref<128x128xf32, #tpu.memory_space<vmem>>)
    %run_scoped3A_97 = arith.constant 39 : i32
    "tpu.region"() ({
      %run_scoped3A_140 = tpu.sem_alloc : memref<!tpu.dma_semaphore, #tpu.memory_space<semaphore_mem>>
      %dma_start3A_141 = arith.constant 0 : i32
      %dma_start3A_142 = tpu.memref_slice %arg7[%run_scoped3A_97, %dma_start3A_141] : memref<40x128xi32, #tpu.memory_space<vmem>> -> memref<1x128xi32, #tpu.memory_space<vmem>>
      %dma_start3A_143 = tpu.memref_squeeze %dma_start3A_142 : memref<1x128xi32, #tpu.memory_space<vmem>> -> memref<128xi32, #tpu.memory_space<vmem>>
      %dma_start3A_144 = arith.constant 0 : i32
      %dma_start3A_145 = arith.constant 0 : i32
      %dma_start3A_146 = tpu.memref_slice %arg10[%dma_start3A_144, %dma_start3A_145] : memref<10752x128xf32, #tpu.memory_space<vmem_shared>> -> memref<10752x128xf32, #tpu.memory_space<vmem_shared>>
      tpu.enqueue_indirect_dma source(%arg9 : memref<128x128xf32, #tpu.memory_space<vmem>>) target(%dma_start3A_146 : memref<10752x128xf32, #tpu.memory_space<vmem_shared>>) offsets(%dma_start3A_143 : memref<128xi32, #tpu.memory_space<vmem>>) semaphore(%run_scoped3A_140 : memref<!tpu.dma_semaphore, #tpu.memory_space<semaphore_mem>>) {add = true}
      %dma_wait3A_147 = arith.constant 0 : i32
      %dma_wait3A_148 = tpu.memref_slice %arg7[%run_scoped3A_97, %dma_wait3A_147] : memref<40x128xi32, #tpu.memory_space<vmem>> -> memref<1x128xi32, #tpu.memory_space<vmem>>
      %dma_wait3A_149 = tpu.memref_squeeze %dma_wait3A_148 : memref<1x128xi32, #tpu.memory_space<vmem>> -> memref<128xi32, #tpu.memory_space<vmem>>
      %dma_wait3A_150 = arith.constant 0 : i32
      %dma_wait3A_151 = arith.constant 0 : i32
      %dma_wait3A_152 = tpu.memref_slice %arg10[%dma_wait3A_150, %dma_wait3A_151] : memref<10752x128xf32, #tpu.memory_space<vmem_shared>> -> memref<10752x128xf32, #tpu.memory_space<vmem_shared>>
      tpu.wait_indirect_dma semaphore(%run_scoped3A_140 : memref<!tpu.dma_semaphore, #tpu.memory_space<semaphore_mem>>) src(%arg9 : memref<128x128xf32, #tpu.memory_space<vmem>>) dst(%dma_wait3A_152 : memref<10752x128xf32, #tpu.memory_space<vmem_shared>>)
      tpu.yield
    }) : () -> ()
    "tpu.region"() ({
      %run_scoped3A_140 = tpu.sem_alloc : memref<!tpu.dma_semaphore, #tpu.memory_space<semaphore_mem>>
      %dma_start3A_141 = arith.constant 80 : i32
      %dma_start3A_142 = arith.constant 0 : i32
      %dma_start3A_143 = tpu.memref_slice %arg3[%add3A, %dma_start3A_141, %dma_start3A_142] : memref<32x120x128xi32, #tpu.memory_space<hbm>> -> memref<1x40x128xi32, #tpu.memory_space<hbm>>
      %dma_start3A_144 = tpu.memref_squeeze %dma_start3A_143 : memref<1x40x128xi32, #tpu.memory_space<hbm>> -> memref<40x128xi32, #tpu.memory_space<hbm>>
      %dma_start3A_145 = arith.constant 80 : i32
      %dma_start3A_146 = arith.constant 0 : i32
      %dma_start3A_147 = tpu.memref_slice %arg3[%add3A, %dma_start3A_145, %dma_start3A_146] : memref<32x120x128xi32, #tpu.memory_space<hbm>> -> memref<1x40x128xi32, #tpu.memory_space<hbm>>
      %dma_start3A_148 = tpu.memref_squeeze %dma_start3A_147 : memref<1x40x128xi32, #tpu.memory_space<hbm>> -> memref<40x128xi32, #tpu.memory_space<hbm>>
      tpu.enqueue_dma source(%dma_start3A_148 : memref<40x128xi32, #tpu.memory_space<hbm>>) target(%arg6 : memref<40x128xi32, #tpu.memory_space<vmem>>) target_semaphore(%run_scoped3A_140 : memref<!tpu.dma_semaphore, #tpu.memory_space<semaphore_mem>>)
      %dma_wait3A_149 = arith.constant 80 : i32
      %dma_wait3A_150 = arith.constant 0 : i32
      %dma_wait3A_151 = tpu.memref_slice %arg3[%add3A, %dma_wait3A_149, %dma_wait3A_150] : memref<32x120x128xi32, #tpu.memory_space<hbm>> -> memref<1x40x128xi32, #tpu.memory_space<hbm>>
      %dma_wait3A_152 = tpu.memref_squeeze %dma_wait3A_151 : memref<1x40x128xi32, #tpu.memory_space<hbm>> -> memref<40x128xi32, #tpu.memory_space<hbm>>
      %dma_wait3A_153 = arith.constant 80 : i32
      %dma_wait3A_154 = arith.constant 0 : i32
      %dma_wait3A_155 = tpu.memref_slice %arg3[%add3A, %dma_wait3A_153, %dma_wait3A_154] : memref<32x120x128xi32, #tpu.memory_space<hbm>> -> memref<1x40x128xi32, #tpu.memory_space<hbm>>
      %dma_wait3A_156 = tpu.memref_squeeze %dma_wait3A_155 : memref<1x40x128xi32, #tpu.memory_space<hbm>> -> memref<40x128xi32, #tpu.memory_space<hbm>>
      tpu.wait_dma2 semaphore(%run_scoped3A_140 : memref<!tpu.dma_semaphore, #tpu.memory_space<semaphore_mem>>) src(%dma_wait3A_156 : memref<40x128xi32, #tpu.memory_space<hbm>>) dst(%arg6 : memref<40x128xi32, #tpu.memory_space<vmem>>)
      tpu.yield
    }) : () -> ()
    "tpu.region"() ({
      %run_scoped3A_140 = tpu.sem_alloc : memref<!tpu.dma_semaphore, #tpu.memory_space<semaphore_mem>>
      %dma_start3A_141 = arith.constant 80 : i32
      %dma_start3A_142 = arith.constant 0 : i32
      %dma_start3A_143 = tpu.memref_slice %arg4[%add3A, %dma_start3A_141, %dma_start3A_142] : memref<32x120x128xi32, #tpu.memory_space<hbm>> -> memref<1x40x128xi32, #tpu.memory_space<hbm>>
      %dma_start3A_144 = tpu.memref_squeeze %dma_start3A_143 : memref<1x40x128xi32, #tpu.memory_space<hbm>> -> memref<40x128xi32, #tpu.memory_space<hbm>>
      %dma_start3A_145 = arith.constant 80 : i32
      %dma_start3A_146 = arith.constant 0 : i32
      %dma_start3A_147 = tpu.memref_slice %arg4[%add3A, %dma_start3A_145, %dma_start3A_146] : memref<32x120x128xi32, #tpu.memory_space<hbm>> -> memref<1x40x128xi32, #tpu.memory_space<hbm>>
      %dma_start3A_148 = tpu.memref_squeeze %dma_start3A_147 : memref<1x40x128xi32, #tpu.memory_space<hbm>> -> memref<40x128xi32, #tpu.memory_space<hbm>>
      tpu.enqueue_dma source(%dma_start3A_148 : memref<40x128xi32, #tpu.memory_space<hbm>>) target(%arg7 : memref<40x128xi32, #tpu.memory_space<vmem>>) target_semaphore(%run_scoped3A_140 : memref<!tpu.dma_semaphore, #tpu.memory_space<semaphore_mem>>)
      %dma_wait3A_149 = arith.constant 80 : i32
      %dma_wait3A_150 = arith.constant 0 : i32
      %dma_wait3A_151 = tpu.memref_slice %arg4[%add3A, %dma_wait3A_149, %dma_wait3A_150] : memref<32x120x128xi32, #tpu.memory_space<hbm>> -> memref<1x40x128xi32, #tpu.memory_space<hbm>>
      %dma_wait3A_152 = tpu.memref_squeeze %dma_wait3A_151 : memref<1x40x128xi32, #tpu.memory_space<hbm>> -> memref<40x128xi32, #tpu.memory_space<hbm>>
      %dma_wait3A_153 = arith.constant 80 : i32
      %dma_wait3A_154 = arith.constant 0 : i32
      %dma_wait3A_155 = tpu.memref_slice %arg4[%add3A, %dma_wait3A_153, %dma_wait3A_154] : memref<32x120x128xi32, #tpu.memory_space<hbm>> -> memref<1x40x128xi32, #tpu.memory_space<hbm>>
      %dma_wait3A_156 = tpu.memref_squeeze %dma_wait3A_155 : memref<1x40x128xi32, #tpu.memory_space<hbm>> -> memref<40x128xi32, #tpu.memory_space<hbm>>
      tpu.wait_dma2 semaphore(%run_scoped3A_140 : memref<!tpu.dma_semaphore, #tpu.memory_space<semaphore_mem>>) src(%dma_wait3A_156 : memref<40x128xi32, #tpu.memory_space<hbm>>) dst(%arg7 : memref<40x128xi32, #tpu.memory_space<vmem>>)
      tpu.yield
    }) : () -> ()
    %dma_start3A_98 = arith.constant 0 : i32
    %dma_start3A_99 = arith.constant 0 : i32
    %dma_start3A_100 = tpu.memref_slice %arg6[%dma_start3A_98, %dma_start3A_99] : memref<40x128xi32, #tpu.memory_space<vmem>> -> memref<1x128xi32, #tpu.memory_space<vmem>>
    %dma_start3A_101 = tpu.memref_squeeze %dma_start3A_100 : memref<1x128xi32, #tpu.memory_space<vmem>> -> memref<128xi32, #tpu.memory_space<vmem>>
    %dma_start3A_102 = arith.constant 0 : i32
    %dma_start3A_103 = arith.constant 0 : i32
    %dma_start3A_104 = tpu.memref_slice %arg2[%dma_start3A_102, %dma_start3A_103] : memref<10000x128xf32, #tpu.memory_space<hbm>> -> memref<10000x128xf32, #tpu.memory_space<hbm>>
    tpu.enqueue_indirect_dma source(%dma_start3A_104 : memref<10000x128xf32, #tpu.memory_space<hbm>>) target(%arg8 : memref<128x128xf32, #tpu.memory_space<vmem>>) offsets(%dma_start3A_101 : memref<128xi32, #tpu.memory_space<vmem>>) semaphore(%arg11 : memref<!tpu.dma_semaphore, #tpu.memory_space<semaphore_mem>>)
    %dma_start3A_105 = arith.constant 1 : i32
    %dma_start3A_106 = arith.constant 0 : i32
    %dma_start3A_107 = tpu.memref_slice %arg6[%dma_start3A_105, %dma_start3A_106] : memref<40x128xi32, #tpu.memory_space<vmem>> -> memref<1x128xi32, #tpu.memory_space<vmem>>
    %dma_start3A_108 = tpu.memref_squeeze %dma_start3A_107 : memref<1x128xi32, #tpu.memory_space<vmem>> -> memref<128xi32, #tpu.memory_space<vmem>>
    %dma_start3A_109 = arith.constant 0 : i32
    %dma_start3A_110 = arith.constant 0 : i32
    %dma_start3A_111 = tpu.memref_slice %arg2[%dma_start3A_109, %dma_start3A_110] : memref<10000x128xf32, #tpu.memory_space<hbm>> -> memref<10000x128xf32, #tpu.memory_space<hbm>>
    tpu.enqueue_indirect_dma source(%dma_start3A_111 : memref<10000x128xf32, #tpu.memory_space<hbm>>) target(%arg9 : memref<128x128xf32, #tpu.memory_space<vmem>>) offsets(%dma_start3A_108 : memref<128xi32, #tpu.memory_space<vmem>>) semaphore(%arg12 : memref<!tpu.dma_semaphore, #tpu.memory_space<semaphore_mem>>)
    %scan3A_112 = arith.constant 0 : i32
    %scan3A_113 = arith.constant 0 : i32
    %scan3A_114 = arith.constant 19 : i32
    %scan3A_115 = arith.addi %scan3A_113, %scan3A_114 : i32
    %scan3A_116 = arith.constant 1 : i32
    %scan3A_117 = scf.for %scan3A_140 = %scan3A_113 to %scan3A_115 step %scan3A_116 iter_args(%scan3A_141 = %scan3A_112) -> (i32)  : i32 {
      %mul3A_142 = arith.constant 2 : i32
      %mul3A_143 = arith.muli %mul3A_142, %scan3A_140 : i32
      %dma_wait3A_144 = arith.constant 0 : i32
      %dma_wait3A_145 = tpu.memref_slice %arg6[%mul3A_143, %dma_wait3A_144] : memref<40x128xi32, #tpu.memory_space<vmem>> -> memref<1x128xi32, #tpu.memory_space<vmem>>
      %dma_wait3A_146 = tpu.memref_squeeze %dma_wait3A_145 : memref<1x128xi32, #tpu.memory_space<vmem>> -> memref<128xi32, #tpu.memory_space<vmem>>
      %dma_wait3A_147 = arith.constant 0 : i32
      %dma_wait3A_148 = arith.constant 0 : i32
      %dma_wait3A_149 = tpu.memref_slice %arg2[%dma_wait3A_147, %dma_wait3A_148] : memref<10000x128xf32, #tpu.memory_space<hbm>> -> memref<10000x128xf32, #tpu.memory_space<hbm>>
      tpu.wait_indirect_dma semaphore(%arg11 : memref<!tpu.dma_semaphore, #tpu.memory_space<semaphore_mem>>) src(%dma_wait3A_149 : memref<10000x128xf32, #tpu.memory_space<hbm>>) dst(%arg8 : memref<128x128xf32, #tpu.memory_space<vmem>>)
      "tpu.region"() ({
        %run_scoped3A_177 = tpu.sem_alloc : memref<!tpu.dma_semaphore, #tpu.memory_space<semaphore_mem>>
        %dma_start3A_178 = arith.constant 0 : i32
        %dma_start3A_179 = tpu.memref_slice %arg7[%mul3A_143, %dma_start3A_178] : memref<40x128xi32, #tpu.memory_space<vmem>> -> memref<1x128xi32, #tpu.memory_space<vmem>>
        %dma_start3A_180 = tpu.memref_squeeze %dma_start3A_179 : memref<1x128xi32, #tpu.memory_space<vmem>> -> memref<128xi32, #tpu.memory_space<vmem>>
        %dma_start3A_181 = arith.constant 0 : i32
        %dma_start3A_182 = arith.constant 0 : i32
        %dma_start3A_183 = tpu.memref_slice %arg10[%dma_start3A_181, %dma_start3A_182] : memref<10752x128xf32, #tpu.memory_space<vmem_shared>> -> memref<10752x128xf32, #tpu.memory_space<vmem_shared>>
        tpu.enqueue_indirect_dma source(%arg8 : memref<128x128xf32, #tpu.memory_space<vmem>>) target(%dma_start3A_183 : memref<10752x128xf32, #tpu.memory_space<vmem_shared>>) offsets(%dma_start3A_180 : memref<128xi32, #tpu.memory_space<vmem>>) semaphore(%run_scoped3A_177 : memref<!tpu.dma_semaphore, #tpu.memory_space<semaphore_mem>>) {add = true}
        %dma_wait3A_184 = arith.constant 0 : i32
        %dma_wait3A_185 = tpu.memref_slice %arg7[%mul3A_143, %dma_wait3A_184] : memref<40x128xi32, #tpu.memory_space<vmem>> -> memref<1x128xi32, #tpu.memory_space<vmem>>
        %dma_wait3A_186 = tpu.memref_squeeze %dma_wait3A_185 : memref<1x128xi32, #tpu.memory_space<vmem>> -> memref<128xi32, #tpu.memory_space<vmem>>
        %dma_wait3A_187 = arith.constant 0 : i32
        %dma_wait3A_188 = arith.constant 0 : i32
        %dma_wait3A_189 = tpu.memref_slice %arg10[%dma_wait3A_187, %dma_wait3A_188] : memref<10752x128xf32, #tpu.memory_space<vmem_shared>> -> memref<10752x128xf32, #tpu.memory_space<vmem_shared>>
        tpu.wait_indirect_dma semaphore(%run_scoped3A_177 : memref<!tpu.dma_semaphore, #tpu.memory_space<semaphore_mem>>) src(%arg8 : memref<128x128xf32, #tpu.memory_space<vmem>>) dst(%dma_wait3A_189 : memref<10752x128xf32, #tpu.memory_space<vmem_shared>>)
        tpu.yield
      }) : () -> ()
      %add3A_150 = arith.constant 2 : i32
      %add3A_151 = arith.addi %mul3A_143, %add3A_150 : i32
      %dma_start3A_152 = arith.constant 0 : i32
      %dma_start3A_153 = tpu.memref_slice %arg6[%add3A_151, %dma_start3A_152] : memref<40x128xi32, #tpu.memory_space<vmem>> -> memref<1x128xi32, #tpu.memory_space<vmem>>
      %dma_start3A_154 = tpu.memref_squeeze %dma_start3A_153 : memref<1x128xi32, #tpu.memory_space<vmem>> -> memref<128xi32, #tpu.memory_space<vmem>>
      %dma_start3A_155 = arith.constant 0 : i32
      %dma_start3A_156 = arith.constant 0 : i32
      %dma_start3A_157 = tpu.memref_slice %arg2[%dma_start3A_155, %dma_start3A_156] : memref<10000x128xf32, #tpu.memory_space<hbm>> -> memref<10000x128xf32, #tpu.memory_space<hbm>>
      tpu.enqueue_indirect_dma source(%dma_start3A_157 : memref<10000x128xf32, #tpu.memory_space<hbm>>) target(%arg8 : memref<128x128xf32, #tpu.memory_space<vmem>>) offsets(%dma_start3A_154 : memref<128xi32, #tpu.memory_space<vmem>>) semaphore(%arg11 : memref<!tpu.dma_semaphore, #tpu.memory_space<semaphore_mem>>)
      %add3A_158 = arith.constant 1 : i32
      %add3A_159 = arith.addi %mul3A_143, %add3A_158 : i32
      %dma_wait3A_160 = arith.constant 0 : i32
      %dma_wait3A_161 = tpu.memref_slice %arg6[%add3A_159, %dma_wait3A_160] : memref<40x128xi32, #tpu.memory_space<vmem>> -> memref<1x128xi32, #tpu.memory_space<vmem>>
      %dma_wait3A_162 = tpu.memref_squeeze %dma_wait3A_161 : memref<1x128xi32, #tpu.memory_space<vmem>> -> memref<128xi32, #tpu.memory_space<vmem>>
      %dma_wait3A_163 = arith.constant 0 : i32
      %dma_wait3A_164 = arith.constant 0 : i32
      %dma_wait3A_165 = tpu.memref_slice %arg2[%dma_wait3A_163, %dma_wait3A_164] : memref<10000x128xf32, #tpu.memory_space<hbm>> -> memref<10000x128xf32, #tpu.memory_space<hbm>>
      tpu.wait_indirect_dma semaphore(%arg12 : memref<!tpu.dma_semaphore, #tpu.memory_space<semaphore_mem>>) src(%dma_wait3A_165 : memref<10000x128xf32, #tpu.memory_space<hbm>>) dst(%arg9 : memref<128x128xf32, #tpu.memory_space<vmem>>)
      %add3A_166 = arith.constant 1 : i32
      %add3A_167 = arith.addi %mul3A_143, %add3A_166 : i32
      "tpu.region"() ({
        %run_scoped3A_177 = tpu.sem_alloc : memref<!tpu.dma_semaphore, #tpu.memory_space<semaphore_mem>>
        %dma_start3A_178 = arith.constant 0 : i32
        %dma_start3A_179 = tpu.memref_slice %arg7[%add3A_167, %dma_start3A_178] : memref<40x128xi32, #tpu.memory_space<vmem>> -> memref<1x128xi32, #tpu.memory_space<vmem>>
        %dma_start3A_180 = tpu.memref_squeeze %dma_start3A_179 : memref<1x128xi32, #tpu.memory_space<vmem>> -> memref<128xi32, #tpu.memory_space<vmem>>
        %dma_start3A_181 = arith.constant 0 : i32
        %dma_start3A_182 = arith.constant 0 : i32
        %dma_start3A_183 = tpu.memref_slice %arg10[%dma_start3A_181, %dma_start3A_182] : memref<10752x128xf32, #tpu.memory_space<vmem_shared>> -> memref<10752x128xf32, #tpu.memory_space<vmem_shared>>
        tpu.enqueue_indirect_dma source(%arg9 : memref<128x128xf32, #tpu.memory_space<vmem>>) target(%dma_start3A_183 : memref<10752x128xf32, #tpu.memory_space<vmem_shared>>) offsets(%dma_start3A_180 : memref<128xi32, #tpu.memory_space<vmem>>) semaphore(%run_scoped3A_177 : memref<!tpu.dma_semaphore, #tpu.memory_space<semaphore_mem>>) {add = true}
        %dma_wait3A_184 = arith.constant 0 : i32
        %dma_wait3A_185 = tpu.memref_slice %arg7[%add3A_167, %dma_wait3A_184] : memref<40x128xi32, #tpu.memory_space<vmem>> -> memref<1x128xi32, #tpu.memory_space<vmem>>
        %dma_wait3A_186 = tpu.memref_squeeze %dma_wait3A_185 : memref<1x128xi32, #tpu.memory_space<vmem>> -> memref<128xi32, #tpu.memory_space<vmem>>
        %dma_wait3A_187 = arith.constant 0 : i32
        %dma_wait3A_188 = arith.constant 0 : i32
        %dma_wait3A_189 = tpu.memref_slice %arg10[%dma_wait3A_187, %dma_wait3A_188] : memref<10752x128xf32, #tpu.memory_space<vmem_shared>> -> memref<10752x128xf32, #tpu.memory_space<vmem_shared>>
        tpu.wait_indirect_dma semaphore(%run_scoped3A_177 : memref<!tpu.dma_semaphore, #tpu.memory_space<semaphore_mem>>) src(%arg9 : memref<128x128xf32, #tpu.memory_space<vmem>>) dst(%dma_wait3A_189 : memref<10752x128xf32, #tpu.memory_space<vmem_shared>>)
        tpu.yield
      }) : () -> ()
      %add3A_168 = arith.constant 3 : i32
      %add3A_169 = arith.addi %mul3A_143, %add3A_168 : i32
      %dma_start3A_170 = arith.constant 0 : i32
      %dma_start3A_171 = tpu.memref_slice %arg6[%add3A_169, %dma_start3A_170] : memref<40x128xi32, #tpu.memory_space<vmem>> -> memref<1x128xi32, #tpu.memory_space<vmem>>
      %dma_start3A_172 = tpu.memref_squeeze %dma_start3A_171 : memref<1x128xi32, #tpu.memory_space<vmem>> -> memref<128xi32, #tpu.memory_space<vmem>>
      %dma_start3A_173 = arith.constant 0 : i32
      %dma_start3A_174 = arith.constant 0 : i32
      %dma_start3A_175 = tpu.memref_slice %arg2[%dma_start3A_173, %dma_start3A_174] : memref<10000x128xf32, #tpu.memory_space<hbm>> -> memref<10000x128xf32, #tpu.memory_space<hbm>>
      tpu.enqueue_indirect_dma source(%dma_start3A_175 : memref<10000x128xf32, #tpu.memory_space<hbm>>) target(%arg9 : memref<128x128xf32, #tpu.memory_space<vmem>>) offsets(%dma_start3A_172 : memref<128xi32, #tpu.memory_space<vmem>>) semaphore(%arg12 : memref<!tpu.dma_semaphore, #tpu.memory_space<semaphore_mem>>)
      %scan3A_176 = arith.constant 0 : i32
      scf.yield %scan3A_176 : i32
    }
    %scan3A_118 = arith.constant 19 : i32
    %dma_wait3A_119 = arith.constant 38 : i32
    %dma_wait3A_120 = arith.constant 0 : i32
    %dma_wait3A_121 = tpu.memref_slice %arg6[%dma_wait3A_119, %dma_wait3A_120] : memref<40x128xi32, #tpu.memory_space<vmem>> -> memref<1x128xi32, #tpu.memory_space<vmem>>
    %dma_wait3A_122 = tpu.memref_squeeze %dma_wait3A_121 : memref<1x128xi32, #tpu.memory_space<vmem>> -> memref<128xi32, #tpu.memory_space<vmem>>
    %dma_wait3A_123 = arith.constant 0 : i32
    %dma_wait3A_124 = arith.constant 0 : i32
    %dma_wait3A_125 = tpu.memref_slice %arg2[%dma_wait3A_123, %dma_wait3A_124] : memref<10000x128xf32, #tpu.memory_space<hbm>> -> memref<10000x128xf32, #tpu.memory_space<hbm>>
    tpu.wait_indirect_dma semaphore(%arg11 : memref<!tpu.dma_semaphore, #tpu.memory_space<semaphore_mem>>) src(%dma_wait3A_125 : memref<10000x128xf32, #tpu.memory_space<hbm>>) dst(%arg8 : memref<128x128xf32, #tpu.memory_space<vmem>>)
    %run_scoped3A_126 = arith.constant 38 : i32
    "tpu.region"() ({
      %run_scoped3A_140 = tpu.sem_alloc : memref<!tpu.dma_semaphore, #tpu.memory_space<semaphore_mem>>
      %dma_start3A_141 = arith.constant 0 : i32
      %dma_start3A_142 = tpu.memref_slice %arg7[%run_scoped3A_126, %dma_start3A_141] : memref<40x128xi32, #tpu.memory_space<vmem>> -> memref<1x128xi32, #tpu.memory_space<vmem>>
      %dma_start3A_143 = tpu.memref_squeeze %dma_start3A_142 : memref<1x128xi32, #tpu.memory_space<vmem>> -> memref<128xi32, #tpu.memory_space<vmem>>
      %dma_start3A_144 = arith.constant 0 : i32
      %dma_start3A_145 = arith.constant 0 : i32
      %dma_start3A_146 = tpu.memref_slice %arg10[%dma_start3A_144, %dma_start3A_145] : memref<10752x128xf32, #tpu.memory_space<vmem_shared>> -> memref<10752x128xf32, #tpu.memory_space<vmem_shared>>
      tpu.enqueue_indirect_dma source(%arg8 : memref<128x128xf32, #tpu.memory_space<vmem>>) target(%dma_start3A_146 : memref<10752x128xf32, #tpu.memory_space<vmem_shared>>) offsets(%dma_start3A_143 : memref<128xi32, #tpu.memory_space<vmem>>) semaphore(%run_scoped3A_140 : memref<!tpu.dma_semaphore, #tpu.memory_space<semaphore_mem>>) {add = true}
      %dma_wait3A_147 = arith.constant 0 : i32
      %dma_wait3A_148 = tpu.memref_slice %arg7[%run_scoped3A_126, %dma_wait3A_147] : memref<40x128xi32, #tpu.memory_space<vmem>> -> memref<1x128xi32, #tpu.memory_space<vmem>>
      %dma_wait3A_149 = tpu.memref_squeeze %dma_wait3A_148 : memref<1x128xi32, #tpu.memory_space<vmem>> -> memref<128xi32, #tpu.memory_space<vmem>>
      %dma_wait3A_150 = arith.constant 0 : i32
      %dma_wait3A_151 = arith.constant 0 : i32
      %dma_wait3A_152 = tpu.memref_slice %arg10[%dma_wait3A_150, %dma_wait3A_151] : memref<10752x128xf32, #tpu.memory_space<vmem_shared>> -> memref<10752x128xf32, #tpu.memory_space<vmem_shared>>
      tpu.wait_indirect_dma semaphore(%run_scoped3A_140 : memref<!tpu.dma_semaphore, #tpu.memory_space<semaphore_mem>>) src(%arg8 : memref<128x128xf32, #tpu.memory_space<vmem>>) dst(%dma_wait3A_152 : memref<10752x128xf32, #tpu.memory_space<vmem_shared>>)
      tpu.yield
    }) : () -> ()
    %dma_wait3A_127 = arith.constant 39 : i32
    %dma_wait3A_128 = arith.constant 0 : i32
    %dma_wait3A_129 = tpu.memref_slice %arg6[%dma_wait3A_127, %dma_wait3A_128] : memref<40x128xi32, #tpu.memory_space<vmem>> -> memref<1x128xi32, #tpu.memory_space<vmem>>
    %dma_wait3A_130 = tpu.memref_squeeze %dma_wait3A_129 : memref<1x128xi32, #tpu.memory_space<vmem>> -> memref<128xi32, #tpu.memory_space<vmem>>
    %dma_wait3A_131 = arith.constant 0 : i32
    %dma_wait3A_132 = arith.constant 0 : i32
    %dma_wait3A_133 = tpu.memref_slice %arg2[%dma_wait3A_131, %dma_wait3A_132] : memref<10000x128xf32, #tpu.memory_space<hbm>> -> memref<10000x128xf32, #tpu.memory_space<hbm>>
    tpu.wait_indirect_dma semaphore(%arg12 : memref<!tpu.dma_semaphore, #tpu.memory_space<semaphore_mem>>) src(%dma_wait3A_133 : memref<10000x128xf32, #tpu.memory_space<hbm>>) dst(%arg9 : memref<128x128xf32, #tpu.memory_space<vmem>>)
    %run_scoped3A_134 = arith.constant 39 : i32
    "tpu.region"() ({
      %run_scoped3A_140 = tpu.sem_alloc : memref<!tpu.dma_semaphore, #tpu.memory_space<semaphore_mem>>
      %dma_start3A_141 = arith.constant 0 : i32
      %dma_start3A_142 = tpu.memref_slice %arg7[%run_scoped3A_134, %dma_start3A_141] : memref<40x128xi32, #tpu.memory_space<vmem>> -> memref<1x128xi32, #tpu.memory_space<vmem>>
      %dma_start3A_143 = tpu.memref_squeeze %dma_start3A_142 : memref<1x128xi32, #tpu.memory_space<vmem>> -> memref<128xi32, #tpu.memory_space<vmem>>
      %dma_start3A_144 = arith.constant 0 : i32
      %dma_start3A_145 = arith.constant 0 : i32
      %dma_start3A_146 = tpu.memref_slice %arg10[%dma_start3A_144, %dma_start3A_145] : memref<10752x128xf32, #tpu.memory_space<vmem_shared>> -> memref<10752x128xf32, #tpu.memory_space<vmem_shared>>
      tpu.enqueue_indirect_dma source(%arg9 : memref<128x128xf32, #tpu.memory_space<vmem>>) target(%dma_start3A_146 : memref<10752x128xf32, #tpu.memory_space<vmem_shared>>) offsets(%dma_start3A_143 : memref<128xi32, #tpu.memory_space<vmem>>) semaphore(%run_scoped3A_140 : memref<!tpu.dma_semaphore, #tpu.memory_space<semaphore_mem>>) {add = true}
      %dma_wait3A_147 = arith.constant 0 : i32
      %dma_wait3A_148 = tpu.memref_slice %arg7[%run_scoped3A_134, %dma_wait3A_147] : memref<40x128xi32, #tpu.memory_space<vmem>> -> memref<1x128xi32, #tpu.memory_space<vmem>>
      %dma_wait3A_149 = tpu.memref_squeeze %dma_wait3A_148 : memref<1x128xi32, #tpu.memory_space<vmem>> -> memref<128xi32, #tpu.memory_space<vmem>>
      %dma_wait3A_150 = arith.constant 0 : i32
      %dma_wait3A_151 = arith.constant 0 : i32
      %dma_wait3A_152 = tpu.memref_slice %arg10[%dma_wait3A_150, %dma_wait3A_151] : memref<10752x128xf32, #tpu.memory_space<vmem_shared>> -> memref<10752x128xf32, #tpu.memory_space<vmem_shared>>
      tpu.wait_indirect_dma semaphore(%run_scoped3A_140 : memref<!tpu.dma_semaphore, #tpu.memory_space<semaphore_mem>>) src(%arg9 : memref<128x128xf32, #tpu.memory_space<vmem>>) dst(%dma_wait3A_152 : memref<10752x128xf32, #tpu.memory_space<vmem_shared>>)
      tpu.yield
    }) : () -> ()
    %barrier3A_135 = arith.constant 0 : index
    tpu.barrier barrier_id(%barrier3A_135)
    %mul3A_136 = arith.constant 640 : i32
    %mul3A_137 = arith.muli %arg1, %mul3A_136 : i32
    %mul3A_138 = arith.constant 640 : i32
    %mul3A_139 = arith.muli %arg1, %mul3A_138 : i32
    "tpu.region"() ({
      %run_scoped3A_140 = tpu.sem_alloc : memref<!tpu.dma_semaphore, #tpu.memory_space<semaphore_mem>>
      %dma_start3A_141 = arith.constant 0 : i32
      %dma_start3A_142 = tpu.memref_slice %arg5[%arg0, %mul3A_139, %dma_start3A_141] : memref<2x10240x128xf32, #tpu.memory_space<hbm>> -> memref<1x640x128xf32, #tpu.memory_space<hbm>>
      %dma_start3A_143 = tpu.memref_squeeze %dma_start3A_142 : memref<1x640x128xf32, #tpu.memory_space<hbm>> -> memref<640x128xf32, #tpu.memory_space<hbm>>
      %dma_start3A_144 = arith.constant 0 : i32
      %dma_start3A_145 = tpu.memref_slice %arg10[%mul3A_137, %dma_start3A_144] : memref<10752x128xf32, #tpu.memory_space<vmem_shared>> -> memref<640x128xf32, #tpu.memory_space<vmem_shared>>
      tpu.enqueue_dma source(%dma_start3A_145 : memref<640x128xf32, #tpu.memory_space<vmem_shared>>) target(%dma_start3A_143 : memref<640x128xf32, #tpu.memory_space<hbm>>) target_semaphore(%run_scoped3A_140 : memref<!tpu.dma_semaphore, #tpu.memory_space<semaphore_mem>>)
      %dma_wait3A_146 = arith.constant 0 : i32
      %dma_wait3A_147 = tpu.memref_slice %arg5[%arg0, %mul3A_139, %dma_wait3A_146] : memref<2x10240x128xf32, #tpu.memory_space<hbm>> -> memref<1x640x128xf32, #tpu.memory_space<hbm>>
      %dma_wait3A_148 = tpu.memref_squeeze %dma_wait3A_147 : memref<1x640x128xf32, #tpu.memory_space<hbm>> -> memref<640x128xf32, #tpu.memory_space<hbm>>
      %dma_wait3A_149 = arith.constant 0 : i32
      %dma_wait3A_150 = tpu.memref_slice %arg10[%mul3A_137, %dma_wait3A_149] : memref<10752x128xf32, #tpu.memory_space<vmem_shared>> -> memref<640x128xf32, #tpu.memory_space<vmem_shared>>
      tpu.wait_dma2 semaphore(%run_scoped3A_140 : memref<!tpu.dma_semaphore, #tpu.memory_space<semaphore_mem>>) src(%dma_wait3A_150 : memref<640x128xf32, #tpu.memory_space<vmem_shared>>) dst(%dma_wait3A_148 : memref<640x128xf32, #tpu.memory_space<hbm>>)
      tpu.yield
    }) : () -> ()
    return
  }
}

#map = affine_map<(d0, d1) -> (0, 0)>
#map1 = affine_map<(d0, d1) -> (0, 0, 0)>
module attributes {stable_mosaic.version = 14 : i64} {
  func.func @_sc_body(%arg0: i32, %arg1: i32, %arg2: memref<10000x128xf32, #tpu.memory_space<hbm>>, %arg3: memref<32x120x128xi32, #tpu.memory_space<hbm>>, %arg4: memref<32x120x128xi32, #tpu.memory_space<hbm>>, %arg5: memref<2x10240x128xf32, #tpu.memory_space<hbm>>, %arg6: memref<40x128xi32, #tpu.memory_space<vmem>>, %arg7: memref<40x128xi32, #tpu.memory_space<vmem>>, %arg8: memref<128x128xf32, #tpu.memory_space<vmem>>, %arg9: memref<128x128xf32, #tpu.memory_space<vmem>>, %arg10: memref<10752x128xf32, #tpu.memory_space<vmem_shared>>, %arg11: memref<!tpu.dma_semaphore, #tpu.memory_space<semaphore_mem>>, %arg12: memref<!tpu.dma_semaphore, #tpu.memory_space<semaphore_mem>>) attributes {dimension_semantics = [#tpu.dimension_semantics<core_parallel>, #tpu.dimension_semantics<subcore_parallel>], iteration_bounds = array<i64: 2, 16>, scalar_prefetch = 0 : i64, scratch_operands = 7 : i64, tpu.core_type = #tpu.core_type<sc_vector_subcore>, window_params = [{transform_indices = #map}, {transform_indices = #map1}, {transform_indices = #map1}, {transform_indices = #map1}]} {
    %mul3A = arith.constant 16 : i32
    %mul3A_0 = arith.muli %arg0, %mul3A : i32
    %add3A = arith.addi %mul3A_0, %arg1 : i32
    %scan3A = arith.constant 0 : i32
    %scan3A_1 = arith.constant 0 : i32
    %scan3A_2 = arith.constant 128 : i32
    %scan3A_3 = arith.addi %scan3A_1, %scan3A_2 : i32
    %scan3A_4 = arith.constant 1 : i32
    %scan3A_5 = scf.for %scan3A_140 = %scan3A_1 to %scan3A_3 step %scan3A_4 iter_args(%scan3A_141 = %scan3A) -> (i32)  : i32 {
      %broadcast_in_dim3A = arith.constant 0.000000e+00 : f32
      %broadcast_in_dim3A_142 = vector.broadcast %broadcast_in_dim3A : f32 to vector<16xf32>
      %swap3A = arith.index_cast %scan3A_140 : i32 to index
      %swap3A_143 = arith.constant 0 : index
      %swap3A_144 = tpu.vector_load %arg8[%swap3A, %swap3A_143] {strides = array<i32>} : memref<128x128xf32, #tpu.memory_space<vmem>>, vector<1x16xf32>,
      %swap3A_145 = vector.shape_cast %swap3A_144 : vector<1x16xf32> to vector<16xf32>
      %swap3A_146 = vector.shape_cast %broadcast_in_dim3A_142 : vector<16xf32> to vector<1x16xf32>
      tpu.vector_store %arg8[%swap3A, %swap3A_143], %swap3A_146 {strides = array<i32>} : memref<128x128xf32, #tpu.memory_space<vmem>>, vector<1x16xf32>,
      %broadcast_in_dim3A_147 = arith.constant 0.000000e+00 : f32
      %broadcast_in_dim3A_148 = vector.broadcast %broadcast_in_dim3A_147 : f32 to vector<16xf32>
      %swap3A_149 = arith.index_cast %scan3A_140 : i32 to index
      %swap3A_150 = arith.constant 16 : index
      %swap3A_151 = tpu.vector_load %arg8[%swap3A_149, %swap3A_150] {strides = array<i32>} : memref<128x128xf32, #tpu.memory_space<vmem>>, vector<1x16xf32>,
      %swap3A_152 = vector.shape_cast %swap3A_151 : vector<1x16xf32> to vector<16xf32>
      %swap3A_153 = vector.shape_cast %broadcast_in_dim3A_148 : vector<16xf32> to vector<1x16xf32>
      tpu.vector_store %arg8[%swap3A_149, %swap3A_150], %swap3A_153 {strides = array<i32>} : memref<128x128xf32, #tpu.memory_space<vmem>>, vector<1x16xf32>,
      %broadcast_in_dim3A_154 = arith.constant 0.000000e+00 : f32
      %broadcast_in_dim3A_155 = vector.broadcast %broadcast_in_dim3A_154 : f32 to vector<16xf32>
      %swap3A_156 = arith.index_cast %scan3A_140 : i32 to index
      %swap3A_157 = arith.constant 32 : index
      %swap3A_158 = tpu.vector_load %arg8[%swap3A_156, %swap3A_157] {strides = array<i32>} : memref<128x128xf32, #tpu.memory_space<vmem>>, vector<1x16xf32>,
      %swap3A_159 = vector.shape_cast %swap3A_158 : vector<1x16xf32> to vector<16xf32>
      %swap3A_160 = vector.shape_cast %broadcast_in_dim3A_155 : vector<16xf32> to vector<1x16xf32>
      tpu.vector_store %arg8[%swap3A_156, %swap3A_157], %swap3A_160 {strides = array<i32>} : memref<128x128xf32, #tpu.memory_space<vmem>>, vector<1x16xf32>,
      %broadcast_in_dim3A_161 = arith.constant 0.000000e+00 : f32
      %broadcast_in_dim3A_162 = vector.broadcast %broadcast_in_dim3A_161 : f32 to vector<16xf32>
      %swap3A_163 = arith.index_cast %scan3A_140 : i32 to index
      %swap3A_164 = arith.constant 48 : index
      %swap3A_165 = tpu.vector_load %arg8[%swap3A_163, %swap3A_164] {strides = array<i32>} : memref<128x128xf32, #tpu.memory_space<vmem>>, vector<1x16xf32>,
      %swap3A_166 = vector.shape_cast %swap3A_165 : vector<1x16xf32> to vector<16xf32>
      %swap3A_167 = vector.shape_cast %broadcast_in_dim3A_162 : vector<16xf32> to vector<1x16xf32>
      tpu.vector_store %arg8[%swap3A_163, %swap3A_164], %swap3A_167 {strides = array<i32>} : memref<128x128xf32, #tpu.memory_space<vmem>>, vector<1x16xf32>,
      %broadcast_in_dim3A_168 = arith.constant 0.000000e+00 : f32
      %broadcast_in_dim3A_169 = vector.broadcast %broadcast_in_dim3A_168 : f32 to vector<16xf32>
      %swap3A_170 = arith.index_cast %scan3A_140 : i32 to index
      %swap3A_171 = arith.constant 64 : index
      %swap3A_172 = tpu.vector_load %arg8[%swap3A_170, %swap3A_171] {strides = array<i32>} : memref<128x128xf32, #tpu.memory_space<vmem>>, vector<1x16xf32>,
      %swap3A_173 = vector.shape_cast %swap3A_172 : vector<1x16xf32> to vector<16xf32>
      %swap3A_174 = vector.shape_cast %broadcast_in_dim3A_169 : vector<16xf32> to vector<1x16xf32>
      tpu.vector_store %arg8[%swap3A_170, %swap3A_171], %swap3A_174 {strides = array<i32>} : memref<128x128xf32, #tpu.memory_space<vmem>>, vector<1x16xf32>,
      %broadcast_in_dim3A_175 = arith.constant 0.000000e+00 : f32
      %broadcast_in_dim3A_176 = vector.broadcast %broadcast_in_dim3A_175 : f32 to vector<16xf32>
      %swap3A_177 = arith.index_cast %scan3A_140 : i32 to index
      %swap3A_178 = arith.constant 80 : index
      %swap3A_179 = tpu.vector_load %arg8[%swap3A_177, %swap3A_178] {strides = array<i32>} : memref<128x128xf32, #tpu.memory_space<vmem>>, vector<1x16xf32>,
      %swap3A_180 = vector.shape_cast %swap3A_179 : vector<1x16xf32> to vector<16xf32>
      %swap3A_181 = vector.shape_cast %broadcast_in_dim3A_176 : vector<16xf32> to vector<1x16xf32>
      tpu.vector_store %arg8[%swap3A_177, %swap3A_178], %swap3A_181 {strides = array<i32>} : memref<128x128xf32, #tpu.memory_space<vmem>>, vector<1x16xf32>,
      %broadcast_in_dim3A_182 = arith.constant 0.000000e+00 : f32
      %broadcast_in_dim3A_183 = vector.broadcast %broadcast_in_dim3A_182 : f32 to vector<16xf32>
      %swap3A_184 = arith.index_cast %scan3A_140 : i32 to index
      %swap3A_185 = arith.constant 96 : index
      %swap3A_186 = tpu.vector_load %arg8[%swap3A_184, %swap3A_185] {strides = array<i32>} : memref<128x128xf32, #tpu.memory_space<vmem>>, vector<1x16xf32>,
      %swap3A_187 = vector.shape_cast %swap3A_186 : vector<1x16xf32> to vector<16xf32>
      %swap3A_188 = vector.shape_cast %broadcast_in_dim3A_183 : vector<16xf32> to vector<1x16xf32>
      tpu.vector_store %arg8[%swap3A_184, %swap3A_185], %swap3A_188 {strides = array<i32>} : memref<128x128xf32, #tpu.memory_space<vmem>>, vector<1x16xf32>,
      %broadcast_in_dim3A_189 = arith.constant 0.000000e+00 : f32
      %broadcast_in_dim3A_190 = vector.broadcast %broadcast_in_dim3A_189 : f32 to vector<16xf32>
      %swap3A_191 = arith.index_cast %scan3A_140 : i32 to index
      %swap3A_192 = arith.constant 112 : index
      %swap3A_193 = tpu.vector_load %arg8[%swap3A_191, %swap3A_192] {strides = array<i32>} : memref<128x128xf32, #tpu.memory_space<vmem>>, vector<1x16xf32>,
      %swap3A_194 = vector.shape_cast %swap3A_193 : vector<1x16xf32> to vector<16xf32>
      %swap3A_195 = vector.shape_cast %broadcast_in_dim3A_190 : vector<16xf32> to vector<1x16xf32>
      tpu.vector_store %arg8[%swap3A_191, %swap3A_192], %swap3A_195 {strides = array<i32>} : memref<128x128xf32, #tpu.memory_space<vmem>>, vector<1x16xf32>,
      %scan3A_196 = arith.constant 0 : i32
      scf.yield %scan3A_196 : i32
    }
    %scan3A_6 = arith.constant 128 : i32
    %mul3A_7 = arith.constant 640 : i32
    %mul3A_8 = arith.muli %arg1, %mul3A_7 : i32
    %add3A_9 = arith.constant 0 : i32
    %add3A_10 = arith.addi %mul3A_8, %add3A_9 : i32
    "tpu.region"() ({
      %run_scoped3A_140 = tpu.sem_alloc : memref<!tpu.dma_semaphore, #tpu.memory_space<semaphore_mem>>
      %dma_start3A_141 = arith.constant 0 : i32
      %dma_start3A_142 = tpu.memref_slice %arg10[%add3A_10, %dma_start3A_141] : memref<10752x128xf32, #tpu.memory_space<vmem_shared>> -> memref<128x128xf32, #tpu.memory_space<vmem_shared>>
      %dma_start3A_143 = arith.constant 0 : i32
      %dma_start3A_144 = tpu.memref_slice %arg10[%add3A_10, %dma_start3A_143] : memref<10752x128xf32, #tpu.memory_space<vmem_shared>> -> memref<128x128xf32, #tpu.memory_space<vmem_shared>>
      tpu.enqueue_dma source(%arg8 : memref<128x128xf32, #tpu.memory_space<vmem>>) target(%dma_start3A_144 : memref<128x128xf32, #tpu.memory_space<vmem_shared>>) target_semaphore(%run_scoped3A_140 : memref<!tpu.dma_semaphore, #tpu.memory_space<semaphore_mem>>)
      %dma_wait3A_145 = arith.constant 0 : i32
      %dma_wait3A_146 = tpu.memref_slice %arg10[%add3A_10, %dma_wait3A_145] : memref<10752x128xf32, #tpu.memory_space<vmem_shared>> -> memref<128x128xf32, #tpu.memory_space<vmem_shared>>
      %dma_wait3A_147 = arith.constant 0 : i32
      %dma_wait3A_148 = tpu.memref_slice %arg10[%add3A_10, %dma_wait3A_147] : memref<10752x128xf32, #tpu.memory_space<vmem_shared>> -> memref<128x128xf32, #tpu.memory_space<vmem_shared>>
      tpu.wait_dma2 semaphore(%run_scoped3A_140 : memref<!tpu.dma_semaphore, #tpu.memory_space<semaphore_mem>>) src(%arg8 : memref<128x128xf32, #tpu.memory_space<vmem>>) dst(%dma_wait3A_148 : memref<128x128xf32, #tpu.memory_space<vmem_shared>>)
      tpu.yield
    }) : () -> ()
    %mul3A_11 = arith.constant 640 : i32
    %mul3A_12 = arith.muli %arg1, %mul3A_11 : i32
    %add3A_13 = arith.constant 128 : i32
    %add3A_14 = arith.addi %mul3A_12, %add3A_13 : i32
    "tpu.region"() ({
      %run_scoped3A_140 = tpu.sem_alloc : memref<!tpu.dma_semaphore, #tpu.memory_space<semaphore_mem>>
      %dma_start3A_141 = arith.constant 0 : i32
      %dma_start3A_142 = tpu.memref_slice %arg10[%add3A_14, %dma_start3A_141] : memref<10752x128xf32, #tpu.memory_space<vmem_shared>> -> memref<128x128xf32, #tpu.memory_space<vmem_shared>>
      %dma_start3A_143 = arith.constant 0 : i32
      %dma_start3A_144 = tpu.memref_slice %arg10[%add3A_14, %dma_start3A_143] : memref<10752x128xf32, #tpu.memory_space<vmem_shared>> -> memref<128x128xf32, #tpu.memory_space<vmem_shared>>
      tpu.enqueue_dma source(%arg8 : memref<128x128xf32, #tpu.memory_space<vmem>>) target(%dma_start3A_144 : memref<128x128xf32, #tpu.memory_space<vmem_shared>>) target_semaphore(%run_scoped3A_140 : memref<!tpu.dma_semaphore, #tpu.memory_space<semaphore_mem>>)
      %dma_wait3A_145 = arith.constant 0 : i32
      %dma_wait3A_146 = tpu.memref_slice %arg10[%add3A_14, %dma_wait3A_145] : memref<10752x128xf32, #tpu.memory_space<vmem_shared>> -> memref<128x128xf32, #tpu.memory_space<vmem_shared>>
      %dma_wait3A_147 = arith.constant 0 : i32
      %dma_wait3A_148 = tpu.memref_slice %arg10[%add3A_14, %dma_wait3A_147] : memref<10752x128xf32, #tpu.memory_space<vmem_shared>> -> memref<128x128xf32, #tpu.memory_space<vmem_shared>>
      tpu.wait_dma2 semaphore(%run_scoped3A_140 : memref<!tpu.dma_semaphore, #tpu.memory_space<semaphore_mem>>) src(%arg8 : memref<128x128xf32, #tpu.memory_space<vmem>>) dst(%dma_wait3A_148 : memref<128x128xf32, #tpu.memory_space<vmem_shared>>)
      tpu.yield
    }) : () -> ()
    %mul3A_15 = arith.constant 640 : i32
    %mul3A_16 = arith.muli %arg1, %mul3A_15 : i32
    %add3A_17 = arith.constant 256 : i32
    %add3A_18 = arith.addi %mul3A_16, %add3A_17 : i32
    "tpu.region"() ({
      %run_scoped3A_140 = tpu.sem_alloc : memref<!tpu.dma_semaphore, #tpu.memory_space<semaphore_mem>>
      %dma_start3A_141 = arith.constant 0 : i32
      %dma_start3A_142 = tpu.memref_slice %arg10[%add3A_18, %dma_start3A_141] : memref<10752x128xf32, #tpu.memory_space<vmem_shared>> -> memref<128x128xf32, #tpu.memory_space<vmem_shared>>
      %dma_start3A_143 = arith.constant 0 : i32
      %dma_start3A_144 = tpu.memref_slice %arg10[%add3A_18, %dma_start3A_143] : memref<10752x128xf32, #tpu.memory_space<vmem_shared>> -> memref<128x128xf32, #tpu.memory_space<vmem_shared>>
      tpu.enqueue_dma source(%arg8 : memref<128x128xf32, #tpu.memory_space<vmem>>) target(%dma_start3A_144 : memref<128x128xf32, #tpu.memory_space<vmem_shared>>) target_semaphore(%run_scoped3A_140 : memref<!tpu.dma_semaphore, #tpu.memory_space<semaphore_mem>>)
      %dma_wait3A_145 = arith.constant 0 : i32
      %dma_wait3A_146 = tpu.memref_slice %arg10[%add3A_18, %dma_wait3A_145] : memref<10752x128xf32, #tpu.memory_space<vmem_shared>> -> memref<128x128xf32, #tpu.memory_space<vmem_shared>>
      %dma_wait3A_147 = arith.constant 0 : i32
      %dma_wait3A_148 = tpu.memref_slice %arg10[%add3A_18, %dma_wait3A_147] : memref<10752x128xf32, #tpu.memory_space<vmem_shared>> -> memref<128x128xf32, #tpu.memory_space<vmem_shared>>
      tpu.wait_dma2 semaphore(%run_scoped3A_140 : memref<!tpu.dma_semaphore, #tpu.memory_space<semaphore_mem>>) src(%arg8 : memref<128x128xf32, #tpu.memory_space<vmem>>) dst(%dma_wait3A_148 : memref<128x128xf32, #tpu.memory_space<vmem_shared>>)
      tpu.yield
    }) : () -> ()
    %mul3A_19 = arith.constant 640 : i32
    %mul3A_20 = arith.muli %arg1, %mul3A_19 : i32
    %add3A_21 = arith.constant 384 : i32
    %add3A_22 = arith.addi %mul3A_20, %add3A_21 : i32
    "tpu.region"() ({
      %run_scoped3A_140 = tpu.sem_alloc : memref<!tpu.dma_semaphore, #tpu.memory_space<semaphore_mem>>
      %dma_start3A_141 = arith.constant 0 : i32
      %dma_start3A_142 = tpu.memref_slice %arg10[%add3A_22, %dma_start3A_141] : memref<10752x128xf32, #tpu.memory_space<vmem_shared>> -> memref<128x128xf32, #tpu.memory_space<vmem_shared>>
      %dma_start3A_143 = arith.constant 0 : i32
      %dma_start3A_144 = tpu.memref_slice %arg10[%add3A_22, %dma_start3A_143] : memref<10752x128xf32, #tpu.memory_space<vmem_shared>> -> memref<128x128xf32, #tpu.memory_space<vmem_shared>>
      tpu.enqueue_dma source(%arg8 : memref<128x128xf32, #tpu.memory_space<vmem>>) target(%dma_start3A_144 : memref<128x128xf32, #tpu.memory_space<vmem_shared>>) target_semaphore(%run_scoped3A_140 : memref<!tpu.dma_semaphore, #tpu.memory_space<semaphore_mem>>)
      %dma_wait3A_145 = arith.constant 0 : i32
      %dma_wait3A_146 = tpu.memref_slice %arg10[%add3A_22, %dma_wait3A_145] : memref<10752x128xf32, #tpu.memory_space<vmem_shared>> -> memref<128x128xf32, #tpu.memory_space<vmem_shared>>
      %dma_wait3A_147 = arith.constant 0 : i32
      %dma_wait3A_148 = tpu.memref_slice %arg10[%add3A_22, %dma_wait3A_147] : memref<10752x128xf32, #tpu.memory_space<vmem_shared>> -> memref<128x128xf32, #tpu.memory_space<vmem_shared>>
      tpu.wait_dma2 semaphore(%run_scoped3A_140 : memref<!tpu.dma_semaphore, #tpu.memory_space<semaphore_mem>>) src(%arg8 : memref<128x128xf32, #tpu.memory_space<vmem>>) dst(%dma_wait3A_148 : memref<128x128xf32, #tpu.memory_space<vmem_shared>>)
      tpu.yield
    }) : () -> ()
    %mul3A_23 = arith.constant 640 : i32
    %mul3A_24 = arith.muli %arg1, %mul3A_23 : i32
    %add3A_25 = arith.constant 512 : i32
    %add3A_26 = arith.addi %mul3A_24, %add3A_25 : i32
    "tpu.region"() ({
      %run_scoped3A_140 = tpu.sem_alloc : memref<!tpu.dma_semaphore, #tpu.memory_space<semaphore_mem>>
      %dma_start3A_141 = arith.constant 0 : i32
      %dma_start3A_142 = tpu.memref_slice %arg10[%add3A_26, %dma_start3A_141] : memref<10752x128xf32, #tpu.memory_space<vmem_shared>> -> memref<128x128xf32, #tpu.memory_space<vmem_shared>>
      %dma_start3A_143 = arith.constant 0 : i32
      %dma_start3A_144 = tpu.memref_slice %arg10[%add3A_26, %dma_start3A_143] : memref<10752x128xf32, #tpu.memory_space<vmem_shared>> -> memref<128x128xf32, #tpu.memory_space<vmem_shared>>
      tpu.enqueue_dma source(%arg8 : memref<128x128xf32, #tpu.memory_space<vmem>>) target(%dma_start3A_144 : memref<128x128xf32, #tpu.memory_space<vmem_shared>>) target_semaphore(%run_scoped3A_140 : memref<!tpu.dma_semaphore, #tpu.memory_space<semaphore_mem>>)
      %dma_wait3A_145 = arith.constant 0 : i32
      %dma_wait3A_146 = tpu.memref_slice %arg10[%add3A_26, %dma_wait3A_145] : memref<10752x128xf32, #tpu.memory_space<vmem_shared>> -> memref<128x128xf32, #tpu.memory_space<vmem_shared>>
      %dma_wait3A_147 = arith.constant 0 : i32
      %dma_wait3A_148 = tpu.memref_slice %arg10[%add3A_26, %dma_wait3A_147] : memref<10752x128xf32, #tpu.memory_space<vmem_shared>> -> memref<128x128xf32, #tpu.memory_space<vmem_shared>>
      tpu.wait_dma2 semaphore(%run_scoped3A_140 : memref<!tpu.dma_semaphore, #tpu.memory_space<semaphore_mem>>) src(%arg8 : memref<128x128xf32, #tpu.memory_space<vmem>>) dst(%dma_wait3A_148 : memref<128x128xf32, #tpu.memory_space<vmem_shared>>)
      tpu.yield
    }) : () -> ()
    %barrier3A = arith.constant 0 : index
    tpu.barrier barrier_id(%barrier3A)
    "tpu.region"() ({
      %run_scoped3A_140 = tpu.sem_alloc : memref<!tpu.dma_semaphore, #tpu.memory_space<semaphore_mem>>
      %dma_start3A_141 = arith.constant 0 : i32
      %dma_start3A_142 = arith.constant 0 : i32
      %dma_start3A_143 = tpu.memref_slice %arg3[%add3A, %dma_start3A_141, %dma_start3A_142] : memref<32x120x128xi32, #tpu.memory_space<hbm>> -> memref<1x40x128xi32, #tpu.memory_space<hbm>>
      %dma_start3A_144 = tpu.memref_squeeze %dma_start3A_143 : memref<1x40x128xi32, #tpu.memory_space<hbm>> -> memref<40x128xi32, #tpu.memory_space<hbm>>
      %dma_start3A_145 = arith.constant 0 : i32
      %dma_start3A_146 = arith.constant 0 : i32
      %dma_start3A_147 = tpu.memref_slice %arg3[%add3A, %dma_start3A_145, %dma_start3A_146] : memref<32x120x128xi32, #tpu.memory_space<hbm>> -> memref<1x40x128xi32, #tpu.memory_space<hbm>>
      %dma_start3A_148 = tpu.memref_squeeze %dma_start3A_147 : memref<1x40x128xi32, #tpu.memory_space<hbm>> -> memref<40x128xi32, #tpu.memory_space<hbm>>
      tpu.enqueue_dma source(%dma_start3A_148 : memref<40x128xi32, #tpu.memory_space<hbm>>) target(%arg6 : memref<40x128xi32, #tpu.memory_space<vmem>>) target_semaphore(%run_scoped3A_140 : memref<!tpu.dma_semaphore, #tpu.memory_space<semaphore_mem>>)
      %dma_wait3A_149 = arith.constant 0 : i32
      %dma_wait3A_150 = arith.constant 0 : i32
      %dma_wait3A_151 = tpu.memref_slice %arg3[%add3A, %dma_wait3A_149, %dma_wait3A_150] : memref<32x120x128xi32, #tpu.memory_space<hbm>> -> memref<1x40x128xi32, #tpu.memory_space<hbm>>
      %dma_wait3A_152 = tpu.memref_squeeze %dma_wait3A_151 : memref<1x40x128xi32, #tpu.memory_space<hbm>> -> memref<40x128xi32, #tpu.memory_space<hbm>>
      %dma_wait3A_153 = arith.constant 0 : i32
      %dma_wait3A_154 = arith.constant 0 : i32
      %dma_wait3A_155 = tpu.memref_slice %arg3[%add3A, %dma_wait3A_153, %dma_wait3A_154] : memref<32x120x128xi32, #tpu.memory_space<hbm>> -> memref<1x40x128xi32, #tpu.memory_space<hbm>>
      %dma_wait3A_156 = tpu.memref_squeeze %dma_wait3A_155 : memref<1x40x128xi32, #tpu.memory_space<hbm>> -> memref<40x128xi32, #tpu.memory_space<hbm>>
      tpu.wait_dma2 semaphore(%run_scoped3A_140 : memref<!tpu.dma_semaphore, #tpu.memory_space<semaphore_mem>>) src(%dma_wait3A_156 : memref<40x128xi32, #tpu.memory_space<hbm>>) dst(%arg6 : memref<40x128xi32, #tpu.memory_space<vmem>>)
      tpu.yield
    }) : () -> ()
    "tpu.region"() ({
      %run_scoped3A_140 = tpu.sem_alloc : memref<!tpu.dma_semaphore, #tpu.memory_space<semaphore_mem>>
      %dma_start3A_141 = arith.constant 0 : i32
      %dma_start3A_142 = arith.constant 0 : i32
      %dma_start3A_143 = tpu.memref_slice %arg4[%add3A, %dma_start3A_141, %dma_start3A_142] : memref<32x120x128xi32, #tpu.memory_space<hbm>> -> memref<1x40x128xi32, #tpu.memory_space<hbm>>
      %dma_start3A_144 = tpu.memref_squeeze %dma_start3A_143 : memref<1x40x128xi32, #tpu.memory_space<hbm>> -> memref<40x128xi32, #tpu.memory_space<hbm>>
      %dma_start3A_145 = arith.constant 0 : i32
      %dma_start3A_146 = arith.constant 0 : i32
      %dma_start3A_147 = tpu.memref_slice %arg4[%add3A, %dma_start3A_145, %dma_start3A_146] : memref<32x120x128xi32, #tpu.memory_space<hbm>> -> memref<1x40x128xi32, #tpu.memory_space<hbm>>
      %dma_start3A_148 = tpu.memref_squeeze %dma_start3A_147 : memref<1x40x128xi32, #tpu.memory_space<hbm>> -> memref<40x128xi32, #tpu.memory_space<hbm>>
      tpu.enqueue_dma source(%dma_start3A_148 : memref<40x128xi32, #tpu.memory_space<hbm>>) target(%arg7 : memref<40x128xi32, #tpu.memory_space<vmem>>) target_semaphore(%run_scoped3A_140 : memref<!tpu.dma_semaphore, #tpu.memory_space<semaphore_mem>>)
      %dma_wait3A_149 = arith.constant 0 : i32
      %dma_wait3A_150 = arith.constant 0 : i32
      %dma_wait3A_151 = tpu.memref_slice %arg4[%add3A, %dma_wait3A_149, %dma_wait3A_150] : memref<32x120x128xi32, #tpu.memory_space<hbm>> -> memref<1x40x128xi32, #tpu.memory_space<hbm>>
      %dma_wait3A_152 = tpu.memref_squeeze %dma_wait3A_151 : memref<1x40x128xi32, #tpu.memory_space<hbm>> -> memref<40x128xi32, #tpu.memory_space<hbm>>
      %dma_wait3A_153 = arith.constant 0 : i32
      %dma_wait3A_154 = arith.constant 0 : i32
      %dma_wait3A_155 = tpu.memref_slice %arg4[%add3A, %dma_wait3A_153, %dma_wait3A_154] : memref<32x120x128xi32, #tpu.memory_space<hbm>> -> memref<1x40x128xi32, #tpu.memory_space<hbm>>
      %dma_wait3A_156 = tpu.memref_squeeze %dma_wait3A_155 : memref<1x40x128xi32, #tpu.memory_space<hbm>> -> memref<40x128xi32, #tpu.memory_space<hbm>>
      tpu.wait_dma2 semaphore(%run_scoped3A_140 : memref<!tpu.dma_semaphore, #tpu.memory_space<semaphore_mem>>) src(%dma_wait3A_156 : memref<40x128xi32, #tpu.memory_space<hbm>>) dst(%arg7 : memref<40x128xi32, #tpu.memory_space<vmem>>)
      tpu.yield
    }) : () -> ()
    %dma_start3A = arith.constant 0 : i32
    %dma_start3A_27 = arith.constant 0 : i32
    %dma_start3A_28 = tpu.memref_slice %arg6[%dma_start3A, %dma_start3A_27] : memref<40x128xi32, #tpu.memory_space<vmem>> -> memref<1x128xi32, #tpu.memory_space<vmem>>
    %dma_start3A_29 = tpu.memref_squeeze %dma_start3A_28 : memref<1x128xi32, #tpu.memory_space<vmem>> -> memref<128xi32, #tpu.memory_space<vmem>>
    %dma_start3A_30 = arith.constant 0 : i32
    %dma_start3A_31 = arith.constant 0 : i32
    %dma_start3A_32 = tpu.memref_slice %arg2[%dma_start3A_30, %dma_start3A_31] : memref<10000x128xf32, #tpu.memory_space<hbm>> -> memref<10000x128xf32, #tpu.memory_space<hbm>>
    tpu.enqueue_indirect_dma source(%dma_start3A_32 : memref<10000x128xf32, #tpu.memory_space<hbm>>) target(%arg8 : memref<128x128xf32, #tpu.memory_space<vmem>>) offsets(%dma_start3A_29 : memref<128xi32, #tpu.memory_space<vmem>>) semaphore(%arg11 : memref<!tpu.dma_semaphore, #tpu.memory_space<semaphore_mem>>)
    %dma_start3A_33 = arith.constant 1 : i32
    %dma_start3A_34 = arith.constant 0 : i32
    %dma_start3A_35 = tpu.memref_slice %arg6[%dma_start3A_33, %dma_start3A_34] : memref<40x128xi32, #tpu.memory_space<vmem>> -> memref<1x128xi32, #tpu.memory_space<vmem>>
    %dma_start3A_36 = tpu.memref_squeeze %dma_start3A_35 : memref<1x128xi32, #tpu.memory_space<vmem>> -> memref<128xi32, #tpu.memory_space<vmem>>
    %dma_start3A_37 = arith.constant 0 : i32
    %dma_start3A_38 = arith.constant 0 : i32
    %dma_start3A_39 = tpu.memref_slice %arg2[%dma_start3A_37, %dma_start3A_38] : memref<10000x128xf32, #tpu.memory_space<hbm>> -> memref<10000x128xf32, #tpu.memory_space<hbm>>
    tpu.enqueue_indirect_dma source(%dma_start3A_39 : memref<10000x128xf32, #tpu.memory_space<hbm>>) target(%arg9 : memref<128x128xf32, #tpu.memory_space<vmem>>) offsets(%dma_start3A_36 : memref<128xi32, #tpu.memory_space<vmem>>) semaphore(%arg12 : memref<!tpu.dma_semaphore, #tpu.memory_space<semaphore_mem>>)
    %scan3A_40 = arith.constant 0 : i32
    %scan3A_41 = arith.constant 0 : i32
    %scan3A_42 = arith.constant 19 : i32
    %scan3A_43 = arith.addi %scan3A_41, %scan3A_42 : i32
    %scan3A_44 = arith.constant 1 : i32
    %scan3A_45 = scf.for %scan3A_140 = %scan3A_41 to %scan3A_43 step %scan3A_44 iter_args(%scan3A_141 = %scan3A_40) -> (i32)  : i32 {
      %mul3A_142 = arith.constant 2 : i32
      %mul3A_143 = arith.muli %mul3A_142, %scan3A_140 : i32
      %dma_wait3A_144 = arith.constant 0 : i32
      %dma_wait3A_145 = tpu.memref_slice %arg6[%mul3A_143, %dma_wait3A_144] : memref<40x128xi32, #tpu.memory_space<vmem>> -> memref<1x128xi32, #tpu.memory_space<vmem>>
      %dma_wait3A_146 = tpu.memref_squeeze %dma_wait3A_145 : memref<1x128xi32, #tpu.memory_space<vmem>> -> memref<128xi32, #tpu.memory_space<vmem>>
      %dma_wait3A_147 = arith.constant 0 : i32
      %dma_wait3A_148 = arith.constant 0 : i32
      %dma_wait3A_149 = tpu.memref_slice %arg2[%dma_wait3A_147, %dma_wait3A_148] : memref<10000x128xf32, #tpu.memory_space<hbm>> -> memref<10000x128xf32, #tpu.memory_space<hbm>>
      tpu.wait_indirect_dma semaphore(%arg11 : memref<!tpu.dma_semaphore, #tpu.memory_space<semaphore_mem>>) src(%dma_wait3A_149 : memref<10000x128xf32, #tpu.memory_space<hbm>>) dst(%arg8 : memref<128x128xf32, #tpu.memory_space<vmem>>)
      "tpu.region"() ({
        %run_scoped3A_177 = tpu.sem_alloc : memref<!tpu.dma_semaphore, #tpu.memory_space<semaphore_mem>>
        %dma_start3A_178 = arith.constant 0 : i32
        %dma_start3A_179 = tpu.memref_slice %arg7[%mul3A_143, %dma_start3A_178] : memref<40x128xi32, #tpu.memory_space<vmem>> -> memref<1x128xi32, #tpu.memory_space<vmem>>
        %dma_start3A_180 = tpu.memref_squeeze %dma_start3A_179 : memref<1x128xi32, #tpu.memory_space<vmem>> -> memref<128xi32, #tpu.memory_space<vmem>>
        %dma_start3A_181 = arith.constant 0 : i32
        %dma_start3A_182 = arith.constant 0 : i32
        %dma_start3A_183 = tpu.memref_slice %arg10[%dma_start3A_181, %dma_start3A_182] : memref<10752x128xf32, #tpu.memory_space<vmem_shared>> -> memref<10752x128xf32, #tpu.memory_space<vmem_shared>>
        tpu.enqueue_indirect_dma source(%arg8 : memref<128x128xf32, #tpu.memory_space<vmem>>) target(%dma_start3A_183 : memref<10752x128xf32, #tpu.memory_space<vmem_shared>>) offsets(%dma_start3A_180 : memref<128xi32, #tpu.memory_space<vmem>>) semaphore(%run_scoped3A_177 : memref<!tpu.dma_semaphore, #tpu.memory_space<semaphore_mem>>) {add = true}
        %dma_wait3A_184 = arith.constant 0 : i32
        %dma_wait3A_185 = tpu.memref_slice %arg7[%mul3A_143, %dma_wait3A_184] : memref<40x128xi32, #tpu.memory_space<vmem>> -> memref<1x128xi32, #tpu.memory_space<vmem>>
        %dma_wait3A_186 = tpu.memref_squeeze %dma_wait3A_185 : memref<1x128xi32, #tpu.memory_space<vmem>> -> memref<128xi32, #tpu.memory_space<vmem>>
        %dma_wait3A_187 = arith.constant 0 : i32
        %dma_wait3A_188 = arith.constant 0 : i32
        %dma_wait3A_189 = tpu.memref_slice %arg10[%dma_wait3A_187, %dma_wait3A_188] : memref<10752x128xf32, #tpu.memory_space<vmem_shared>> -> memref<10752x128xf32, #tpu.memory_space<vmem_shared>>
        tpu.wait_indirect_dma semaphore(%run_scoped3A_177 : memref<!tpu.dma_semaphore, #tpu.memory_space<semaphore_mem>>) src(%arg8 : memref<128x128xf32, #tpu.memory_space<vmem>>) dst(%dma_wait3A_189 : memref<10752x128xf32, #tpu.memory_space<vmem_shared>>)
        tpu.yield
      }) : () -> ()
      %add3A_150 = arith.constant 2 : i32
      %add3A_151 = arith.addi %mul3A_143, %add3A_150 : i32
      %dma_start3A_152 = arith.constant 0 : i32
      %dma_start3A_153 = tpu.memref_slice %arg6[%add3A_151, %dma_start3A_152] : memref<40x128xi32, #tpu.memory_space<vmem>> -> memref<1x128xi32, #tpu.memory_space<vmem>>
      %dma_start3A_154 = tpu.memref_squeeze %dma_start3A_153 : memref<1x128xi32, #tpu.memory_space<vmem>> -> memref<128xi32, #tpu.memory_space<vmem>>
      %dma_start3A_155 = arith.constant 0 : i32
      %dma_start3A_156 = arith.constant 0 : i32
      %dma_start3A_157 = tpu.memref_slice %arg2[%dma_start3A_155, %dma_start3A_156] : memref<10000x128xf32, #tpu.memory_space<hbm>> -> memref<10000x128xf32, #tpu.memory_space<hbm>>
      tpu.enqueue_indirect_dma source(%dma_start3A_157 : memref<10000x128xf32, #tpu.memory_space<hbm>>) target(%arg8 : memref<128x128xf32, #tpu.memory_space<vmem>>) offsets(%dma_start3A_154 : memref<128xi32, #tpu.memory_space<vmem>>) semaphore(%arg11 : memref<!tpu.dma_semaphore, #tpu.memory_space<semaphore_mem>>)
      %add3A_158 = arith.constant 1 : i32
      %add3A_159 = arith.addi %mul3A_143, %add3A_158 : i32
      %dma_wait3A_160 = arith.constant 0 : i32
      %dma_wait3A_161 = tpu.memref_slice %arg6[%add3A_159, %dma_wait3A_160] : memref<40x128xi32, #tpu.memory_space<vmem>> -> memref<1x128xi32, #tpu.memory_space<vmem>>
      %dma_wait3A_162 = tpu.memref_squeeze %dma_wait3A_161 : memref<1x128xi32, #tpu.memory_space<vmem>> -> memref<128xi32, #tpu.memory_space<vmem>>
      %dma_wait3A_163 = arith.constant 0 : i32
      %dma_wait3A_164 = arith.constant 0 : i32
      %dma_wait3A_165 = tpu.memref_slice %arg2[%dma_wait3A_163, %dma_wait3A_164] : memref<10000x128xf32, #tpu.memory_space<hbm>> -> memref<10000x128xf32, #tpu.memory_space<hbm>>
      tpu.wait_indirect_dma semaphore(%arg12 : memref<!tpu.dma_semaphore, #tpu.memory_space<semaphore_mem>>) src(%dma_wait3A_165 : memref<10000x128xf32, #tpu.memory_space<hbm>>) dst(%arg9 : memref<128x128xf32, #tpu.memory_space<vmem>>)
      %add3A_166 = arith.constant 1 : i32
      %add3A_167 = arith.addi %mul3A_143, %add3A_166 : i32
      "tpu.region"() ({
        %run_scoped3A_177 = tpu.sem_alloc : memref<!tpu.dma_semaphore, #tpu.memory_space<semaphore_mem>>
        %dma_start3A_178 = arith.constant 0 : i32
        %dma_start3A_179 = tpu.memref_slice %arg7[%add3A_167, %dma_start3A_178] : memref<40x128xi32, #tpu.memory_space<vmem>> -> memref<1x128xi32, #tpu.memory_space<vmem>>
        %dma_start3A_180 = tpu.memref_squeeze %dma_start3A_179 : memref<1x128xi32, #tpu.memory_space<vmem>> -> memref<128xi32, #tpu.memory_space<vmem>>
        %dma_start3A_181 = arith.constant 0 : i32
        %dma_start3A_182 = arith.constant 0 : i32
        %dma_start3A_183 = tpu.memref_slice %arg10[%dma_start3A_181, %dma_start3A_182] : memref<10752x128xf32, #tpu.memory_space<vmem_shared>> -> memref<10752x128xf32, #tpu.memory_space<vmem_shared>>
        tpu.enqueue_indirect_dma source(%arg9 : memref<128x128xf32, #tpu.memory_space<vmem>>) target(%dma_start3A_183 : memref<10752x128xf32, #tpu.memory_space<vmem_shared>>) offsets(%dma_start3A_180 : memref<128xi32, #tpu.memory_space<vmem>>) semaphore(%run_scoped3A_177 : memref<!tpu.dma_semaphore, #tpu.memory_space<semaphore_mem>>) {add = true}
        %dma_wait3A_184 = arith.constant 0 : i32
        %dma_wait3A_185 = tpu.memref_slice %arg7[%add3A_167, %dma_wait3A_184] : memref<40x128xi32, #tpu.memory_space<vmem>> -> memref<1x128xi32, #tpu.memory_space<vmem>>
        %dma_wait3A_186 = tpu.memref_squeeze %dma_wait3A_185 : memref<1x128xi32, #tpu.memory_space<vmem>> -> memref<128xi32, #tpu.memory_space<vmem>>
        %dma_wait3A_187 = arith.constant 0 : i32
        %dma_wait3A_188 = arith.constant 0 : i32
        %dma_wait3A_189 = tpu.memref_slice %arg10[%dma_wait3A_187, %dma_wait3A_188] : memref<10752x128xf32, #tpu.memory_space<vmem_shared>> -> memref<10752x128xf32, #tpu.memory_space<vmem_shared>>
        tpu.wait_indirect_dma semaphore(%run_scoped3A_177 : memref<!tpu.dma_semaphore, #tpu.memory_space<semaphore_mem>>) src(%arg9 : memref<128x128xf32, #tpu.memory_space<vmem>>) dst(%dma_wait3A_189 : memref<10752x128xf32, #tpu.memory_space<vmem_shared>>)
        tpu.yield
      }) : () -> ()
      %add3A_168 = arith.constant 3 : i32
      %add3A_169 = arith.addi %mul3A_143, %add3A_168 : i32
      %dma_start3A_170 = arith.constant 0 : i32
      %dma_start3A_171 = tpu.memref_slice %arg6[%add3A_169, %dma_start3A_170] : memref<40x128xi32, #tpu.memory_space<vmem>> -> memref<1x128xi32, #tpu.memory_space<vmem>>
      %dma_start3A_172 = tpu.memref_squeeze %dma_start3A_171 : memref<1x128xi32, #tpu.memory_space<vmem>> -> memref<128xi32, #tpu.memory_space<vmem>>
      %dma_start3A_173 = arith.constant 0 : i32
      %dma_start3A_174 = arith.constant 0 : i32
      %dma_start3A_175 = tpu.memref_slice %arg2[%dma_start3A_173, %dma_start3A_174] : memref<10000x128xf32, #tpu.memory_space<hbm>> -> memref<10000x128xf32, #tpu.memory_space<hbm>>
      tpu.enqueue_indirect_dma source(%dma_start3A_175 : memref<10000x128xf32, #tpu.memory_space<hbm>>) target(%arg9 : memref<128x128xf32, #tpu.memory_space<vmem>>) offsets(%dma_start3A_172 : memref<128xi32, #tpu.memory_space<vmem>>) semaphore(%arg12 : memref<!tpu.dma_semaphore, #tpu.memory_space<semaphore_mem>>)
      %scan3A_176 = arith.constant 0 : i32
      scf.yield %scan3A_176 : i32
    }
    %scan3A_46 = arith.constant 19 : i32
    %dma_wait3A = arith.constant 38 : i32
    %dma_wait3A_47 = arith.constant 0 : i32
    %dma_wait3A_48 = tpu.memref_slice %arg6[%dma_wait3A, %dma_wait3A_47] : memref<40x128xi32, #tpu.memory_space<vmem>> -> memref<1x128xi32, #tpu.memory_space<vmem>>
    %dma_wait3A_49 = tpu.memref_squeeze %dma_wait3A_48 : memref<1x128xi32, #tpu.memory_space<vmem>> -> memref<128xi32, #tpu.memory_space<vmem>>
    %dma_wait3A_50 = arith.constant 0 : i32
    %dma_wait3A_51 = arith.constant 0 : i32
    %dma_wait3A_52 = tpu.memref_slice %arg2[%dma_wait3A_50, %dma_wait3A_51] : memref<10000x128xf32, #tpu.memory_space<hbm>> -> memref<10000x128xf32, #tpu.memory_space<hbm>>
    tpu.wait_indirect_dma semaphore(%arg11 : memref<!tpu.dma_semaphore, #tpu.memory_space<semaphore_mem>>) src(%dma_wait3A_52 : memref<10000x128xf32, #tpu.memory_space<hbm>>) dst(%arg8 : memref<128x128xf32, #tpu.memory_space<vmem>>)
    %run_scoped3A = arith.constant 38 : i32
    "tpu.region"() ({
      %run_scoped3A_140 = tpu.sem_alloc : memref<!tpu.dma_semaphore, #tpu.memory_space<semaphore_mem>>
      %dma_start3A_141 = arith.constant 0 : i32
      %dma_start3A_142 = tpu.memref_slice %arg7[%run_scoped3A, %dma_start3A_141] : memref<40x128xi32, #tpu.memory_space<vmem>> -> memref<1x128xi32, #tpu.memory_space<vmem>>
      %dma_start3A_143 = tpu.memref_squeeze %dma_start3A_142 : memref<1x128xi32, #tpu.memory_space<vmem>> -> memref<128xi32, #tpu.memory_space<vmem>>
      %dma_start3A_144 = arith.constant 0 : i32
      %dma_start3A_145 = arith.constant 0 : i32
      %dma_start3A_146 = tpu.memref_slice %arg10[%dma_start3A_144, %dma_start3A_145] : memref<10752x128xf32, #tpu.memory_space<vmem_shared>> -> memref<10752x128xf32, #tpu.memory_space<vmem_shared>>
      tpu.enqueue_indirect_dma source(%arg8 : memref<128x128xf32, #tpu.memory_space<vmem>>) target(%dma_start3A_146 : memref<10752x128xf32, #tpu.memory_space<vmem_shared>>) offsets(%dma_start3A_143 : memref<128xi32, #tpu.memory_space<vmem>>) semaphore(%run_scoped3A_140 : memref<!tpu.dma_semaphore, #tpu.memory_space<semaphore_mem>>) {add = true}
      %dma_wait3A_147 = arith.constant 0 : i32
      %dma_wait3A_148 = tpu.memref_slice %arg7[%run_scoped3A, %dma_wait3A_147] : memref<40x128xi32, #tpu.memory_space<vmem>> -> memref<1x128xi32, #tpu.memory_space<vmem>>
      %dma_wait3A_149 = tpu.memref_squeeze %dma_wait3A_148 : memref<1x128xi32, #tpu.memory_space<vmem>> -> memref<128xi32, #tpu.memory_space<vmem>>
      %dma_wait3A_150 = arith.constant 0 : i32
      %dma_wait3A_151 = arith.constant 0 : i32
      %dma_wait3A_152 = tpu.memref_slice %arg10[%dma_wait3A_150, %dma_wait3A_151] : memref<10752x128xf32, #tpu.memory_space<vmem_shared>> -> memref<10752x128xf32, #tpu.memory_space<vmem_shared>>
      tpu.wait_indirect_dma semaphore(%run_scoped3A_140 : memref<!tpu.dma_semaphore, #tpu.memory_space<semaphore_mem>>) src(%arg8 : memref<128x128xf32, #tpu.memory_space<vmem>>) dst(%dma_wait3A_152 : memref<10752x128xf32, #tpu.memory_space<vmem_shared>>)
      tpu.yield
    }) : () -> ()
    %dma_wait3A_53 = arith.constant 39 : i32
    %dma_wait3A_54 = arith.constant 0 : i32
    %dma_wait3A_55 = tpu.memref_slice %arg6[%dma_wait3A_53, %dma_wait3A_54] : memref<40x128xi32, #tpu.memory_space<vmem>> -> memref<1x128xi32, #tpu.memory_space<vmem>>
    %dma_wait3A_56 = tpu.memref_squeeze %dma_wait3A_55 : memref<1x128xi32, #tpu.memory_space<vmem>> -> memref<128xi32, #tpu.memory_space<vmem>>
    %dma_wait3A_57 = arith.constant 0 : i32
    %dma_wait3A_58 = arith.constant 0 : i32
    %dma_wait3A_59 = tpu.memref_slice %arg2[%dma_wait3A_57, %dma_wait3A_58] : memref<10000x128xf32, #tpu.memory_space<hbm>> -> memref<10000x128xf32, #tpu.memory_space<hbm>>
    tpu.wait_indirect_dma semaphore(%arg12 : memref<!tpu.dma_semaphore, #tpu.memory_space<semaphore_mem>>) src(%dma_wait3A_59 : memref<10000x128xf32, #tpu.memory_space<hbm>>) dst(%arg9 : memref<128x128xf32, #tpu.memory_space<vmem>>)
    %run_scoped3A_60 = arith.constant 39 : i32
    "tpu.region"() ({
      %run_scoped3A_140 = tpu.sem_alloc : memref<!tpu.dma_semaphore, #tpu.memory_space<semaphore_mem>>
      %dma_start3A_141 = arith.constant 0 : i32
      %dma_start3A_142 = tpu.memref_slice %arg7[%run_scoped3A_60, %dma_start3A_141] : memref<40x128xi32, #tpu.memory_space<vmem>> -> memref<1x128xi32, #tpu.memory_space<vmem>>
      %dma_start3A_143 = tpu.memref_squeeze %dma_start3A_142 : memref<1x128xi32, #tpu.memory_space<vmem>> -> memref<128xi32, #tpu.memory_space<vmem>>
      %dma_start3A_144 = arith.constant 0 : i32
      %dma_start3A_145 = arith.constant 0 : i32
      %dma_start3A_146 = tpu.memref_slice %arg10[%dma_start3A_144, %dma_start3A_145] : memref<10752x128xf32, #tpu.memory_space<vmem_shared>> -> memref<10752x128xf32, #tpu.memory_space<vmem_shared>>
      tpu.enqueue_indirect_dma source(%arg9 : memref<128x128xf32, #tpu.memory_space<vmem>>) target(%dma_start3A_146 : memref<10752x128xf32, #tpu.memory_space<vmem_shared>>) offsets(%dma_start3A_143 : memref<128xi32, #tpu.memory_space<vmem>>) semaphore(%run_scoped3A_140 : memref<!tpu.dma_semaphore, #tpu.memory_space<semaphore_mem>>) {add = true}
      %dma_wait3A_147 = arith.constant 0 : i32
      %dma_wait3A_148 = tpu.memref_slice %arg7[%run_scoped3A_60, %dma_wait3A_147] : memref<40x128xi32, #tpu.memory_space<vmem>> -> memref<1x128xi32, #tpu.memory_space<vmem>>
      %dma_wait3A_149 = tpu.memref_squeeze %dma_wait3A_148 : memref<1x128xi32, #tpu.memory_space<vmem>> -> memref<128xi32, #tpu.memory_space<vmem>>
      %dma_wait3A_150 = arith.constant 0 : i32
      %dma_wait3A_151 = arith.constant 0 : i32
      %dma_wait3A_152 = tpu.memref_slice %arg10[%dma_wait3A_150, %dma_wait3A_151] : memref<10752x128xf32, #tpu.memory_space<vmem_shared>> -> memref<10752x128xf32, #tpu.memory_space<vmem_shared>>
      tpu.wait_indirect_dma semaphore(%run_scoped3A_140 : memref<!tpu.dma_semaphore, #tpu.memory_space<semaphore_mem>>) src(%arg9 : memref<128x128xf32, #tpu.memory_space<vmem>>) dst(%dma_wait3A_152 : memref<10752x128xf32, #tpu.memory_space<vmem_shared>>)
      tpu.yield
    }) : () -> ()
    "tpu.region"() ({
      %run_scoped3A_140 = tpu.sem_alloc : memref<!tpu.dma_semaphore, #tpu.memory_space<semaphore_mem>>
      %dma_start3A_141 = arith.constant 40 : i32
      %dma_start3A_142 = arith.constant 0 : i32
      %dma_start3A_143 = tpu.memref_slice %arg3[%add3A, %dma_start3A_141, %dma_start3A_142] : memref<32x120x128xi32, #tpu.memory_space<hbm>> -> memref<1x40x128xi32, #tpu.memory_space<hbm>>
      %dma_start3A_144 = tpu.memref_squeeze %dma_start3A_143 : memref<1x40x128xi32, #tpu.memory_space<hbm>> -> memref<40x128xi32, #tpu.memory_space<hbm>>
      %dma_start3A_145 = arith.constant 40 : i32
      %dma_start3A_146 = arith.constant 0 : i32
      %dma_start3A_147 = tpu.memref_slice %arg3[%add3A, %dma_start3A_145, %dma_start3A_146] : memref<32x120x128xi32, #tpu.memory_space<hbm>> -> memref<1x40x128xi32, #tpu.memory_space<hbm>>
      %dma_start3A_148 = tpu.memref_squeeze %dma_start3A_147 : memref<1x40x128xi32, #tpu.memory_space<hbm>> -> memref<40x128xi32, #tpu.memory_space<hbm>>
      tpu.enqueue_dma source(%dma_start3A_148 : memref<40x128xi32, #tpu.memory_space<hbm>>) target(%arg6 : memref<40x128xi32, #tpu.memory_space<vmem>>) target_semaphore(%run_scoped3A_140 : memref<!tpu.dma_semaphore, #tpu.memory_space<semaphore_mem>>)
      %dma_wait3A_149 = arith.constant 40 : i32
      %dma_wait3A_150 = arith.constant 0 : i32
      %dma_wait3A_151 = tpu.memref_slice %arg3[%add3A, %dma_wait3A_149, %dma_wait3A_150] : memref<32x120x128xi32, #tpu.memory_space<hbm>> -> memref<1x40x128xi32, #tpu.memory_space<hbm>>
      %dma_wait3A_152 = tpu.memref_squeeze %dma_wait3A_151 : memref<1x40x128xi32, #tpu.memory_space<hbm>> -> memref<40x128xi32, #tpu.memory_space<hbm>>
      %dma_wait3A_153 = arith.constant 40 : i32
      %dma_wait3A_154 = arith.constant 0 : i32
      %dma_wait3A_155 = tpu.memref_slice %arg3[%add3A, %dma_wait3A_153, %dma_wait3A_154] : memref<32x120x128xi32, #tpu.memory_space<hbm>> -> memref<1x40x128xi32, #tpu.memory_space<hbm>>
      %dma_wait3A_156 = tpu.memref_squeeze %dma_wait3A_155 : memref<1x40x128xi32, #tpu.memory_space<hbm>> -> memref<40x128xi32, #tpu.memory_space<hbm>>
      tpu.wait_dma2 semaphore(%run_scoped3A_140 : memref<!tpu.dma_semaphore, #tpu.memory_space<semaphore_mem>>) src(%dma_wait3A_156 : memref<40x128xi32, #tpu.memory_space<hbm>>) dst(%arg6 : memref<40x128xi32, #tpu.memory_space<vmem>>)
      tpu.yield
    }) : () -> ()
    "tpu.region"() ({
      %run_scoped3A_140 = tpu.sem_alloc : memref<!tpu.dma_semaphore, #tpu.memory_space<semaphore_mem>>
      %dma_start3A_141 = arith.constant 40 : i32
      %dma_start3A_142 = arith.constant 0 : i32
      %dma_start3A_143 = tpu.memref_slice %arg4[%add3A, %dma_start3A_141, %dma_start3A_142] : memref<32x120x128xi32, #tpu.memory_space<hbm>> -> memref<1x40x128xi32, #tpu.memory_space<hbm>>
      %dma_start3A_144 = tpu.memref_squeeze %dma_start3A_143 : memref<1x40x128xi32, #tpu.memory_space<hbm>> -> memref<40x128xi32, #tpu.memory_space<hbm>>
      %dma_start3A_145 = arith.constant 40 : i32
      %dma_start3A_146 = arith.constant 0 : i32
      %dma_start3A_147 = tpu.memref_slice %arg4[%add3A, %dma_start3A_145, %dma_start3A_146] : memref<32x120x128xi32, #tpu.memory_space<hbm>> -> memref<1x40x128xi32, #tpu.memory_space<hbm>>
      %dma_start3A_148 = tpu.memref_squeeze %dma_start3A_147 : memref<1x40x128xi32, #tpu.memory_space<hbm>> -> memref<40x128xi32, #tpu.memory_space<hbm>>
      tpu.enqueue_dma source(%dma_start3A_148 : memref<40x128xi32, #tpu.memory_space<hbm>>) target(%arg7 : memref<40x128xi32, #tpu.memory_space<vmem>>) target_semaphore(%run_scoped3A_140 : memref<!tpu.dma_semaphore, #tpu.memory_space<semaphore_mem>>)
      %dma_wait3A_149 = arith.constant 40 : i32
      %dma_wait3A_150 = arith.constant 0 : i32
      %dma_wait3A_151 = tpu.memref_slice %arg4[%add3A, %dma_wait3A_149, %dma_wait3A_150] : memref<32x120x128xi32, #tpu.memory_space<hbm>> -> memref<1x40x128xi32, #tpu.memory_space<hbm>>
      %dma_wait3A_152 = tpu.memref_squeeze %dma_wait3A_151 : memref<1x40x128xi32, #tpu.memory_space<hbm>> -> memref<40x128xi32, #tpu.memory_space<hbm>>
      %dma_wait3A_153 = arith.constant 40 : i32
      %dma_wait3A_154 = arith.constant 0 : i32
      %dma_wait3A_155 = tpu.memref_slice %arg4[%add3A, %dma_wait3A_153, %dma_wait3A_154] : memref<32x120x128xi32, #tpu.memory_space<hbm>> -> memref<1x40x128xi32, #tpu.memory_space<hbm>>
      %dma_wait3A_156 = tpu.memref_squeeze %dma_wait3A_155 : memref<1x40x128xi32, #tpu.memory_space<hbm>> -> memref<40x128xi32, #tpu.memory_space<hbm>>
      tpu.wait_dma2 semaphore(%run_scoped3A_140 : memref<!tpu.dma_semaphore, #tpu.memory_space<semaphore_mem>>) src(%dma_wait3A_156 : memref<40x128xi32, #tpu.memory_space<hbm>>) dst(%arg7 : memref<40x128xi32, #tpu.memory_space<vmem>>)
      tpu.yield
    }) : () -> ()
    %dma_start3A_61 = arith.constant 0 : i32
    %dma_start3A_62 = arith.constant 0 : i32
    %dma_start3A_63 = tpu.memref_slice %arg6[%dma_start3A_61, %dma_start3A_62] : memref<40x128xi32, #tpu.memory_space<vmem>> -> memref<1x128xi32, #tpu.memory_space<vmem>>
    %dma_start3A_64 = tpu.memref_squeeze %dma_start3A_63 : memref<1x128xi32, #tpu.memory_space<vmem>> -> memref<128xi32, #tpu.memory_space<vmem>>
    %dma_start3A_65 = arith.constant 0 : i32
    %dma_start3A_66 = arith.constant 0 : i32
    %dma_start3A_67 = tpu.memref_slice %arg2[%dma_start3A_65, %dma_start3A_66] : memref<10000x128xf32, #tpu.memory_space<hbm>> -> memref<10000x128xf32, #tpu.memory_space<hbm>>
    tpu.enqueue_indirect_dma source(%dma_start3A_67 : memref<10000x128xf32, #tpu.memory_space<hbm>>) target(%arg8 : memref<128x128xf32, #tpu.memory_space<vmem>>) offsets(%dma_start3A_64 : memref<128xi32, #tpu.memory_space<vmem>>) semaphore(%arg11 : memref<!tpu.dma_semaphore, #tpu.memory_space<semaphore_mem>>)
    %dma_start3A_68 = arith.constant 1 : i32
    %dma_start3A_69 = arith.constant 0 : i32
    %dma_start3A_70 = tpu.memref_slice %arg6[%dma_start3A_68, %dma_start3A_69] : memref<40x128xi32, #tpu.memory_space<vmem>> -> memref<1x128xi32, #tpu.memory_space<vmem>>
    %dma_start3A_71 = tpu.memref_squeeze %dma_start3A_70 : memref<1x128xi32, #tpu.memory_space<vmem>> -> memref<128xi32, #tpu.memory_space<vmem>>
    %dma_start3A_72 = arith.constant 0 : i32
    %dma_start3A_73 = arith.constant 0 : i32
    %dma_start3A_74 = tpu.memref_slice %arg2[%dma_start3A_72, %dma_start3A_73] : memref<10000x128xf32, #tpu.memory_space<hbm>> -> memref<10000x128xf32, #tpu.memory_space<hbm>>
    tpu.enqueue_indirect_dma source(%dma_start3A_74 : memref<10000x128xf32, #tpu.memory_space<hbm>>) target(%arg9 : memref<128x128xf32, #tpu.memory_space<vmem>>) offsets(%dma_start3A_71 : memref<128xi32, #tpu.memory_space<vmem>>) semaphore(%arg12 : memref<!tpu.dma_semaphore, #tpu.memory_space<semaphore_mem>>)
    %scan3A_75 = arith.constant 0 : i32
    %scan3A_76 = arith.constant 0 : i32
    %scan3A_77 = arith.constant 19 : i32
    %scan3A_78 = arith.addi %scan3A_76, %scan3A_77 : i32
    %scan3A_79 = arith.constant 1 : i32
    %scan3A_80 = scf.for %scan3A_140 = %scan3A_76 to %scan3A_78 step %scan3A_79 iter_args(%scan3A_141 = %scan3A_75) -> (i32)  : i32 {
      %mul3A_142 = arith.constant 2 : i32
      %mul3A_143 = arith.muli %mul3A_142, %scan3A_140 : i32
      %dma_wait3A_144 = arith.constant 0 : i32
      %dma_wait3A_145 = tpu.memref_slice %arg6[%mul3A_143, %dma_wait3A_144] : memref<40x128xi32, #tpu.memory_space<vmem>> -> memref<1x128xi32, #tpu.memory_space<vmem>>
      %dma_wait3A_146 = tpu.memref_squeeze %dma_wait3A_145 : memref<1x128xi32, #tpu.memory_space<vmem>> -> memref<128xi32, #tpu.memory_space<vmem>>
      %dma_wait3A_147 = arith.constant 0 : i32
      %dma_wait3A_148 = arith.constant 0 : i32
      %dma_wait3A_149 = tpu.memref_slice %arg2[%dma_wait3A_147, %dma_wait3A_148] : memref<10000x128xf32, #tpu.memory_space<hbm>> -> memref<10000x128xf32, #tpu.memory_space<hbm>>
      tpu.wait_indirect_dma semaphore(%arg11 : memref<!tpu.dma_semaphore, #tpu.memory_space<semaphore_mem>>) src(%dma_wait3A_149 : memref<10000x128xf32, #tpu.memory_space<hbm>>) dst(%arg8 : memref<128x128xf32, #tpu.memory_space<vmem>>)
      "tpu.region"() ({
        %run_scoped3A_177 = tpu.sem_alloc : memref<!tpu.dma_semaphore, #tpu.memory_space<semaphore_mem>>
        %dma_start3A_178 = arith.constant 0 : i32
        %dma_start3A_179 = tpu.memref_slice %arg7[%mul3A_143, %dma_start3A_178] : memref<40x128xi32, #tpu.memory_space<vmem>> -> memref<1x128xi32, #tpu.memory_space<vmem>>
        %dma_start3A_180 = tpu.memref_squeeze %dma_start3A_179 : memref<1x128xi32, #tpu.memory_space<vmem>> -> memref<128xi32, #tpu.memory_space<vmem>>
        %dma_start3A_181 = arith.constant 0 : i32
        %dma_start3A_182 = arith.constant 0 : i32
        %dma_start3A_183 = tpu.memref_slice %arg10[%dma_start3A_181, %dma_start3A_182] : memref<10752x128xf32, #tpu.memory_space<vmem_shared>> -> memref<10752x128xf32, #tpu.memory_space<vmem_shared>>
        tpu.enqueue_indirect_dma source(%arg8 : memref<128x128xf32, #tpu.memory_space<vmem>>) target(%dma_start3A_183 : memref<10752x128xf32, #tpu.memory_space<vmem_shared>>) offsets(%dma_start3A_180 : memref<128xi32, #tpu.memory_space<vmem>>) semaphore(%run_scoped3A_177 : memref<!tpu.dma_semaphore, #tpu.memory_space<semaphore_mem>>) {add = true}
        %dma_wait3A_184 = arith.constant 0 : i32
        %dma_wait3A_185 = tpu.memref_slice %arg7[%mul3A_143, %dma_wait3A_184] : memref<40x128xi32, #tpu.memory_space<vmem>> -> memref<1x128xi32, #tpu.memory_space<vmem>>
        %dma_wait3A_186 = tpu.memref_squeeze %dma_wait3A_185 : memref<1x128xi32, #tpu.memory_space<vmem>> -> memref<128xi32, #tpu.memory_space<vmem>>
        %dma_wait3A_187 = arith.constant 0 : i32
        %dma_wait3A_188 = arith.constant 0 : i32
        %dma_wait3A_189 = tpu.memref_slice %arg10[%dma_wait3A_187, %dma_wait3A_188] : memref<10752x128xf32, #tpu.memory_space<vmem_shared>> -> memref<10752x128xf32, #tpu.memory_space<vmem_shared>>
        tpu.wait_indirect_dma semaphore(%run_scoped3A_177 : memref<!tpu.dma_semaphore, #tpu.memory_space<semaphore_mem>>) src(%arg8 : memref<128x128xf32, #tpu.memory_space<vmem>>) dst(%dma_wait3A_189 : memref<10752x128xf32, #tpu.memory_space<vmem_shared>>)
        tpu.yield
      }) : () -> ()
      %add3A_150 = arith.constant 2 : i32
      %add3A_151 = arith.addi %mul3A_143, %add3A_150 : i32
      %dma_start3A_152 = arith.constant 0 : i32
      %dma_start3A_153 = tpu.memref_slice %arg6[%add3A_151, %dma_start3A_152] : memref<40x128xi32, #tpu.memory_space<vmem>> -> memref<1x128xi32, #tpu.memory_space<vmem>>
      %dma_start3A_154 = tpu.memref_squeeze %dma_start3A_153 : memref<1x128xi32, #tpu.memory_space<vmem>> -> memref<128xi32, #tpu.memory_space<vmem>>
      %dma_start3A_155 = arith.constant 0 : i32
      %dma_start3A_156 = arith.constant 0 : i32
      %dma_start3A_157 = tpu.memref_slice %arg2[%dma_start3A_155, %dma_start3A_156] : memref<10000x128xf32, #tpu.memory_space<hbm>> -> memref<10000x128xf32, #tpu.memory_space<hbm>>
      tpu.enqueue_indirect_dma source(%dma_start3A_157 : memref<10000x128xf32, #tpu.memory_space<hbm>>) target(%arg8 : memref<128x128xf32, #tpu.memory_space<vmem>>) offsets(%dma_start3A_154 : memref<128xi32, #tpu.memory_space<vmem>>) semaphore(%arg11 : memref<!tpu.dma_semaphore, #tpu.memory_space<semaphore_mem>>)
      %add3A_158 = arith.constant 1 : i32
      %add3A_159 = arith.addi %mul3A_143, %add3A_158 : i32
      %dma_wait3A_160 = arith.constant 0 : i32
      %dma_wait3A_161 = tpu.memref_slice %arg6[%add3A_159, %dma_wait3A_160] : memref<40x128xi32, #tpu.memory_space<vmem>> -> memref<1x128xi32, #tpu.memory_space<vmem>>
      %dma_wait3A_162 = tpu.memref_squeeze %dma_wait3A_161 : memref<1x128xi32, #tpu.memory_space<vmem>> -> memref<128xi32, #tpu.memory_space<vmem>>
      %dma_wait3A_163 = arith.constant 0 : i32
      %dma_wait3A_164 = arith.constant 0 : i32
      %dma_wait3A_165 = tpu.memref_slice %arg2[%dma_wait3A_163, %dma_wait3A_164] : memref<10000x128xf32, #tpu.memory_space<hbm>> -> memref<10000x128xf32, #tpu.memory_space<hbm>>
      tpu.wait_indirect_dma semaphore(%arg12 : memref<!tpu.dma_semaphore, #tpu.memory_space<semaphore_mem>>) src(%dma_wait3A_165 : memref<10000x128xf32, #tpu.memory_space<hbm>>) dst(%arg9 : memref<128x128xf32, #tpu.memory_space<vmem>>)
      %add3A_166 = arith.constant 1 : i32
      %add3A_167 = arith.addi %mul3A_143, %add3A_166 : i32
      "tpu.region"() ({
        %run_scoped3A_177 = tpu.sem_alloc : memref<!tpu.dma_semaphore, #tpu.memory_space<semaphore_mem>>
        %dma_start3A_178 = arith.constant 0 : i32
        %dma_start3A_179 = tpu.memref_slice %arg7[%add3A_167, %dma_start3A_178] : memref<40x128xi32, #tpu.memory_space<vmem>> -> memref<1x128xi32, #tpu.memory_space<vmem>>
        %dma_start3A_180 = tpu.memref_squeeze %dma_start3A_179 : memref<1x128xi32, #tpu.memory_space<vmem>> -> memref<128xi32, #tpu.memory_space<vmem>>
        %dma_start3A_181 = arith.constant 0 : i32
        %dma_start3A_182 = arith.constant 0 : i32
        %dma_start3A_183 = tpu.memref_slice %arg10[%dma_start3A_181, %dma_start3A_182] : memref<10752x128xf32, #tpu.memory_space<vmem_shared>> -> memref<10752x128xf32, #tpu.memory_space<vmem_shared>>
        tpu.enqueue_indirect_dma source(%arg9 : memref<128x128xf32, #tpu.memory_space<vmem>>) target(%dma_start3A_183 : memref<10752x128xf32, #tpu.memory_space<vmem_shared>>) offsets(%dma_start3A_180 : memref<128xi32, #tpu.memory_space<vmem>>) semaphore(%run_scoped3A_177 : memref<!tpu.dma_semaphore, #tpu.memory_space<semaphore_mem>>) {add = true}
        %dma_wait3A_184 = arith.constant 0 : i32
        %dma_wait3A_185 = tpu.memref_slice %arg7[%add3A_167, %dma_wait3A_184] : memref<40x128xi32, #tpu.memory_space<vmem>> -> memref<1x128xi32, #tpu.memory_space<vmem>>
        %dma_wait3A_186 = tpu.memref_squeeze %dma_wait3A_185 : memref<1x128xi32, #tpu.memory_space<vmem>> -> memref<128xi32, #tpu.memory_space<vmem>>
        %dma_wait3A_187 = arith.constant 0 : i32
        %dma_wait3A_188 = arith.constant 0 : i32
        %dma_wait3A_189 = tpu.memref_slice %arg10[%dma_wait3A_187, %dma_wait3A_188] : memref<10752x128xf32, #tpu.memory_space<vmem_shared>> -> memref<10752x128xf32, #tpu.memory_space<vmem_shared>>
        tpu.wait_indirect_dma semaphore(%run_scoped3A_177 : memref<!tpu.dma_semaphore, #tpu.memory_space<semaphore_mem>>) src(%arg9 : memref<128x128xf32, #tpu.memory_space<vmem>>) dst(%dma_wait3A_189 : memref<10752x128xf32, #tpu.memory_space<vmem_shared>>)
        tpu.yield
      }) : () -> ()
      %add3A_168 = arith.constant 3 : i32
      %add3A_169 = arith.addi %mul3A_143, %add3A_168 : i32
      %dma_start3A_170 = arith.constant 0 : i32
      %dma_start3A_171 = tpu.memref_slice %arg6[%add3A_169, %dma_start3A_170] : memref<40x128xi32, #tpu.memory_space<vmem>> -> memref<1x128xi32, #tpu.memory_space<vmem>>
      %dma_start3A_172 = tpu.memref_squeeze %dma_start3A_171 : memref<1x128xi32, #tpu.memory_space<vmem>> -> memref<128xi32, #tpu.memory_space<vmem>>
      %dma_start3A_173 = arith.constant 0 : i32
      %dma_start3A_174 = arith.constant 0 : i32
      %dma_start3A_175 = tpu.memref_slice %arg2[%dma_start3A_173, %dma_start3A_174] : memref<10000x128xf32, #tpu.memory_space<hbm>> -> memref<10000x128xf32, #tpu.memory_space<hbm>>
      tpu.enqueue_indirect_dma source(%dma_start3A_175 : memref<10000x128xf32, #tpu.memory_space<hbm>>) target(%arg9 : memref<128x128xf32, #tpu.memory_space<vmem>>) offsets(%dma_start3A_172 : memref<128xi32, #tpu.memory_space<vmem>>) semaphore(%arg12 : memref<!tpu.dma_semaphore, #tpu.memory_space<semaphore_mem>>)
      %scan3A_176 = arith.constant 0 : i32
      scf.yield %scan3A_176 : i32
    }
    %scan3A_81 = arith.constant 19 : i32
    %dma_wait3A_82 = arith.constant 38 : i32
    %dma_wait3A_83 = arith.constant 0 : i32
    %dma_wait3A_84 = tpu.memref_slice %arg6[%dma_wait3A_82, %dma_wait3A_83] : memref<40x128xi32, #tpu.memory_space<vmem>> -> memref<1x128xi32, #tpu.memory_space<vmem>>
    %dma_wait3A_85 = tpu.memref_squeeze %dma_wait3A_84 : memref<1x128xi32, #tpu.memory_space<vmem>> -> memref<128xi32, #tpu.memory_space<vmem>>
    %dma_wait3A_86 = arith.constant 0 : i32
    %dma_wait3A_87 = arith.constant 0 : i32
    %dma_wait3A_88 = tpu.memref_slice %arg2[%dma_wait3A_86, %dma_wait3A_87] : memref<10000x128xf32, #tpu.memory_space<hbm>> -> memref<10000x128xf32, #tpu.memory_space<hbm>>
    tpu.wait_indirect_dma semaphore(%arg11 : memref<!tpu.dma_semaphore, #tpu.memory_space<semaphore_mem>>) src(%dma_wait3A_88 : memref<10000x128xf32, #tpu.memory_space<hbm>>) dst(%arg8 : memref<128x128xf32, #tpu.memory_space<vmem>>)
    %run_scoped3A_89 = arith.constant 38 : i32
    "tpu.region"() ({
      %run_scoped3A_140 = tpu.sem_alloc : memref<!tpu.dma_semaphore, #tpu.memory_space<semaphore_mem>>
      %dma_start3A_141 = arith.constant 0 : i32
      %dma_start3A_142 = tpu.memref_slice %arg7[%run_scoped3A_89, %dma_start3A_141] : memref<40x128xi32, #tpu.memory_space<vmem>> -> memref<1x128xi32, #tpu.memory_space<vmem>>
      %dma_start3A_143 = tpu.memref_squeeze %dma_start3A_142 : memref<1x128xi32, #tpu.memory_space<vmem>> -> memref<128xi32, #tpu.memory_space<vmem>>
      %dma_start3A_144 = arith.constant 0 : i32
      %dma_start3A_145 = arith.constant 0 : i32
      %dma_start3A_146 = tpu.memref_slice %arg10[%dma_start3A_144, %dma_start3A_145] : memref<10752x128xf32, #tpu.memory_space<vmem_shared>> -> memref<10752x128xf32, #tpu.memory_space<vmem_shared>>
      tpu.enqueue_indirect_dma source(%arg8 : memref<128x128xf32, #tpu.memory_space<vmem>>) target(%dma_start3A_146 : memref<10752x128xf32, #tpu.memory_space<vmem_shared>>) offsets(%dma_start3A_143 : memref<128xi32, #tpu.memory_space<vmem>>) semaphore(%run_scoped3A_140 : memref<!tpu.dma_semaphore, #tpu.memory_space<semaphore_mem>>) {add = true}
      %dma_wait3A_147 = arith.constant 0 : i32
      %dma_wait3A_148 = tpu.memref_slice %arg7[%run_scoped3A_89, %dma_wait3A_147] : memref<40x128xi32, #tpu.memory_space<vmem>> -> memref<1x128xi32, #tpu.memory_space<vmem>>
      %dma_wait3A_149 = tpu.memref_squeeze %dma_wait3A_148 : memref<1x128xi32, #tpu.memory_space<vmem>> -> memref<128xi32, #tpu.memory_space<vmem>>
      %dma_wait3A_150 = arith.constant 0 : i32
      %dma_wait3A_151 = arith.constant 0 : i32
      %dma_wait3A_152 = tpu.memref_slice %arg10[%dma_wait3A_150, %dma_wait3A_151] : memref<10752x128xf32, #tpu.memory_space<vmem_shared>> -> memref<10752x128xf32, #tpu.memory_space<vmem_shared>>
      tpu.wait_indirect_dma semaphore(%run_scoped3A_140 : memref<!tpu.dma_semaphore, #tpu.memory_space<semaphore_mem>>) src(%arg8 : memref<128x128xf32, #tpu.memory_space<vmem>>) dst(%dma_wait3A_152 : memref<10752x128xf32, #tpu.memory_space<vmem_shared>>)
      tpu.yield
    }) : () -> ()
    %dma_wait3A_90 = arith.constant 39 : i32
    %dma_wait3A_91 = arith.constant 0 : i32
    %dma_wait3A_92 = tpu.memref_slice %arg6[%dma_wait3A_90, %dma_wait3A_91] : memref<40x128xi32, #tpu.memory_space<vmem>> -> memref<1x128xi32, #tpu.memory_space<vmem>>
    %dma_wait3A_93 = tpu.memref_squeeze %dma_wait3A_92 : memref<1x128xi32, #tpu.memory_space<vmem>> -> memref<128xi32, #tpu.memory_space<vmem>>
    %dma_wait3A_94 = arith.constant 0 : i32
    %dma_wait3A_95 = arith.constant 0 : i32
    %dma_wait3A_96 = tpu.memref_slice %arg2[%dma_wait3A_94, %dma_wait3A_95] : memref<10000x128xf32, #tpu.memory_space<hbm>> -> memref<10000x128xf32, #tpu.memory_space<hbm>>
    tpu.wait_indirect_dma semaphore(%arg12 : memref<!tpu.dma_semaphore, #tpu.memory_space<semaphore_mem>>) src(%dma_wait3A_96 : memref<10000x128xf32, #tpu.memory_space<hbm>>) dst(%arg9 : memref<128x128xf32, #tpu.memory_space<vmem>>)
    %run_scoped3A_97 = arith.constant 39 : i32
    "tpu.region"() ({
      %run_scoped3A_140 = tpu.sem_alloc : memref<!tpu.dma_semaphore, #tpu.memory_space<semaphore_mem>>
      %dma_start3A_141 = arith.constant 0 : i32
      %dma_start3A_142 = tpu.memref_slice %arg7[%run_scoped3A_97, %dma_start3A_141] : memref<40x128xi32, #tpu.memory_space<vmem>> -> memref<1x128xi32, #tpu.memory_space<vmem>>
      %dma_start3A_143 = tpu.memref_squeeze %dma_start3A_142 : memref<1x128xi32, #tpu.memory_space<vmem>> -> memref<128xi32, #tpu.memory_space<vmem>>
      %dma_start3A_144 = arith.constant 0 : i32
      %dma_start3A_145 = arith.constant 0 : i32
      %dma_start3A_146 = tpu.memref_slice %arg10[%dma_start3A_144, %dma_start3A_145] : memref<10752x128xf32, #tpu.memory_space<vmem_shared>> -> memref<10752x128xf32, #tpu.memory_space<vmem_shared>>
      tpu.enqueue_indirect_dma source(%arg9 : memref<128x128xf32, #tpu.memory_space<vmem>>) target(%dma_start3A_146 : memref<10752x128xf32, #tpu.memory_space<vmem_shared>>) offsets(%dma_start3A_143 : memref<128xi32, #tpu.memory_space<vmem>>) semaphore(%run_scoped3A_140 : memref<!tpu.dma_semaphore, #tpu.memory_space<semaphore_mem>>) {add = true}
      %dma_wait3A_147 = arith.constant 0 : i32
      %dma_wait3A_148 = tpu.memref_slice %arg7[%run_scoped3A_97, %dma_wait3A_147] : memref<40x128xi32, #tpu.memory_space<vmem>> -> memref<1x128xi32, #tpu.memory_space<vmem>>
      %dma_wait3A_149 = tpu.memref_squeeze %dma_wait3A_148 : memref<1x128xi32, #tpu.memory_space<vmem>> -> memref<128xi32, #tpu.memory_space<vmem>>
      %dma_wait3A_150 = arith.constant 0 : i32
      %dma_wait3A_151 = arith.constant 0 : i32
      %dma_wait3A_152 = tpu.memref_slice %arg10[%dma_wait3A_150, %dma_wait3A_151] : memref<10752x128xf32, #tpu.memory_space<vmem_shared>> -> memref<10752x128xf32, #tpu.memory_space<vmem_shared>>
      tpu.wait_indirect_dma semaphore(%run_scoped3A_140 : memref<!tpu.dma_semaphore, #tpu.memory_space<semaphore_mem>>) src(%arg9 : memref<128x128xf32, #tpu.memory_space<vmem>>) dst(%dma_wait3A_152 : memref<10752x128xf32, #tpu.memory_space<vmem_shared>>)
      tpu.yield
    }) : () -> ()
    "tpu.region"() ({
      %run_scoped3A_140 = tpu.sem_alloc : memref<!tpu.dma_semaphore, #tpu.memory_space<semaphore_mem>>
      %dma_start3A_141 = arith.constant 80 : i32
      %dma_start3A_142 = arith.constant 0 : i32
      %dma_start3A_143 = tpu.memref_slice %arg3[%add3A, %dma_start3A_141, %dma_start3A_142] : memref<32x120x128xi32, #tpu.memory_space<hbm>> -> memref<1x40x128xi32, #tpu.memory_space<hbm>>
      %dma_start3A_144 = tpu.memref_squeeze %dma_start3A_143 : memref<1x40x128xi32, #tpu.memory_space<hbm>> -> memref<40x128xi32, #tpu.memory_space<hbm>>
      %dma_start3A_145 = arith.constant 80 : i32
      %dma_start3A_146 = arith.constant 0 : i32
      %dma_start3A_147 = tpu.memref_slice %arg3[%add3A, %dma_start3A_145, %dma_start3A_146] : memref<32x120x128xi32, #tpu.memory_space<hbm>> -> memref<1x40x128xi32, #tpu.memory_space<hbm>>
      %dma_start3A_148 = tpu.memref_squeeze %dma_start3A_147 : memref<1x40x128xi32, #tpu.memory_space<hbm>> -> memref<40x128xi32, #tpu.memory_space<hbm>>
      tpu.enqueue_dma source(%dma_start3A_148 : memref<40x128xi32, #tpu.memory_space<hbm>>) target(%arg6 : memref<40x128xi32, #tpu.memory_space<vmem>>) target_semaphore(%run_scoped3A_140 : memref<!tpu.dma_semaphore, #tpu.memory_space<semaphore_mem>>)
      %dma_wait3A_149 = arith.constant 80 : i32
      %dma_wait3A_150 = arith.constant 0 : i32
      %dma_wait3A_151 = tpu.memref_slice %arg3[%add3A, %dma_wait3A_149, %dma_wait3A_150] : memref<32x120x128xi32, #tpu.memory_space<hbm>> -> memref<1x40x128xi32, #tpu.memory_space<hbm>>
      %dma_wait3A_152 = tpu.memref_squeeze %dma_wait3A_151 : memref<1x40x128xi32, #tpu.memory_space<hbm>> -> memref<40x128xi32, #tpu.memory_space<hbm>>
      %dma_wait3A_153 = arith.constant 80 : i32
      %dma_wait3A_154 = arith.constant 0 : i32
      %dma_wait3A_155 = tpu.memref_slice %arg3[%add3A, %dma_wait3A_153, %dma_wait3A_154] : memref<32x120x128xi32, #tpu.memory_space<hbm>> -> memref<1x40x128xi32, #tpu.memory_space<hbm>>
      %dma_wait3A_156 = tpu.memref_squeeze %dma_wait3A_155 : memref<1x40x128xi32, #tpu.memory_space<hbm>> -> memref<40x128xi32, #tpu.memory_space<hbm>>
      tpu.wait_dma2 semaphore(%run_scoped3A_140 : memref<!tpu.dma_semaphore, #tpu.memory_space<semaphore_mem>>) src(%dma_wait3A_156 : memref<40x128xi32, #tpu.memory_space<hbm>>) dst(%arg6 : memref<40x128xi32, #tpu.memory_space<vmem>>)
      tpu.yield
    }) : () -> ()
    "tpu.region"() ({
      %run_scoped3A_140 = tpu.sem_alloc : memref<!tpu.dma_semaphore, #tpu.memory_space<semaphore_mem>>
      %dma_start3A_141 = arith.constant 80 : i32
      %dma_start3A_142 = arith.constant 0 : i32
      %dma_start3A_143 = tpu.memref_slice %arg4[%add3A, %dma_start3A_141, %dma_start3A_142] : memref<32x120x128xi32, #tpu.memory_space<hbm>> -> memref<1x40x128xi32, #tpu.memory_space<hbm>>
      %dma_start3A_144 = tpu.memref_squeeze %dma_start3A_143 : memref<1x40x128xi32, #tpu.memory_space<hbm>> -> memref<40x128xi32, #tpu.memory_space<hbm>>
      %dma_start3A_145 = arith.constant 80 : i32
      %dma_start3A_146 = arith.constant 0 : i32
      %dma_start3A_147 = tpu.memref_slice %arg4[%add3A, %dma_start3A_145, %dma_start3A_146] : memref<32x120x128xi32, #tpu.memory_space<hbm>> -> memref<1x40x128xi32, #tpu.memory_space<hbm>>
      %dma_start3A_148 = tpu.memref_squeeze %dma_start3A_147 : memref<1x40x128xi32, #tpu.memory_space<hbm>> -> memref<40x128xi32, #tpu.memory_space<hbm>>
      tpu.enqueue_dma source(%dma_start3A_148 : memref<40x128xi32, #tpu.memory_space<hbm>>) target(%arg7 : memref<40x128xi32, #tpu.memory_space<vmem>>) target_semaphore(%run_scoped3A_140 : memref<!tpu.dma_semaphore, #tpu.memory_space<semaphore_mem>>)
      %dma_wait3A_149 = arith.constant 80 : i32
      %dma_wait3A_150 = arith.constant 0 : i32
      %dma_wait3A_151 = tpu.memref_slice %arg4[%add3A, %dma_wait3A_149, %dma_wait3A_150] : memref<32x120x128xi32, #tpu.memory_space<hbm>> -> memref<1x40x128xi32, #tpu.memory_space<hbm>>
      %dma_wait3A_152 = tpu.memref_squeeze %dma_wait3A_151 : memref<1x40x128xi32, #tpu.memory_space<hbm>> -> memref<40x128xi32, #tpu.memory_space<hbm>>
      %dma_wait3A_153 = arith.constant 80 : i32
      %dma_wait3A_154 = arith.constant 0 : i32
      %dma_wait3A_155 = tpu.memref_slice %arg4[%add3A, %dma_wait3A_153, %dma_wait3A_154] : memref<32x120x128xi32, #tpu.memory_space<hbm>> -> memref<1x40x128xi32, #tpu.memory_space<hbm>>
      %dma_wait3A_156 = tpu.memref_squeeze %dma_wait3A_155 : memref<1x40x128xi32, #tpu.memory_space<hbm>> -> memref<40x128xi32, #tpu.memory_space<hbm>>
      tpu.wait_dma2 semaphore(%run_scoped3A_140 : memref<!tpu.dma_semaphore, #tpu.memory_space<semaphore_mem>>) src(%dma_wait3A_156 : memref<40x128xi32, #tpu.memory_space<hbm>>) dst(%arg7 : memref<40x128xi32, #tpu.memory_space<vmem>>)
      tpu.yield
    }) : () -> ()
    %dma_start3A_98 = arith.constant 0 : i32
    %dma_start3A_99 = arith.constant 0 : i32
    %dma_start3A_100 = tpu.memref_slice %arg6[%dma_start3A_98, %dma_start3A_99] : memref<40x128xi32, #tpu.memory_space<vmem>> -> memref<1x128xi32, #tpu.memory_space<vmem>>
    %dma_start3A_101 = tpu.memref_squeeze %dma_start3A_100 : memref<1x128xi32, #tpu.memory_space<vmem>> -> memref<128xi32, #tpu.memory_space<vmem>>
    %dma_start3A_102 = arith.constant 0 : i32
    %dma_start3A_103 = arith.constant 0 : i32
    %dma_start3A_104 = tpu.memref_slice %arg2[%dma_start3A_102, %dma_start3A_103] : memref<10000x128xf32, #tpu.memory_space<hbm>> -> memref<10000x128xf32, #tpu.memory_space<hbm>>
    tpu.enqueue_indirect_dma source(%dma_start3A_104 : memref<10000x128xf32, #tpu.memory_space<hbm>>) target(%arg8 : memref<128x128xf32, #tpu.memory_space<vmem>>) offsets(%dma_start3A_101 : memref<128xi32, #tpu.memory_space<vmem>>) semaphore(%arg11 : memref<!tpu.dma_semaphore, #tpu.memory_space<semaphore_mem>>)
    %dma_start3A_105 = arith.constant 1 : i32
    %dma_start3A_106 = arith.constant 0 : i32
    %dma_start3A_107 = tpu.memref_slice %arg6[%dma_start3A_105, %dma_start3A_106] : memref<40x128xi32, #tpu.memory_space<vmem>> -> memref<1x128xi32, #tpu.memory_space<vmem>>
    %dma_start3A_108 = tpu.memref_squeeze %dma_start3A_107 : memref<1x128xi32, #tpu.memory_space<vmem>> -> memref<128xi32, #tpu.memory_space<vmem>>
    %dma_start3A_109 = arith.constant 0 : i32
    %dma_start3A_110 = arith.constant 0 : i32
    %dma_start3A_111 = tpu.memref_slice %arg2[%dma_start3A_109, %dma_start3A_110] : memref<10000x128xf32, #tpu.memory_space<hbm>> -> memref<10000x128xf32, #tpu.memory_space<hbm>>
    tpu.enqueue_indirect_dma source(%dma_start3A_111 : memref<10000x128xf32, #tpu.memory_space<hbm>>) target(%arg9 : memref<128x128xf32, #tpu.memory_space<vmem>>) offsets(%dma_start3A_108 : memref<128xi32, #tpu.memory_space<vmem>>) semaphore(%arg12 : memref<!tpu.dma_semaphore, #tpu.memory_space<semaphore_mem>>)
    %scan3A_112 = arith.constant 0 : i32
    %scan3A_113 = arith.constant 0 : i32
    %scan3A_114 = arith.constant 19 : i32
    %scan3A_115 = arith.addi %scan3A_113, %scan3A_114 : i32
    %scan3A_116 = arith.constant 1 : i32
    %scan3A_117 = scf.for %scan3A_140 = %scan3A_113 to %scan3A_115 step %scan3A_116 iter_args(%scan3A_141 = %scan3A_112) -> (i32)  : i32 {
      %mul3A_142 = arith.constant 2 : i32
      %mul3A_143 = arith.muli %mul3A_142, %scan3A_140 : i32
      %dma_wait3A_144 = arith.constant 0 : i32
      %dma_wait3A_145 = tpu.memref_slice %arg6[%mul3A_143, %dma_wait3A_144] : memref<40x128xi32, #tpu.memory_space<vmem>> -> memref<1x128xi32, #tpu.memory_space<vmem>>
      %dma_wait3A_146 = tpu.memref_squeeze %dma_wait3A_145 : memref<1x128xi32, #tpu.memory_space<vmem>> -> memref<128xi32, #tpu.memory_space<vmem>>
      %dma_wait3A_147 = arith.constant 0 : i32
      %dma_wait3A_148 = arith.constant 0 : i32
      %dma_wait3A_149 = tpu.memref_slice %arg2[%dma_wait3A_147, %dma_wait3A_148] : memref<10000x128xf32, #tpu.memory_space<hbm>> -> memref<10000x128xf32, #tpu.memory_space<hbm>>
      tpu.wait_indirect_dma semaphore(%arg11 : memref<!tpu.dma_semaphore, #tpu.memory_space<semaphore_mem>>) src(%dma_wait3A_149 : memref<10000x128xf32, #tpu.memory_space<hbm>>) dst(%arg8 : memref<128x128xf32, #tpu.memory_space<vmem>>)
      "tpu.region"() ({
        %run_scoped3A_177 = tpu.sem_alloc : memref<!tpu.dma_semaphore, #tpu.memory_space<semaphore_mem>>
        %dma_start3A_178 = arith.constant 0 : i32
        %dma_start3A_179 = tpu.memref_slice %arg7[%mul3A_143, %dma_start3A_178] : memref<40x128xi32, #tpu.memory_space<vmem>> -> memref<1x128xi32, #tpu.memory_space<vmem>>
        %dma_start3A_180 = tpu.memref_squeeze %dma_start3A_179 : memref<1x128xi32, #tpu.memory_space<vmem>> -> memref<128xi32, #tpu.memory_space<vmem>>
        %dma_start3A_181 = arith.constant 0 : i32
        %dma_start3A_182 = arith.constant 0 : i32
        %dma_start3A_183 = tpu.memref_slice %arg10[%dma_start3A_181, %dma_start3A_182] : memref<10752x128xf32, #tpu.memory_space<vmem_shared>> -> memref<10752x128xf32, #tpu.memory_space<vmem_shared>>
        tpu.enqueue_indirect_dma source(%arg8 : memref<128x128xf32, #tpu.memory_space<vmem>>) target(%dma_start3A_183 : memref<10752x128xf32, #tpu.memory_space<vmem_shared>>) offsets(%dma_start3A_180 : memref<128xi32, #tpu.memory_space<vmem>>) semaphore(%run_scoped3A_177 : memref<!tpu.dma_semaphore, #tpu.memory_space<semaphore_mem>>) {add = true}
        %dma_wait3A_184 = arith.constant 0 : i32
        %dma_wait3A_185 = tpu.memref_slice %arg7[%mul3A_143, %dma_wait3A_184] : memref<40x128xi32, #tpu.memory_space<vmem>> -> memref<1x128xi32, #tpu.memory_space<vmem>>
        %dma_wait3A_186 = tpu.memref_squeeze %dma_wait3A_185 : memref<1x128xi32, #tpu.memory_space<vmem>> -> memref<128xi32, #tpu.memory_space<vmem>>
        %dma_wait3A_187 = arith.constant 0 : i32
        %dma_wait3A_188 = arith.constant 0 : i32
        %dma_wait3A_189 = tpu.memref_slice %arg10[%dma_wait3A_187, %dma_wait3A_188] : memref<10752x128xf32, #tpu.memory_space<vmem_shared>> -> memref<10752x128xf32, #tpu.memory_space<vmem_shared>>
        tpu.wait_indirect_dma semaphore(%run_scoped3A_177 : memref<!tpu.dma_semaphore, #tpu.memory_space<semaphore_mem>>) src(%arg8 : memref<128x128xf32, #tpu.memory_space<vmem>>) dst(%dma_wait3A_189 : memref<10752x128xf32, #tpu.memory_space<vmem_shared>>)
        tpu.yield
      }) : () -> ()
      %add3A_150 = arith.constant 2 : i32
      %add3A_151 = arith.addi %mul3A_143, %add3A_150 : i32
      %dma_start3A_152 = arith.constant 0 : i32
      %dma_start3A_153 = tpu.memref_slice %arg6[%add3A_151, %dma_start3A_152] : memref<40x128xi32, #tpu.memory_space<vmem>> -> memref<1x128xi32, #tpu.memory_space<vmem>>
      %dma_start3A_154 = tpu.memref_squeeze %dma_start3A_153 : memref<1x128xi32, #tpu.memory_space<vmem>> -> memref<128xi32, #tpu.memory_space<vmem>>
      %dma_start3A_155 = arith.constant 0 : i32
      %dma_start3A_156 = arith.constant 0 : i32
      %dma_start3A_157 = tpu.memref_slice %arg2[%dma_start3A_155, %dma_start3A_156] : memref<10000x128xf32, #tpu.memory_space<hbm>> -> memref<10000x128xf32, #tpu.memory_space<hbm>>
      tpu.enqueue_indirect_dma source(%dma_start3A_157 : memref<10000x128xf32, #tpu.memory_space<hbm>>) target(%arg8 : memref<128x128xf32, #tpu.memory_space<vmem>>) offsets(%dma_start3A_154 : memref<128xi32, #tpu.memory_space<vmem>>) semaphore(%arg11 : memref<!tpu.dma_semaphore, #tpu.memory_space<semaphore_mem>>)
      %add3A_158 = arith.constant 1 : i32
      %add3A_159 = arith.addi %mul3A_143, %add3A_158 : i32
      %dma_wait3A_160 = arith.constant 0 : i32
      %dma_wait3A_161 = tpu.memref_slice %arg6[%add3A_159, %dma_wait3A_160] : memref<40x128xi32, #tpu.memory_space<vmem>> -> memref<1x128xi32, #tpu.memory_space<vmem>>
      %dma_wait3A_162 = tpu.memref_squeeze %dma_wait3A_161 : memref<1x128xi32, #tpu.memory_space<vmem>> -> memref<128xi32, #tpu.memory_space<vmem>>
      %dma_wait3A_163 = arith.constant 0 : i32
      %dma_wait3A_164 = arith.constant 0 : i32
      %dma_wait3A_165 = tpu.memref_slice %arg2[%dma_wait3A_163, %dma_wait3A_164] : memref<10000x128xf32, #tpu.memory_space<hbm>> -> memref<10000x128xf32, #tpu.memory_space<hbm>>
      tpu.wait_indirect_dma semaphore(%arg12 : memref<!tpu.dma_semaphore, #tpu.memory_space<semaphore_mem>>) src(%dma_wait3A_165 : memref<10000x128xf32, #tpu.memory_space<hbm>>) dst(%arg9 : memref<128x128xf32, #tpu.memory_space<vmem>>)
      %add3A_166 = arith.constant 1 : i32
      %add3A_167 = arith.addi %mul3A_143, %add3A_166 : i32
      "tpu.region"() ({
        %run_scoped3A_177 = tpu.sem_alloc : memref<!tpu.dma_semaphore, #tpu.memory_space<semaphore_mem>>
        %dma_start3A_178 = arith.constant 0 : i32
        %dma_start3A_179 = tpu.memref_slice %arg7[%add3A_167, %dma_start3A_178] : memref<40x128xi32, #tpu.memory_space<vmem>> -> memref<1x128xi32, #tpu.memory_space<vmem>>
        %dma_start3A_180 = tpu.memref_squeeze %dma_start3A_179 : memref<1x128xi32, #tpu.memory_space<vmem>> -> memref<128xi32, #tpu.memory_space<vmem>>
        %dma_start3A_181 = arith.constant 0 : i32
        %dma_start3A_182 = arith.constant 0 : i32
        %dma_start3A_183 = tpu.memref_slice %arg10[%dma_start3A_181, %dma_start3A_182] : memref<10752x128xf32, #tpu.memory_space<vmem_shared>> -> memref<10752x128xf32, #tpu.memory_space<vmem_shared>>
        tpu.enqueue_indirect_dma source(%arg9 : memref<128x128xf32, #tpu.memory_space<vmem>>) target(%dma_start3A_183 : memref<10752x128xf32, #tpu.memory_space<vmem_shared>>) offsets(%dma_start3A_180 : memref<128xi32, #tpu.memory_space<vmem>>) semaphore(%run_scoped3A_177 : memref<!tpu.dma_semaphore, #tpu.memory_space<semaphore_mem>>) {add = true}
        %dma_wait3A_184 = arith.constant 0 : i32
        %dma_wait3A_185 = tpu.memref_slice %arg7[%add3A_167, %dma_wait3A_184] : memref<40x128xi32, #tpu.memory_space<vmem>> -> memref<1x128xi32, #tpu.memory_space<vmem>>
        %dma_wait3A_186 = tpu.memref_squeeze %dma_wait3A_185 : memref<1x128xi32, #tpu.memory_space<vmem>> -> memref<128xi32, #tpu.memory_space<vmem>>
        %dma_wait3A_187 = arith.constant 0 : i32
        %dma_wait3A_188 = arith.constant 0 : i32
        %dma_wait3A_189 = tpu.memref_slice %arg10[%dma_wait3A_187, %dma_wait3A_188] : memref<10752x128xf32, #tpu.memory_space<vmem_shared>> -> memref<10752x128xf32, #tpu.memory_space<vmem_shared>>
        tpu.wait_indirect_dma semaphore(%run_scoped3A_177 : memref<!tpu.dma_semaphore, #tpu.memory_space<semaphore_mem>>) src(%arg9 : memref<128x128xf32, #tpu.memory_space<vmem>>) dst(%dma_wait3A_189 : memref<10752x128xf32, #tpu.memory_space<vmem_shared>>)
        tpu.yield
      }) : () -> ()
      %add3A_168 = arith.constant 3 : i32
      %add3A_169 = arith.addi %mul3A_143, %add3A_168 : i32
      %dma_start3A_170 = arith.constant 0 : i32
      %dma_start3A_171 = tpu.memref_slice %arg6[%add3A_169, %dma_start3A_170] : memref<40x128xi32, #tpu.memory_space<vmem>> -> memref<1x128xi32, #tpu.memory_space<vmem>>
      %dma_start3A_172 = tpu.memref_squeeze %dma_start3A_171 : memref<1x128xi32, #tpu.memory_space<vmem>> -> memref<128xi32, #tpu.memory_space<vmem>>
      %dma_start3A_173 = arith.constant 0 : i32
      %dma_start3A_174 = arith.constant 0 : i32
      %dma_start3A_175 = tpu.memref_slice %arg2[%dma_start3A_173, %dma_start3A_174] : memref<10000x128xf32, #tpu.memory_space<hbm>> -> memref<10000x128xf32, #tpu.memory_space<hbm>>
      tpu.enqueue_indirect_dma source(%dma_start3A_175 : memref<10000x128xf32, #tpu.memory_space<hbm>>) target(%arg9 : memref<128x128xf32, #tpu.memory_space<vmem>>) offsets(%dma_start3A_172 : memref<128xi32, #tpu.memory_space<vmem>>) semaphore(%arg12 : memref<!tpu.dma_semaphore, #tpu.memory_space<semaphore_mem>>)
      %scan3A_176 = arith.constant 0 : i32
      scf.yield %scan3A_176 : i32
    }
    %scan3A_118 = arith.constant 19 : i32
    %dma_wait3A_119 = arith.constant 38 : i32
    %dma_wait3A_120 = arith.constant 0 : i32
    %dma_wait3A_121 = tpu.memref_slice %arg6[%dma_wait3A_119, %dma_wait3A_120] : memref<40x128xi32, #tpu.memory_space<vmem>> -> memref<1x128xi32, #tpu.memory_space<vmem>>
    %dma_wait3A_122 = tpu.memref_squeeze %dma_wait3A_121 : memref<1x128xi32, #tpu.memory_space<vmem>> -> memref<128xi32, #tpu.memory_space<vmem>>
    %dma_wait3A_123 = arith.constant 0 : i32
    %dma_wait3A_124 = arith.constant 0 : i32
    %dma_wait3A_125 = tpu.memref_slice %arg2[%dma_wait3A_123, %dma_wait3A_124] : memref<10000x128xf32, #tpu.memory_space<hbm>> -> memref<10000x128xf32, #tpu.memory_space<hbm>>
    tpu.wait_indirect_dma semaphore(%arg11 : memref<!tpu.dma_semaphore, #tpu.memory_space<semaphore_mem>>) src(%dma_wait3A_125 : memref<10000x128xf32, #tpu.memory_space<hbm>>) dst(%arg8 : memref<128x128xf32, #tpu.memory_space<vmem>>)
    %run_scoped3A_126 = arith.constant 38 : i32
    "tpu.region"() ({
      %run_scoped3A_140 = tpu.sem_alloc : memref<!tpu.dma_semaphore, #tpu.memory_space<semaphore_mem>>
      %dma_start3A_141 = arith.constant 0 : i32
      %dma_start3A_142 = tpu.memref_slice %arg7[%run_scoped3A_126, %dma_start3A_141] : memref<40x128xi32, #tpu.memory_space<vmem>> -> memref<1x128xi32, #tpu.memory_space<vmem>>
      %dma_start3A_143 = tpu.memref_squeeze %dma_start3A_142 : memref<1x128xi32, #tpu.memory_space<vmem>> -> memref<128xi32, #tpu.memory_space<vmem>>
      %dma_start3A_144 = arith.constant 0 : i32
      %dma_start3A_145 = arith.constant 0 : i32
      %dma_start3A_146 = tpu.memref_slice %arg10[%dma_start3A_144, %dma_start3A_145] : memref<10752x128xf32, #tpu.memory_space<vmem_shared>> -> memref<10752x128xf32, #tpu.memory_space<vmem_shared>>
      tpu.enqueue_indirect_dma source(%arg8 : memref<128x128xf32, #tpu.memory_space<vmem>>) target(%dma_start3A_146 : memref<10752x128xf32, #tpu.memory_space<vmem_shared>>) offsets(%dma_start3A_143 : memref<128xi32, #tpu.memory_space<vmem>>) semaphore(%run_scoped3A_140 : memref<!tpu.dma_semaphore, #tpu.memory_space<semaphore_mem>>) {add = true}
      %dma_wait3A_147 = arith.constant 0 : i32
      %dma_wait3A_148 = tpu.memref_slice %arg7[%run_scoped3A_126, %dma_wait3A_147] : memref<40x128xi32, #tpu.memory_space<vmem>> -> memref<1x128xi32, #tpu.memory_space<vmem>>
      %dma_wait3A_149 = tpu.memref_squeeze %dma_wait3A_148 : memref<1x128xi32, #tpu.memory_space<vmem>> -> memref<128xi32, #tpu.memory_space<vmem>>
      %dma_wait3A_150 = arith.constant 0 : i32
      %dma_wait3A_151 = arith.constant 0 : i32
      %dma_wait3A_152 = tpu.memref_slice %arg10[%dma_wait3A_150, %dma_wait3A_151] : memref<10752x128xf32, #tpu.memory_space<vmem_shared>> -> memref<10752x128xf32, #tpu.memory_space<vmem_shared>>
      tpu.wait_indirect_dma semaphore(%run_scoped3A_140 : memref<!tpu.dma_semaphore, #tpu.memory_space<semaphore_mem>>) src(%arg8 : memref<128x128xf32, #tpu.memory_space<vmem>>) dst(%dma_wait3A_152 : memref<10752x128xf32, #tpu.memory_space<vmem_shared>>)
      tpu.yield
    }) : () -> ()
    %dma_wait3A_127 = arith.constant 39 : i32
    %dma_wait3A_128 = arith.constant 0 : i32
    %dma_wait3A_129 = tpu.memref_slice %arg6[%dma_wait3A_127, %dma_wait3A_128] : memref<40x128xi32, #tpu.memory_space<vmem>> -> memref<1x128xi32, #tpu.memory_space<vmem>>
    %dma_wait3A_130 = tpu.memref_squeeze %dma_wait3A_129 : memref<1x128xi32, #tpu.memory_space<vmem>> -> memref<128xi32, #tpu.memory_space<vmem>>
    %dma_wait3A_131 = arith.constant 0 : i32
    %dma_wait3A_132 = arith.constant 0 : i32
    %dma_wait3A_133 = tpu.memref_slice %arg2[%dma_wait3A_131, %dma_wait3A_132] : memref<10000x128xf32, #tpu.memory_space<hbm>> -> memref<10000x128xf32, #tpu.memory_space<hbm>>
    tpu.wait_indirect_dma semaphore(%arg12 : memref<!tpu.dma_semaphore, #tpu.memory_space<semaphore_mem>>) src(%dma_wait3A_133 : memref<10000x128xf32, #tpu.memory_space<hbm>>) dst(%arg9 : memref<128x128xf32, #tpu.memory_space<vmem>>)
    %run_scoped3A_134 = arith.constant 39 : i32
    "tpu.region"() ({
      %run_scoped3A_140 = tpu.sem_alloc : memref<!tpu.dma_semaphore, #tpu.memory_space<semaphore_mem>>
      %dma_start3A_141 = arith.constant 0 : i32
      %dma_start3A_142 = tpu.memref_slice %arg7[%run_scoped3A_134, %dma_start3A_141] : memref<40x128xi32, #tpu.memory_space<vmem>> -> memref<1x128xi32, #tpu.memory_space<vmem>>
      %dma_start3A_143 = tpu.memref_squeeze %dma_start3A_142 : memref<1x128xi32, #tpu.memory_space<vmem>> -> memref<128xi32, #tpu.memory_space<vmem>>
      %dma_start3A_144 = arith.constant 0 : i32
      %dma_start3A_145 = arith.constant 0 : i32
      %dma_start3A_146 = tpu.memref_slice %arg10[%dma_start3A_144, %dma_start3A_145] : memref<10752x128xf32, #tpu.memory_space<vmem_shared>> -> memref<10752x128xf32, #tpu.memory_space<vmem_shared>>
      tpu.enqueue_indirect_dma source(%arg9 : memref<128x128xf32, #tpu.memory_space<vmem>>) target(%dma_start3A_146 : memref<10752x128xf32, #tpu.memory_space<vmem_shared>>) offsets(%dma_start3A_143 : memref<128xi32, #tpu.memory_space<vmem>>) semaphore(%run_scoped3A_140 : memref<!tpu.dma_semaphore, #tpu.memory_space<semaphore_mem>>) {add = true}
      %dma_wait3A_147 = arith.constant 0 : i32
      %dma_wait3A_148 = tpu.memref_slice %arg7[%run_scoped3A_134, %dma_wait3A_147] : memref<40x128xi32, #tpu.memory_space<vmem>> -> memref<1x128xi32, #tpu.memory_space<vmem>>
      %dma_wait3A_149 = tpu.memref_squeeze %dma_wait3A_148 : memref<1x128xi32, #tpu.memory_space<vmem>> -> memref<128xi32, #tpu.memory_space<vmem>>
      %dma_wait3A_150 = arith.constant 0 : i32
      %dma_wait3A_151 = arith.constant 0 : i32
      %dma_wait3A_152 = tpu.memref_slice %arg10[%dma_wait3A_150, %dma_wait3A_151] : memref<10752x128xf32, #tpu.memory_space<vmem_shared>> -> memref<10752x128xf32, #tpu.memory_space<vmem_shared>>
      tpu.wait_indirect_dma semaphore(%run_scoped3A_140 : memref<!tpu.dma_semaphore, #tpu.memory_space<semaphore_mem>>) src(%arg9 : memref<128x128xf32, #tpu.memory_space<vmem>>) dst(%dma_wait3A_152 : memref<10752x128xf32, #tpu.memory_space<vmem_shared>>)
      tpu.yield
    }) : () -> ()
    %barrier3A_135 = arith.constant 0 : index
    tpu.barrier barrier_id(%barrier3A_135)
    %mul3A_136 = arith.constant 640 : i32
    %mul3A_137 = arith.muli %arg1, %mul3A_136 : i32
    %mul3A_138 = arith.constant 640 : i32
    %mul3A_139 = arith.muli %arg1, %mul3A_138 : i32
    "tpu.region"() ({
      %run_scoped3A_140 = tpu.sem_alloc : memref<!tpu.dma_semaphore, #tpu.memory_space<semaphore_mem>>
      %dma_start3A_141 = arith.constant 0 : i32
      %dma_start3A_142 = tpu.memref_slice %arg5[%arg0, %mul3A_139, %dma_start3A_141] : memref<2x10240x128xf32, #tpu.memory_space<hbm>> -> memref<1x640x128xf32, #tpu.memory_space<hbm>>
      %dma_start3A_143 = tpu.memref_squeeze %dma_start3A_142 : memref<1x640x128xf32, #tpu.memory_space<hbm>> -> memref<640x128xf32, #tpu.memory_space<hbm>>
      %dma_start3A_144 = arith.constant 0 : i32
      %dma_start3A_145 = tpu.memref_slice %arg10[%mul3A_137, %dma_start3A_144] : memref<10752x128xf32, #tpu.memory_space<vmem_shared>> -> memref<640x128xf32, #tpu.memory_space<vmem_shared>>
      tpu.enqueue_dma source(%dma_start3A_145 : memref<640x128xf32, #tpu.memory_space<vmem_shared>>) target(%dma_start3A_143 : memref<640x128xf32, #tpu.memory_space<hbm>>) target_semaphore(%run_scoped3A_140 : memref<!tpu.dma_semaphore, #tpu.memory_space<semaphore_mem>>)
      %dma_wait3A_146 = arith.constant 0 : i32
      %dma_wait3A_147 = tpu.memref_slice %arg5[%arg0, %mul3A_139, %dma_wait3A_146] : memref<2x10240x128xf32, #tpu.memory_space<hbm>> -> memref<1x640x128xf32, #tpu.memory_space<hbm>>
      %dma_wait3A_148 = tpu.memref_squeeze %dma_wait3A_147 : memref<1x640x128xf32, #tpu.memory_space<hbm>> -> memref<640x128xf32, #tpu.memory_space<hbm>>
      %dma_wait3A_149 = arith.constant 0 : i32
      %dma_wait3A_150 = tpu.memref_slice %arg10[%mul3A_137, %dma_wait3A_149] : memref<10752x128xf32, #tpu.memory_space<vmem_shared>> -> memref<640x128xf32, #tpu.memory_space<vmem_shared>>
      tpu.wait_dma2 semaphore(%run_scoped3A_140 : memref<!tpu.dma_semaphore, #tpu.memory_space<semaphore_mem>>) src(%dma_wait3A_150 : memref<640x128xf32, #tpu.memory_space<vmem_shared>>) dst(%dma_wait3A_148 : memref<640x128xf32, #tpu.memory_space<hbm>>)
      tpu.yield
    }) : () -> ()
    return
  }
}

module attributes {stable_mosaic.version = 14 : i64} {
  func.func @_embed_body(%arg0: i32, %arg1: memref<1000x128xf32, #tpu.memory_space<vmem>>, %arg2: memref<128x128xf32, #tpu.memory_space<vmem>>, %arg3: memref<1x128xf32, #tpu.memory_space<vmem>>, %arg4: memref<128x128xf32, #tpu.memory_space<vmem>>, %arg5: memref<1000x128xf32, #tpu.memory_space<vmem>>) attributes {dimension_semantics = [#tpu.dimension_semantics<arbitrary>], iteration_bounds = array<i64: 10>, scalar_prefetch = 0 : i64, scratch_operands = 0 : i64, tpu.core_type = #tpu.core_type<tc>, window_params = [{transform_indices = @transform_0, window_bounds = array<i64: 1000, 128>}, {pipeline_mode = #tpu.pipeline_mode<synchronous>, transform_indices = @transform_1, window_bounds = array<i64: 128, 128>}, {pipeline_mode = #tpu.pipeline_mode<synchronous>, transform_indices = @transform_2, window_bounds = array<i64: 1, 128>}, {pipeline_mode = #tpu.pipeline_mode<synchronous>, transform_indices = @transform_3, window_bounds = array<i64: 128, 128>}, {transform_indices = @transform_4, window_bounds = array<i64: 1000, 128>}]} {
    %get3A = arith.constant 0 : index
    %get3A_0 = arith.constant 0 : index
    %get3A_1 = vector.load %arg1[%get3A, %get3A_0] : memref<1000x128xf32, #tpu.memory_space<vmem>>, vector<1000x128xf32>
    %get3A_2 = arith.constant 0 : index
    %get3A_3 = arith.constant 0 : index
    %get3A_4 = vector.load %arg2[%get3A_2, %get3A_3] : memref<128x128xf32, #tpu.memory_space<vmem>>, vector<128x128xf32>
    %dot_general3A = arith.constant dense<0.000000e+00> : vector<1000x128xf32>
    %dot_general3A_5 = tpu.matmul %get3A_1, %get3A_4, %dot_general3A {dimension_numbers = #tpu.dot_dimension_numbers<[1], [0], [0], [1], [0, 0, 1, 1], [], []>, transpose_lhs_hint = false} : vector<1000x128xf32>, vector<128x128xf32>, vector<1000x128xf32> -> vector<1000x128xf32>
    %get3A_6 = arith.constant 0 : index
    %get3A_7 = arith.constant 0 : index
    %get3A_8 = vector.load %arg3[%get3A_6, %get3A_7] : memref<1x128xf32, #tpu.memory_space<vmem>>, vector<1x128xf32>
    %add3A = vector.broadcast %get3A_8 : vector<1x128xf32> to vector<1000x128xf32>
    %add3A_9 = arith.addf %dot_general3A_5, %add3A : vector<1000x128xf32>
    %get3A_10 = arith.constant 0 : index
    %get3A_11 = arith.constant 0 : index
    %get3A_12 = vector.load %arg4[%get3A_10, %get3A_11] : memref<128x128xf32, #tpu.memory_space<vmem>>, vector<128x128xf32>
    %dot_general3A_13 = arith.constant dense<0.000000e+00> : vector<1000x128xf32>
    %dot_general3A_14 = tpu.matmul %add3A_9, %get3A_12, %dot_general3A_13 {dimension_numbers = #tpu.dot_dimension_numbers<[1], [0], [0], [1], [0, 0, 1, 1], [], []>, transpose_lhs_hint = false} : vector<1000x128xf32>, vector<128x128xf32>, vector<1000x128xf32> -> vector<1000x128xf32>
    %swap3A = arith.constant 0 : index
    %swap3A_15 = arith.constant 0 : index
    %swap3A_16 = vector.load %arg5[%swap3A, %swap3A_15] : memref<1000x128xf32, #tpu.memory_space<vmem>>, vector<1000x128xf32>
    tpu.vector_store %arg5[%swap3A, %swap3A_15], %dot_general3A_14 {strides = array<i32>} : memref<1000x128xf32, #tpu.memory_space<vmem>>, vector<1000x128xf32>,
    return
  }
  func.func @transform_0(%arg0: i32) -> (i32, i32) {
    %c0_i32 = arith.constant 0 : i32
    %c0_i32_0 = arith.constant 0 : i32
    return %arg0, %c0_i32 : i32, i32
  }
  func.func @transform_1(%arg0: i32) -> (i32, i32) {
    %c0_i32 = arith.constant 0 : i32
    %c0_i32_0 = arith.constant 0 : i32
    %c0_i32_1 = arith.constant 0 : i32
    return %c0_i32, %c0_i32_0 : i32, i32
  }
  func.func @transform_2(%arg0: i32) -> (i32, i32) {
    %c0_i32 = arith.constant 0 : i32
    %c0_i32_0 = arith.constant 0 : i32
    %c0_i32_1 = arith.constant 0 : i32
    return %c0_i32, %c0_i32_0 : i32, i32
  }
  func.func @transform_3(%arg0: i32) -> (i32, i32) {
    %c0_i32 = arith.constant 0 : i32
    %c0_i32_0 = arith.constant 0 : i32
    %c0_i32_1 = arith.constant 0 : i32
    return %c0_i32, %c0_i32_0 : i32, i32
  }
  func.func @transform_4(%arg0: i32) -> (i32, i32) {
    %c0_i32 = arith.constant 0 : i32
    %c0_i32_0 = arith.constant 0 : i32
    return %arg0, %c0_i32 : i32, i32
  }
}

module attributes {stable_mosaic.version = 14 : i64} {
  func.func @_layer_body(%arg0: i32, %arg1: memref<2x1000x128xf32, #tpu.memory_space<vmem>>, %arg2: memref<1x128xf32, #tpu.memory_space<vmem>>, %arg3: memref<128x128xf32, #tpu.memory_space<vmem>>, %arg4: memref<1000x128xf32, #tpu.memory_space<vmem>>) attributes {dimension_semantics = [#tpu.dimension_semantics<arbitrary>], iteration_bounds = array<i64: 10>, scalar_prefetch = 0 : i64, scratch_operands = 0 : i64, tpu.core_type = #tpu.core_type<tc>, window_params = [{transform_indices = @transform_0, window_bounds = array<i64: 2, 1000, 128>}, {pipeline_mode = #tpu.pipeline_mode<synchronous>, transform_indices = @transform_1, window_bounds = array<i64: 1, 128>}, {pipeline_mode = #tpu.pipeline_mode<synchronous>, transform_indices = @transform_2, window_bounds = array<i64: 128, 128>}, {transform_indices = @transform_3, window_bounds = array<i64: 1000, 128>}]} {
    %get3A = arith.constant 0 : index
    %get3A_0 = arith.constant 0 : index
    %get3A_1 = arith.constant 0 : index
    %get3A_2 = vector.load %arg1[%get3A, %get3A_0, %get3A_1] : memref<2x1000x128xf32, #tpu.memory_space<vmem>>, vector<1x1000x128xf32>
    %get3A_3 = vector.shape_cast %get3A_2 : vector<1x1000x128xf32> to vector<1000x128xf32>
    %get3A_4 = arith.constant 1 : index
    %get3A_5 = arith.constant 0 : index
    %get3A_6 = arith.constant 0 : index
    %get3A_7 = vector.load %arg1[%get3A_4, %get3A_5, %get3A_6] : memref<2x1000x128xf32, #tpu.memory_space<vmem>>, vector<1x1000x128xf32>
    %get3A_8 = vector.shape_cast %get3A_7 : vector<1x1000x128xf32> to vector<1000x128xf32>
    %add3A = arith.addf %get3A_3, %get3A_8 : vector<1000x128xf32>
    %get3A_9 = arith.constant 0 : index
    %get3A_10 = arith.constant 0 : index
    %get3A_11 = vector.load %arg2[%get3A_9, %get3A_10] : memref<1x128xf32, #tpu.memory_space<vmem>>, vector<1x128xf32>
    %add3A_12 = vector.broadcast %get3A_11 : vector<1x128xf32> to vector<1000x128xf32>
    %add3A_13 = arith.addf %add3A, %add3A_12 : vector<1000x128xf32>
    %max3A = arith.constant 0.000000e+00 : f32
    %max3A_14 = vector.broadcast %max3A : f32 to vector<1000x128xf32>
    %max3A_15 = arith.maximumf %add3A_13, %max3A_14 : vector<1000x128xf32>
    %get3A_16 = arith.constant 0 : index
    %get3A_17 = arith.constant 0 : index
    %get3A_18 = vector.load %arg3[%get3A_16, %get3A_17] : memref<128x128xf32, #tpu.memory_space<vmem>>, vector<128x128xf32>
    %dot_general3A = arith.constant dense<0.000000e+00> : vector<1000x128xf32>
    %dot_general3A_19 = tpu.matmul %max3A_15, %get3A_18, %dot_general3A {dimension_numbers = #tpu.dot_dimension_numbers<[1], [0], [0], [1], [0, 0, 1, 1], [], []>, transpose_lhs_hint = false} : vector<1000x128xf32>, vector<128x128xf32>, vector<1000x128xf32> -> vector<1000x128xf32>
    %swap3A = arith.constant 0 : index
    %swap3A_20 = arith.constant 0 : index
    %swap3A_21 = vector.load %arg4[%swap3A, %swap3A_20] : memref<1000x128xf32, #tpu.memory_space<vmem>>, vector<1000x128xf32>
    tpu.vector_store %arg4[%swap3A, %swap3A_20], %dot_general3A_19 {strides = array<i32>} : memref<1000x128xf32, #tpu.memory_space<vmem>>, vector<1000x128xf32>,
    return
  }
  func.func @transform_0(%arg0: i32) -> (i32, i32, i32) {
    %c0_i32 = arith.constant 0 : i32
    %c0_i32_0 = arith.constant 0 : i32
    %c0_i32_1 = arith.constant 0 : i32
    return %c0_i32, %arg0, %c0_i32_0 : i32, i32, i32
  }
  func.func @transform_1(%arg0: i32) -> (i32, i32) {
    %c0_i32 = arith.constant 0 : i32
    %c0_i32_0 = arith.constant 0 : i32
    %c0_i32_1 = arith.constant 0 : i32
    return %c0_i32, %c0_i32_0 : i32, i32
  }
  func.func @transform_2(%arg0: i32) -> (i32, i32) {
    %c0_i32 = arith.constant 0 : i32
    %c0_i32_0 = arith.constant 0 : i32
    %c0_i32_1 = arith.constant 0 : i32
    return %c0_i32, %c0_i32_0 : i32, i32
  }
  func.func @transform_3(%arg0: i32) -> (i32, i32) {
    %c0_i32 = arith.constant 0 : i32
    %c0_i32_0 = arith.constant 0 : i32
    return %arg0, %c0_i32 : i32, i32
  }
}

module attributes {stable_mosaic.version = 14 : i64} {
  func.func @_final_body(%arg0: i32, %arg1: memref<2x1000x128xf32, #tpu.memory_space<vmem>>, %arg2: memref<1x128xf32, #tpu.memory_space<vmem>>, %arg3: memref<1000x64xf32, #tpu.memory_space<vmem>>, %arg4: memref<128x64xf32, #tpu.memory_space<vmem>>, %arg5: memref<1x64xf32, #tpu.memory_space<vmem>>, %arg6: memref<64x32xf32, #tpu.memory_space<vmem>>, %arg7: memref<1x32xf32, #tpu.memory_space<vmem>>, %arg8: memref<32x10xf32, #tpu.memory_space<vmem>>, %arg9: memref<1x10xf32, #tpu.memory_space<vmem>>, %arg10: memref<64x10xf32, #tpu.memory_space<vmem>>, %arg11: memref<64x128xf32, #tpu.memory_space<vmem>>, %arg12: memref<64x128xf32, #tpu.memory_space<vmem>>) attributes {dimension_semantics = [#tpu.dimension_semantics<arbitrary>], iteration_bounds = array<i64: 10>, scalar_prefetch = 0 : i64, scratch_operands = 2 : i64, tpu.core_type = #tpu.core_type<tc>, window_params = [{transform_indices = @transform_0, window_bounds = array<i64: 2, 1000, 128>}, {pipeline_mode = #tpu.pipeline_mode<synchronous>, transform_indices = @transform_1, window_bounds = array<i64: 1, 128>}, {transform_indices = @transform_2, window_bounds = array<i64: 1000, 64>}, {pipeline_mode = #tpu.pipeline_mode<synchronous>, transform_indices = @transform_3, window_bounds = array<i64: 128, 64>}, {pipeline_mode = #tpu.pipeline_mode<synchronous>, transform_indices = @transform_4, window_bounds = array<i64: 1, 64>}, {pipeline_mode = #tpu.pipeline_mode<synchronous>, transform_indices = @transform_5, window_bounds = array<i64: 64, 32>}, {pipeline_mode = #tpu.pipeline_mode<synchronous>, transform_indices = @transform_6, window_bounds = array<i64: 1, 32>}, {pipeline_mode = #tpu.pipeline_mode<synchronous>, transform_indices = @transform_7, window_bounds = array<i64: 32, 10>}, {pipeline_mode = #tpu.pipeline_mode<synchronous>, transform_indices = @transform_8, window_bounds = array<i64: 1, 10>}, {pipeline_mode = #tpu.pipeline_mode<synchronous>, transform_indices = @transform_9, window_bounds = array<i64: 64, 10>}]} {
    %eq3A = arith.constant 0 : i32
    %eq3A_0 = arith.cmpi eq, %arg0, %eq3A : i32
    %convert_element_type3A = arith.extui %eq3A_0 : i1 to i32
    %cond3A = arith.constant 0 : i32
    %cond3A_1 = arith.cmpi ne, %convert_element_type3A, %cond3A : i32
    scf.if %cond3A_1 {
      %broadcast_in_dim3A_43 = arith.constant 0.000000e+00 : f32
      %broadcast_in_dim3A_44 = vector.broadcast %broadcast_in_dim3A_43 : f32 to vector<64x128xf32>
      %swap3A_45 = arith.constant 0 : index
      %swap3A_46 = arith.constant 0 : index
      %swap3A_47 = vector.load %arg11[%swap3A_45, %swap3A_46] : memref<64x128xf32, #tpu.memory_space<vmem>>, vector<64x128xf32>
      tpu.vector_store %arg11[%swap3A_45, %swap3A_46], %broadcast_in_dim3A_44 {strides = array<i32>} : memref<64x128xf32, #tpu.memory_space<vmem>>, vector<64x128xf32>,
      %broadcast_in_dim3A_48 = arith.constant 0.000000e+00 : f32
      %broadcast_in_dim3A_49 = vector.broadcast %broadcast_in_dim3A_48 : f32 to vector<64x128xf32>
      %swap3A_50 = arith.constant 0 : index
      %swap3A_51 = arith.constant 0 : index
      %swap3A_52 = vector.load %arg12[%swap3A_50, %swap3A_51] : memref<64x128xf32, #tpu.memory_space<vmem>>, vector<64x128xf32>
      tpu.vector_store %arg12[%swap3A_50, %swap3A_51], %broadcast_in_dim3A_49 {strides = array<i32>} : memref<64x128xf32, #tpu.memory_space<vmem>>, vector<64x128xf32>,
    } else {
    }
    %get3A = arith.constant 0 : index
    %get3A_2 = arith.constant 0 : index
    %get3A_3 = arith.constant 0 : index
    %get3A_4 = vector.load %arg1[%get3A, %get3A_2, %get3A_3] : memref<2x1000x128xf32, #tpu.memory_space<vmem>>, vector<1x1000x128xf32>
    %get3A_5 = vector.shape_cast %get3A_4 : vector<1x1000x128xf32> to vector<1000x128xf32>
    %get3A_6 = arith.constant 1 : index
    %get3A_7 = arith.constant 0 : index
    %get3A_8 = arith.constant 0 : index
    %get3A_9 = vector.load %arg1[%get3A_6, %get3A_7, %get3A_8] : memref<2x1000x128xf32, #tpu.memory_space<vmem>>, vector<1x1000x128xf32>
    %get3A_10 = vector.shape_cast %get3A_9 : vector<1x1000x128xf32> to vector<1000x128xf32>
    %add3A = arith.addf %get3A_5, %get3A_10 : vector<1000x128xf32>
    %get3A_11 = arith.constant 0 : index
    %get3A_12 = arith.constant 0 : index
    %get3A_13 = vector.load %arg2[%get3A_11, %get3A_12] : memref<1x128xf32, #tpu.memory_space<vmem>>, vector<1x128xf32>
    %add3A_14 = vector.broadcast %get3A_13 : vector<1x128xf32> to vector<1000x128xf32>
    %add3A_15 = arith.addf %add3A, %add3A_14 : vector<1000x128xf32>
    %max3A = arith.constant 0.000000e+00 : f32
    %max3A_16 = vector.broadcast %max3A : f32 to vector<1000x128xf32>
    %max3A_17 = arith.maximumf %add3A_15, %max3A_16 : vector<1000x128xf32>
    %get3A_18 = arith.constant 0 : index
    %get3A_19 = arith.constant 0 : index
    %get3A_20 = vector.load %arg3[%get3A_18, %get3A_19] : memref<1000x64xf32, #tpu.memory_space<vmem>>, vector<1000x64xf32>
    %get3A_21 = arith.constant 0 : index
    %get3A_22 = arith.constant 0 : index
    %get3A_23 = vector.load %arg11[%get3A_21, %get3A_22] : memref<64x128xf32, #tpu.memory_space<vmem>>, vector<64x128xf32>
    %dot_general3A = arith.constant dense<0.000000e+00> : vector<64x128xf32>
    %dot_general3A_24 = tpu.matmul %get3A_20, %max3A_17, %dot_general3A {dimension_numbers = #tpu.dot_dimension_numbers<[0], [0], [1], [1], [0, 1, 1, 1], [], []>, transpose_lhs_hint = false} : vector<1000x64xf32>, vector<1000x128xf32>, vector<64x128xf32> -> vector<64x128xf32>
    %add3A_25 = arith.addf %get3A_23, %dot_general3A_24 : vector<64x128xf32>
    %swap3A = arith.constant 0 : index
    %swap3A_26 = arith.constant 0 : index
    %swap3A_27 = vector.load %arg11[%swap3A, %swap3A_26] : memref<64x128xf32, #tpu.memory_space<vmem>>, vector<64x128xf32>
    tpu.vector_store %arg11[%swap3A, %swap3A_26], %add3A_25 {strides = array<i32>} : memref<64x128xf32, #tpu.memory_space<vmem>>, vector<64x128xf32>,
    %get3A_28 = arith.constant 0 : index
    %get3A_29 = arith.constant 0 : index
    %get3A_30 = vector.load %arg12[%get3A_28, %get3A_29] : memref<64x128xf32, #tpu.memory_space<vmem>>, vector<64x128xf32>
    %broadcast_in_dim3A = arith.constant 1.000000e+00 : f32
    %broadcast_in_dim3A_31 = vector.broadcast %broadcast_in_dim3A : f32 to vector<1000x128xf32>
    %dot_general3A_32 = arith.constant dense<0.000000e+00> : vector<64x128xf32>
    %dot_general3A_33 = tpu.matmul %get3A_20, %broadcast_in_dim3A_31, %dot_general3A_32 {dimension_numbers = #tpu.dot_dimension_numbers<[0], [0], [1], [1], [0, 1, 1, 1], [], []>, transpose_lhs_hint = false} : vector<1000x64xf32>, vector<1000x128xf32>, vector<64x128xf32> -> vector<64x128xf32>
    %add3A_34 = arith.addf %get3A_30, %dot_general3A_33 : vector<64x128xf32>
    %swap3A_35 = arith.constant 0 : index
    %swap3A_36 = arith.constant 0 : index
    %swap3A_37 = vector.load %arg12[%swap3A_35, %swap3A_36] : memref<64x128xf32, #tpu.memory_space<vmem>>, vector<64x128xf32>
    tpu.vector_store %arg12[%swap3A_35, %swap3A_36], %add3A_34 {strides = array<i32>} : memref<64x128xf32, #tpu.memory_space<vmem>>, vector<64x128xf32>,
    %eq3A_38 = arith.constant 9 : i32
    %eq3A_39 = arith.cmpi eq, %arg0, %eq3A_38 : i32
    %convert_element_type3A_40 = arith.extui %eq3A_39 : i1 to i32
    %cond3A_41 = arith.constant 0 : i32
    %cond3A_42 = arith.cmpi ne, %convert_element_type3A_40, %cond3A_41 : i32
    scf.if %cond3A_42 {
      %get3A_43 = arith.constant 0 : index
      %get3A_44 = arith.constant 0 : index
      %get3A_45 = vector.load %arg11[%get3A_43, %get3A_44] : memref<64x128xf32, #tpu.memory_space<vmem>>, vector<64x128xf32>
      %get3A_46 = arith.constant 0 : index
      %get3A_47 = arith.constant 0 : index
      %get3A_48 = vector.load %arg12[%get3A_46, %get3A_47] : memref<64x128xf32, #tpu.memory_space<vmem>>, vector<64x128xf32>
      %max3A_49 = arith.constant 1.000000e+00 : f32
      %max3A_50 = vector.broadcast %max3A_49 : f32 to vector<64x128xf32>
      %max3A_51 = arith.maximumf %get3A_48, %max3A_50 : vector<64x128xf32>
      %div3A = arith.divf %get3A_45, %max3A_51 : vector<64x128xf32>
      %get3A_52 = arith.constant 0 : index
      %get3A_53 = arith.constant 0 : index
      %get3A_54 = vector.load %arg4[%get3A_52, %get3A_53] : memref<128x64xf32, #tpu.memory_space<vmem>>, vector<128x64xf32>
      %dot_general3A_55 = arith.constant dense<0.000000e+00> : vector<64x64xf32>
      %dot_general3A_56 = tpu.matmul %div3A, %get3A_54, %dot_general3A_55 {dimension_numbers = #tpu.dot_dimension_numbers<[1], [0], [0], [1], [0, 0, 1, 1], [], []>, transpose_lhs_hint = false} : vector<64x128xf32>, vector<128x64xf32>, vector<64x64xf32> -> vector<64x64xf32>
      %get3A_57 = arith.constant 0 : index
      %get3A_58 = arith.constant 0 : index
      %get3A_59 = vector.load %arg5[%get3A_57, %get3A_58] : memref<1x64xf32, #tpu.memory_space<vmem>>, vector<1x64xf32>
      %add3A_60 = vector.broadcast %get3A_59 : vector<1x64xf32> to vector<64x64xf32>
      %add3A_61 = arith.addf %dot_general3A_56, %add3A_60 : vector<64x64xf32>
      %max3A_62 = arith.constant 0.000000e+00 : f32
      %max3A_63 = vector.broadcast %max3A_62 : f32 to vector<64x64xf32>
      %max3A_64 = arith.maximumf %add3A_61, %max3A_63 : vector<64x64xf32>
      %get3A_65 = arith.constant 0 : index
      %get3A_66 = arith.constant 0 : index
      %get3A_67 = vector.load %arg6[%get3A_65, %get3A_66] : memref<64x32xf32, #tpu.memory_space<vmem>>, vector<64x32xf32>
      %dot_general3A_68 = arith.constant dense<0.000000e+00> : vector<64x32xf32>
      %dot_general3A_69 = tpu.matmul %max3A_64, %get3A_67, %dot_general3A_68 {dimension_numbers = #tpu.dot_dimension_numbers<[1], [0], [0], [1], [0, 0, 1, 1], [], []>, transpose_lhs_hint = false} : vector<64x64xf32>, vector<64x32xf32>, vector<64x32xf32> -> vector<64x32xf32>
      %get3A_70 = arith.constant 0 : index
      %get3A_71 = arith.constant 0 : index
      %get3A_72 = vector.load %arg7[%get3A_70, %get3A_71] : memref<1x32xf32, #tpu.memory_space<vmem>>, vector<1x32xf32>
      %add3A_73 = vector.broadcast %get3A_72 : vector<1x32xf32> to vector<64x32xf32>
      %add3A_74 = arith.addf %dot_general3A_69, %add3A_73 : vector<64x32xf32>
      %max3A_75 = arith.constant 0.000000e+00 : f32
      %max3A_76 = vector.broadcast %max3A_75 : f32 to vector<64x32xf32>
      %max3A_77 = arith.maximumf %add3A_74, %max3A_76 : vector<64x32xf32>
      %get3A_78 = arith.constant 0 : index
      %get3A_79 = arith.constant 0 : index
      %get3A_80 = vector.load %arg8[%get3A_78, %get3A_79] : memref<32x10xf32, #tpu.memory_space<vmem>>, vector<32x10xf32>
      %dot_general3A_81 = arith.constant dense<0.000000e+00> : vector<64x10xf32>
      %dot_general3A_82 = tpu.matmul %max3A_77, %get3A_80, %dot_general3A_81 {dimension_numbers = #tpu.dot_dimension_numbers<[1], [0], [0], [1], [0, 0, 1, 1], [], []>, transpose_lhs_hint = false} : vector<64x32xf32>, vector<32x10xf32>, vector<64x10xf32> -> vector<64x10xf32>
      %get3A_83 = arith.constant 0 : index
      %get3A_84 = arith.constant 0 : index
      %get3A_85 = vector.load %arg9[%get3A_83, %get3A_84] : memref<1x10xf32, #tpu.memory_space<vmem>>, vector<1x10xf32>
      %add3A_86 = vector.broadcast %get3A_85 : vector<1x10xf32> to vector<64x10xf32>
      %add3A_87 = arith.addf %dot_general3A_82, %add3A_86 : vector<64x10xf32>
      %swap3A_88 = arith.constant 0 : index
      %swap3A_89 = arith.constant 0 : index
      %swap3A_90 = vector.load %arg10[%swap3A_88, %swap3A_89] : memref<64x10xf32, #tpu.memory_space<vmem>>, vector<64x10xf32>
      tpu.vector_store %arg10[%swap3A_88, %swap3A_89], %add3A_87 {strides = array<i32>} : memref<64x10xf32, #tpu.memory_space<vmem>>, vector<64x10xf32>,
    } else {
    }
    return
  }
  func.func @transform_0(%arg0: i32) -> (i32, i32, i32) {
    %c0_i32 = arith.constant 0 : i32
    %c0_i32_0 = arith.constant 0 : i32
    %c0_i32_1 = arith.constant 0 : i32
    return %c0_i32, %arg0, %c0_i32_0 : i32, i32, i32
  }
  func.func @transform_1(%arg0: i32) -> (i32, i32) {
    %c0_i32 = arith.constant 0 : i32
    %c0_i32_0 = arith.constant 0 : i32
    %c0_i32_1 = arith.constant 0 : i32
    return %c0_i32, %c0_i32_0 : i32, i32
  }
  func.func @transform_2(%arg0: i32) -> (i32, i32) {
    %c0_i32 = arith.constant 0 : i32
    %c0_i32_0 = arith.constant 0 : i32
    return %arg0, %c0_i32 : i32, i32
  }
  func.func @transform_3(%arg0: i32) -> (i32, i32) {
    %c0_i32 = arith.constant 0 : i32
    %c0_i32_0 = arith.constant 0 : i32
    %c0_i32_1 = arith.constant 0 : i32
    return %c0_i32, %c0_i32_0 : i32, i32
  }
  func.func @transform_4(%arg0: i32) -> (i32, i32) {
    %c0_i32 = arith.constant 0 : i32
    %c0_i32_0 = arith.constant 0 : i32
    %c0_i32_1 = arith.constant 0 : i32
    return %c0_i32, %c0_i32_0 : i32, i32
  }
  func.func @transform_5(%arg0: i32) -> (i32, i32) {
    %c0_i32 = arith.constant 0 : i32
    %c0_i32_0 = arith.constant 0 : i32
    %c0_i32_1 = arith.constant 0 : i32
    return %c0_i32, %c0_i32_0 : i32, i32
  }
  func.func @transform_6(%arg0: i32) -> (i32, i32) {
    %c0_i32 = arith.constant 0 : i32
    %c0_i32_0 = arith.constant 0 : i32
    %c0_i32_1 = arith.constant 0 : i32
    return %c0_i32, %c0_i32_0 : i32, i32
  }
  func.func @transform_7(%arg0: i32) -> (i32, i32) {
    %c0_i32 = arith.constant 0 : i32
    %c0_i32_0 = arith.constant 0 : i32
    %c0_i32_1 = arith.constant 0 : i32
    return %c0_i32, %c0_i32_0 : i32, i32
  }
  func.func @transform_8(%arg0: i32) -> (i32, i32) {
    %c0_i32 = arith.constant 0 : i32
    %c0_i32_0 = arith.constant 0 : i32
    %c0_i32_1 = arith.constant 0 : i32
    return %c0_i32, %c0_i32_0 : i32, i32
  }
  func.func @transform_9(%arg0: i32) -> (i32, i32) {
    %c0_i32 = arith.constant 0 : i32
    %c0_i32_0 = arith.constant 0 : i32
    %c0_i32_1 = arith.constant 0 : i32
    return %c0_i32, %c0_i32_0 : i32, i32
  }
}

</mosaic_0001>

<sc_bundles>
// kernel: kernel.11.cloned.1.call-start
scs
__scs_entry_jumppad:
0x0: {  	(pc) =	sbr.rel $0x88, $3  }
0x1: {  	(tag) =	ssettag $0x0;
	lr =	simm.s32 $0x1  }
0x2: {  	[smem:$0x3F94] =	sst lr;
	_ =	strace $0xD0000000  }
0x3: {  	_ = 	snop  }
0x4: {  	_ = 	snop  }
0x5: {  	_ = 	snop  }
0x6: {  	_ = 	snop  }
0x7: {  	_ = 	snop  }
__scs_overlays_trampoline_lowered:
0x8: {  	[smem:$0x3FA3] =	sst s0  }
0x9: {  	[smem:$0x3FA4] =	sst s1  }
0xa: {  	[smem:$0x3FA5] =	sst s2  }
0xb: {  	[smem:$0x3FA6] =	sst s3  }
0xc: {  	[smem:$0x3FA7] =	sst s4  }
0xd: {  	[smem:$0x3FA8] =	sst s5  }
0xe: {  	[smem:$0x3FA9] =	sst s6  }
0xf: {  	[smem:$0x3FAA] =	sst s7  }
0x10: {  	[smem:$0x3FAB] =	sst s8  }
0x11: {  	[smem:$0x3FAC] =	sst s9;
	s0 =	simm.s32 @!p0 $0x0  }
0x12: {  	s1 =	sld [smem:$0x3F92];
	s0 =	simm.s32 @p0 $0x1  }
0x13: {  	[smem:$0x3FAD] =	sst s0;
	s0 =	simm.s32 @!p1 $0x0  }
0x14: {  	s2 =	sld [smem:$0x3F91];
	s0 =	simm.s32 @p1 $0x1  }
0x15: {  	[smem:$0x3FAE] =	sst s0;
	s0 =	simm.s32 @!p2 $0x0  }
0x16: {  	s3 =	sld [smem:$0x3FDB];
	s0 =	simm.s32 @p2 $0x1  }
0x17: {  	s4 =	simm.s32 $0x1BF5;
	[smem:$0x3FB0] =	sst s0  }
0x18: {  	s0 =	sld [smem:$0x3F93];
	_ =	swait.ge [sflag:s4], $0x0  }
0x19: {  	s7 =	sld [smem:$0x3F94]  }
0x1a: {  	s8 =	sadd.s32 $0xFFFFE003, lr  }
0x1b: {  	s9 =	sadd.s32 $0xFFFFFEF7, lr;
	s5 =	simm.s32 $0xFFFFFFFF;
	p2 =	slt.u32 s8, $0xFFFFF086  }
0x1c: {  	p1 =	slt.u32 s9, $0xF7A;
	s5 =	simm.s32 @!p2 $0x0  }
0x1d: {  	s5 =	simm.s32 @p1 $0x1;
	p0 =	seq.s32 s7, s2  }
0x1e: {  	s7 =	smul.u32 @!p0 $0xF7A, s2;
	p2 =	seq.s32 @!p0 s5, $0x0  }
0x1f: {  	s9 =	smul.u32 $0xF7A, s1;
	s8 =	simm.s32 @!p0 $0x1BF5;
	p2 =	por !p2, p0  }
0x20: {  	[sflag:s8] =	ssyncset.s32 @!p0 $0xFFFFF086;
	s6 =	sadd.s32 @!p0 s3, s7;
	s7 =	simm.s32 @!p0 $0x108  }
0x21: {  	s3 =	sadd.s32 s3, s9;
	s6 =	sadd.s32 @!p0 $0x88, s6;
	s7 =	simm.s32 @p2 $0x1082  }
0x22: {  	[simem:s7], [sflag:s8] =	dma.local @!p0 [hbm:s6], $0xF7A  }
0x23: {  	s9 =	sor.u32 $0xD0000000, s2;
	s6 =	simm.s32 $0x108;
	_ =	swait.ge @!p0 [sflag:s8], $0x0  }
0x24: {  	s3 =	sadd.s32 $0x88, s3;
	s6 =	simm.s32 @!p1 $0x1082;
	[sflag:s4] =	ssyncset.s32 $0xFFFFF086  }
0x25: {  	[simem:s6], [sflag:s4] =	dma.local [hbm:s3], $0xF7A  }
0x26: {  	[smem:$0x3F94] =	sst s1;
	(tag) =	ssettag s2;
	_ =	strace s9  }
0x27: {  	s1 =	sld [smem:$0x3FA4]  }
0x28: {  	s2 =	sld [smem:$0x3FA5]  }
0x29: {  	s4 =	sld [smem:$0x3FA7]  }
0x2a: {  	p0 =	seq.s32 s5, $0x0;
	s5 =	sld [smem:$0x3FA8]  }
0x2b: {  	s6 =	sld [smem:$0x3FA9]  }
0x2c: {  	s7 =	sld [smem:$0x3FAA]  }
0x2d: {  	s3 =	simm.s32 $0x108;
	s8 =	sld [smem:$0x3FAB]  }
0x2e: {  	s3 =	simm.s32 @!p0 $0x1082;
	s9 =	sld [smem:$0x3FAC]  }
0x2f: {  	lr =	sadd.s32 s0, s3;
	s0 =	sld [smem:$0x3FA3]  }
0x30: {  	s3 =	sld [smem:$0x3FA6]  }
0x31: {  	[smem:$0x3FAF] =	sst s10  }
0x32: {  	s10 =	sld [smem:$0x3FAD];
	_ =	sdelay $0x3  }
0x33: {  	p0 =	seq.s32 s10, $0x1;
	s10 =	sld [smem:$0x3FAF];
	_ =	sdelay $0x3  }
0x34: {  	[smem:$0x3FAF] =	sst s10  }
0x35: {  	s10 =	sld [smem:$0x3FAE];
	_ =	sdelay $0x3  }
0x36: {  	p1 =	seq.s32 s10, $0x1;
	s10 =	sld [smem:$0x3FAF];
	_ =	sdelay $0x3  }
0x37: {  	[smem:$0x3FAF] =	sst s10  }
0x38: {  	s10 =	sld [smem:$0x3FB0]  }
0x39: {  	_ = 	snop;
	(pc) =	sbr.ind lr, $3  }
0x3a: {  	_ = 	snop  }
0x3b: {  	_ = 	snop  }
0x3c: {  	p2 =	seq.s32 s10, $0x1;
	s10 =	sld [smem:$0x3FAF]  }
0x3d: {  	_ =	shalt  }
0x3e: {  	_ =	shalt  }
0x3f: {  	_ =	shalt  }
0x40: {  	_ =	shalt  }
0x41: {  	_ =	shalt  }
0x42: {  	_ =	shalt  }
0x43: {  	_ =	shalt  }
0x44: {  	_ =	shalt  }
0x45: {  	_ =	shalt  }
0x46: {  	_ =	shalt  }
0x47: {  	_ =	shalt  }
0x48: {  	_ =	shalt  }
0x49: {  	_ =	shalt  }
0x4a: {  	_ =	shalt  }
0x4b: {  	_ =	shalt  }
0x4c: {  	_ =	shalt  }
0x4d: {  	_ =	shalt  }
0x4e: {  	_ =	shalt  }
0x4f: {  	_ =	shalt  }
0x50: {  	_ =	shalt  }
0x51: {  	_ =	shalt  }
0x52: {  	_ =	shalt  }
0x53: {  	_ =	shalt  }
0x54: {  	_ =	shalt  }
0x55: {  	_ =	shalt  }
0x56: {  	_ =	shalt  }
0x57: {  	_ =	shalt  }
0x58: {  	_ =	shalt  }
0x59: {  	_ =	shalt  }
0x5a: {  	_ =	shalt  }
0x5b: {  	_ =	shalt  }
0x5c: {  	_ =	shalt  }
0x5d: {  	_ =	shalt  }
0x5e: {  	_ =	shalt  }
0x5f: {  	_ =	shalt  }
0x60: {  	_ =	shalt  }
0x61: {  	_ =	shalt  }
0x62: {  	_ =	shalt  }
0x63: {  	_ =	shalt  }
0x64: {  	_ =	shalt  }
0x65: {  	_ =	shalt  }
0x66: {  	_ =	shalt  }
0x67: {  	_ =	shalt  }
0x68: {  	_ =	shalt  }
0x69: {  	_ =	shalt  }
0x6a: {  	_ =	shalt  }
0x6b: {  	_ =	shalt  }
0x6c: {  	_ =	shalt  }
0x6d: {  	_ =	shalt  }
0x6e: {  	_ =	shalt  }
0x6f: {  	_ =	shalt  }
0x70: {  	_ =	shalt  }
0x71: {  	_ =	shalt  }
0x72: {  	_ =	shalt  }
0x73: {  	_ =	shalt  }
0x74: {  	_ =	shalt  }
0x75: {  	_ =	shalt  }
0x76: {  	_ =	shalt  }
0x77: {  	_ =	shalt  }
0x78: {  	_ =	shalt  }
0x79: {  	_ =	shalt  }
0x7a: {  	_ =	shalt  }
0x7b: {  	_ =	shalt  }
0x7c: {  	_ =	shalt  }
0x7d: {  	_ =	shalt  }
0x7e: {  	_ =	shalt  }
0x7f: {  	_ =	shalt  }
0x80: {  	_ =	shalt  }
0x81: {  	_ =	shalt  }
0x82: {  	_ =	shalt  }
0x83: {  	_ =	shalt  }
0x84: {  	_ =	shalt  }
0x85: {  	_ =	shalt  }
0x86: {  	_ =	shalt  }
0x87: {  	_ =	shalt  }
.Lfunc_end0:
.L_simem_size_0:
called_computation_lowered:
.L_overlay_start_0:
0x88: {  	s2 =	sld [smem:$0x3FD9]  }
0x89: {  	s3 =	sld [smem:$0x3FFE];
	_ =	sdelay $0x1  }
0x8a: {  	s1 =	srdreg.scid  }
0x8b: {  	s0 =	sand.u32 $0x1, s1  }
0x8c: {  	s16 =	sshll.u32 s0, $0xA;
	s2 =	sadd.s32 s3, s2  }
0x8d: {  	s2 =	sadd.s32 s2, s16  }
0x8e: {  	[smem:$0x3FBB] =	sst s2  }
0x8f: {  	_ = 	snop  }
0x90: {  	(tm) =	ssettm $0x1  }
0x91: {  	s17 =	sld [smem:$0x3FFB];
	_ =	sdelay $0x3  }
0x92: {  	_ =	strace s17  }
0x93: {  	s2 =	sld [smem:$0x3FFC];
	_ =	sdelay $0x3  }
0x94: {  	_ =	strace s2  }
0x95: {  	s2 =	sld [smem:$0x3FFD];
	_ =	sdelay $0x3  }
0x96: {  	_ =	strace s2  }
0x97: {  	_ =	strace $0x8FFFFFFF  }
0x98: {  	s18 =	sld [smem:$0x3FDB];
	_ =	sdelay $0x1  }
0x99: {  	s19 =	simm.s32 $_scs_section_size  }
0x9a: {  	s4 =	simm.s32 $_size__tile_overlayer_lowered;
	s5 =	simm.s32 $_tile_overlayer_lowered  }
0x9b: {  	s22 =	simm.s32 $0x1BFF;
	s21 =	sshll.u32 s5, $0x1;
	s2 =	sadd.s32 s19, s18  }
0x9c: {  	s6 =	simm.s32 $0x0;
	s20 =	sshll.u32 s4, $0x1;
	s4 =	sadd.s32 s21, s2  }
0x9d: {  	[timem:s6], [sflag:s22] =	dma.local [hbm:s4], s20  }
0x9e: {  	_ =	swait.ge [sflag:s22], s20  }
0x9f: {  	s3 =	ssub.s32 $0x0, s20;
	[sflag:s22] =	ssyncset.done $0x0  }
0xa0: {  	[sflag:s22] =	ssyncadd.s32 s3;
	_ =	sdelay $0x1  }
0xa1: {  	s23 =	simm.s32 $0x1B8B  }
0xa2: {  	_ =	swait.ge [sflag:s23], $0x1  }
0xa3: {  	[sflag:s23] =	ssyncset.done $0x0  }
0xa4: {  	s25 =	simm.s32 $0x1B8E;
	s24 =	sld [smem:$0x3FFE];
	[sflag:s23] =	ssyncadd.s32 $0xFFFFFFFF  }
0xa5: {  	s26 =	simm.s32 $execute0_lowered;
	[smem:$0x3FD2] =	sst s25  }
0xa6: {  	s4 =	sshll.u32 s26, $0x1;
	_ =	strace $0x80000046;
	[dreg:$0x1] =	wrdreg $0xFFFFFFFF  }
0xa7: {  	s28 =	simm.s32 $_size_execute0_lowered;
	s2 =	sadd.s32 s2, s4;
	[dreg:$0x0] =	wrdreg $0x0  }
0xa8: {  	s4 =	sshll.u32 s28, $0x1;
	[dreg:$0x2] =	wrdreg s2  }
0xa9: {  	[dreg:$0x3] =	wrdreg s4  }
0xaa: {  	[dreg:$0x4] =	wrdreg $0xC0  }
0xab: {  	_ =	task [dreg:s6], $0x5FFFF  }
0xac: {  	[dreg:$0x1] =	wrdreg $0xFFFFFFFF  }
0xad: {  	[dreg:$0x0] =	wrdreg $0x60  }
0xae: {  	[dreg:$0x2] =	wrdreg s24  }
0xaf: {  	[dreg:$0x3] =	wrdreg $0xA8000  }
0xb0: {  	[dreg:$0x4] =	wrdreg $0x9  }
0xb1: {  	_ =	task.clear_ibuf [dreg:s6], $0x5FFFF;
	_ =	strace $0x90000046  }
0xb2: {  	s29 =	simm.s32 $0x9;
	_ =	strace $0x80000048  }
0xb3: {  	_ =	swait.ge [sflag:s29], $0x1  }
0xb4: {  	[sflag:s29] =	ssyncadd.s32 $0xFFFFFFFF  }
0xb5: {  	_ =	strace $0x90000048  }
0xb6: {  	_ =	sfence  }
0xb7: {  	s30 =	sld [smem:$0x0];
	_ =	sdelay $0x2  }
0xb8: {  	s31 =	sshll.u32 s1, $0xD;
	s1 =	sshrl.u32 s1, $0x2  }
0xb9: {  	s3 =	sand.u32 $0x4000, s31;
	s1 =	sadd.s32 s1, s30  }
0xba: {  	s0 =	sor.u32 s3, s0;
	s1 =	sshll.u32 s1, $0x11  }
0xbb: {  	s0 =	sor.u32 s1, s0  }
0xbc: {  	s0 =	sadd.s32 $0x8F2B, s0  }
0xbd: {  	[sflag:s0] =	ssyncadd.remote.s32 $0x1  }
0xbe: {  	_ =	sfence.sel $0xFFFF  }
0xbf: {  	[dreg:$0x0] =	wrdreg $0xFFFFFFFF;
	(pc) =	sbr.abs _section_cstart, $3  }
0xc0: {  	[dreg:$0x1] =	wrdreg $0xFFFFFFFF  }
0xc1: {  	_ =	task.clear_ibuf [dreg:s6], $0x2FFFF;
	_ =	strace $0x9FFFFFFF  }
0xc2: {  	(tm) =	ssettm $0x7FFFFFFF  }
0xc3: {  	_ =	shalt  }
tec
execute0_lowered:
.L_overlay_start_1:
0x0: {  	(tag) =	ssettag $0x1  }
0x1: {  	s5 =	rddreg [dreg:$0x0]  }
0x2: {  	s1 =	rddreg [dreg:$0x1]  }
0x3: {  	s0 =	rddreg [dreg:$0x2];
	s3 =	simm.s32 $0x0;
	s2 =	srdreg.scid  }
0x4: {  	s19 =	simm.s32 $0x3;
	s20 =	simm.s32 $0x1400;
	s21 =	simm.s32 $0x80  }
0x5: {  	s22 =	simm.s32 $0x6800;
	s23 =	simm.s32 $0x1;
	s24 =	simm.s32 $0x2  }
0x6: {  	s25 =	simm.s32 $0x2700;
	[smem:$0x7FF] =	sst s3;
	s6 =	sand.u32 $0x1, s2  }
0x7: {  	s26 =	simm.s32 $0x2780;
	s2 =	stileid.u32;
	s7 =	smul.u32 $0x140000, s6  }
0x8: {  	s4 =	sadd.s32 $0x21200, s5;
	s14 =	sadd.s32 $0x3200, s5;
	s8 =	smul.u32 $0x14000, s2  }
0x9: {  	s31 =	sshll.u32 s6, $0x4;
	s9 =	smul.u32 $0x50000, s2;
	s6 =	ssub.s32 $0x2, s6  }
0xa: {  	s15 =	sadd.s32 $0x12200, s5;
	_ =	strace $0x80000047;
	s10 =	sshrl.u32 s6, $0x1  }
0xb: {  	s7 =	sadd.s32 s8, s7;
	s8 =	sor.u32 s2, s31;
	s9 =	sshrl.u32 s9, $0x2  }
0xc: {  	s17 =	ssub.s32 s6, s10;
	s7 =	sshrl.u32 s7, $0x3;
	s8 =	smul.u32 $0x3C00, s8  }
0xd: {  	s17 =	smax.u32 s17, $0x1;
	s16 =	sadd.s32 s7, s5;
	s5 =	sadd.s32 s9, s1  }
0xe: {  	s6 =	sadd.s32 $0x4000, s5;
	s7 =	sadd.s32 $0x8000, s5;
	s12 =	sshrl.u32 s8, $0x3  }
0xf: {  	s8 =	sadd.s32 $0xC000, s5;
	s9 =	sadd.s32 $0x10000, s5;
	s16 =	sadd.s32 $0x48400, s16  }
0x10: {  	s10 =	sadd.s32 s14, s12;
	s11 =	sadd.s32 s15, s12;
	s13 =	sadd.s32 $0x280, s12  }
0x11: {  	s18 =	sadd.s32 $0x500, s12;
	s12 =	sadd.s32 s14, s13;
	s13 =	sadd.s32 s15, s13  }
0x12: {  	v0 =	vimm.f32 $0.0e+00;
	s14 =	sadd.s32 s14, s18;
	s15 =	sadd.s32 s15, s18;
	s18 =	simm.s32 $0x2800  }
.LBB2_1:
0x13: {  	s28 =	simm.s32 $0x0;
	s29 =	simm.s32 $0x200  }
.LBB2_2:
0x14: {  	p0 =	sne.s32 s29, $0xFE00;
	[tilespmem:s28+$0x2870] =	vst v0  }
0x15: {  	[tilespmem:s28+$0x2800] =	vst v0  }
0x16: {  	[tilespmem:s28+$0x2810] =	vst v0  }
.Ltmp0:
0x17: {  	[tilespmem:s28+$0x2820] =	vst v0;
	(pc) =	sbr.rel @p0 .LBB2_2-.Ltmp0, $4  }
0x18: {  	[tilespmem:s28+$0x2830] =	vst v0  }
0x19: {  	[tilespmem:s28+$0x2840] =	vst v0  }
0x1a: {  	[tilespmem:s28+$0x2850] =	vst v0  }
0x1b: {  	[tilespmem:s28+$0x2860] =	vst v0;
	s28 =	sshra.s32 s29, $0x2;
	s29 =	sadd.s32 $0x200, s29  }
0x1c: {  	[tilespmem:s28+$0x2870] =	vst v0  }
0x1d: {  	[tilespmem:s28+$0x2800] =	vst v0  }
0x1e: {  	[tilespmem:s28+$0x2810] =	vst v0  }
0x1f: {  	[tilespmem:s28+$0x2820] =	vst v0  }
0x20: {  	[tilespmem:s28+$0x2830] =	vst v0  }
0x21: {  	[tilespmem:s28+$0x2840] =	vst v0  }
0x22: {  	[tilespmem:s28+$0x2850] =	vst v0  }
0x23: {  	[tilespmem:s28+$0x2860] =	vst v0  }
0x24: {  	[spmem:s5] =	stream.linear.scatter [tilespmem:s18], [sflag:$0x3], $0x4000, $0x38;
	[tilespmem:$0x1F800] =	vst v63  }
0x25: {  	_ =	swait.ge [sflag:s19], $0x4000  }
0x26: {  	[sflag:s19] =	ssyncset.done $0x0  }
0x27: {  	[sflag:s19] =	ssyncadd.s32 $0xFFFFC000  }
0x28: {  	[spmem:s6] =	stream.linear.scatter [tilespmem:s18], [sflag:$0x3], $0x4000, $0x38;
	[tilespmem:$0x1F800] =	vst v63  }
0x29: {  	_ =	swait.ge [sflag:s19], $0x4000  }
0x2a: {  	[sflag:s19] =	ssyncset.done $0x0  }
0x2b: {  	[sflag:s19] =	ssyncadd.s32 $0xFFFFC000  }
0x2c: {  	[spmem:s7] =	stream.linear.scatter [tilespmem:s18], [sflag:$0x3], $0x4000, $0x38;
	[tilespmem:$0x1F800] =	vst v63  }
0x2d: {  	_ =	swait.ge [sflag:s19], $0x4000  }
0x2e: {  	[sflag:s19] =	ssyncset.done $0x0  }
0x2f: {  	[sflag:s19] =	ssyncadd.s32 $0xFFFFC000  }
0x30: {  	[spmem:s8] =	stream.linear.scatter [tilespmem:s18], [sflag:$0x3], $0x4000, $0x38;
	[tilespmem:$0x1F800] =	vst v63  }
0x31: {  	_ =	swait.ge [sflag:s19], $0x4000  }
0x32: {  	[sflag:s19] =	ssyncset.done $0x0  }
0x33: {  	[sflag:s19] =	ssyncadd.s32 $0xFFFFC000  }
0x34: {  	[spmem:s9] =	stream.linear.scatter [tilespmem:s18], [sflag:$0x3], $0x4000, $0x38;
	[tilespmem:$0x1F800] =	vst v63  }
0x35: {  	_ =	swait.ge [sflag:s19], $0x4000  }
0x36: {  	[sflag:s19] =	ssyncset.done $0x0  }
0x37: {  	[sflag:s19] =	ssyncadd.s32 $0xFFFFC000  }
0x38: {  	s28 =	simm.s32 $0x0;
	[bflag:$0x0] =	sbarrier.arrive $0xFFFF  }
0x39: {  	[tilespmem:s28], [sflag:$0x3] =	stream.linear.gather [hbm4b:s10+s28], $0x1400, $0x38;
	[tilespmem:$0x1F800] =	vst v63  }
0x3a: {  	_ =	swait.ge [sflag:s19], $0x1400  }
0x3b: {  	[sflag:s19] =	ssyncset.done $0x0  }
0x3c: {  	[sflag:s19] =	ssyncadd.s32 $0xFFFFEC00  }
0x3d: {  	[tilespmem:s20], [sflag:$0x3] =	stream.linear.gather [hbm4b:s11+s28], $0x1400, $0x38;
	[tilespmem:$0x1F800] =	vst v63  }
0x3e: {  	_ =	swait.ge [sflag:s19], $0x1400  }
0x3f: {  	[sflag:s19] =	ssyncset.done $0x0  }
0x40: {  	[sflag:s19] =	ssyncadd.s32 $0xFFFFEC00  }
0x41: {  	[tilespmem:s18], [sflag:$0x1] =	stream.indirect.gather [hbm4b:s4+s21], $0x80, s28, s21, $0xb8;
	[tilespmem:$0x1F800] =	vst v63  }
0x42: {  	_ = 	snop  }
0x43: {  	[tilespmem:s22], [sflag:$0x2] =	stream.indirect.gather [hbm4b:s4+s21], $0x80, s21, s21, $0xb8;
	[tilespmem:$0x1F800] =	vst v63  }
0x44: {  	_ =	swait.ge [sflag:s23], $0x4000  }
0x45: {  	[sflag:s23] =	ssyncset.done $0x0  }
0x46: {  	s28 =	simm.s32 $0x1400;
	[sflag:s23] =	ssyncadd.s32 $0xFFFFC000  }
0x47: {  	[spmem:s1] =	stream.indirect.scatter.add.f32 [tilespmem:s18], [sflag:$0x3], $0x80, s28, s21, $0xb8;
	[tilespmem:$0x1F800] =	vst v63  }
0x48: {  	_ =	swait.ge [sflag:s19], $0x4000  }
0x49: {  	[sflag:s19] =	ssyncset.done $0x0  }
0x4a: {  	s28 =	simm.s32 $0x100;
	[sflag:s19] =	ssyncadd.s32 $0xFFFFC000  }
0x4b: {  	[tilespmem:s18], [sflag:$0x1] =	stream.indirect.gather [hbm4b:s4+s21], $0x80, s28, s21, $0xb8;
	[tilespmem:$0x1F800] =	vst v63  }
0x4c: {  	_ =	swait.ge [sflag:s24], $0x4000  }
0x4d: {  	[sflag:s24] =	ssyncset.done $0x0  }
0x4e: {  	s28 =	simm.s32 $0x1480;
	[sflag:s24] =	ssyncadd.s32 $0xFFFFC000  }
0x4f: {  	[spmem:s1] =	stream.indirect.scatter.add.f32 [tilespmem:s22], [sflag:$0x3], $0x80, s28, s21, $0xb8;
	[tilespmem:$0x1F800] =	vst v63  }
0x50: {  	_ =	swait.ge [sflag:s19], $0x4000  }
0x51: {  	[sflag:s19] =	ssyncset.done $0x0  }
0x52: {  	s29 =	simm.s32 $0x180;
	s28 =	simm.s32 $0x400;
	[sflag:s19] =	ssyncadd.s32 $0xFFFFC000  }
.LBB2_4:
0x53: {  	[tilespmem:s22], [sflag:$0x2] =	stream.indirect.gather [hbm4b:s4+s21], $0x80, s29, s21, $0xb8;
	[tilespmem:$0x1F800] =	vst v63  }
0x54: {  	s29 =	smov.u32 s28  }
0x55: {  	p0 =	sne.s32 s28, $0x4800;
	s28 =	sadd.s32 $0x400, s28;
	_ =	swait.ge [sflag:s23], $0x4000  }
0x56: {  	s29 =	sshra.s32 s29, $0x2;
	[sflag:s23] =	ssyncset.done $0x0  }
0x57: {  	s30 =	sadd.s32 $0x1400, s29;
	[sflag:s23] =	ssyncadd.s32 $0xFFFFC000  }
0x58: {  	[spmem:s1] =	stream.indirect.scatter.add.f32 [tilespmem:s18], [sflag:$0x3], $0x80, s30, s21, $0xb8;
	[tilespmem:$0x1F800] =	vst v63  }
0x59: {  	_ =	swait.ge [sflag:s19], $0x4000  }
0x5a: {  	[sflag:s19] =	ssyncset.done $0x0  }
0x5b: {  	s30 =	sadd.s32 $0x100, s29;
	[sflag:s19] =	ssyncadd.s32 $0xFFFFC000  }
0x5c: {  	[tilespmem:s18], [sflag:$0x1] =	stream.indirect.gather [hbm4b:s4+s21], $0x80, s30, s21, $0xb8;
	[tilespmem:$0x1F800] =	vst v63  }
0x5d: {  	_ =	swait.ge [sflag:s24], $0x4000  }
0x5e: {  	[sflag:s24] =	ssyncset.done $0x0  }
.Ltmp1:
0x5f: {  	s30 =	sadd.s32 $0x1480, s29;
	[sflag:s24] =	ssyncadd.s32 $0xFFFFC000;
	(pc) =	sbr.rel @p0 .LBB2_4-.Ltmp1, $4  }
0x60: {  	[spmem:s1] =	stream.indirect.scatter.add.f32 [tilespmem:s22], [sflag:$0x3], $0x80, s30, s21, $0xb8;
	[tilespmem:$0x1F800] =	vst v63  }
0x61: {  	_ =	swait.ge [sflag:s19], $0x4000  }
0x62: {  	[sflag:s19] =	ssyncset.done $0x0  }
0x63: {  	s29 =	sadd.s32 $0x180, s29;
	[sflag:s19] =	ssyncadd.s32 $0xFFFFC000  }
0x64: {  	[tilespmem:s22], [sflag:$0x2] =	stream.indirect.gather [hbm4b:s4+s21], $0x80, s29, s21, $0xb8;
	[tilespmem:$0x1F800] =	vst v63  }
0x65: {  	_ =	swait.ge [sflag:s23], $0x4000  }
0x66: {  	[sflag:s23] =	ssyncset.done $0x0  }
0x67: {  	[sflag:s23] =	ssyncadd.s32 $0xFFFFC000  }
0x68: {  	[spmem:s1] =	stream.indirect.scatter.add.f32 [tilespmem:s18], [sflag:$0x3], $0x80, s25, s21, $0xb8;
	[tilespmem:$0x1F800] =	vst v63  }
0x69: {  	_ =	swait.ge [sflag:s19], $0x4000  }
0x6a: {  	[sflag:s19] =	ssyncset.done $0x0  }
0x6b: {  	[sflag:s19] =	ssyncadd.s32 $0xFFFFC000  }
0x6c: {  	_ =	swait.ge [sflag:s24], $0x4000  }
0x6d: {  	[sflag:s24] =	ssyncset.done $0x0  }
0x6e: {  	[sflag:s24] =	ssyncadd.s32 $0xFFFFC000  }
0x6f: {  	[spmem:s1] =	stream.indirect.scatter.add.f32 [tilespmem:s22], [sflag:$0x3], $0x80, s26, s21, $0xb8;
	[tilespmem:$0x1F800] =	vst v63  }
0x70: {  	_ =	swait.ge [sflag:s19], $0x4000  }
0x71: {  	[sflag:s19] =	ssyncset.done $0x0  }
0x72: {  	s28 =	simm.s32 $0x0;
	[sflag:s19] =	ssyncadd.s32 $0xFFFFC000  }
0x73: {  	[tilespmem:s28], [sflag:$0x3] =	stream.linear.gather [hbm4b:s12+s28], $0x1400, $0x38;
	[tilespmem:$0x1F800] =	vst v63  }
0x74: {  	_ =	swait.ge [sflag:s19], $0x1400  }
0x75: {  	[sflag:s19] =	ssyncset.done $0x0  }
0x76: {  	[sflag:s19] =	ssyncadd.s32 $0xFFFFEC00  }
0x77: {  	[tilespmem:s20], [sflag:$0x3] =	stream.linear.gather [hbm4b:s13+s28], $0x1400, $0x38;
	[tilespmem:$0x1F800] =	vst v63  }
0x78: {  	_ =	swait.ge [sflag:s19], $0x1400  }
0x79: {  	[sflag:s19] =	ssyncset.done $0x0  }
0x7a: {  	[sflag:s19] =	ssyncadd.s32 $0xFFFFEC00  }
0x7b: {  	[tilespmem:s18], [sflag:$0x1] =	stream.indirect.gather [hbm4b:s4+s21], $0x80, s28, s21, $0xb8;
	[tilespmem:$0x1F800] =	vst v63  }
0x7c: {  	_ = 	snop  }
0x7d: {  	[tilespmem:s22], [sflag:$0x2] =	stream.indirect.gather [hbm4b:s4+s21], $0x80, s21, s21, $0xb8;
	[tilespmem:$0x1F800] =	vst v63  }
0x7e: {  	_ =	swait.ge [sflag:s23], $0x4000  }
0x7f: {  	[sflag:s23] =	ssyncset.done $0x0  }
0x80: {  	s28 =	simm.s32 $0x1400;
	[sflag:s23] =	ssyncadd.s32 $0xFFFFC000  }
0x81: {  	[spmem:s1] =	stream.indirect.scatter.add.f32 [tilespmem:s18], [sflag:$0x3], $0x80, s28, s21, $0xb8;
	[tilespmem:$0x1F800] =	vst v63  }
0x82: {  	_ =	swait.ge [sflag:s19], $0x4000  }
0x83: {  	[sflag:s19] =	ssyncset.done $0x0  }
0x84: {  	s28 =	simm.s32 $0x100;
	[sflag:s19] =	ssyncadd.s32 $0xFFFFC000  }
0x85: {  	[tilespmem:s18], [sflag:$0x1] =	stream.indirect.gather [hbm4b:s4+s21], $0x80, s28, s21, $0xb8;
	[tilespmem:$0x1F800] =	vst v63  }
0x86: {  	_ =	swait.ge [sflag:s24], $0x4000  }
0x87: {  	[sflag:s24] =	ssyncset.done $0x0  }
0x88: {  	s28 =	simm.s32 $0x1480;
	[sflag:s24] =	ssyncadd.s32 $0xFFFFC000  }
0x89: {  	[spmem:s1] =	stream.indirect.scatter.add.f32 [tilespmem:s22], [sflag:$0x3], $0x80, s28, s21, $0xb8;
	[tilespmem:$0x1F800] =	vst v63  }
0x8a: {  	_ =	swait.ge [sflag:s19], $0x4000  }
0x8b: {  	[sflag:s19] =	ssyncset.done $0x0  }
0x8c: {  	s29 =	simm.s32 $0x180;
	s28 =	simm.s32 $0x400;
	[sflag:s19] =	ssyncadd.s32 $0xFFFFC000  }
.LBB2_6:
0x8d: {  	[tilespmem:s22], [sflag:$0x2] =	stream.indirect.gather [hbm4b:s4+s21], $0x80, s29, s21, $0xb8;
	[tilespmem:$0x1F800] =	vst v63  }
0x8e: {  	s29 =	smov.u32 s28  }
0x8f: {  	p0 =	sne.s32 s28, $0x4800;
	s28 =	sadd.s32 $0x400, s28;
	_ =	swait.ge [sflag:s23], $0x4000  }
0x90: {  	s29 =	sshra.s32 s29, $0x2;
	[sflag:s23] =	ssyncset.done $0x0  }
0x91: {  	s30 =	sadd.s32 $0x1400, s29;
	[sflag:s23] =	ssyncadd.s32 $0xFFFFC000  }
0x92: {  	[spmem:s1] =	stream.indirect.scatter.add.f32 [tilespmem:s18], [sflag:$0x3], $0x80, s30, s21, $0xb8;
	[tilespmem:$0x1F800] =	vst v63  }
0x93: {  	_ =	swait.ge [sflag:s19], $0x4000  }
0x94: {  	[sflag:s19] =	ssyncset.done $0x0  }
0x95: {  	s30 =	sadd.s32 $0x100, s29;
	[sflag:s19] =	ssyncadd.s32 $0xFFFFC000  }
0x96: {  	[tilespmem:s18], [sflag:$0x1] =	stream.indirect.gather [hbm4b:s4+s21], $0x80, s30, s21, $0xb8;
	[tilespmem:$0x1F800] =	vst v63  }
0x97: {  	_ =	swait.ge [sflag:s24], $0x4000  }
0x98: {  	[sflag:s24] =	ssyncset.done $0x0  }
.Ltmp2:
0x99: {  	s30 =	sadd.s32 $0x1480, s29;
	[sflag:s24] =	ssyncadd.s32 $0xFFFFC000;
	(pc) =	sbr.rel @p0 .LBB2_6-.Ltmp2, $4  }
0x9a: {  	[spmem:s1] =	stream.indirect.scatter.add.f32 [tilespmem:s22], [sflag:$0x3], $0x80, s30, s21, $0xb8;
	[tilespmem:$0x1F800] =	vst v63  }
0x9b: {  	_ =	swait.ge [sflag:s19], $0x4000  }
0x9c: {  	[sflag:s19] =	ssyncset.done $0x0  }
0x9d: {  	s29 =	sadd.s32 $0x180, s29;
	[sflag:s19] =	ssyncadd.s32 $0xFFFFC000  }
0x9e: {  	[tilespmem:s22], [sflag:$0x2] =	stream.indirect.gather [hbm4b:s4+s21], $0x80, s29, s21, $0xb8;
	[tilespmem:$0x1F800] =	vst v63  }
0x9f: {  	_ =	swait.ge [sflag:s23], $0x4000  }
0xa0: {  	[sflag:s23] =	ssyncset.done $0x0  }
0xa1: {  	[sflag:s23] =	ssyncadd.s32 $0xFFFFC000  }
0xa2: {  	[spmem:s1] =	stream.indirect.scatter.add.f32 [tilespmem:s18], [sflag:$0x3], $0x80, s25, s21, $0xb8;
	[tilespmem:$0x1F800] =	vst v63  }
0xa3: {  	_ =	swait.ge [sflag:s19], $0x4000  }
0xa4: {  	[sflag:s19] =	ssyncset.done $0x0  }
0xa5: {  	[sflag:s19] =	ssyncadd.s32 $0xFFFFC000  }
0xa6: {  	_ =	swait.ge [sflag:s24], $0x4000  }
0xa7: {  	[sflag:s24] =	ssyncset.done $0x0  }
0xa8: {  	[sflag:s24] =	ssyncadd.s32 $0xFFFFC000  }
0xa9: {  	[spmem:s1] =	stream.indirect.scatter.add.f32 [tilespmem:s22], [sflag:$0x3], $0x80, s26, s21, $0xb8;
	[tilespmem:$0x1F800] =	vst v63  }
0xaa: {  	_ =	swait.ge [sflag:s19], $0x4000  }
0xab: {  	[sflag:s19] =	ssyncset.done $0x0  }
0xac: {  	s28 =	simm.s32 $0x0;
	[sflag:s19] =	ssyncadd.s32 $0xFFFFC000  }
0xad: {  	[tilespmem:s28], [sflag:$0x3] =	stream.linear.gather [hbm4b:s14+s28], $0x1400, $0x38;
	[tilespmem:$0x1F800] =	vst v63  }
0xae: {  	_ =	swait.ge [sflag:s19], $0x1400  }
0xaf: {  	[sflag:s19] =	ssyncset.done $0x0  }
0xb0: {  	[sflag:s19] =	ssyncadd.s32 $0xFFFFEC00  }
0xb1: {  	[tilespmem:s20], [sflag:$0x3] =	stream.linear.gather [hbm4b:s15+s28], $0x1400, $0x38;
	[tilespmem:$0x1F800] =	vst v63  }
0xb2: {  	_ =	swait.ge [sflag:s19], $0x1400  }
0xb3: {  	[sflag:s19] =	ssyncset.done $0x0  }
0xb4: {  	[sflag:s19] =	ssyncadd.s32 $0xFFFFEC00  }
0xb5: {  	[tilespmem:s18], [sflag:$0x1] =	stream.indirect.gather [hbm4b:s4+s21], $0x80, s28, s21, $0xb8;
	[tilespmem:$0x1F800] =	vst v63  }
0xb6: {  	_ = 	snop  }
0xb7: {  	[tilespmem:s22], [sflag:$0x2] =	stream.indirect.gather [hbm4b:s4+s21], $0x80, s21, s21, $0xb8;
	[tilespmem:$0x1F800] =	vst v63  }
0xb8: {  	_ =	swait.ge [sflag:s23], $0x4000  }
0xb9: {  	[sflag:s23] =	ssyncset.done $0x0  }
0xba: {  	s28 =	simm.s32 $0x1400;
	[sflag:s23] =	ssyncadd.s32 $0xFFFFC000  }
0xbb: {  	[spmem:s1] =	stream.indirect.scatter.add.f32 [tilespmem:s18], [sflag:$0x3], $0x80, s28, s21, $0xb8;
	[tilespmem:$0x1F800] =	vst v63  }
0xbc: {  	_ =	swait.ge [sflag:s19], $0x4000  }
0xbd: {  	[sflag:s19] =	ssyncset.done $0x0  }
0xbe: {  	s28 =	simm.s32 $0x100;
	[sflag:s19] =	ssyncadd.s32 $0xFFFFC000  }
0xbf: {  	[tilespmem:s18], [sflag:$0x1] =	stream.indirect.gather [hbm4b:s4+s21], $0x80, s28, s21, $0xb8;
	[tilespmem:$0x1F800] =	vst v63  }
0xc0: {  	_ =	swait.ge [sflag:s24], $0x4000  }
0xc1: {  	[sflag:s24] =	ssyncset.done $0x0  }
0xc2: {  	s28 =	simm.s32 $0x1480;
	[sflag:s24] =	ssyncadd.s32 $0xFFFFC000  }
0xc3: {  	[spmem:s1] =	stream.indirect.scatter.add.f32 [tilespmem:s22], [sflag:$0x3], $0x80, s28, s21, $0xb8;
	[tilespmem:$0x1F800] =	vst v63  }
0xc4: {  	_ =	swait.ge [sflag:s19], $0x4000  }
0xc5: {  	[sflag:s19] =	ssyncset.done $0x0  }
0xc6: {  	s29 =	simm.s32 $0x180;
	s28 =	simm.s32 $0x400;
	[sflag:s19] =	ssyncadd.s32 $0xFFFFC000  }
.LBB2_8:
0xc7: {  	[tilespmem:s22], [sflag:$0x2] =	stream.indirect.gather [hbm4b:s4+s21], $0x80, s29, s21, $0xb8;
	[tilespmem:$0x1F800] =	vst v63  }
0xc8: {  	s29 =	smov.u32 s28  }
0xc9: {  	p0 =	sne.s32 s28, $0x4800;
	s28 =	sadd.s32 $0x400, s28;
	_ =	swait.ge [sflag:s23], $0x4000  }
0xca: {  	s29 =	sshra.s32 s29, $0x2;
	[sflag:s23] =	ssyncset.done $0x0  }
0xcb: {  	s30 =	sadd.s32 $0x1400, s29;
	[sflag:s23] =	ssyncadd.s32 $0xFFFFC000  }
0xcc: {  	[spmem:s1] =	stream.indirect.scatter.add.f32 [tilespmem:s18], [sflag:$0x3], $0x80, s30, s21, $0xb8;
	[tilespmem:$0x1F800] =	vst v63  }
0xcd: {  	_ =	swait.ge [sflag:s19], $0x4000  }
0xce: {  	[sflag:s19] =	ssyncset.done $0x0  }
0xcf: {  	s30 =	sadd.s32 $0x100, s29;
	[sflag:s19] =	ssyncadd.s32 $0xFFFFC000  }
0xd0: {  	[tilespmem:s18], [sflag:$0x1] =	stream.indirect.gather [hbm4b:s4+s21], $0x80, s30, s21, $0xb8;
	[tilespmem:$0x1F800] =	vst v63  }
0xd1: {  	_ =	swait.ge [sflag:s24], $0x4000  }
0xd2: {  	[sflag:s24] =	ssyncset.done $0x0  }
.Ltmp3:
0xd3: {  	s30 =	sadd.s32 $0x1480, s29;
	[sflag:s24] =	ssyncadd.s32 $0xFFFFC000;
	(pc) =	sbr.rel @p0 .LBB2_8-.Ltmp3, $4  }
0xd4: {  	[spmem:s1] =	stream.indirect.scatter.add.f32 [tilespmem:s22], [sflag:$0x3], $0x80, s30, s21, $0xb8;
	[tilespmem:$0x1F800] =	vst v63  }
0xd5: {  	_ =	swait.ge [sflag:s19], $0x4000  }
0xd6: {  	[sflag:s19] =	ssyncset.done $0x0  }
0xd7: {  	s29 =	sadd.s32 $0x180, s29;
	[sflag:s19] =	ssyncadd.s32 $0xFFFFC000  }
0xd8: {  	[tilespmem:s22], [sflag:$0x2] =	stream.indirect.gather [hbm4b:s4+s21], $0x80, s29, s21, $0xb8;
	[tilespmem:$0x1F800] =	vst v63  }
0xd9: {  	_ =	swait.ge [sflag:s23], $0x4000  }
0xda: {  	[sflag:s23] =	ssyncset.done $0x0  }
0xdb: {  	[sflag:s23] =	ssyncadd.s32 $0xFFFFC000  }
0xdc: {  	[spmem:s1] =	stream.indirect.scatter.add.f32 [tilespmem:s18], [sflag:$0x3], $0x80, s25, s21, $0xb8;
	[tilespmem:$0x1F800] =	vst v63  }
0xdd: {  	_ =	swait.ge [sflag:s19], $0x4000  }
0xde: {  	[sflag:s19] =	ssyncset.done $0x0  }
0xdf: {  	[sflag:s19] =	ssyncadd.s32 $0xFFFFC000  }
0xe0: {  	_ =	swait.ge [sflag:s24], $0x4000  }
0xe1: {  	[sflag:s24] =	ssyncset.done $0x0  }
0xe2: {  	[sflag:s24] =	ssyncadd.s32 $0xFFFFC000  }
0xe3: {  	[spmem:s1] =	stream.indirect.scatter.add.f32 [tilespmem:s22], [sflag:$0x3], $0x80, s26, s21, $0xb8;
	[tilespmem:$0x1F800] =	vst v63  }
0xe4: {  	_ =	swait.ge [sflag:s19], $0x4000  }
0xe5: {  	s28 =	sshll.u32 s2, $0x6;
	s3 =	sadd.s32 $0x1, s3;
	[sflag:s19] =	ssyncset.done $0x0  }
0xe6: {  	s31 =	sshrl.u32 s5, $0x3;
	p0 =	sne.s32 s3, s17;
	[sflag:s19] =	ssyncadd.s32 $0xFFFFC000  }
.Ltmp4:
0xe7: {  	s28 =	sor.u32 $0x1C03, s28;
	[bflag:$0x0] =	sbarrier.arrive $0xFFFF;
	(pc) =	sbr.rel @p0 .LBB2_1-.Ltmp4, $4  }
0xe8: {  	[hbm:s16], [sflag:s28] =	dma.local [spmem:s31], $0x2800  }
0xe9: {  	_ =	swait.ge [sflag:s19], $0x2800  }
0xea: {  	[sflag:s19] =	ssyncset.done $0x0  }
0xeb: {  	[sflag:s19] =	ssyncadd.s32 $0xFFFFD800  }
0xec: {  	_ =	sfence.sel $0x180000  }
0xed: {  	[bflag:$0x0] =	sbarrier.arrive $0xFFFF  }
0xee: {  	p0 =	sne.s32 s2, $0x0;
	_ =	strace $0x90000047  }
0xef: {  	s0 =	sadd.s32 @!p0 $0x100000, s0;
	[bflag:$0x2] =	sbarrier.arrive $0xFFFF  }
0xf0: {  	[sflag:s0] =	ssyncadd.tile.s32 @!p0 $0x1;
	_ =	shalt  }
.Lfunc_end2:
_tile_overlayer_lowered:
.L_overlay_start_2:
0xf1: {  	(tag) =	ssettag $0x2  }
0xf2: {  	s0 =	rddreg [dreg:$0x0];
	s2 =	stileid.u32  }
0xf3: {  	s1 =	rddreg [dreg:$0x1];
	p0 =	sne.s32 s2, $0x0  }
0xf4: {  	s3 =	rddreg [dreg:$0x2];
	[bflag:$0x3] =	sbarrier.arrive $0xFFFF;
	s2 =	simm.s32 @!p0 $0x1C03  }
0xf5: {  	[timem:s3], [sflag:s2] =	dma.local @!p0 [hbm:s0], s1  }
0xf6: {  	s0 =	simm.s32 @!p0 $0x3  }
0xf7: {  	_ =	swait.ge @!p0 [sflag:s0], s1  }
0xf8: {  	s1 =	ssub.s32 @!p0 $0x0, s1;
	[sflag:s0] =	ssyncset.done @!p0 $0x0  }
0xf9: {  	[sflag:s0] =	ssyncadd.s32 @!p0 s1  }
0xfa: {  	[bflag:$0x3] =	sbarrier.arrive $0xFFFF  }
0xfb: {  	_ =	shalt  }

// kernel: kernel.14.cloned.1.call-start
scs
__scs_entry_jumppad:
0x0: {  	(pc) =	sbr.rel $0x88, $3  }
0x1: {  	(tag) =	ssettag $0x0;
	lr =	simm.s32 $0x1  }
0x2: {  	[smem:$0x3F94] =	sst lr;
	_ =	strace $0xD0000000  }
0x3: {  	_ = 	snop  }
0x4: {  	_ = 	snop  }
0x5: {  	_ = 	snop  }
0x6: {  	_ = 	snop  }
0x7: {  	_ = 	snop  }
__scs_overlays_trampoline_lowered:
0x8: {  	[smem:$0x3FA3] =	sst s0  }
0x9: {  	[smem:$0x3FA4] =	sst s1  }
0xa: {  	[smem:$0x3FA5] =	sst s2  }
0xb: {  	[smem:$0x3FA6] =	sst s3  }
0xc: {  	[smem:$0x3FA7] =	sst s4  }
0xd: {  	[smem:$0x3FA8] =	sst s5  }
0xe: {  	[smem:$0x3FA9] =	sst s6  }
0xf: {  	[smem:$0x3FAA] =	sst s7  }
0x10: {  	[smem:$0x3FAB] =	sst s8  }
0x11: {  	[smem:$0x3FAC] =	sst s9;
	s0 =	simm.s32 @!p0 $0x0  }
0x12: {  	s1 =	sld [smem:$0x3F92];
	s0 =	simm.s32 @p0 $0x1  }
0x13: {  	[smem:$0x3FAD] =	sst s0;
	s0 =	simm.s32 @!p1 $0x0  }
0x14: {  	s2 =	sld [smem:$0x3F91];
	s0 =	simm.s32 @p1 $0x1  }
0x15: {  	[smem:$0x3FAE] =	sst s0;
	s0 =	simm.s32 @!p2 $0x0  }
0x16: {  	s3 =	sld [smem:$0x3FDB];
	s0 =	simm.s32 @p2 $0x1  }
0x17: {  	s4 =	simm.s32 $0x1BF5;
	[smem:$0x3FB0] =	sst s0  }
0x18: {  	s0 =	sld [smem:$0x3F93];
	_ =	swait.ge [sflag:s4], $0x0  }
0x19: {  	s7 =	sld [smem:$0x3F94]  }
0x1a: {  	s8 =	sadd.s32 $0xFFFFE003, lr  }
0x1b: {  	s9 =	sadd.s32 $0xFFFFFEF7, lr;
	s5 =	simm.s32 $0xFFFFFFFF;
	p2 =	slt.u32 s8, $0xFFFFF086  }
0x1c: {  	p1 =	slt.u32 s9, $0xF7A;
	s5 =	simm.s32 @!p2 $0x0  }
0x1d: {  	s5 =	simm.s32 @p1 $0x1;
	p0 =	seq.s32 s7, s2  }
0x1e: {  	s7 =	smul.u32 @!p0 $0xF7A, s2;
	p2 =	seq.s32 @!p0 s5, $0x0  }
0x1f: {  	s9 =	smul.u32 $0xF7A, s1;
	s8 =	simm.s32 @!p0 $0x1BF5;
	p2 =	por !p2, p0  }
0x20: {  	[sflag:s8] =	ssyncset.s32 @!p0 $0xFFFFF086;
	s6 =	sadd.s32 @!p0 s3, s7;
	s7 =	simm.s32 @!p0 $0x108  }
0x21: {  	s3 =	sadd.s32 s3, s9;
	s6 =	sadd.s32 @!p0 $0x88, s6;
	s7 =	simm.s32 @p2 $0x1082  }
0x22: {  	[simem:s7], [sflag:s8] =	dma.local @!p0 [hbm:s6], $0xF7A  }
0x23: {  	s9 =	sor.u32 $0xD0000000, s2;
	s6 =	simm.s32 $0x108;
	_ =	swait.ge @!p0 [sflag:s8], $0x0  }
0x24: {  	s3 =	sadd.s32 $0x88, s3;
	s6 =	simm.s32 @!p1 $0x1082;
	[sflag:s4] =	ssyncset.s32 $0xFFFFF086  }
0x25: {  	[simem:s6], [sflag:s4] =	dma.local [hbm:s3], $0xF7A  }
0x26: {  	[smem:$0x3F94] =	sst s1;
	(tag) =	ssettag s2;
	_ =	strace s9  }
0x27: {  	s1 =	sld [smem:$0x3FA4]  }
0x28: {  	s2 =	sld [smem:$0x3FA5]  }
0x29: {  	s4 =	sld [smem:$0x3FA7]  }
0x2a: {  	p0 =	seq.s32 s5, $0x0;
	s5 =	sld [smem:$0x3FA8]  }
0x2b: {  	s6 =	sld [smem:$0x3FA9]  }
0x2c: {  	s7 =	sld [smem:$0x3FAA]  }
0x2d: {  	s3 =	simm.s32 $0x108;
	s8 =	sld [smem:$0x3FAB]  }
0x2e: {  	s3 =	simm.s32 @!p0 $0x1082;
	s9 =	sld [smem:$0x3FAC]  }
0x2f: {  	lr =	sadd.s32 s0, s3;
	s0 =	sld [smem:$0x3FA3]  }
0x30: {  	s3 =	sld [smem:$0x3FA6]  }
0x31: {  	[smem:$0x3FAF] =	sst s10  }
0x32: {  	s10 =	sld [smem:$0x3FAD];
	_ =	sdelay $0x3  }
0x33: {  	p0 =	seq.s32 s10, $0x1;
	s10 =	sld [smem:$0x3FAF];
	_ =	sdelay $0x3  }
0x34: {  	[smem:$0x3FAF] =	sst s10  }
0x35: {  	s10 =	sld [smem:$0x3FAE];
	_ =	sdelay $0x3  }
0x36: {  	p1 =	seq.s32 s10, $0x1;
	s10 =	sld [smem:$0x3FAF];
	_ =	sdelay $0x3  }
0x37: {  	[smem:$0x3FAF] =	sst s10  }
0x38: {  	s10 =	sld [smem:$0x3FB0]  }
0x39: {  	_ = 	snop;
	(pc) =	sbr.ind lr, $3  }
0x3a: {  	_ = 	snop  }
0x3b: {  	_ = 	snop  }
0x3c: {  	p2 =	seq.s32 s10, $0x1;
	s10 =	sld [smem:$0x3FAF]  }
0x3d: {  	_ =	shalt  }
0x3e: {  	_ =	shalt  }
0x3f: {  	_ =	shalt  }
0x40: {  	_ =	shalt  }
0x41: {  	_ =	shalt  }
0x42: {  	_ =	shalt  }
0x43: {  	_ =	shalt  }
0x44: {  	_ =	shalt  }
0x45: {  	_ =	shalt  }
0x46: {  	_ =	shalt  }
0x47: {  	_ =	shalt  }
0x48: {  	_ =	shalt  }
0x49: {  	_ =	shalt  }
0x4a: {  	_ =	shalt  }
0x4b: {  	_ =	shalt  }
0x4c: {  	_ =	shalt  }
0x4d: {  	_ =	shalt  }
0x4e: {  	_ =	shalt  }
0x4f: {  	_ =	shalt  }
0x50: {  	_ =	shalt  }
0x51: {  	_ =	shalt  }
0x52: {  	_ =	shalt  }
0x53: {  	_ =	shalt  }
0x54: {  	_ =	shalt  }
0x55: {  	_ =	shalt  }
0x56: {  	_ =	shalt  }
0x57: {  	_ =	shalt  }
0x58: {  	_ =	shalt  }
0x59: {  	_ =	shalt  }
0x5a: {  	_ =	shalt  }
0x5b: {  	_ =	shalt  }
0x5c: {  	_ =	shalt  }
0x5d: {  	_ =	shalt  }
0x5e: {  	_ =	shalt  }
0x5f: {  	_ =	shalt  }
0x60: {  	_ =	shalt  }
0x61: {  	_ =	shalt  }
0x62: {  	_ =	shalt  }
0x63: {  	_ =	shalt  }
0x64: {  	_ =	shalt  }
0x65: {  	_ =	shalt  }
0x66: {  	_ =	shalt  }
0x67: {  	_ =	shalt  }
0x68: {  	_ =	shalt  }
0x69: {  	_ =	shalt  }
0x6a: {  	_ =	shalt  }
0x6b: {  	_ =	shalt  }
0x6c: {  	_ =	shalt  }
0x6d: {  	_ =	shalt  }
0x6e: {  	_ =	shalt  }
0x6f: {  	_ =	shalt  }
0x70: {  	_ =	shalt  }
0x71: {  	_ =	shalt  }
0x72: {  	_ =	shalt  }
0x73: {  	_ =	shalt  }
0x74: {  	_ =	shalt  }
0x75: {  	_ =	shalt  }
0x76: {  	_ =	shalt  }
0x77: {  	_ =	shalt  }
0x78: {  	_ =	shalt  }
0x79: {  	_ =	shalt  }
0x7a: {  	_ =	shalt  }
0x7b: {  	_ =	shalt  }
0x7c: {  	_ =	shalt  }
0x7d: {  	_ =	shalt  }
0x7e: {  	_ =	shalt  }
0x7f: {  	_ =	shalt  }
0x80: {  	_ =	shalt  }
0x81: {  	_ =	shalt  }
0x82: {  	_ =	shalt  }
0x83: {  	_ =	shalt  }
0x84: {  	_ =	shalt  }
0x85: {  	_ =	shalt  }
0x86: {  	_ =	shalt  }
0x87: {  	_ =	shalt  }
.Lfunc_end0:
.L_simem_size_0:
called_computation.1_lowered:
.L_overlay_start_0:
0x88: {  	s2 =	sld [smem:$0x3FD9]  }
0x89: {  	s3 =	sld [smem:$0x3FFE];
	_ =	sdelay $0x1  }
0x8a: {  	s1 =	srdreg.scid  }
0x8b: {  	s0 =	sand.u32 $0x1, s1  }
0x8c: {  	s16 =	sshll.u32 s0, $0xA;
	s2 =	sadd.s32 s3, s2  }
0x8d: {  	s2 =	sadd.s32 s2, s16  }
0x8e: {  	[smem:$0x3FBB] =	sst s2  }
0x8f: {  	_ = 	snop  }
0x90: {  	(tm) =	ssettm $0x1  }
0x91: {  	s17 =	sld [smem:$0x3FFB];
	_ =	sdelay $0x3  }
0x92: {  	_ =	strace s17  }
0x93: {  	s2 =	sld [smem:$0x3FFC];
	_ =	sdelay $0x3  }
0x94: {  	_ =	strace s2  }
0x95: {  	s2 =	sld [smem:$0x3FFD];
	_ =	sdelay $0x3  }
0x96: {  	_ =	strace s2  }
0x97: {  	_ =	strace $0x8FFFFFFF  }
0x98: {  	s18 =	sld [smem:$0x3FDB];
	_ =	sdelay $0x1  }
0x99: {  	s19 =	simm.s32 $_scs_section_size  }
0x9a: {  	s4 =	simm.s32 $_size__tile_overlayer_lowered;
	s5 =	simm.s32 $_tile_overlayer_lowered  }
0x9b: {  	s22 =	simm.s32 $0x1BFF;
	s21 =	sshll.u32 s5, $0x1;
	s2 =	sadd.s32 s19, s18  }
0x9c: {  	s6 =	simm.s32 $0x0;
	s20 =	sshll.u32 s4, $0x1;
	s4 =	sadd.s32 s21, s2  }
0x9d: {  	[timem:s6], [sflag:s22] =	dma.local [hbm:s4], s20  }
0x9e: {  	_ =	swait.ge [sflag:s22], s20  }
0x9f: {  	s3 =	ssub.s32 $0x0, s20;
	[sflag:s22] =	ssyncset.done $0x0  }
0xa0: {  	[sflag:s22] =	ssyncadd.s32 s3;
	_ =	sdelay $0x1  }
0xa1: {  	s23 =	simm.s32 $0x1B8B  }
0xa2: {  	_ =	swait.ge [sflag:s23], $0x1  }
0xa3: {  	[sflag:s23] =	ssyncset.done $0x0  }
0xa4: {  	s25 =	simm.s32 $0x1B8E;
	s24 =	sld [smem:$0x3FFE];
	[sflag:s23] =	ssyncadd.s32 $0xFFFFFFFF  }
0xa5: {  	s26 =	simm.s32 $execute0_lowered;
	[smem:$0x3FD2] =	sst s25  }
0xa6: {  	s4 =	sshll.u32 s26, $0x1;
	_ =	strace $0x80000049;
	[dreg:$0x1] =	wrdreg $0xFFFFFFFF  }
0xa7: {  	s28 =	simm.s32 $_size_execute0_lowered;
	s2 =	sadd.s32 s2, s4;
	[dreg:$0x0] =	wrdreg $0x0  }
0xa8: {  	s4 =	sshll.u32 s28, $0x1;
	[dreg:$0x2] =	wrdreg s2  }
0xa9: {  	[dreg:$0x3] =	wrdreg s4  }
0xaa: {  	[dreg:$0x4] =	wrdreg $0xC0  }
0xab: {  	_ =	task [dreg:s6], $0x5FFFF  }
0xac: {  	[dreg:$0x1] =	wrdreg $0xFFFFFFFF  }
0xad: {  	[dreg:$0x0] =	wrdreg $0x60  }
0xae: {  	[dreg:$0x2] =	wrdreg s24  }
0xaf: {  	[dreg:$0x3] =	wrdreg $0xA8000  }
0xb0: {  	[dreg:$0x4] =	wrdreg $0x9  }
0xb1: {  	_ =	task.clear_ibuf [dreg:s6], $0x5FFFF;
	_ =	strace $0x90000049  }
0xb2: {  	s29 =	simm.s32 $0x9;
	_ =	strace $0x8000004B  }
0xb3: {  	_ =	swait.ge [sflag:s29], $0x1  }
0xb4: {  	[sflag:s29] =	ssyncadd.s32 $0xFFFFFFFF  }
0xb5: {  	_ =	strace $0x9000004B  }
0xb6: {  	_ =	sfence  }
0xb7: {  	s30 =	sld [smem:$0x0];
	_ =	sdelay $0x2  }
0xb8: {  	s31 =	sshll.u32 s1, $0xD;
	s1 =	sshrl.u32 s1, $0x2  }
0xb9: {  	s3 =	sand.u32 $0x4000, s31;
	s1 =	sadd.s32 s1, s30  }
0xba: {  	s0 =	sor.u32 s3, s0;
	s1 =	sshll.u32 s1, $0x11  }
0xbb: {  	s0 =	sor.u32 s1, s0  }
0xbc: {  	s0 =	sadd.s32 $0x8F2B, s0  }
0xbd: {  	[sflag:s0] =	ssyncadd.remote.s32 $0x1  }
0xbe: {  	_ =	sfence.sel $0xFFFF  }
0xbf: {  	[dreg:$0x0] =	wrdreg $0xFFFFFFFF;
	(pc) =	sbr.abs _section_cstart, $3  }
0xc0: {  	[dreg:$0x1] =	wrdreg $0xFFFFFFFF  }
0xc1: {  	_ =	task.clear_ibuf [dreg:s6], $0x2FFFF;
	_ =	strace $0x9FFFFFFF  }
0xc2: {  	(tm) =	ssettm $0x7FFFFFFF  }
0xc3: {  	_ =	shalt  }
tec
execute0_lowered:
.L_overlay_start_1:
0x0: {  	(tag) =	ssettag $0x1  }
0x1: {  	s5 =	rddreg [dreg:$0x0]  }
0x2: {  	s1 =	rddreg [dreg:$0x1]  }
0x3: {  	s0 =	rddreg [dreg:$0x2];
	s3 =	simm.s32 $0x0;
	s2 =	srdreg.scid  }
0x4: {  	s19 =	simm.s32 $0x3;
	s20 =	simm.s32 $0x1400;
	s21 =	simm.s32 $0x80  }
0x5: {  	s22 =	simm.s32 $0x6800;
	s23 =	simm.s32 $0x1;
	s24 =	simm.s32 $0x2  }
0x6: {  	s25 =	simm.s32 $0x2700;
	[smem:$0x7FF] =	sst s3;
	s6 =	sand.u32 $0x1, s2  }
0x7: {  	s26 =	simm.s32 $0x2780;
	s2 =	stileid.u32;
	s7 =	smul.u32 $0x140000, s6  }
0x8: {  	s4 =	sadd.s32 $0x21200, s5;
	s14 =	sadd.s32 $0x3200, s5;
	s8 =	smul.u32 $0x14000, s2  }
0x9: {  	s31 =	sshll.u32 s6, $0x4;
	s9 =	smul.u32 $0x50000, s2;
	s6 =	ssub.s32 $0x2, s6  }
0xa: {  	s15 =	sadd.s32 $0x12200, s5;
	_ =	strace $0x8000004A;
	s10 =	sshrl.u32 s6, $0x1  }
0xb: {  	s7 =	sadd.s32 s8, s7;
	s8 =	sor.u32 s2, s31;
	s9 =	sshrl.u32 s9, $0x2  }
0xc: {  	s17 =	ssub.s32 s6, s10;
	s7 =	sshrl.u32 s7, $0x3;
	s8 =	smul.u32 $0x3C00, s8  }
0xd: {  	s17 =	smax.u32 s17, $0x1;
	s16 =	sadd.s32 s7, s5;
	s5 =	sadd.s32 s9, s1  }
0xe: {  	s6 =	sadd.s32 $0x4000, s5;
	s7 =	sadd.s32 $0x8000, s5;
	s12 =	sshrl.u32 s8, $0x3  }
0xf: {  	s8 =	sadd.s32 $0xC000, s5;
	s9 =	sadd.s32 $0x10000, s5;
	s16 =	sadd.s32 $0x48400, s16  }
0x10: {  	s10 =	sadd.s32 s14, s12;
	s11 =	sadd.s32 s15, s12;
	s13 =	sadd.s32 $0x280, s12  }
0x11: {  	s18 =	sadd.s32 $0x500, s12;
	s12 =	sadd.s32 s14, s13;
	s13 =	sadd.s32 s15, s13  }
0x12: {  	v0 =	vimm.f32 $0.0e+00;
	s14 =	sadd.s32 s14, s18;
	s15 =	sadd.s32 s15, s18;
	s18 =	simm.s32 $0x2800  }
.LBB2_1:
0x13: {  	s28 =	simm.s32 $0x0;
	s29 =	simm.s32 $0x200  }
.LBB2_2:
0x14: {  	p0 =	sne.s32 s29, $0xFE00;
	[tilespmem:s28+$0x2870] =	vst v0  }
0x15: {  	[tilespmem:s28+$0x2800] =	vst v0  }
0x16: {  	[tilespmem:s28+$0x2810] =	vst v0  }
.Ltmp0:
0x17: {  	[tilespmem:s28+$0x2820] =	vst v0;
	(pc) =	sbr.rel @p0 .LBB2_2-.Ltmp0, $4  }
0x18: {  	[tilespmem:s28+$0x2830] =	vst v0  }
0x19: {  	[tilespmem:s28+$0x2840] =	vst v0  }
0x1a: {  	[tilespmem:s28+$0x2850] =	vst v0  }
0x1b: {  	[tilespmem:s28+$0x2860] =	vst v0;
	s28 =	sshra.s32 s29, $0x2;
	s29 =	sadd.s32 $0x200, s29  }
0x1c: {  	[tilespmem:s28+$0x2870] =	vst v0  }
0x1d: {  	[tilespmem:s28+$0x2800] =	vst v0  }
0x1e: {  	[tilespmem:s28+$0x2810] =	vst v0  }
0x1f: {  	[tilespmem:s28+$0x2820] =	vst v0  }
0x20: {  	[tilespmem:s28+$0x2830] =	vst v0  }
0x21: {  	[tilespmem:s28+$0x2840] =	vst v0  }
0x22: {  	[tilespmem:s28+$0x2850] =	vst v0  }
0x23: {  	[tilespmem:s28+$0x2860] =	vst v0  }
0x24: {  	[spmem:s5] =	stream.linear.scatter [tilespmem:s18], [sflag:$0x3], $0x4000, $0x38;
	[tilespmem:$0x1F800] =	vst v63  }
0x25: {  	_ =	swait.ge [sflag:s19], $0x4000  }
0x26: {  	[sflag:s19] =	ssyncset.done $0x0  }
0x27: {  	[sflag:s19] =	ssyncadd.s32 $0xFFFFC000  }
0x28: {  	[spmem:s6] =	stream.linear.scatter [tilespmem:s18], [sflag:$0x3], $0x4000, $0x38;
	[tilespmem:$0x1F800] =	vst v63  }
0x29: {  	_ =	swait.ge [sflag:s19], $0x4000  }
0x2a: {  	[sflag:s19] =	ssyncset.done $0x0  }
0x2b: {  	[sflag:s19] =	ssyncadd.s32 $0xFFFFC000  }
0x2c: {  	[spmem:s7] =	stream.linear.scatter [tilespmem:s18], [sflag:$0x3], $0x4000, $0x38;
	[tilespmem:$0x1F800] =	vst v63  }
0x2d: {  	_ =	swait.ge [sflag:s19], $0x4000  }
0x2e: {  	[sflag:s19] =	ssyncset.done $0x0  }
0x2f: {  	[sflag:s19] =	ssyncadd.s32 $0xFFFFC000  }
0x30: {  	[spmem:s8] =	stream.linear.scatter [tilespmem:s18], [sflag:$0x3], $0x4000, $0x38;
	[tilespmem:$0x1F800] =	vst v63  }
0x31: {  	_ =	swait.ge [sflag:s19], $0x4000  }
0x32: {  	[sflag:s19] =	ssyncset.done $0x0  }
0x33: {  	[sflag:s19] =	ssyncadd.s32 $0xFFFFC000  }
0x34: {  	[spmem:s9] =	stream.linear.scatter [tilespmem:s18], [sflag:$0x3], $0x4000, $0x38;
	[tilespmem:$0x1F800] =	vst v63  }
0x35: {  	_ =	swait.ge [sflag:s19], $0x4000  }
0x36: {  	[sflag:s19] =	ssyncset.done $0x0  }
0x37: {  	[sflag:s19] =	ssyncadd.s32 $0xFFFFC000  }
0x38: {  	s28 =	simm.s32 $0x0;
	[bflag:$0x0] =	sbarrier.arrive $0xFFFF  }
0x39: {  	[tilespmem:s28], [sflag:$0x3] =	stream.linear.gather [hbm4b:s10+s28], $0x1400, $0x38;
	[tilespmem:$0x1F800] =	vst v63  }
0x3a: {  	_ =	swait.ge [sflag:s19], $0x1400  }
0x3b: {  	[sflag:s19] =	ssyncset.done $0x0  }
0x3c: {  	[sflag:s19] =	ssyncadd.s32 $0xFFFFEC00  }
0x3d: {  	[tilespmem:s20], [sflag:$0x3] =	stream.linear.gather [hbm4b:s11+s28], $0x1400, $0x38;
	[tilespmem:$0x1F800] =	vst v63  }
0x3e: {  	_ =	swait.ge [sflag:s19], $0x1400  }
0x3f: {  	[sflag:s19] =	ssyncset.done $0x0  }
0x40: {  	[sflag:s19] =	ssyncadd.s32 $0xFFFFEC00  }
0x41: {  	[tilespmem:s18], [sflag:$0x1] =	stream.indirect.gather [hbm4b:s4+s21], $0x80, s28, s21, $0xb8;
	[tilespmem:$0x1F800] =	vst v63  }
0x42: {  	_ = 	snop  }
0x43: {  	[tilespmem:s22], [sflag:$0x2] =	stream.indirect.gather [hbm4b:s4+s21], $0x80, s21, s21, $0xb8;
	[tilespmem:$0x1F800] =	vst v63  }
0x44: {  	_ =	swait.ge [sflag:s23], $0x4000  }
0x45: {  	[sflag:s23] =	ssyncset.done $0x0  }
0x46: {  	s28 =	simm.s32 $0x1400;
	[sflag:s23] =	ssyncadd.s32 $0xFFFFC000  }
0x47: {  	[spmem:s1] =	stream.indirect.scatter.add.f32 [tilespmem:s18], [sflag:$0x3], $0x80, s28, s21, $0xb8;
	[tilespmem:$0x1F800] =	vst v63  }
0x48: {  	_ =	swait.ge [sflag:s19], $0x4000  }
0x49: {  	[sflag:s19] =	ssyncset.done $0x0  }
0x4a: {  	s28 =	simm.s32 $0x100;
	[sflag:s19] =	ssyncadd.s32 $0xFFFFC000  }
0x4b: {  	[tilespmem:s18], [sflag:$0x1] =	stream.indirect.gather [hbm4b:s4+s21], $0x80, s28, s21, $0xb8;
	[tilespmem:$0x1F800] =	vst v63  }
0x4c: {  	_ =	swait.ge [sflag:s24], $0x4000  }
0x4d: {  	[sflag:s24] =	ssyncset.done $0x0  }
0x4e: {  	s28 =	simm.s32 $0x1480;
	[sflag:s24] =	ssyncadd.s32 $0xFFFFC000  }
0x4f: {  	[spmem:s1] =	stream.indirect.scatter.add.f32 [tilespmem:s22], [sflag:$0x3], $0x80, s28, s21, $0xb8;
	[tilespmem:$0x1F800] =	vst v63  }
0x50: {  	_ =	swait.ge [sflag:s19], $0x4000  }
0x51: {  	[sflag:s19] =	ssyncset.done $0x0  }
0x52: {  	s29 =	simm.s32 $0x180;
	s28 =	simm.s32 $0x400;
	[sflag:s19] =	ssyncadd.s32 $0xFFFFC000  }
.LBB2_4:
0x53: {  	[tilespmem:s22], [sflag:$0x2] =	stream.indirect.gather [hbm4b:s4+s21], $0x80, s29, s21, $0xb8;
	[tilespmem:$0x1F800] =	vst v63  }
0x54: {  	s29 =	smov.u32 s28  }
0x55: {  	p0 =	sne.s32 s28, $0x4800;
	s28 =	sadd.s32 $0x400, s28;
	_ =	swait.ge [sflag:s23], $0x4000  }
0x56: {  	s29 =	sshra.s32 s29, $0x2;
	[sflag:s23] =	ssyncset.done $0x0  }
0x57: {  	s30 =	sadd.s32 $0x1400, s29;
	[sflag:s23] =	ssyncadd.s32 $0xFFFFC000  }
0x58: {  	[spmem:s1] =	stream.indirect.scatter.add.f32 [tilespmem:s18], [sflag:$0x3], $0x80, s30, s21, $0xb8;
	[tilespmem:$0x1F800] =	vst v63  }
0x59: {  	_ =	swait.ge [sflag:s19], $0x4000  }
0x5a: {  	[sflag:s19] =	ssyncset.done $0x0  }
0x5b: {  	s30 =	sadd.s32 $0x100, s29;
	[sflag:s19] =	ssyncadd.s32 $0xFFFFC000  }
0x5c: {  	[tilespmem:s18], [sflag:$0x1] =	stream.indirect.gather [hbm4b:s4+s21], $0x80, s30, s21, $0xb8;
	[tilespmem:$0x1F800] =	vst v63  }
0x5d: {  	_ =	swait.ge [sflag:s24], $0x4000  }
0x5e: {  	[sflag:s24] =	ssyncset.done $0x0  }
.Ltmp1:
0x5f: {  	s30 =	sadd.s32 $0x1480, s29;
	[sflag:s24] =	ssyncadd.s32 $0xFFFFC000;
	(pc) =	sbr.rel @p0 .LBB2_4-.Ltmp1, $4  }
0x60: {  	[spmem:s1] =	stream.indirect.scatter.add.f32 [tilespmem:s22], [sflag:$0x3], $0x80, s30, s21, $0xb8;
	[tilespmem:$0x1F800] =	vst v63  }
0x61: {  	_ =	swait.ge [sflag:s19], $0x4000  }
0x62: {  	[sflag:s19] =	ssyncset.done $0x0  }
0x63: {  	s29 =	sadd.s32 $0x180, s29;
	[sflag:s19] =	ssyncadd.s32 $0xFFFFC000  }
0x64: {  	[tilespmem:s22], [sflag:$0x2] =	stream.indirect.gather [hbm4b:s4+s21], $0x80, s29, s21, $0xb8;
	[tilespmem:$0x1F800] =	vst v63  }
0x65: {  	_ =	swait.ge [sflag:s23], $0x4000  }
0x66: {  	[sflag:s23] =	ssyncset.done $0x0  }
0x67: {  	[sflag:s23] =	ssyncadd.s32 $0xFFFFC000  }
0x68: {  	[spmem:s1] =	stream.indirect.scatter.add.f32 [tilespmem:s18], [sflag:$0x3], $0x80, s25, s21, $0xb8;
	[tilespmem:$0x1F800] =	vst v63  }
0x69: {  	_ =	swait.ge [sflag:s19], $0x4000  }
0x6a: {  	[sflag:s19] =	ssyncset.done $0x0  }
0x6b: {  	[sflag:s19] =	ssyncadd.s32 $0xFFFFC000  }
0x6c: {  	_ =	swait.ge [sflag:s24], $0x4000  }
0x6d: {  	[sflag:s24] =	ssyncset.done $0x0  }
0x6e: {  	[sflag:s24] =	ssyncadd.s32 $0xFFFFC000  }
0x6f: {  	[spmem:s1] =	stream.indirect.scatter.add.f32 [tilespmem:s22], [sflag:$0x3], $0x80, s26, s21, $0xb8;
	[tilespmem:$0x1F800] =	vst v63  }
0x70: {  	_ =	swait.ge [sflag:s19], $0x4000  }
0x71: {  	[sflag:s19] =	ssyncset.done $0x0  }
0x72: {  	s28 =	simm.s32 $0x0;
	[sflag:s19] =	ssyncadd.s32 $0xFFFFC000  }
0x73: {  	[tilespmem:s28], [sflag:$0x3] =	stream.linear.gather [hbm4b:s12+s28], $0x1400, $0x38;
	[tilespmem:$0x1F800] =	vst v63  }
0x74: {  	_ =	swait.ge [sflag:s19], $0x1400  }
0x75: {  	[sflag:s19] =	ssyncset.done $0x0  }
0x76: {  	[sflag:s19] =	ssyncadd.s32 $0xFFFFEC00  }
0x77: {  	[tilespmem:s20], [sflag:$0x3] =	stream.linear.gather [hbm4b:s13+s28], $0x1400, $0x38;
	[tilespmem:$0x1F800] =	vst v63  }
0x78: {  	_ =	swait.ge [sflag:s19], $0x1400  }
0x79: {  	[sflag:s19] =	ssyncset.done $0x0  }
0x7a: {  	[sflag:s19] =	ssyncadd.s32 $0xFFFFEC00  }
0x7b: {  	[tilespmem:s18], [sflag:$0x1] =	stream.indirect.gather [hbm4b:s4+s21], $0x80, s28, s21, $0xb8;
	[tilespmem:$0x1F800] =	vst v63  }
0x7c: {  	_ = 	snop  }
0x7d: {  	[tilespmem:s22], [sflag:$0x2] =	stream.indirect.gather [hbm4b:s4+s21], $0x80, s21, s21, $0xb8;
	[tilespmem:$0x1F800] =	vst v63  }
0x7e: {  	_ =	swait.ge [sflag:s23], $0x4000  }
0x7f: {  	[sflag:s23] =	ssyncset.done $0x0  }
0x80: {  	s28 =	simm.s32 $0x1400;
	[sflag:s23] =	ssyncadd.s32 $0xFFFFC000  }
0x81: {  	[spmem:s1] =	stream.indirect.scatter.add.f32 [tilespmem:s18], [sflag:$0x3], $0x80, s28, s21, $0xb8;
	[tilespmem:$0x1F800] =	vst v63  }
0x82: {  	_ =	swait.ge [sflag:s19], $0x4000  }
0x83: {  	[sflag:s19] =	ssyncset.done $0x0  }
0x84: {  	s28 =	simm.s32 $0x100;
	[sflag:s19] =	ssyncadd.s32 $0xFFFFC000  }
0x85: {  	[tilespmem:s18], [sflag:$0x1] =	stream.indirect.gather [hbm4b:s4+s21], $0x80, s28, s21, $0xb8;
	[tilespmem:$0x1F800] =	vst v63  }
0x86: {  	_ =	swait.ge [sflag:s24], $0x4000  }
0x87: {  	[sflag:s24] =	ssyncset.done $0x0  }
0x88: {  	s28 =	simm.s32 $0x1480;
	[sflag:s24] =	ssyncadd.s32 $0xFFFFC000  }
0x89: {  	[spmem:s1] =	stream.indirect.scatter.add.f32 [tilespmem:s22], [sflag:$0x3], $0x80, s28, s21, $0xb8;
	[tilespmem:$0x1F800] =	vst v63  }
0x8a: {  	_ =	swait.ge [sflag:s19], $0x4000  }
0x8b: {  	[sflag:s19] =	ssyncset.done $0x0  }
0x8c: {  	s29 =	simm.s32 $0x180;
	s28 =	simm.s32 $0x400;
	[sflag:s19] =	ssyncadd.s32 $0xFFFFC000  }
.LBB2_6:
0x8d: {  	[tilespmem:s22], [sflag:$0x2] =	stream.indirect.gather [hbm4b:s4+s21], $0x80, s29, s21, $0xb8;
	[tilespmem:$0x1F800] =	vst v63  }
0x8e: {  	s29 =	smov.u32 s28  }
0x8f: {  	p0 =	sne.s32 s28, $0x4800;
	s28 =	sadd.s32 $0x400, s28;
	_ =	swait.ge [sflag:s23], $0x4000  }
0x90: {  	s29 =	sshra.s32 s29, $0x2;
	[sflag:s23] =	ssyncset.done $0x0  }
0x91: {  	s30 =	sadd.s32 $0x1400, s29;
	[sflag:s23] =	ssyncadd.s32 $0xFFFFC000  }
0x92: {  	[spmem:s1] =	stream.indirect.scatter.add.f32 [tilespmem:s18], [sflag:$0x3], $0x80, s30, s21, $0xb8;
	[tilespmem:$0x1F800] =	vst v63  }
0x93: {  	_ =	swait.ge [sflag:s19], $0x4000  }
0x94: {  	[sflag:s19] =	ssyncset.done $0x0  }
0x95: {  	s30 =	sadd.s32 $0x100, s29;
	[sflag:s19] =	ssyncadd.s32 $0xFFFFC000  }
0x96: {  	[tilespmem:s18], [sflag:$0x1] =	stream.indirect.gather [hbm4b:s4+s21], $0x80, s30, s21, $0xb8;
	[tilespmem:$0x1F800] =	vst v63  }
0x97: {  	_ =	swait.ge [sflag:s24], $0x4000  }
0x98: {  	[sflag:s24] =	ssyncset.done $0x0  }
.Ltmp2:
0x99: {  	s30 =	sadd.s32 $0x1480, s29;
	[sflag:s24] =	ssyncadd.s32 $0xFFFFC000;
	(pc) =	sbr.rel @p0 .LBB2_6-.Ltmp2, $4  }
0x9a: {  	[spmem:s1] =	stream.indirect.scatter.add.f32 [tilespmem:s22], [sflag:$0x3], $0x80, s30, s21, $0xb8;
	[tilespmem:$0x1F800] =	vst v63  }
0x9b: {  	_ =	swait.ge [sflag:s19], $0x4000  }
0x9c: {  	[sflag:s19] =	ssyncset.done $0x0  }
0x9d: {  	s29 =	sadd.s32 $0x180, s29;
	[sflag:s19] =	ssyncadd.s32 $0xFFFFC000  }
0x9e: {  	[tilespmem:s22], [sflag:$0x2] =	stream.indirect.gather [hbm4b:s4+s21], $0x80, s29, s21, $0xb8;
	[tilespmem:$0x1F800] =	vst v63  }
0x9f: {  	_ =	swait.ge [sflag:s23], $0x4000  }
0xa0: {  	[sflag:s23] =	ssyncset.done $0x0  }
0xa1: {  	[sflag:s23] =	ssyncadd.s32 $0xFFFFC000  }
0xa2: {  	[spmem:s1] =	stream.indirect.scatter.add.f32 [tilespmem:s18], [sflag:$0x3], $0x80, s25, s21, $0xb8;
	[tilespmem:$0x1F800] =	vst v63  }
0xa3: {  	_ =	swait.ge [sflag:s19], $0x4000  }
0xa4: {  	[sflag:s19] =	ssyncset.done $0x0  }
0xa5: {  	[sflag:s19] =	ssyncadd.s32 $0xFFFFC000  }
0xa6: {  	_ =	swait.ge [sflag:s24], $0x4000  }
0xa7: {  	[sflag:s24] =	ssyncset.done $0x0  }
0xa8: {  	[sflag:s24] =	ssyncadd.s32 $0xFFFFC000  }
0xa9: {  	[spmem:s1] =	stream.indirect.scatter.add.f32 [tilespmem:s22], [sflag:$0x3], $0x80, s26, s21, $0xb8;
	[tilespmem:$0x1F800] =	vst v63  }
0xaa: {  	_ =	swait.ge [sflag:s19], $0x4000  }
0xab: {  	[sflag:s19] =	ssyncset.done $0x0  }
0xac: {  	s28 =	simm.s32 $0x0;
	[sflag:s19] =	ssyncadd.s32 $0xFFFFC000  }
0xad: {  	[tilespmem:s28], [sflag:$0x3] =	stream.linear.gather [hbm4b:s14+s28], $0x1400, $0x38;
	[tilespmem:$0x1F800] =	vst v63  }
0xae: {  	_ =	swait.ge [sflag:s19], $0x1400  }
0xaf: {  	[sflag:s19] =	ssyncset.done $0x0  }
0xb0: {  	[sflag:s19] =	ssyncadd.s32 $0xFFFFEC00  }
0xb1: {  	[tilespmem:s20], [sflag:$0x3] =	stream.linear.gather [hbm4b:s15+s28], $0x1400, $0x38;
	[tilespmem:$0x1F800] =	vst v63  }
0xb2: {  	_ =	swait.ge [sflag:s19], $0x1400  }
0xb3: {  	[sflag:s19] =	ssyncset.done $0x0  }
0xb4: {  	[sflag:s19] =	ssyncadd.s32 $0xFFFFEC00  }
0xb5: {  	[tilespmem:s18], [sflag:$0x1] =	stream.indirect.gather [hbm4b:s4+s21], $0x80, s28, s21, $0xb8;
	[tilespmem:$0x1F800] =	vst v63  }
0xb6: {  	_ = 	snop  }
0xb7: {  	[tilespmem:s22], [sflag:$0x2] =	stream.indirect.gather [hbm4b:s4+s21], $0x80, s21, s21, $0xb8;
	[tilespmem:$0x1F800] =	vst v63  }
0xb8: {  	_ =	swait.ge [sflag:s23], $0x4000  }
0xb9: {  	[sflag:s23] =	ssyncset.done $0x0  }
0xba: {  	s28 =	simm.s32 $0x1400;
	[sflag:s23] =	ssyncadd.s32 $0xFFFFC000  }
0xbb: {  	[spmem:s1] =	stream.indirect.scatter.add.f32 [tilespmem:s18], [sflag:$0x3], $0x80, s28, s21, $0xb8;
	[tilespmem:$0x1F800] =	vst v63  }
0xbc: {  	_ =	swait.ge [sflag:s19], $0x4000  }
0xbd: {  	[sflag:s19] =	ssyncset.done $0x0  }
0xbe: {  	s28 =	simm.s32 $0x100;
	[sflag:s19] =	ssyncadd.s32 $0xFFFFC000  }
0xbf: {  	[tilespmem:s18], [sflag:$0x1] =	stream.indirect.gather [hbm4b:s4+s21], $0x80, s28, s21, $0xb8;
	[tilespmem:$0x1F800] =	vst v63  }
0xc0: {  	_ =	swait.ge [sflag:s24], $0x4000  }
0xc1: {  	[sflag:s24] =	ssyncset.done $0x0  }
0xc2: {  	s28 =	simm.s32 $0x1480;
	[sflag:s24] =	ssyncadd.s32 $0xFFFFC000  }
0xc3: {  	[spmem:s1] =	stream.indirect.scatter.add.f32 [tilespmem:s22], [sflag:$0x3], $0x80, s28, s21, $0xb8;
	[tilespmem:$0x1F800] =	vst v63  }
0xc4: {  	_ =	swait.ge [sflag:s19], $0x4000  }
0xc5: {  	[sflag:s19] =	ssyncset.done $0x0  }
0xc6: {  	s29 =	simm.s32 $0x180;
	s28 =	simm.s32 $0x400;
	[sflag:s19] =	ssyncadd.s32 $0xFFFFC000  }
.LBB2_8:
0xc7: {  	[tilespmem:s22], [sflag:$0x2] =	stream.indirect.gather [hbm4b:s4+s21], $0x80, s29, s21, $0xb8;
	[tilespmem:$0x1F800] =	vst v63  }
0xc8: {  	s29 =	smov.u32 s28  }
0xc9: {  	p0 =	sne.s32 s28, $0x4800;
	s28 =	sadd.s32 $0x400, s28;
	_ =	swait.ge [sflag:s23], $0x4000  }
0xca: {  	s29 =	sshra.s32 s29, $0x2;
	[sflag:s23] =	ssyncset.done $0x0  }
0xcb: {  	s30 =	sadd.s32 $0x1400, s29;
	[sflag:s23] =	ssyncadd.s32 $0xFFFFC000  }
0xcc: {  	[spmem:s1] =	stream.indirect.scatter.add.f32 [tilespmem:s18], [sflag:$0x3], $0x80, s30, s21, $0xb8;
	[tilespmem:$0x1F800] =	vst v63  }
0xcd: {  	_ =	swait.ge [sflag:s19], $0x4000  }
0xce: {  	[sflag:s19] =	ssyncset.done $0x0  }
0xcf: {  	s30 =	sadd.s32 $0x100, s29;
	[sflag:s19] =	ssyncadd.s32 $0xFFFFC000  }
0xd0: {  	[tilespmem:s18], [sflag:$0x1] =	stream.indirect.gather [hbm4b:s4+s21], $0x80, s30, s21, $0xb8;
	[tilespmem:$0x1F800] =	vst v63  }
0xd1: {  	_ =	swait.ge [sflag:s24], $0x4000  }
0xd2: {  	[sflag:s24] =	ssyncset.done $0x0  }
.Ltmp3:
0xd3: {  	s30 =	sadd.s32 $0x1480, s29;
	[sflag:s24] =	ssyncadd.s32 $0xFFFFC000;
	(pc) =	sbr.rel @p0 .LBB2_8-.Ltmp3, $4  }
0xd4: {  	[spmem:s1] =	stream.indirect.scatter.add.f32 [tilespmem:s22], [sflag:$0x3], $0x80, s30, s21, $0xb8;
	[tilespmem:$0x1F800] =	vst v63  }
0xd5: {  	_ =	swait.ge [sflag:s19], $0x4000  }
0xd6: {  	[sflag:s19] =	ssyncset.done $0x0  }
0xd7: {  	s29 =	sadd.s32 $0x180, s29;
	[sflag:s19] =	ssyncadd.s32 $0xFFFFC000  }
0xd8: {  	[tilespmem:s22], [sflag:$0x2] =	stream.indirect.gather [hbm4b:s4+s21], $0x80, s29, s21, $0xb8;
	[tilespmem:$0x1F800] =	vst v63  }
0xd9: {  	_ =	swait.ge [sflag:s23], $0x4000  }
0xda: {  	[sflag:s23] =	ssyncset.done $0x0  }
0xdb: {  	[sflag:s23] =	ssyncadd.s32 $0xFFFFC000  }
0xdc: {  	[spmem:s1] =	stream.indirect.scatter.add.f32 [tilespmem:s18], [sflag:$0x3], $0x80, s25, s21, $0xb8;
	[tilespmem:$0x1F800] =	vst v63  }
0xdd: {  	_ =	swait.ge [sflag:s19], $0x4000  }
0xde: {  	[sflag:s19] =	ssyncset.done $0x0  }
0xdf: {  	[sflag:s19] =	ssyncadd.s32 $0xFFFFC000  }
0xe0: {  	_ =	swait.ge [sflag:s24], $0x4000  }
0xe1: {  	[sflag:s24] =	ssyncset.done $0x0  }
0xe2: {  	[sflag:s24] =	ssyncadd.s32 $0xFFFFC000  }
0xe3: {  	[spmem:s1] =	stream.indirect.scatter.add.f32 [tilespmem:s22], [sflag:$0x3], $0x80, s26, s21, $0xb8;
	[tilespmem:$0x1F800] =	vst v63  }
0xe4: {  	_ =	swait.ge [sflag:s19], $0x4000  }
0xe5: {  	s28 =	sshll.u32 s2, $0x6;
	s3 =	sadd.s32 $0x1, s3;
	[sflag:s19] =	ssyncset.done $0x0  }
0xe6: {  	s31 =	sshrl.u32 s5, $0x3;
	p0 =	sne.s32 s3, s17;
	[sflag:s19] =	ssyncadd.s32 $0xFFFFC000  }
.Ltmp4:
0xe7: {  	s28 =	sor.u32 $0x1C03, s28;
	[bflag:$0x0] =	sbarrier.arrive $0xFFFF;
	(pc) =	sbr.rel @p0 .LBB2_1-.Ltmp4, $4  }
0xe8: {  	[hbm:s16], [sflag:s28] =	dma.local [spmem:s31], $0x2800  }
0xe9: {  	_ =	swait.ge [sflag:s19], $0x2800  }
0xea: {  	[sflag:s19] =	ssyncset.done $0x0  }
0xeb: {  	[sflag:s19] =	ssyncadd.s32 $0xFFFFD800  }
0xec: {  	_ =	sfence.sel $0x180000  }
0xed: {  	[bflag:$0x0] =	sbarrier.arrive $0xFFFF  }
0xee: {  	p0 =	sne.s32 s2, $0x0;
	_ =	strace $0x9000004A  }
0xef: {  	s0 =	sadd.s32 @!p0 $0x100000, s0;
	[bflag:$0x2] =	sbarrier.arrive $0xFFFF  }
0xf0: {  	[sflag:s0] =	ssyncadd.tile.s32 @!p0 $0x1;
	_ =	shalt  }
.Lfunc_end2:
_tile_overlayer_lowered:
.L_overlay_start_2:
0xf1: {  	(tag) =	ssettag $0x2  }
0xf2: {  	s0 =	rddreg [dreg:$0x0];
	s2 =	stileid.u32  }
0xf3: {  	s1 =	rddreg [dreg:$0x1];
	p0 =	sne.s32 s2, $0x0  }
0xf4: {  	s3 =	rddreg [dreg:$0x2];
	[bflag:$0x3] =	sbarrier.arrive $0xFFFF;
	s2 =	simm.s32 @!p0 $0x1C03  }
0xf5: {  	[timem:s3], [sflag:s2] =	dma.local @!p0 [hbm:s0], s1  }
0xf6: {  	s0 =	simm.s32 @!p0 $0x3  }
0xf7: {  	_ =	swait.ge @!p0 [sflag:s0], s1  }
0xf8: {  	s1 =	ssub.s32 @!p0 $0x0, s1;
	[sflag:s0] =	ssyncset.done @!p0 $0x0  }
0xf9: {  	[sflag:s0] =	ssyncadd.s32 @!p0 s1  }
0xfa: {  	[bflag:$0x3] =	sbarrier.arrive $0xFFFF  }
0xfb: {  	_ =	shalt  }

// kernel: kernel.17.cloned.1.call-start
scs
__scs_entry_jumppad:
0x0: {  	(pc) =	sbr.rel $0x88, $3  }
0x1: {  	(tag) =	ssettag $0x0;
	lr =	simm.s32 $0x1  }
0x2: {  	[smem:$0x3F94] =	sst lr;
	_ =	strace $0xD0000000  }
0x3: {  	_ = 	snop  }
0x4: {  	_ = 	snop  }
0x5: {  	_ = 	snop  }
0x6: {  	_ = 	snop  }
0x7: {  	_ = 	snop  }
__scs_overlays_trampoline_lowered:
0x8: {  	[smem:$0x3FA3] =	sst s0  }
0x9: {  	[smem:$0x3FA4] =	sst s1  }
0xa: {  	[smem:$0x3FA5] =	sst s2  }
0xb: {  	[smem:$0x3FA6] =	sst s3  }
0xc: {  	[smem:$0x3FA7] =	sst s4  }
0xd: {  	[smem:$0x3FA8] =	sst s5  }
0xe: {  	[smem:$0x3FA9] =	sst s6  }
0xf: {  	[smem:$0x3FAA] =	sst s7  }
0x10: {  	[smem:$0x3FAB] =	sst s8  }
0x11: {  	[smem:$0x3FAC] =	sst s9;
	s0 =	simm.s32 @!p0 $0x0  }
0x12: {  	s1 =	sld [smem:$0x3F92];
	s0 =	simm.s32 @p0 $0x1  }
0x13: {  	[smem:$0x3FAD] =	sst s0;
	s0 =	simm.s32 @!p1 $0x0  }
0x14: {  	s2 =	sld [smem:$0x3F91];
	s0 =	simm.s32 @p1 $0x1  }
0x15: {  	[smem:$0x3FAE] =	sst s0;
	s0 =	simm.s32 @!p2 $0x0  }
0x16: {  	s3 =	sld [smem:$0x3FDB];
	s0 =	simm.s32 @p2 $0x1  }
0x17: {  	s4 =	simm.s32 $0x1BF5;
	[smem:$0x3FB0] =	sst s0  }
0x18: {  	s0 =	sld [smem:$0x3F93];
	_ =	swait.ge [sflag:s4], $0x0  }
0x19: {  	s7 =	sld [smem:$0x3F94]  }
0x1a: {  	s8 =	sadd.s32 $0xFFFFE003, lr  }
0x1b: {  	s9 =	sadd.s32 $0xFFFFFEF7, lr;
	s5 =	simm.s32 $0xFFFFFFFF;
	p2 =	slt.u32 s8, $0xFFFFF086  }
0x1c: {  	p1 =	slt.u32 s9, $0xF7A;
	s5 =	simm.s32 @!p2 $0x0  }
0x1d: {  	s5 =	simm.s32 @p1 $0x1;
	p0 =	seq.s32 s7, s2  }
0x1e: {  	s7 =	smul.u32 @!p0 $0xF7A, s2;
	p2 =	seq.s32 @!p0 s5, $0x0  }
0x1f: {  	s9 =	smul.u32 $0xF7A, s1;
	s8 =	simm.s32 @!p0 $0x1BF5;
	p2 =	por !p2, p0  }
0x20: {  	[sflag:s8] =	ssyncset.s32 @!p0 $0xFFFFF086;
	s6 =	sadd.s32 @!p0 s3, s7;
	s7 =	simm.s32 @!p0 $0x108  }
0x21: {  	s3 =	sadd.s32 s3, s9;
	s6 =	sadd.s32 @!p0 $0x88, s6;
	s7 =	simm.s32 @p2 $0x1082  }
0x22: {  	[simem:s7], [sflag:s8] =	dma.local @!p0 [hbm:s6], $0xF7A  }
0x23: {  	s9 =	sor.u32 $0xD0000000, s2;
	s6 =	simm.s32 $0x108;
	_ =	swait.ge @!p0 [sflag:s8], $0x0  }
0x24: {  	s3 =	sadd.s32 $0x88, s3;
	s6 =	simm.s32 @!p1 $0x1082;
	[sflag:s4] =	ssyncset.s32 $0xFFFFF086  }
0x25: {  	[simem:s6], [sflag:s4] =	dma.local [hbm:s3], $0xF7A  }
0x26: {  	[smem:$0x3F94] =	sst s1;
	(tag) =	ssettag s2;
	_ =	strace s9  }
0x27: {  	s1 =	sld [smem:$0x3FA4]  }
0x28: {  	s2 =	sld [smem:$0x3FA5]  }
0x29: {  	s4 =	sld [smem:$0x3FA7]  }
0x2a: {  	p0 =	seq.s32 s5, $0x0;
	s5 =	sld [smem:$0x3FA8]  }
0x2b: {  	s6 =	sld [smem:$0x3FA9]  }
0x2c: {  	s7 =	sld [smem:$0x3FAA]  }
0x2d: {  	s3 =	simm.s32 $0x108;
	s8 =	sld [smem:$0x3FAB]  }
0x2e: {  	s3 =	simm.s32 @!p0 $0x1082;
	s9 =	sld [smem:$0x3FAC]  }
0x2f: {  	lr =	sadd.s32 s0, s3;
	s0 =	sld [smem:$0x3FA3]  }
0x30: {  	s3 =	sld [smem:$0x3FA6]  }
0x31: {  	[smem:$0x3FAF] =	sst s10  }
0x32: {  	s10 =	sld [smem:$0x3FAD];
	_ =	sdelay $0x3  }
0x33: {  	p0 =	seq.s32 s10, $0x1;
	s10 =	sld [smem:$0x3FAF];
	_ =	sdelay $0x3  }
0x34: {  	[smem:$0x3FAF] =	sst s10  }
0x35: {  	s10 =	sld [smem:$0x3FAE];
	_ =	sdelay $0x3  }
0x36: {  	p1 =	seq.s32 s10, $0x1;
	s10 =	sld [smem:$0x3FAF];
	_ =	sdelay $0x3  }
0x37: {  	[smem:$0x3FAF] =	sst s10  }
0x38: {  	s10 =	sld [smem:$0x3FB0]  }
0x39: {  	_ = 	snop;
	(pc) =	sbr.ind lr, $3  }
0x3a: {  	_ = 	snop  }
0x3b: {  	_ = 	snop  }
0x3c: {  	p2 =	seq.s32 s10, $0x1;
	s10 =	sld [smem:$0x3FAF]  }
0x3d: {  	_ =	shalt  }
0x3e: {  	_ =	shalt  }
0x3f: {  	_ =	shalt  }
0x40: {  	_ =	shalt  }
0x41: {  	_ =	shalt  }
0x42: {  	_ =	shalt  }
0x43: {  	_ =	shalt  }
0x44: {  	_ =	shalt  }
0x45: {  	_ =	shalt  }
0x46: {  	_ =	shalt  }
0x47: {  	_ =	shalt  }
0x48: {  	_ =	shalt  }
0x49: {  	_ =	shalt  }
0x4a: {  	_ =	shalt  }
0x4b: {  	_ =	shalt  }
0x4c: {  	_ =	shalt  }
0x4d: {  	_ =	shalt  }
0x4e: {  	_ =	shalt  }
0x4f: {  	_ =	shalt  }
0x50: {  	_ =	shalt  }
0x51: {  	_ =	shalt  }
0x52: {  	_ =	shalt  }
0x53: {  	_ =	shalt  }
0x54: {  	_ =	shalt  }
0x55: {  	_ =	shalt  }
0x56: {  	_ =	shalt  }
0x57: {  	_ =	shalt  }
0x58: {  	_ =	shalt  }
0x59: {  	_ =	shalt  }
0x5a: {  	_ =	shalt  }
0x5b: {  	_ =	shalt  }
0x5c: {  	_ =	shalt  }
0x5d: {  	_ =	shalt  }
0x5e: {  	_ =	shalt  }
0x5f: {  	_ =	shalt  }
0x60: {  	_ =	shalt  }
0x61: {  	_ =	shalt  }
0x62: {  	_ =	shalt  }
0x63: {  	_ =	shalt  }
0x64: {  	_ =	shalt  }
0x65: {  	_ =	shalt  }
0x66: {  	_ =	shalt  }
0x67: {  	_ =	shalt  }
0x68: {  	_ =	shalt  }
0x69: {  	_ =	shalt  }
0x6a: {  	_ =	shalt  }
0x6b: {  	_ =	shalt  }
0x6c: {  	_ =	shalt  }
0x6d: {  	_ =	shalt  }
0x6e: {  	_ =	shalt  }
0x6f: {  	_ =	shalt  }
0x70: {  	_ =	shalt  }
0x71: {  	_ =	shalt  }
0x72: {  	_ =	shalt  }
0x73: {  	_ =	shalt  }
0x74: {  	_ =	shalt  }
0x75: {  	_ =	shalt  }
0x76: {  	_ =	shalt  }
0x77: {  	_ =	shalt  }
0x78: {  	_ =	shalt  }
0x79: {  	_ =	shalt  }
0x7a: {  	_ =	shalt  }
0x7b: {  	_ =	shalt  }
0x7c: {  	_ =	shalt  }
0x7d: {  	_ =	shalt  }
0x7e: {  	_ =	shalt  }
0x7f: {  	_ =	shalt  }
0x80: {  	_ =	shalt  }
0x81: {  	_ =	shalt  }
0x82: {  	_ =	shalt  }
0x83: {  	_ =	shalt  }
0x84: {  	_ =	shalt  }
0x85: {  	_ =	shalt  }
0x86: {  	_ =	shalt  }
0x87: {  	_ =	shalt  }
.Lfunc_end0:
.L_simem_size_0:
called_computation.2_lowered:
.L_overlay_start_0:
0x88: {  	s2 =	sld [smem:$0x3FD9]  }
0x89: {  	s3 =	sld [smem:$0x3FFE];
	_ =	sdelay $0x1  }
0x8a: {  	s1 =	srdreg.scid  }
0x8b: {  	s0 =	sand.u32 $0x1, s1  }
0x8c: {  	s16 =	sshll.u32 s0, $0xA;
	s2 =	sadd.s32 s3, s2  }
0x8d: {  	s2 =	sadd.s32 s2, s16  }
0x8e: {  	[smem:$0x3FBB] =	sst s2  }
0x8f: {  	_ = 	snop  }
0x90: {  	(tm) =	ssettm $0x1  }
0x91: {  	s17 =	sld [smem:$0x3FFB];
	_ =	sdelay $0x3  }
0x92: {  	_ =	strace s17  }
0x93: {  	s2 =	sld [smem:$0x3FFC];
	_ =	sdelay $0x3  }
0x94: {  	_ =	strace s2  }
0x95: {  	s2 =	sld [smem:$0x3FFD];
	_ =	sdelay $0x3  }
0x96: {  	_ =	strace s2  }
0x97: {  	_ =	strace $0x8FFFFFFF  }
0x98: {  	s18 =	sld [smem:$0x3FDB];
	_ =	sdelay $0x1  }
0x99: {  	s19 =	simm.s32 $_scs_section_size  }
0x9a: {  	s4 =	simm.s32 $_size__tile_overlayer_lowered;
	s5 =	simm.s32 $_tile_overlayer_lowered  }
0x9b: {  	s22 =	simm.s32 $0x1BFF;
	s21 =	sshll.u32 s5, $0x1;
	s2 =	sadd.s32 s19, s18  }
0x9c: {  	s6 =	simm.s32 $0x0;
	s20 =	sshll.u32 s4, $0x1;
	s4 =	sadd.s32 s21, s2  }
0x9d: {  	[timem:s6], [sflag:s22] =	dma.local [hbm:s4], s20  }
0x9e: {  	_ =	swait.ge [sflag:s22], s20  }
0x9f: {  	s3 =	ssub.s32 $0x0, s20;
	[sflag:s22] =	ssyncset.done $0x0  }
0xa0: {  	[sflag:s22] =	ssyncadd.s32 s3;
	_ =	sdelay $0x1  }
0xa1: {  	s23 =	simm.s32 $0x1B8B  }
0xa2: {  	_ =	swait.ge [sflag:s23], $0x1  }
0xa3: {  	[sflag:s23] =	ssyncset.done $0x0  }
0xa4: {  	s25 =	simm.s32 $0x1B8E;
	s24 =	sld [smem:$0x3FFE];
	[sflag:s23] =	ssyncadd.s32 $0xFFFFFFFF  }
0xa5: {  	s26 =	simm.s32 $execute0_lowered;
	[smem:$0x3FD2] =	sst s25  }
0xa6: {  	s4 =	sshll.u32 s26, $0x1;
	_ =	strace $0x8000004C;
	[dreg:$0x1] =	wrdreg $0xFFFFFFFF  }
0xa7: {  	s28 =	simm.s32 $_size_execute0_lowered;
	s2 =	sadd.s32 s2, s4;
	[dreg:$0x0] =	wrdreg $0x0  }
0xa8: {  	s4 =	sshll.u32 s28, $0x1;
	[dreg:$0x2] =	wrdreg s2  }
0xa9: {  	[dreg:$0x3] =	wrdreg s4  }
0xaa: {  	[dreg:$0x4] =	wrdreg $0xC0  }
0xab: {  	_ =	task [dreg:s6], $0x5FFFF  }
0xac: {  	[dreg:$0x1] =	wrdreg $0xFFFFFFFF  }
0xad: {  	[dreg:$0x0] =	wrdreg $0x60  }
0xae: {  	[dreg:$0x2] =	wrdreg s24  }
0xaf: {  	[dreg:$0x3] =	wrdreg $0xA8000  }
0xb0: {  	[dreg:$0x4] =	wrdreg $0x9  }
0xb1: {  	_ =	task.clear_ibuf [dreg:s6], $0x5FFFF;
	_ =	strace $0x9000004C  }
0xb2: {  	s29 =	simm.s32 $0x9;
	_ =	strace $0x8000004E  }
0xb3: {  	_ =	swait.ge [sflag:s29], $0x1  }
0xb4: {  	[sflag:s29] =	ssyncadd.s32 $0xFFFFFFFF  }
0xb5: {  	_ =	strace $0x9000004E  }
0xb6: {  	_ =	sfence  }
0xb7: {  	s30 =	sld [smem:$0x0];
	_ =	sdelay $0x2  }
0xb8: {  	s31 =	sshll.u32 s1, $0xD;
	s1 =	sshrl.u32 s1, $0x2  }
0xb9: {  	s3 =	sand.u32 $0x4000, s31;
	s1 =	sadd.s32 s1, s30  }
0xba: {  	s0 =	sor.u32 s3, s0;
	s1 =	sshll.u32 s1, $0x11  }
0xbb: {  	s0 =	sor.u32 s1, s0  }
0xbc: {  	s0 =	sadd.s32 $0x8F2B, s0  }
0xbd: {  	[sflag:s0] =	ssyncadd.remote.s32 $0x1  }
0xbe: {  	_ =	sfence.sel $0xFFFF  }
0xbf: {  	[dreg:$0x0] =	wrdreg $0xFFFFFFFF;
	(pc) =	sbr.abs _section_cstart, $3  }
0xc0: {  	[dreg:$0x1] =	wrdreg $0xFFFFFFFF  }
0xc1: {  	_ =	task.clear_ibuf [dreg:s6], $0x2FFFF;
	_ =	strace $0x9FFFFFFF  }
0xc2: {  	(tm) =	ssettm $0x7FFFFFFF  }
0xc3: {  	_ =	shalt  }
tec
execute0_lowered:
.L_overlay_start_1:
0x0: {  	(tag) =	ssettag $0x1  }
0x1: {  	s5 =	rddreg [dreg:$0x0]  }
0x2: {  	s1 =	rddreg [dreg:$0x1]  }
0x3: {  	s0 =	rddreg [dreg:$0x2];
	s3 =	simm.s32 $0x0;
	s2 =	srdreg.scid  }
0x4: {  	s19 =	simm.s32 $0x3;
	s20 =	simm.s32 $0x1400;
	s21 =	simm.s32 $0x80  }
0x5: {  	s22 =	simm.s32 $0x6800;
	s23 =	simm.s32 $0x1;
	s24 =	simm.s32 $0x2  }
0x6: {  	s25 =	simm.s32 $0x2700;
	[smem:$0x7FF] =	sst s3;
	s6 =	sand.u32 $0x1, s2  }
0x7: {  	s26 =	simm.s32 $0x2780;
	s2 =	stileid.u32;
	s7 =	smul.u32 $0x140000, s6  }
0x8: {  	s4 =	sadd.s32 $0x21200, s5;
	s14 =	sadd.s32 $0x3200, s5;
	s8 =	smul.u32 $0x14000, s2  }
0x9: {  	s31 =	sshll.u32 s6, $0x4;
	s9 =	smul.u32 $0x50000, s2;
	s6 =	ssub.s32 $0x2, s6  }
0xa: {  	s15 =	sadd.s32 $0x12200, s5;
	_ =	strace $0x8000004D;
	s10 =	sshrl.u32 s6, $0x1  }
0xb: {  	s7 =	sadd.s32 s8, s7;
	s8 =	sor.u32 s2, s31;
	s9 =	sshrl.u32 s9, $0x2  }
0xc: {  	s17 =	ssub.s32 s6, s10;
	s7 =	sshrl.u32 s7, $0x3;
	s8 =	smul.u32 $0x3C00, s8  }
0xd: {  	s17 =	smax.u32 s17, $0x1;
	s16 =	sadd.s32 s7, s5;
	s5 =	sadd.s32 s9, s1  }
0xe: {  	s6 =	sadd.s32 $0x4000, s5;
	s7 =	sadd.s32 $0x8000, s5;
	s12 =	sshrl.u32 s8, $0x3  }
0xf: {  	s8 =	sadd.s32 $0xC000, s5;
	s9 =	sadd.s32 $0x10000, s5;
	s16 =	sadd.s32 $0x48400, s16  }
0x10: {  	s10 =	sadd.s32 s14, s12;
	s11 =	sadd.s32 s15, s12;
	s13 =	sadd.s32 $0x280, s12  }
0x11: {  	s18 =	sadd.s32 $0x500, s12;
	s12 =	sadd.s32 s14, s13;
	s13 =	sadd.s32 s15, s13  }
0x12: {  	v0 =	vimm.f32 $0.0e+00;
	s14 =	sadd.s32 s14, s18;
	s15 =	sadd.s32 s15, s18;
	s18 =	simm.s32 $0x2800  }
.LBB2_1:
0x13: {  	s28 =	simm.s32 $0x0;
	s29 =	simm.s32 $0x200  }
.LBB2_2:
0x14: {  	p0 =	sne.s32 s29, $0xFE00;
	[tilespmem:s28+$0x2870] =	vst v0  }
0x15: {  	[tilespmem:s28+$0x2800] =	vst v0  }
0x16: {  	[tilespmem:s28+$0x2810] =	vst v0  }
.Ltmp0:
0x17: {  	[tilespmem:s28+$0x2820] =	vst v0;
	(pc) =	sbr.rel @p0 .LBB2_2-.Ltmp0, $4  }
0x18: {  	[tilespmem:s28+$0x2830] =	vst v0  }
0x19: {  	[tilespmem:s28+$0x2840] =	vst v0  }
0x1a: {  	[tilespmem:s28+$0x2850] =	vst v0  }
0x1b: {  	[tilespmem:s28+$0x2860] =	vst v0;
	s28 =	sshra.s32 s29, $0x2;
	s29 =	sadd.s32 $0x200, s29  }
0x1c: {  	[tilespmem:s28+$0x2870] =	vst v0  }
0x1d: {  	[tilespmem:s28+$0x2800] =	vst v0  }
0x1e: {  	[tilespmem:s28+$0x2810] =	vst v0  }
0x1f: {  	[tilespmem:s28+$0x2820] =	vst v0  }
0x20: {  	[tilespmem:s28+$0x2830] =	vst v0  }
0x21: {  	[tilespmem:s28+$0x2840] =	vst v0  }
0x22: {  	[tilespmem:s28+$0x2850] =	vst v0  }
0x23: {  	[tilespmem:s28+$0x2860] =	vst v0  }
0x24: {  	[spmem:s5] =	stream.linear.scatter [tilespmem:s18], [sflag:$0x3], $0x4000, $0x38;
	[tilespmem:$0x1F800] =	vst v63  }
0x25: {  	_ =	swait.ge [sflag:s19], $0x4000  }
0x26: {  	[sflag:s19] =	ssyncset.done $0x0  }
0x27: {  	[sflag:s19] =	ssyncadd.s32 $0xFFFFC000  }
0x28: {  	[spmem:s6] =	stream.linear.scatter [tilespmem:s18], [sflag:$0x3], $0x4000, $0x38;
	[tilespmem:$0x1F800] =	vst v63  }
0x29: {  	_ =	swait.ge [sflag:s19], $0x4000  }
0x2a: {  	[sflag:s19] =	ssyncset.done $0x0  }
0x2b: {  	[sflag:s19] =	ssyncadd.s32 $0xFFFFC000  }
0x2c: {  	[spmem:s7] =	stream.linear.scatter [tilespmem:s18], [sflag:$0x3], $0x4000, $0x38;
	[tilespmem:$0x1F800] =	vst v63  }
0x2d: {  	_ =	swait.ge [sflag:s19], $0x4000  }
0x2e: {  	[sflag:s19] =	ssyncset.done $0x0  }
0x2f: {  	[sflag:s19] =	ssyncadd.s32 $0xFFFFC000  }
0x30: {  	[spmem:s8] =	stream.linear.scatter [tilespmem:s18], [sflag:$0x3], $0x4000, $0x38;
	[tilespmem:$0x1F800] =	vst v63  }
0x31: {  	_ =	swait.ge [sflag:s19], $0x4000  }
0x32: {  	[sflag:s19] =	ssyncset.done $0x0  }
0x33: {  	[sflag:s19] =	ssyncadd.s32 $0xFFFFC000  }
0x34: {  	[spmem:s9] =	stream.linear.scatter [tilespmem:s18], [sflag:$0x3], $0x4000, $0x38;
	[tilespmem:$0x1F800] =	vst v63  }
0x35: {  	_ =	swait.ge [sflag:s19], $0x4000  }
0x36: {  	[sflag:s19] =	ssyncset.done $0x0  }
0x37: {  	[sflag:s19] =	ssyncadd.s32 $0xFFFFC000  }
0x38: {  	s28 =	simm.s32 $0x0;
	[bflag:$0x0] =	sbarrier.arrive $0xFFFF  }
0x39: {  	[tilespmem:s28], [sflag:$0x3] =	stream.linear.gather [hbm4b:s10+s28], $0x1400, $0x38;
	[tilespmem:$0x1F800] =	vst v63  }
0x3a: {  	_ =	swait.ge [sflag:s19], $0x1400  }
0x3b: {  	[sflag:s19] =	ssyncset.done $0x0  }
0x3c: {  	[sflag:s19] =	ssyncadd.s32 $0xFFFFEC00  }
0x3d: {  	[tilespmem:s20], [sflag:$0x3] =	stream.linear.gather [hbm4b:s11+s28], $0x1400, $0x38;
	[tilespmem:$0x1F800] =	vst v63  }
0x3e: {  	_ =	swait.ge [sflag:s19], $0x1400  }
0x3f: {  	[sflag:s19] =	ssyncset.done $0x0  }
0x40: {  	[sflag:s19] =	ssyncadd.s32 $0xFFFFEC00  }
0x41: {  	[tilespmem:s18], [sflag:$0x1] =	stream.indirect.gather [hbm4b:s4+s21], $0x80, s28, s21, $0xb8;
	[tilespmem:$0x1F800] =	vst v63  }
0x42: {  	_ = 	snop  }
0x43: {  	[tilespmem:s22], [sflag:$0x2] =	stream.indirect.gather [hbm4b:s4+s21], $0x80, s21, s21, $0xb8;
	[tilespmem:$0x1F800] =	vst v63  }
0x44: {  	_ =	swait.ge [sflag:s23], $0x4000  }
0x45: {  	[sflag:s23] =	ssyncset.done $0x0  }
0x46: {  	s28 =	simm.s32 $0x1400;
	[sflag:s23] =	ssyncadd.s32 $0xFFFFC000  }
0x47: {  	[spmem:s1] =	stream.indirect.scatter.add.f32 [tilespmem:s18], [sflag:$0x3], $0x80, s28, s21, $0xb8;
	[tilespmem:$0x1F800] =	vst v63  }
0x48: {  	_ =	swait.ge [sflag:s19], $0x4000  }
0x49: {  	[sflag:s19] =	ssyncset.done $0x0  }
0x4a: {  	s28 =	simm.s32 $0x100;
	[sflag:s19] =	ssyncadd.s32 $0xFFFFC000  }
0x4b: {  	[tilespmem:s18], [sflag:$0x1] =	stream.indirect.gather [hbm4b:s4+s21], $0x80, s28, s21, $0xb8;
	[tilespmem:$0x1F800] =	vst v63  }
0x4c: {  	_ =	swait.ge [sflag:s24], $0x4000  }
0x4d: {  	[sflag:s24] =	ssyncset.done $0x0  }
0x4e: {  	s28 =	simm.s32 $0x1480;
	[sflag:s24] =	ssyncadd.s32 $0xFFFFC000  }
0x4f: {  	[spmem:s1] =	stream.indirect.scatter.add.f32 [tilespmem:s22], [sflag:$0x3], $0x80, s28, s21, $0xb8;
	[tilespmem:$0x1F800] =	vst v63  }
0x50: {  	_ =	swait.ge [sflag:s19], $0x4000  }
0x51: {  	[sflag:s19] =	ssyncset.done $0x0  }
0x52: {  	s29 =	simm.s32 $0x180;
	s28 =	simm.s32 $0x400;
	[sflag:s19] =	ssyncadd.s32 $0xFFFFC000  }
.LBB2_4:
0x53: {  	[tilespmem:s22], [sflag:$0x2] =	stream.indirect.gather [hbm4b:s4+s21], $0x80, s29, s21, $0xb8;
	[tilespmem:$0x1F800] =	vst v63  }
0x54: {  	s29 =	smov.u32 s28  }
0x55: {  	p0 =	sne.s32 s28, $0x4800;
	s28 =	sadd.s32 $0x400, s28;
	_ =	swait.ge [sflag:s23], $0x4000  }
0x56: {  	s29 =	sshra.s32 s29, $0x2;
	[sflag:s23] =	ssyncset.done $0x0  }
0x57: {  	s30 =	sadd.s32 $0x1400, s29;
	[sflag:s23] =	ssyncadd.s32 $0xFFFFC000  }
0x58: {  	[spmem:s1] =	stream.indirect.scatter.add.f32 [tilespmem:s18], [sflag:$0x3], $0x80, s30, s21, $0xb8;
	[tilespmem:$0x1F800] =	vst v63  }
0x59: {  	_ =	swait.ge [sflag:s19], $0x4000  }
0x5a: {  	[sflag:s19] =	ssyncset.done $0x0  }
0x5b: {  	s30 =	sadd.s32 $0x100, s29;
	[sflag:s19] =	ssyncadd.s32 $0xFFFFC000  }
0x5c: {  	[tilespmem:s18], [sflag:$0x1] =	stream.indirect.gather [hbm4b:s4+s21], $0x80, s30, s21, $0xb8;
	[tilespmem:$0x1F800] =	vst v63  }
0x5d: {  	_ =	swait.ge [sflag:s24], $0x4000  }
0x5e: {  	[sflag:s24] =	ssyncset.done $0x0  }
.Ltmp1:
0x5f: {  	s30 =	sadd.s32 $0x1480, s29;
	[sflag:s24] =	ssyncadd.s32 $0xFFFFC000;
	(pc) =	sbr.rel @p0 .LBB2_4-.Ltmp1, $4  }
0x60: {  	[spmem:s1] =	stream.indirect.scatter.add.f32 [tilespmem:s22], [sflag:$0x3], $0x80, s30, s21, $0xb8;
	[tilespmem:$0x1F800] =	vst v63  }
0x61: {  	_ =	swait.ge [sflag:s19], $0x4000  }
0x62: {  	[sflag:s19] =	ssyncset.done $0x0  }
0x63: {  	s29 =	sadd.s32 $0x180, s29;
	[sflag:s19] =	ssyncadd.s32 $0xFFFFC000  }
0x64: {  	[tilespmem:s22], [sflag:$0x2] =	stream.indirect.gather [hbm4b:s4+s21], $0x80, s29, s21, $0xb8;
	[tilespmem:$0x1F800] =	vst v63  }
0x65: {  	_ =	swait.ge [sflag:s23], $0x4000  }
0x66: {  	[sflag:s23] =	ssyncset.done $0x0  }
0x67: {  	[sflag:s23] =	ssyncadd.s32 $0xFFFFC000  }
0x68: {  	[spmem:s1] =	stream.indirect.scatter.add.f32 [tilespmem:s18], [sflag:$0x3], $0x80, s25, s21, $0xb8;
	[tilespmem:$0x1F800] =	vst v63  }
0x69: {  	_ =	swait.ge [sflag:s19], $0x4000  }
0x6a: {  	[sflag:s19] =	ssyncset.done $0x0  }
0x6b: {  	[sflag:s19] =	ssyncadd.s32 $0xFFFFC000  }
0x6c: {  	_ =	swait.ge [sflag:s24], $0x4000  }
0x6d: {  	[sflag:s24] =	ssyncset.done $0x0  }
0x6e: {  	[sflag:s24] =	ssyncadd.s32 $0xFFFFC000  }
0x6f: {  	[spmem:s1] =	stream.indirect.scatter.add.f32 [tilespmem:s22], [sflag:$0x3], $0x80, s26, s21, $0xb8;
	[tilespmem:$0x1F800] =	vst v63  }
0x70: {  	_ =	swait.ge [sflag:s19], $0x4000  }
0x71: {  	[sflag:s19] =	ssyncset.done $0x0  }
0x72: {  	s28 =	simm.s32 $0x0;
	[sflag:s19] =	ssyncadd.s32 $0xFFFFC000  }
0x73: {  	[tilespmem:s28], [sflag:$0x3] =	stream.linear.gather [hbm4b:s12+s28], $0x1400, $0x38;
	[tilespmem:$0x1F800] =	vst v63  }
0x74: {  	_ =	swait.ge [sflag:s19], $0x1400  }
0x75: {  	[sflag:s19] =	ssyncset.done $0x0  }
0x76: {  	[sflag:s19] =	ssyncadd.s32 $0xFFFFEC00  }
0x77: {  	[tilespmem:s20], [sflag:$0x3] =	stream.linear.gather [hbm4b:s13+s28], $0x1400, $0x38;
	[tilespmem:$0x1F800] =	vst v63  }
0x78: {  	_ =	swait.ge [sflag:s19], $0x1400  }
0x79: {  	[sflag:s19] =	ssyncset.done $0x0  }
0x7a: {  	[sflag:s19] =	ssyncadd.s32 $0xFFFFEC00  }
0x7b: {  	[tilespmem:s18], [sflag:$0x1] =	stream.indirect.gather [hbm4b:s4+s21], $0x80, s28, s21, $0xb8;
	[tilespmem:$0x1F800] =	vst v63  }
0x7c: {  	_ = 	snop  }
0x7d: {  	[tilespmem:s22], [sflag:$0x2] =	stream.indirect.gather [hbm4b:s4+s21], $0x80, s21, s21, $0xb8;
	[tilespmem:$0x1F800] =	vst v63  }
0x7e: {  	_ =	swait.ge [sflag:s23], $0x4000  }
0x7f: {  	[sflag:s23] =	ssyncset.done $0x0  }
0x80: {  	s28 =	simm.s32 $0x1400;
	[sflag:s23] =	ssyncadd.s32 $0xFFFFC000  }
0x81: {  	[spmem:s1] =	stream.indirect.scatter.add.f32 [tilespmem:s18], [sflag:$0x3], $0x80, s28, s21, $0xb8;
	[tilespmem:$0x1F800] =	vst v63  }
0x82: {  	_ =	swait.ge [sflag:s19], $0x4000  }
0x83: {  	[sflag:s19] =	ssyncset.done $0x0  }
0x84: {  	s28 =	simm.s32 $0x100;
	[sflag:s19] =	ssyncadd.s32 $0xFFFFC000  }
0x85: {  	[tilespmem:s18], [sflag:$0x1] =	stream.indirect.gather [hbm4b:s4+s21], $0x80, s28, s21, $0xb8;
	[tilespmem:$0x1F800] =	vst v63  }
0x86: {  	_ =	swait.ge [sflag:s24], $0x4000  }
0x87: {  	[sflag:s24] =	ssyncset.done $0x0  }
0x88: {  	s28 =	simm.s32 $0x1480;
	[sflag:s24] =	ssyncadd.s32 $0xFFFFC000  }
0x89: {  	[spmem:s1] =	stream.indirect.scatter.add.f32 [tilespmem:s22], [sflag:$0x3], $0x80, s28, s21, $0xb8;
	[tilespmem:$0x1F800] =	vst v63  }
0x8a: {  	_ =	swait.ge [sflag:s19], $0x4000  }
0x8b: {  	[sflag:s19] =	ssyncset.done $0x0  }
0x8c: {  	s29 =	simm.s32 $0x180;
	s28 =	simm.s32 $0x400;
	[sflag:s19] =	ssyncadd.s32 $0xFFFFC000  }
.LBB2_6:
0x8d: {  	[tilespmem:s22], [sflag:$0x2] =	stream.indirect.gather [hbm4b:s4+s21], $0x80, s29, s21, $0xb8;
	[tilespmem:$0x1F800] =	vst v63  }
0x8e: {  	s29 =	smov.u32 s28  }
0x8f: {  	p0 =	sne.s32 s28, $0x4800;
	s28 =	sadd.s32 $0x400, s28;
	_ =	swait.ge [sflag:s23], $0x4000  }
0x90: {  	s29 =	sshra.s32 s29, $0x2;
	[sflag:s23] =	ssyncset.done $0x0  }
0x91: {  	s30 =	sadd.s32 $0x1400, s29;
	[sflag:s23] =	ssyncadd.s32 $0xFFFFC000  }
0x92: {  	[spmem:s1] =	stream.indirect.scatter.add.f32 [tilespmem:s18], [sflag:$0x3], $0x80, s30, s21, $0xb8;
	[tilespmem:$0x1F800] =	vst v63  }
0x93: {  	_ =	swait.ge [sflag:s19], $0x4000  }
0x94: {  	[sflag:s19] =	ssyncset.done $0x0  }
0x95: {  	s30 =	sadd.s32 $0x100, s29;
	[sflag:s19] =	ssyncadd.s32 $0xFFFFC000  }
0x96: {  	[tilespmem:s18], [sflag:$0x1] =	stream.indirect.gather [hbm4b:s4+s21], $0x80, s30, s21, $0xb8;
	[tilespmem:$0x1F800] =	vst v63  }
0x97: {  	_ =	swait.ge [sflag:s24], $0x4000  }
0x98: {  	[sflag:s24] =	ssyncset.done $0x0  }
.Ltmp2:
0x99: {  	s30 =	sadd.s32 $0x1480, s29;
	[sflag:s24] =	ssyncadd.s32 $0xFFFFC000;
	(pc) =	sbr.rel @p0 .LBB2_6-.Ltmp2, $4  }
0x9a: {  	[spmem:s1] =	stream.indirect.scatter.add.f32 [tilespmem:s22], [sflag:$0x3], $0x80, s30, s21, $0xb8;
	[tilespmem:$0x1F800] =	vst v63  }
0x9b: {  	_ =	swait.ge [sflag:s19], $0x4000  }
0x9c: {  	[sflag:s19] =	ssyncset.done $0x0  }
0x9d: {  	s29 =	sadd.s32 $0x180, s29;
	[sflag:s19] =	ssyncadd.s32 $0xFFFFC000  }
0x9e: {  	[tilespmem:s22], [sflag:$0x2] =	stream.indirect.gather [hbm4b:s4+s21], $0x80, s29, s21, $0xb8;
	[tilespmem:$0x1F800] =	vst v63  }
0x9f: {  	_ =	swait.ge [sflag:s23], $0x4000  }
0xa0: {  	[sflag:s23] =	ssyncset.done $0x0  }
0xa1: {  	[sflag:s23] =	ssyncadd.s32 $0xFFFFC000  }
0xa2: {  	[spmem:s1] =	stream.indirect.scatter.add.f32 [tilespmem:s18], [sflag:$0x3], $0x80, s25, s21, $0xb8;
	[tilespmem:$0x1F800] =	vst v63  }
0xa3: {  	_ =	swait.ge [sflag:s19], $0x4000  }
0xa4: {  	[sflag:s19] =	ssyncset.done $0x0  }
0xa5: {  	[sflag:s19] =	ssyncadd.s32 $0xFFFFC000  }
0xa6: {  	_ =	swait.ge [sflag:s24], $0x4000  }
0xa7: {  	[sflag:s24] =	ssyncset.done $0x0  }
0xa8: {  	[sflag:s24] =	ssyncadd.s32 $0xFFFFC000  }
0xa9: {  	[spmem:s1] =	stream.indirect.scatter.add.f32 [tilespmem:s22], [sflag:$0x3], $0x80, s26, s21, $0xb8;
	[tilespmem:$0x1F800] =	vst v63  }
0xaa: {  	_ =	swait.ge [sflag:s19], $0x4000  }
0xab: {  	[sflag:s19] =	ssyncset.done $0x0  }
0xac: {  	s28 =	simm.s32 $0x0;
	[sflag:s19] =	ssyncadd.s32 $0xFFFFC000  }
0xad: {  	[tilespmem:s28], [sflag:$0x3] =	stream.linear.gather [hbm4b:s14+s28], $0x1400, $0x38;
	[tilespmem:$0x1F800] =	vst v63  }
0xae: {  	_ =	swait.ge [sflag:s19], $0x1400  }
0xaf: {  	[sflag:s19] =	ssyncset.done $0x0  }
0xb0: {  	[sflag:s19] =	ssyncadd.s32 $0xFFFFEC00  }
0xb1: {  	[tilespmem:s20], [sflag:$0x3] =	stream.linear.gather [hbm4b:s15+s28], $0x1400, $0x38;
	[tilespmem:$0x1F800] =	vst v63  }
0xb2: {  	_ =	swait.ge [sflag:s19], $0x1400  }
0xb3: {  	[sflag:s19] =	ssyncset.done $0x0  }
0xb4: {  	[sflag:s19] =	ssyncadd.s32 $0xFFFFEC00  }
0xb5: {  	[tilespmem:s18], [sflag:$0x1] =	stream.indirect.gather [hbm4b:s4+s21], $0x80, s28, s21, $0xb8;
	[tilespmem:$0x1F800] =	vst v63  }
0xb6: {  	_ = 	snop  }
0xb7: {  	[tilespmem:s22], [sflag:$0x2] =	stream.indirect.gather [hbm4b:s4+s21], $0x80, s21, s21, $0xb8;
	[tilespmem:$0x1F800] =	vst v63  }
0xb8: {  	_ =	swait.ge [sflag:s23], $0x4000  }
0xb9: {  	[sflag:s23] =	ssyncset.done $0x0  }
0xba: {  	s28 =	simm.s32 $0x1400;
	[sflag:s23] =	ssyncadd.s32 $0xFFFFC000  }
0xbb: {  	[spmem:s1] =	stream.indirect.scatter.add.f32 [tilespmem:s18], [sflag:$0x3], $0x80, s28, s21, $0xb8;
	[tilespmem:$0x1F800] =	vst v63  }
0xbc: {  	_ =	swait.ge [sflag:s19], $0x4000  }
0xbd: {  	[sflag:s19] =	ssyncset.done $0x0  }
0xbe: {  	s28 =	simm.s32 $0x100;
	[sflag:s19] =	ssyncadd.s32 $0xFFFFC000  }
0xbf: {  	[tilespmem:s18], [sflag:$0x1] =	stream.indirect.gather [hbm4b:s4+s21], $0x80, s28, s21, $0xb8;
	[tilespmem:$0x1F800] =	vst v63  }
0xc0: {  	_ =	swait.ge [sflag:s24], $0x4000  }
0xc1: {  	[sflag:s24] =	ssyncset.done $0x0  }
0xc2: {  	s28 =	simm.s32 $0x1480;
	[sflag:s24] =	ssyncadd.s32 $0xFFFFC000  }
0xc3: {  	[spmem:s1] =	stream.indirect.scatter.add.f32 [tilespmem:s22], [sflag:$0x3], $0x80, s28, s21, $0xb8;
	[tilespmem:$0x1F800] =	vst v63  }
0xc4: {  	_ =	swait.ge [sflag:s19], $0x4000  }
0xc5: {  	[sflag:s19] =	ssyncset.done $0x0  }
0xc6: {  	s29 =	simm.s32 $0x180;
	s28 =	simm.s32 $0x400;
	[sflag:s19] =	ssyncadd.s32 $0xFFFFC000  }
.LBB2_8:
0xc7: {  	[tilespmem:s22], [sflag:$0x2] =	stream.indirect.gather [hbm4b:s4+s21], $0x80, s29, s21, $0xb8;
	[tilespmem:$0x1F800] =	vst v63  }
0xc8: {  	s29 =	smov.u32 s28  }
0xc9: {  	p0 =	sne.s32 s28, $0x4800;
	s28 =	sadd.s32 $0x400, s28;
	_ =	swait.ge [sflag:s23], $0x4000  }
0xca: {  	s29 =	sshra.s32 s29, $0x2;
	[sflag:s23] =	ssyncset.done $0x0  }
0xcb: {  	s30 =	sadd.s32 $0x1400, s29;
	[sflag:s23] =	ssyncadd.s32 $0xFFFFC000  }
0xcc: {  	[spmem:s1] =	stream.indirect.scatter.add.f32 [tilespmem:s18], [sflag:$0x3], $0x80, s30, s21, $0xb8;
	[tilespmem:$0x1F800] =	vst v63  }
0xcd: {  	_ =	swait.ge [sflag:s19], $0x4000  }
0xce: {  	[sflag:s19] =	ssyncset.done $0x0  }
0xcf: {  	s30 =	sadd.s32 $0x100, s29;
	[sflag:s19] =	ssyncadd.s32 $0xFFFFC000  }
0xd0: {  	[tilespmem:s18], [sflag:$0x1] =	stream.indirect.gather [hbm4b:s4+s21], $0x80, s30, s21, $0xb8;
	[tilespmem:$0x1F800] =	vst v63  }
0xd1: {  	_ =	swait.ge [sflag:s24], $0x4000  }
0xd2: {  	[sflag:s24] =	ssyncset.done $0x0  }
.Ltmp3:
0xd3: {  	s30 =	sadd.s32 $0x1480, s29;
	[sflag:s24] =	ssyncadd.s32 $0xFFFFC000;
	(pc) =	sbr.rel @p0 .LBB2_8-.Ltmp3, $4  }
0xd4: {  	[spmem:s1] =	stream.indirect.scatter.add.f32 [tilespmem:s22], [sflag:$0x3], $0x80, s30, s21, $0xb8;
	[tilespmem:$0x1F800] =	vst v63  }
0xd5: {  	_ =	swait.ge [sflag:s19], $0x4000  }
0xd6: {  	[sflag:s19] =	ssyncset.done $0x0  }
0xd7: {  	s29 =	sadd.s32 $0x180, s29;
	[sflag:s19] =	ssyncadd.s32 $0xFFFFC000  }
0xd8: {  	[tilespmem:s22], [sflag:$0x2] =	stream.indirect.gather [hbm4b:s4+s21], $0x80, s29, s21, $0xb8;
	[tilespmem:$0x1F800] =	vst v63  }
0xd9: {  	_ =	swait.ge [sflag:s23], $0x4000  }
0xda: {  	[sflag:s23] =	ssyncset.done $0x0  }
0xdb: {  	[sflag:s23] =	ssyncadd.s32 $0xFFFFC000  }
0xdc: {  	[spmem:s1] =	stream.indirect.scatter.add.f32 [tilespmem:s18], [sflag:$0x3], $0x80, s25, s21, $0xb8;
	[tilespmem:$0x1F800] =	vst v63  }
0xdd: {  	_ =	swait.ge [sflag:s19], $0x4000  }
0xde: {  	[sflag:s19] =	ssyncset.done $0x0  }
0xdf: {  	[sflag:s19] =	ssyncadd.s32 $0xFFFFC000  }
0xe0: {  	_ =	swait.ge [sflag:s24], $0x4000  }
0xe1: {  	[sflag:s24] =	ssyncset.done $0x0  }
0xe2: {  	[sflag:s24] =	ssyncadd.s32 $0xFFFFC000  }
0xe3: {  	[spmem:s1] =	stream.indirect.scatter.add.f32 [tilespmem:s22], [sflag:$0x3], $0x80, s26, s21, $0xb8;
	[tilespmem:$0x1F800] =	vst v63  }
0xe4: {  	_ =	swait.ge [sflag:s19], $0x4000  }
0xe5: {  	s28 =	sshll.u32 s2, $0x6;
	s3 =	sadd.s32 $0x1, s3;
	[sflag:s19] =	ssyncset.done $0x0  }
0xe6: {  	s31 =	sshrl.u32 s5, $0x3;
	p0 =	sne.s32 s3, s17;
	[sflag:s19] =	ssyncadd.s32 $0xFFFFC000  }
.Ltmp4:
0xe7: {  	s28 =	sor.u32 $0x1C03, s28;
	[bflag:$0x0] =	sbarrier.arrive $0xFFFF;
	(pc) =	sbr.rel @p0 .LBB2_1-.Ltmp4, $4  }
0xe8: {  	[hbm:s16], [sflag:s28] =	dma.local [spmem:s31], $0x2800  }
0xe9: {  	_ =	swait.ge [sflag:s19], $0x2800  }
0xea: {  	[sflag:s19] =	ssyncset.done $0x0  }
0xeb: {  	[sflag:s19] =	ssyncadd.s32 $0xFFFFD800  }
0xec: {  	_ =	sfence.sel $0x180000  }
0xed: {  	[bflag:$0x0] =	sbarrier.arrive $0xFFFF  }
0xee: {  	p0 =	sne.s32 s2, $0x0;
	_ =	strace $0x9000004D  }
0xef: {  	s0 =	sadd.s32 @!p0 $0x100000, s0;
	[bflag:$0x2] =	sbarrier.arrive $0xFFFF  }
0xf0: {  	[sflag:s0] =	ssyncadd.tile.s32 @!p0 $0x1;
	_ =	shalt  }
.Lfunc_end2:
_tile_overlayer_lowered:
.L_overlay_start_2:
0xf1: {  	(tag) =	ssettag $0x2  }
0xf2: {  	s0 =	rddreg [dreg:$0x0];
	s2 =	stileid.u32  }
0xf3: {  	s1 =	rddreg [dreg:$0x1];
	p0 =	sne.s32 s2, $0x0  }
0xf4: {  	s3 =	rddreg [dreg:$0x2];
	[bflag:$0x3] =	sbarrier.arrive $0xFFFF;
	s2 =	simm.s32 @!p0 $0x1C03  }
0xf5: {  	[timem:s3], [sflag:s2] =	dma.local @!p0 [hbm:s0], s1  }
0xf6: {  	s0 =	simm.s32 @!p0 $0x3  }
0xf7: {  	_ =	swait.ge @!p0 [sflag:s0], s1  }
0xf8: {  	s1 =	ssub.s32 @!p0 $0x0, s1;
	[sflag:s0] =	ssyncset.done @!p0 $0x0  }
0xf9: {  	[sflag:s0] =	ssyncadd.s32 @!p0 s1  }
0xfa: {  	[bflag:$0x3] =	sbarrier.arrive $0xFFFF  }
0xfb: {  	_ =	shalt  }

// kernel: kernel.20.cloned.1.call-start
scs
__scs_entry_jumppad:
0x0: {  	(pc) =	sbr.rel $0x88, $3  }
0x1: {  	(tag) =	ssettag $0x0;
	lr =	simm.s32 $0x1  }
0x2: {  	[smem:$0x3F94] =	sst lr;
	_ =	strace $0xD0000000  }
0x3: {  	_ = 	snop  }
0x4: {  	_ = 	snop  }
0x5: {  	_ = 	snop  }
0x6: {  	_ = 	snop  }
0x7: {  	_ = 	snop  }
__scs_overlays_trampoline_lowered:
0x8: {  	[smem:$0x3FA3] =	sst s0  }
0x9: {  	[smem:$0x3FA4] =	sst s1  }
0xa: {  	[smem:$0x3FA5] =	sst s2  }
0xb: {  	[smem:$0x3FA6] =	sst s3  }
0xc: {  	[smem:$0x3FA7] =	sst s4  }
0xd: {  	[smem:$0x3FA8] =	sst s5  }
0xe: {  	[smem:$0x3FA9] =	sst s6  }
0xf: {  	[smem:$0x3FAA] =	sst s7  }
0x10: {  	[smem:$0x3FAB] =	sst s8  }
0x11: {  	[smem:$0x3FAC] =	sst s9;
	s0 =	simm.s32 @!p0 $0x0  }
0x12: {  	s1 =	sld [smem:$0x3F92];
	s0 =	simm.s32 @p0 $0x1  }
0x13: {  	[smem:$0x3FAD] =	sst s0;
	s0 =	simm.s32 @!p1 $0x0  }
0x14: {  	s2 =	sld [smem:$0x3F91];
	s0 =	simm.s32 @p1 $0x1  }
0x15: {  	[smem:$0x3FAE] =	sst s0;
	s0 =	simm.s32 @!p2 $0x0  }
0x16: {  	s3 =	sld [smem:$0x3FDB];
	s0 =	simm.s32 @p2 $0x1  }
0x17: {  	s4 =	simm.s32 $0x1BF5;
	[smem:$0x3FB0] =	sst s0  }
0x18: {  	s0 =	sld [smem:$0x3F93];
	_ =	swait.ge [sflag:s4], $0x0  }
0x19: {  	s7 =	sld [smem:$0x3F94]  }
0x1a: {  	s8 =	sadd.s32 $0xFFFFE003, lr  }
0x1b: {  	s9 =	sadd.s32 $0xFFFFFEF7, lr;
	s5 =	simm.s32 $0xFFFFFFFF;
	p2 =	slt.u32 s8, $0xFFFFF086  }
0x1c: {  	p1 =	slt.u32 s9, $0xF7A;
	s5 =	simm.s32 @!p2 $0x0  }
0x1d: {  	s5 =	simm.s32 @p1 $0x1;
	p0 =	seq.s32 s7, s2  }
0x1e: {  	s7 =	smul.u32 @!p0 $0xF7A, s2;
	p2 =	seq.s32 @!p0 s5, $0x0  }
0x1f: {  	s9 =	smul.u32 $0xF7A, s1;
	s8 =	simm.s32 @!p0 $0x1BF5;
	p2 =	por !p2, p0  }
0x20: {  	[sflag:s8] =	ssyncset.s32 @!p0 $0xFFFFF086;
	s6 =	sadd.s32 @!p0 s3, s7;
	s7 =	simm.s32 @!p0 $0x108  }
0x21: {  	s3 =	sadd.s32 s3, s9;
	s6 =	sadd.s32 @!p0 $0x88, s6;
	s7 =	simm.s32 @p2 $0x1082  }
0x22: {  	[simem:s7], [sflag:s8] =	dma.local @!p0 [hbm:s6], $0xF7A  }
0x23: {  	s9 =	sor.u32 $0xD0000000, s2;
	s6 =	simm.s32 $0x108;
	_ =	swait.ge @!p0 [sflag:s8], $0x0  }
0x24: {  	s3 =	sadd.s32 $0x88, s3;
	s6 =	simm.s32 @!p1 $0x1082;
	[sflag:s4] =	ssyncset.s32 $0xFFFFF086  }
0x25: {  	[simem:s6], [sflag:s4] =	dma.local [hbm:s3], $0xF7A  }
0x26: {  	[smem:$0x3F94] =	sst s1;
	(tag) =	ssettag s2;
	_ =	strace s9  }
0x27: {  	s1 =	sld [smem:$0x3FA4]  }
0x28: {  	s2 =	sld [smem:$0x3FA5]  }
0x29: {  	s4 =	sld [smem:$0x3FA7]  }
0x2a: {  	p0 =	seq.s32 s5, $0x0;
	s5 =	sld [smem:$0x3FA8]  }
0x2b: {  	s6 =	sld [smem:$0x3FA9]  }
0x2c: {  	s7 =	sld [smem:$0x3FAA]  }
0x2d: {  	s3 =	simm.s32 $0x108;
	s8 =	sld [smem:$0x3FAB]  }
0x2e: {  	s3 =	simm.s32 @!p0 $0x1082;
	s9 =	sld [smem:$0x3FAC]  }
0x2f: {  	lr =	sadd.s32 s0, s3;
	s0 =	sld [smem:$0x3FA3]  }
0x30: {  	s3 =	sld [smem:$0x3FA6]  }
0x31: {  	[smem:$0x3FAF] =	sst s10  }
0x32: {  	s10 =	sld [smem:$0x3FAD];
	_ =	sdelay $0x3  }
0x33: {  	p0 =	seq.s32 s10, $0x1;
	s10 =	sld [smem:$0x3FAF];
	_ =	sdelay $0x3  }
0x34: {  	[smem:$0x3FAF] =	sst s10  }
0x35: {  	s10 =	sld [smem:$0x3FAE];
	_ =	sdelay $0x3  }
0x36: {  	p1 =	seq.s32 s10, $0x1;
	s10 =	sld [smem:$0x3FAF];
	_ =	sdelay $0x3  }
0x37: {  	[smem:$0x3FAF] =	sst s10  }
0x38: {  	s10 =	sld [smem:$0x3FB0]  }
0x39: {  	_ = 	snop;
	(pc) =	sbr.ind lr, $3  }
0x3a: {  	_ = 	snop  }
0x3b: {  	_ = 	snop  }
0x3c: {  	p2 =	seq.s32 s10, $0x1;
	s10 =	sld [smem:$0x3FAF]  }
0x3d: {  	_ =	shalt  }
0x3e: {  	_ =	shalt  }
0x3f: {  	_ =	shalt  }
0x40: {  	_ =	shalt  }
0x41: {  	_ =	shalt  }
0x42: {  	_ =	shalt  }
0x43: {  	_ =	shalt  }
0x44: {  	_ =	shalt  }
0x45: {  	_ =	shalt  }
0x46: {  	_ =	shalt  }
0x47: {  	_ =	shalt  }
0x48: {  	_ =	shalt  }
0x49: {  	_ =	shalt  }
0x4a: {  	_ =	shalt  }
0x4b: {  	_ =	shalt  }
0x4c: {  	_ =	shalt  }
0x4d: {  	_ =	shalt  }
0x4e: {  	_ =	shalt  }
0x4f: {  	_ =	shalt  }
0x50: {  	_ =	shalt  }
0x51: {  	_ =	shalt  }
0x52: {  	_ =	shalt  }
0x53: {  	_ =	shalt  }
0x54: {  	_ =	shalt  }
0x55: {  	_ =	shalt  }
0x56: {  	_ =	shalt  }
0x57: {  	_ =	shalt  }
0x58: {  	_ =	shalt  }
0x59: {  	_ =	shalt  }
0x5a: {  	_ =	shalt  }
0x5b: {  	_ =	shalt  }
0x5c: {  	_ =	shalt  }
0x5d: {  	_ =	shalt  }
0x5e: {  	_ =	shalt  }
0x5f: {  	_ =	shalt  }
0x60: {  	_ =	shalt  }
0x61: {  	_ =	shalt  }
0x62: {  	_ =	shalt  }
0x63: {  	_ =	shalt  }
0x64: {  	_ =	shalt  }
0x65: {  	_ =	shalt  }
0x66: {  	_ =	shalt  }
0x67: {  	_ =	shalt  }
0x68: {  	_ =	shalt  }
0x69: {  	_ =	shalt  }
0x6a: {  	_ =	shalt  }
0x6b: {  	_ =	shalt  }
0x6c: {  	_ =	shalt  }
0x6d: {  	_ =	shalt  }
0x6e: {  	_ =	shalt  }
0x6f: {  	_ =	shalt  }
0x70: {  	_ =	shalt  }
0x71: {  	_ =	shalt  }
0x72: {  	_ =	shalt  }
0x73: {  	_ =	shalt  }
0x74: {  	_ =	shalt  }
0x75: {  	_ =	shalt  }
0x76: {  	_ =	shalt  }
0x77: {  	_ =	shalt  }
0x78: {  	_ =	shalt  }
0x79: {  	_ =	shalt  }
0x7a: {  	_ =	shalt  }
0x7b: {  	_ =	shalt  }
0x7c: {  	_ =	shalt  }
0x7d: {  	_ =	shalt  }
0x7e: {  	_ =	shalt  }
0x7f: {  	_ =	shalt  }
0x80: {  	_ =	shalt  }
0x81: {  	_ =	shalt  }
0x82: {  	_ =	shalt  }
0x83: {  	_ =	shalt  }
0x84: {  	_ =	shalt  }
0x85: {  	_ =	shalt  }
0x86: {  	_ =	shalt  }
0x87: {  	_ =	shalt  }
.Lfunc_end0:
.L_simem_size_0:
called_computation.3_lowered:
.L_overlay_start_0:
0x88: {  	s2 =	sld [smem:$0x3FD9]  }
0x89: {  	s3 =	sld [smem:$0x3FFE];
	_ =	sdelay $0x1  }
0x8a: {  	s1 =	srdreg.scid  }
0x8b: {  	s0 =	sand.u32 $0x1, s1  }
0x8c: {  	s16 =	sshll.u32 s0, $0xA;
	s2 =	sadd.s32 s3, s2  }
0x8d: {  	s2 =	sadd.s32 s2, s16  }
0x8e: {  	[smem:$0x3FBB] =	sst s2  }
0x8f: {  	_ = 	snop  }
0x90: {  	(tm) =	ssettm $0x1  }
0x91: {  	s17 =	sld [smem:$0x3FFB];
	_ =	sdelay $0x3  }
0x92: {  	_ =	strace s17  }
0x93: {  	s2 =	sld [smem:$0x3FFC];
	_ =	sdelay $0x3  }
0x94: {  	_ =	strace s2  }
0x95: {  	s2 =	sld [smem:$0x3FFD];
	_ =	sdelay $0x3  }
0x96: {  	_ =	strace s2  }
0x97: {  	_ =	strace $0x8FFFFFFF  }
0x98: {  	s18 =	sld [smem:$0x3FDB];
	_ =	sdelay $0x1  }
0x99: {  	s19 =	simm.s32 $_scs_section_size  }
0x9a: {  	s4 =	simm.s32 $_size__tile_overlayer_lowered;
	s5 =	simm.s32 $_tile_overlayer_lowered  }
0x9b: {  	s22 =	simm.s32 $0x1BFF;
	s21 =	sshll.u32 s5, $0x1;
	s2 =	sadd.s32 s19, s18  }
0x9c: {  	s6 =	simm.s32 $0x0;
	s20 =	sshll.u32 s4, $0x1;
	s4 =	sadd.s32 s21, s2  }
0x9d: {  	[timem:s6], [sflag:s22] =	dma.local [hbm:s4], s20  }
0x9e: {  	_ =	swait.ge [sflag:s22], s20  }
0x9f: {  	s3 =	ssub.s32 $0x0, s20;
	[sflag:s22] =	ssyncset.done $0x0  }
0xa0: {  	[sflag:s22] =	ssyncadd.s32 s3;
	_ =	sdelay $0x1  }
0xa1: {  	s23 =	simm.s32 $0x1B8B  }
0xa2: {  	_ =	swait.ge [sflag:s23], $0x1  }
0xa3: {  	[sflag:s23] =	ssyncset.done $0x0  }
0xa4: {  	s25 =	simm.s32 $0x1B8E;
	s24 =	sld [smem:$0x3FFE];
	[sflag:s23] =	ssyncadd.s32 $0xFFFFFFFF  }
0xa5: {  	s26 =	simm.s32 $execute0_lowered;
	[smem:$0x3FD2] =	sst s25  }
0xa6: {  	s4 =	sshll.u32 s26, $0x1;
	_ =	strace $0x8000004F;
	[dreg:$0x1] =	wrdreg $0xFFFFFFFF  }
0xa7: {  	s28 =	simm.s32 $_size_execute0_lowered;
	s2 =	sadd.s32 s2, s4;
	[dreg:$0x0] =	wrdreg $0x0  }
0xa8: {  	s4 =	sshll.u32 s28, $0x1;
	[dreg:$0x2] =	wrdreg s2  }
0xa9: {  	[dreg:$0x3] =	wrdreg s4  }
0xaa: {  	[dreg:$0x4] =	wrdreg $0xC0  }
0xab: {  	_ =	task [dreg:s6], $0x5FFFF  }
0xac: {  	[dreg:$0x1] =	wrdreg $0xFFFFFFFF  }
0xad: {  	[dreg:$0x0] =	wrdreg $0x60  }
0xae: {  	[dreg:$0x2] =	wrdreg s24  }
0xaf: {  	[dreg:$0x3] =	wrdreg $0xA8000  }
0xb0: {  	[dreg:$0x4] =	wrdreg $0x9  }
0xb1: {  	_ =	task.clear_ibuf [dreg:s6], $0x5FFFF;
	_ =	strace $0x9000004F  }
0xb2: {  	s29 =	simm.s32 $0x9;
	_ =	strace $0x80000051  }
0xb3: {  	_ =	swait.ge [sflag:s29], $0x1  }
0xb4: {  	[sflag:s29] =	ssyncadd.s32 $0xFFFFFFFF  }
0xb5: {  	_ =	strace $0x90000051  }
0xb6: {  	_ =	sfence  }
0xb7: {  	s30 =	sld [smem:$0x0];
	_ =	sdelay $0x2  }
0xb8: {  	s31 =	sshll.u32 s1, $0xD;
	s1 =	sshrl.u32 s1, $0x2  }
0xb9: {  	s3 =	sand.u32 $0x4000, s31;
	s1 =	sadd.s32 s1, s30  }
0xba: {  	s0 =	sor.u32 s3, s0;
	s1 =	sshll.u32 s1, $0x11  }
0xbb: {  	s0 =	sor.u32 s1, s0  }
0xbc: {  	s0 =	sadd.s32 $0x8F2B, s0  }
0xbd: {  	[sflag:s0] =	ssyncadd.remote.s32 $0x1  }
0xbe: {  	_ =	sfence.sel $0xFFFF  }
0xbf: {  	[dreg:$0x0] =	wrdreg $0xFFFFFFFF;
	(pc) =	sbr.abs _section_cstart, $3  }
0xc0: {  	[dreg:$0x1] =	wrdreg $0xFFFFFFFF  }
0xc1: {  	_ =	task.clear_ibuf [dreg:s6], $0x2FFFF;
	_ =	strace $0x9FFFFFFF  }
0xc2: {  	(tm) =	ssettm $0x7FFFFFFF  }
0xc3: {  	_ =	shalt  }
tec
execute0_lowered:
.L_overlay_start_1:
0x0: {  	(tag) =	ssettag $0x1  }
0x1: {  	s5 =	rddreg [dreg:$0x0]  }
0x2: {  	s1 =	rddreg [dreg:$0x1]  }
0x3: {  	s0 =	rddreg [dreg:$0x2];
	s3 =	simm.s32 $0x0;
	s2 =	srdreg.scid  }
0x4: {  	s19 =	simm.s32 $0x3;
	s20 =	simm.s32 $0x1400;
	s21 =	simm.s32 $0x80  }
0x5: {  	s22 =	simm.s32 $0x6800;
	s23 =	simm.s32 $0x1;
	s24 =	simm.s32 $0x2  }
0x6: {  	s25 =	simm.s32 $0x2700;
	[smem:$0x7FF] =	sst s3;
	s6 =	sand.u32 $0x1, s2  }
0x7: {  	s26 =	simm.s32 $0x2780;
	s2 =	stileid.u32;
	s7 =	smul.u32 $0x140000, s6  }
0x8: {  	s4 =	sadd.s32 $0x21200, s5;
	s14 =	sadd.s32 $0x3200, s5;
	s8 =	smul.u32 $0x14000, s2  }
0x9: {  	s31 =	sshll.u32 s6, $0x4;
	s9 =	smul.u32 $0x50000, s2;
	s6 =	ssub.s32 $0x2, s6  }
0xa: {  	s15 =	sadd.s32 $0x12200, s5;
	_ =	strace $0x80000050;
	s10 =	sshrl.u32 s6, $0x1  }
0xb: {  	s7 =	sadd.s32 s8, s7;
	s8 =	sor.u32 s2, s31;
	s9 =	sshrl.u32 s9, $0x2  }
0xc: {  	s17 =	ssub.s32 s6, s10;
	s7 =	sshrl.u32 s7, $0x3;
	s8 =	smul.u32 $0x3C00, s8  }
0xd: {  	s17 =	smax.u32 s17, $0x1;
	s16 =	sadd.s32 s7, s5;
	s5 =	sadd.s32 s9, s1  }
0xe: {  	s6 =	sadd.s32 $0x4000, s5;
	s7 =	sadd.s32 $0x8000, s5;
	s12 =	sshrl.u32 s8, $0x3  }
0xf: {  	s8 =	sadd.s32 $0xC000, s5;
	s9 =	sadd.s32 $0x10000, s5;
	s16 =	sadd.s32 $0x48400, s16  }
0x10: {  	s10 =	sadd.s32 s14, s12;
	s11 =	sadd.s32 s15, s12;
	s13 =	sadd.s32 $0x280, s12  }
0x11: {  	s18 =	sadd.s32 $0x500, s12;
	s12 =	sadd.s32 s14, s13;
	s13 =	sadd.s32 s15, s13  }
0x12: {  	v0 =	vimm.f32 $0.0e+00;
	s14 =	sadd.s32 s14, s18;
	s15 =	sadd.s32 s15, s18;
	s18 =	simm.s32 $0x2800  }
.LBB2_1:
0x13: {  	s28 =	simm.s32 $0x0;
	s29 =	simm.s32 $0x200  }
.LBB2_2:
0x14: {  	p0 =	sne.s32 s29, $0xFE00;
	[tilespmem:s28+$0x2870] =	vst v0  }
0x15: {  	[tilespmem:s28+$0x2800] =	vst v0  }
0x16: {  	[tilespmem:s28+$0x2810] =	vst v0  }
.Ltmp0:
0x17: {  	[tilespmem:s28+$0x2820] =	vst v0;
	(pc) =	sbr.rel @p0 .LBB2_2-.Ltmp0, $4  }
0x18: {  	[tilespmem:s28+$0x2830] =	vst v0  }
0x19: {  	[tilespmem:s28+$0x2840] =	vst v0  }
0x1a: {  	[tilespmem:s28+$0x2850] =	vst v0  }
0x1b: {  	[tilespmem:s28+$0x2860] =	vst v0;
	s28 =	sshra.s32 s29, $0x2;
	s29 =	sadd.s32 $0x200, s29  }
0x1c: {  	[tilespmem:s28+$0x2870] =	vst v0  }
0x1d: {  	[tilespmem:s28+$0x2800] =	vst v0  }
0x1e: {  	[tilespmem:s28+$0x2810] =	vst v0  }
0x1f: {  	[tilespmem:s28+$0x2820] =	vst v0  }
0x20: {  	[tilespmem:s28+$0x2830] =	vst v0  }
0x21: {  	[tilespmem:s28+$0x2840] =	vst v0  }
0x22: {  	[tilespmem:s28+$0x2850] =	vst v0  }
0x23: {  	[tilespmem:s28+$0x2860] =	vst v0  }
0x24: {  	[spmem:s5] =	stream.linear.scatter [tilespmem:s18], [sflag:$0x3], $0x4000, $0x38;
	[tilespmem:$0x1F800] =	vst v63  }
0x25: {  	_ =	swait.ge [sflag:s19], $0x4000  }
0x26: {  	[sflag:s19] =	ssyncset.done $0x0  }
0x27: {  	[sflag:s19] =	ssyncadd.s32 $0xFFFFC000  }
0x28: {  	[spmem:s6] =	stream.linear.scatter [tilespmem:s18], [sflag:$0x3], $0x4000, $0x38;
	[tilespmem:$0x1F800] =	vst v63  }
0x29: {  	_ =	swait.ge [sflag:s19], $0x4000  }
0x2a: {  	[sflag:s19] =	ssyncset.done $0x0  }
0x2b: {  	[sflag:s19] =	ssyncadd.s32 $0xFFFFC000  }
0x2c: {  	[spmem:s7] =	stream.linear.scatter [tilespmem:s18], [sflag:$0x3], $0x4000, $0x38;
	[tilespmem:$0x1F800] =	vst v63  }
0x2d: {  	_ =	swait.ge [sflag:s19], $0x4000  }
0x2e: {  	[sflag:s19] =	ssyncset.done $0x0  }
0x2f: {  	[sflag:s19] =	ssyncadd.s32 $0xFFFFC000  }
0x30: {  	[spmem:s8] =	stream.linear.scatter [tilespmem:s18], [sflag:$0x3], $0x4000, $0x38;
	[tilespmem:$0x1F800] =	vst v63  }
0x31: {  	_ =	swait.ge [sflag:s19], $0x4000  }
0x32: {  	[sflag:s19] =	ssyncset.done $0x0  }
0x33: {  	[sflag:s19] =	ssyncadd.s32 $0xFFFFC000  }
0x34: {  	[spmem:s9] =	stream.linear.scatter [tilespmem:s18], [sflag:$0x3], $0x4000, $0x38;
	[tilespmem:$0x1F800] =	vst v63  }
0x35: {  	_ =	swait.ge [sflag:s19], $0x4000  }
0x36: {  	[sflag:s19] =	ssyncset.done $0x0  }
0x37: {  	[sflag:s19] =	ssyncadd.s32 $0xFFFFC000  }
0x38: {  	s28 =	simm.s32 $0x0;
	[bflag:$0x0] =	sbarrier.arrive $0xFFFF  }
0x39: {  	[tilespmem:s28], [sflag:$0x3] =	stream.linear.gather [hbm4b:s10+s28], $0x1400, $0x38;
	[tilespmem:$0x1F800] =	vst v63  }
0x3a: {  	_ =	swait.ge [sflag:s19], $0x1400  }
0x3b: {  	[sflag:s19] =	ssyncset.done $0x0  }
0x3c: {  	[sflag:s19] =	ssyncadd.s32 $0xFFFFEC00  }
0x3d: {  	[tilespmem:s20], [sflag:$0x3] =	stream.linear.gather [hbm4b:s11+s28], $0x1400, $0x38;
	[tilespmem:$0x1F800] =	vst v63  }
0x3e: {  	_ =	swait.ge [sflag:s19], $0x1400  }
0x3f: {  	[sflag:s19] =	ssyncset.done $0x0  }
0x40: {  	[sflag:s19] =	ssyncadd.s32 $0xFFFFEC00  }
0x41: {  	[tilespmem:s18], [sflag:$0x1] =	stream.indirect.gather [hbm4b:s4+s21], $0x80, s28, s21, $0xb8;
	[tilespmem:$0x1F800] =	vst v63  }
0x42: {  	_ = 	snop  }
0x43: {  	[tilespmem:s22], [sflag:$0x2] =	stream.indirect.gather [hbm4b:s4+s21], $0x80, s21, s21, $0xb8;
	[tilespmem:$0x1F800] =	vst v63  }
0x44: {  	_ =	swait.ge [sflag:s23], $0x4000  }
0x45: {  	[sflag:s23] =	ssyncset.done $0x0  }
0x46: {  	s28 =	simm.s32 $0x1400;
	[sflag:s23] =	ssyncadd.s32 $0xFFFFC000  }
0x47: {  	[spmem:s1] =	stream.indirect.scatter.add.f32 [tilespmem:s18], [sflag:$0x3], $0x80, s28, s21, $0xb8;
	[tilespmem:$0x1F800] =	vst v63  }
0x48: {  	_ =	swait.ge [sflag:s19], $0x4000  }
0x49: {  	[sflag:s19] =	ssyncset.done $0x0  }
0x4a: {  	s28 =	simm.s32 $0x100;
	[sflag:s19] =	ssyncadd.s32 $0xFFFFC000  }
0x4b: {  	[tilespmem:s18], [sflag:$0x1] =	stream.indirect.gather [hbm4b:s4+s21], $0x80, s28, s21, $0xb8;
	[tilespmem:$0x1F800] =	vst v63  }
0x4c: {  	_ =	swait.ge [sflag:s24], $0x4000  }
0x4d: {  	[sflag:s24] =	ssyncset.done $0x0  }
0x4e: {  	s28 =	simm.s32 $0x1480;
	[sflag:s24] =	ssyncadd.s32 $0xFFFFC000  }
0x4f: {  	[spmem:s1] =	stream.indirect.scatter.add.f32 [tilespmem:s22], [sflag:$0x3], $0x80, s28, s21, $0xb8;
	[tilespmem:$0x1F800] =	vst v63  }
0x50: {  	_ =	swait.ge [sflag:s19], $0x4000  }
0x51: {  	[sflag:s19] =	ssyncset.done $0x0  }
0x52: {  	s29 =	simm.s32 $0x180;
	s28 =	simm.s32 $0x400;
	[sflag:s19] =	ssyncadd.s32 $0xFFFFC000  }
.LBB2_4:
0x53: {  	[tilespmem:s22], [sflag:$0x2] =	stream.indirect.gather [hbm4b:s4+s21], $0x80, s29, s21, $0xb8;
	[tilespmem:$0x1F800] =	vst v63  }
0x54: {  	s29 =	smov.u32 s28  }
0x55: {  	p0 =	sne.s32 s28, $0x4800;
	s28 =	sadd.s32 $0x400, s28;
	_ =	swait.ge [sflag:s23], $0x4000  }
0x56: {  	s29 =	sshra.s32 s29, $0x2;
	[sflag:s23] =	ssyncset.done $0x0  }
0x57: {  	s30 =	sadd.s32 $0x1400, s29;
	[sflag:s23] =	ssyncadd.s32 $0xFFFFC000  }
0x58: {  	[spmem:s1] =	stream.indirect.scatter.add.f32 [tilespmem:s18], [sflag:$0x3], $0x80, s30, s21, $0xb8;
	[tilespmem:$0x1F800] =	vst v63  }
0x59: {  	_ =	swait.ge [sflag:s19], $0x4000  }
0x5a: {  	[sflag:s19] =	ssyncset.done $0x0  }
0x5b: {  	s30 =	sadd.s32 $0x100, s29;
	[sflag:s19] =	ssyncadd.s32 $0xFFFFC000  }
0x5c: {  	[tilespmem:s18], [sflag:$0x1] =	stream.indirect.gather [hbm4b:s4+s21], $0x80, s30, s21, $0xb8;
	[tilespmem:$0x1F800] =	vst v63  }
0x5d: {  	_ =	swait.ge [sflag:s24], $0x4000  }
0x5e: {  	[sflag:s24] =	ssyncset.done $0x0  }
.Ltmp1:
0x5f: {  	s30 =	sadd.s32 $0x1480, s29;
	[sflag:s24] =	ssyncadd.s32 $0xFFFFC000;
	(pc) =	sbr.rel @p0 .LBB2_4-.Ltmp1, $4  }
0x60: {  	[spmem:s1] =	stream.indirect.scatter.add.f32 [tilespmem:s22], [sflag:$0x3], $0x80, s30, s21, $0xb8;
	[tilespmem:$0x1F800] =	vst v63  }
0x61: {  	_ =	swait.ge [sflag:s19], $0x4000  }
0x62: {  	[sflag:s19] =	ssyncset.done $0x0  }
0x63: {  	s29 =	sadd.s32 $0x180, s29;
	[sflag:s19] =	ssyncadd.s32 $0xFFFFC000  }
0x64: {  	[tilespmem:s22], [sflag:$0x2] =	stream.indirect.gather [hbm4b:s4+s21], $0x80, s29, s21, $0xb8;
	[tilespmem:$0x1F800] =	vst v63  }
0x65: {  	_ =	swait.ge [sflag:s23], $0x4000  }
0x66: {  	[sflag:s23] =	ssyncset.done $0x0  }
0x67: {  	[sflag:s23] =	ssyncadd.s32 $0xFFFFC000  }
0x68: {  	[spmem:s1] =	stream.indirect.scatter.add.f32 [tilespmem:s18], [sflag:$0x3], $0x80, s25, s21, $0xb8;
	[tilespmem:$0x1F800] =	vst v63  }
0x69: {  	_ =	swait.ge [sflag:s19], $0x4000  }
0x6a: {  	[sflag:s19] =	ssyncset.done $0x0  }
0x6b: {  	[sflag:s19] =	ssyncadd.s32 $0xFFFFC000  }
0x6c: {  	_ =	swait.ge [sflag:s24], $0x4000  }
0x6d: {  	[sflag:s24] =	ssyncset.done $0x0  }
0x6e: {  	[sflag:s24] =	ssyncadd.s32 $0xFFFFC000  }
0x6f: {  	[spmem:s1] =	stream.indirect.scatter.add.f32 [tilespmem:s22], [sflag:$0x3], $0x80, s26, s21, $0xb8;
	[tilespmem:$0x1F800] =	vst v63  }
0x70: {  	_ =	swait.ge [sflag:s19], $0x4000  }
0x71: {  	[sflag:s19] =	ssyncset.done $0x0  }
0x72: {  	s28 =	simm.s32 $0x0;
	[sflag:s19] =	ssyncadd.s32 $0xFFFFC000  }
0x73: {  	[tilespmem:s28], [sflag:$0x3] =	stream.linear.gather [hbm4b:s12+s28], $0x1400, $0x38;
	[tilespmem:$0x1F800] =	vst v63  }
0x74: {  	_ =	swait.ge [sflag:s19], $0x1400  }
0x75: {  	[sflag:s19] =	ssyncset.done $0x0  }
0x76: {  	[sflag:s19] =	ssyncadd.s32 $0xFFFFEC00  }
0x77: {  	[tilespmem:s20], [sflag:$0x3] =	stream.linear.gather [hbm4b:s13+s28], $0x1400, $0x38;
	[tilespmem:$0x1F800] =	vst v63  }
0x78: {  	_ =	swait.ge [sflag:s19], $0x1400  }
0x79: {  	[sflag:s19] =	ssyncset.done $0x0  }
0x7a: {  	[sflag:s19] =	ssyncadd.s32 $0xFFFFEC00  }
0x7b: {  	[tilespmem:s18], [sflag:$0x1] =	stream.indirect.gather [hbm4b:s4+s21], $0x80, s28, s21, $0xb8;
	[tilespmem:$0x1F800] =	vst v63  }
0x7c: {  	_ = 	snop  }
0x7d: {  	[tilespmem:s22], [sflag:$0x2] =	stream.indirect.gather [hbm4b:s4+s21], $0x80, s21, s21, $0xb8;
	[tilespmem:$0x1F800] =	vst v63  }
0x7e: {  	_ =	swait.ge [sflag:s23], $0x4000  }
0x7f: {  	[sflag:s23] =	ssyncset.done $0x0  }
0x80: {  	s28 =	simm.s32 $0x1400;
	[sflag:s23] =	ssyncadd.s32 $0xFFFFC000  }
0x81: {  	[spmem:s1] =	stream.indirect.scatter.add.f32 [tilespmem:s18], [sflag:$0x3], $0x80, s28, s21, $0xb8;
	[tilespmem:$0x1F800] =	vst v63  }
0x82: {  	_ =	swait.ge [sflag:s19], $0x4000  }
0x83: {  	[sflag:s19] =	ssyncset.done $0x0  }
0x84: {  	s28 =	simm.s32 $0x100;
	[sflag:s19] =	ssyncadd.s32 $0xFFFFC000  }
0x85: {  	[tilespmem:s18], [sflag:$0x1] =	stream.indirect.gather [hbm4b:s4+s21], $0x80, s28, s21, $0xb8;
	[tilespmem:$0x1F800] =	vst v63  }
0x86: {  	_ =	swait.ge [sflag:s24], $0x4000  }
0x87: {  	[sflag:s24] =	ssyncset.done $0x0  }
0x88: {  	s28 =	simm.s32 $0x1480;
	[sflag:s24] =	ssyncadd.s32 $0xFFFFC000  }
0x89: {  	[spmem:s1] =	stream.indirect.scatter.add.f32 [tilespmem:s22], [sflag:$0x3], $0x80, s28, s21, $0xb8;
	[tilespmem:$0x1F800] =	vst v63  }
0x8a: {  	_ =	swait.ge [sflag:s19], $0x4000  }
0x8b: {  	[sflag:s19] =	ssyncset.done $0x0  }
0x8c: {  	s29 =	simm.s32 $0x180;
	s28 =	simm.s32 $0x400;
	[sflag:s19] =	ssyncadd.s32 $0xFFFFC000  }
.LBB2_6:
0x8d: {  	[tilespmem:s22], [sflag:$0x2] =	stream.indirect.gather [hbm4b:s4+s21], $0x80, s29, s21, $0xb8;
	[tilespmem:$0x1F800] =	vst v63  }
0x8e: {  	s29 =	smov.u32 s28  }
0x8f: {  	p0 =	sne.s32 s28, $0x4800;
	s28 =	sadd.s32 $0x400, s28;
	_ =	swait.ge [sflag:s23], $0x4000  }
0x90: {  	s29 =	sshra.s32 s29, $0x2;
	[sflag:s23] =	ssyncset.done $0x0  }
0x91: {  	s30 =	sadd.s32 $0x1400, s29;
	[sflag:s23] =	ssyncadd.s32 $0xFFFFC000  }
0x92: {  	[spmem:s1] =	stream.indirect.scatter.add.f32 [tilespmem:s18], [sflag:$0x3], $0x80, s30, s21, $0xb8;
	[tilespmem:$0x1F800] =	vst v63  }
0x93: {  	_ =	swait.ge [sflag:s19], $0x4000  }
0x94: {  	[sflag:s19] =	ssyncset.done $0x0  }
0x95: {  	s30 =	sadd.s32 $0x100, s29;
	[sflag:s19] =	ssyncadd.s32 $0xFFFFC000  }
0x96: {  	[tilespmem:s18], [sflag:$0x1] =	stream.indirect.gather [hbm4b:s4+s21], $0x80, s30, s21, $0xb8;
	[tilespmem:$0x1F800] =	vst v63  }
0x97: {  	_ =	swait.ge [sflag:s24], $0x4000  }
0x98: {  	[sflag:s24] =	ssyncset.done $0x0  }
.Ltmp2:
0x99: {  	s30 =	sadd.s32 $0x1480, s29;
	[sflag:s24] =	ssyncadd.s32 $0xFFFFC000;
	(pc) =	sbr.rel @p0 .LBB2_6-.Ltmp2, $4  }
0x9a: {  	[spmem:s1] =	stream.indirect.scatter.add.f32 [tilespmem:s22], [sflag:$0x3], $0x80, s30, s21, $0xb8;
	[tilespmem:$0x1F800] =	vst v63  }
0x9b: {  	_ =	swait.ge [sflag:s19], $0x4000  }
0x9c: {  	[sflag:s19] =	ssyncset.done $0x0  }
0x9d: {  	s29 =	sadd.s32 $0x180, s29;
	[sflag:s19] =	ssyncadd.s32 $0xFFFFC000  }
0x9e: {  	[tilespmem:s22], [sflag:$0x2] =	stream.indirect.gather [hbm4b:s4+s21], $0x80, s29, s21, $0xb8;
	[tilespmem:$0x1F800] =	vst v63  }
0x9f: {  	_ =	swait.ge [sflag:s23], $0x4000  }
0xa0: {  	[sflag:s23] =	ssyncset.done $0x0  }
0xa1: {  	[sflag:s23] =	ssyncadd.s32 $0xFFFFC000  }
0xa2: {  	[spmem:s1] =	stream.indirect.scatter.add.f32 [tilespmem:s18], [sflag:$0x3], $0x80, s25, s21, $0xb8;
	[tilespmem:$0x1F800] =	vst v63  }
0xa3: {  	_ =	swait.ge [sflag:s19], $0x4000  }
0xa4: {  	[sflag:s19] =	ssyncset.done $0x0  }
0xa5: {  	[sflag:s19] =	ssyncadd.s32 $0xFFFFC000  }
0xa6: {  	_ =	swait.ge [sflag:s24], $0x4000  }
0xa7: {  	[sflag:s24] =	ssyncset.done $0x0  }
0xa8: {  	[sflag:s24] =	ssyncadd.s32 $0xFFFFC000  }
0xa9: {  	[spmem:s1] =	stream.indirect.scatter.add.f32 [tilespmem:s22], [sflag:$0x3], $0x80, s26, s21, $0xb8;
	[tilespmem:$0x1F800] =	vst v63  }
0xaa: {  	_ =	swait.ge [sflag:s19], $0x4000  }
0xab: {  	[sflag:s19] =	ssyncset.done $0x0  }
0xac: {  	s28 =	simm.s32 $0x0;
	[sflag:s19] =	ssyncadd.s32 $0xFFFFC000  }
0xad: {  	[tilespmem:s28], [sflag:$0x3] =	stream.linear.gather [hbm4b:s14+s28], $0x1400, $0x38;
	[tilespmem:$0x1F800] =	vst v63  }
0xae: {  	_ =	swait.ge [sflag:s19], $0x1400  }
0xaf: {  	[sflag:s19] =	ssyncset.done $0x0  }
0xb0: {  	[sflag:s19] =	ssyncadd.s32 $0xFFFFEC00  }
0xb1: {  	[tilespmem:s20], [sflag:$0x3] =	stream.linear.gather [hbm4b:s15+s28], $0x1400, $0x38;
	[tilespmem:$0x1F800] =	vst v63  }
0xb2: {  	_ =	swait.ge [sflag:s19], $0x1400  }
0xb3: {  	[sflag:s19] =	ssyncset.done $0x0  }
0xb4: {  	[sflag:s19] =	ssyncadd.s32 $0xFFFFEC00  }
0xb5: {  	[tilespmem:s18], [sflag:$0x1] =	stream.indirect.gather [hbm4b:s4+s21], $0x80, s28, s21, $0xb8;
	[tilespmem:$0x1F800] =	vst v63  }
0xb6: {  	_ = 	snop  }
0xb7: {  	[tilespmem:s22], [sflag:$0x2] =	stream.indirect.gather [hbm4b:s4+s21], $0x80, s21, s21, $0xb8;
	[tilespmem:$0x1F800] =	vst v63  }
0xb8: {  	_ =	swait.ge [sflag:s23], $0x4000  }
0xb9: {  	[sflag:s23] =	ssyncset.done $0x0  }
0xba: {  	s28 =	simm.s32 $0x1400;
	[sflag:s23] =	ssyncadd.s32 $0xFFFFC000  }
0xbb: {  	[spmem:s1] =	stream.indirect.scatter.add.f32 [tilespmem:s18], [sflag:$0x3], $0x80, s28, s21, $0xb8;
	[tilespmem:$0x1F800] =	vst v63  }
0xbc: {  	_ =	swait.ge [sflag:s19], $0x4000  }
0xbd: {  	[sflag:s19] =	ssyncset.done $0x0  }
0xbe: {  	s28 =	simm.s32 $0x100;
	[sflag:s19] =	ssyncadd.s32 $0xFFFFC000  }
0xbf: {  	[tilespmem:s18], [sflag:$0x1] =	stream.indirect.gather [hbm4b:s4+s21], $0x80, s28, s21, $0xb8;
	[tilespmem:$0x1F800] =	vst v63  }
0xc0: {  	_ =	swait.ge [sflag:s24], $0x4000  }
0xc1: {  	[sflag:s24] =	ssyncset.done $0x0  }
0xc2: {  	s28 =	simm.s32 $0x1480;
	[sflag:s24] =	ssyncadd.s32 $0xFFFFC000  }
0xc3: {  	[spmem:s1] =	stream.indirect.scatter.add.f32 [tilespmem:s22], [sflag:$0x3], $0x80, s28, s21, $0xb8;
	[tilespmem:$0x1F800] =	vst v63  }
0xc4: {  	_ =	swait.ge [sflag:s19], $0x4000  }
0xc5: {  	[sflag:s19] =	ssyncset.done $0x0  }
0xc6: {  	s29 =	simm.s32 $0x180;
	s28 =	simm.s32 $0x400;
	[sflag:s19] =	ssyncadd.s32 $0xFFFFC000  }
.LBB2_8:
0xc7: {  	[tilespmem:s22], [sflag:$0x2] =	stream.indirect.gather [hbm4b:s4+s21], $0x80, s29, s21, $0xb8;
	[tilespmem:$0x1F800] =	vst v63  }
0xc8: {  	s29 =	smov.u32 s28  }
0xc9: {  	p0 =	sne.s32 s28, $0x4800;
	s28 =	sadd.s32 $0x400, s28;
	_ =	swait.ge [sflag:s23], $0x4000  }
0xca: {  	s29 =	sshra.s32 s29, $0x2;
	[sflag:s23] =	ssyncset.done $0x0  }
0xcb: {  	s30 =	sadd.s32 $0x1400, s29;
	[sflag:s23] =	ssyncadd.s32 $0xFFFFC000  }
0xcc: {  	[spmem:s1] =	stream.indirect.scatter.add.f32 [tilespmem:s18], [sflag:$0x3], $0x80, s30, s21, $0xb8;
	[tilespmem:$0x1F800] =	vst v63  }
0xcd: {  	_ =	swait.ge [sflag:s19], $0x4000  }
0xce: {  	[sflag:s19] =	ssyncset.done $0x0  }
0xcf: {  	s30 =	sadd.s32 $0x100, s29;
	[sflag:s19] =	ssyncadd.s32 $0xFFFFC000  }
0xd0: {  	[tilespmem:s18], [sflag:$0x1] =	stream.indirect.gather [hbm4b:s4+s21], $0x80, s30, s21, $0xb8;
	[tilespmem:$0x1F800] =	vst v63  }
0xd1: {  	_ =	swait.ge [sflag:s24], $0x4000  }
0xd2: {  	[sflag:s24] =	ssyncset.done $0x0  }
.Ltmp3:
0xd3: {  	s30 =	sadd.s32 $0x1480, s29;
	[sflag:s24] =	ssyncadd.s32 $0xFFFFC000;
	(pc) =	sbr.rel @p0 .LBB2_8-.Ltmp3, $4  }
0xd4: {  	[spmem:s1] =	stream.indirect.scatter.add.f32 [tilespmem:s22], [sflag:$0x3], $0x80, s30, s21, $0xb8;
	[tilespmem:$0x1F800] =	vst v63  }
0xd5: {  	_ =	swait.ge [sflag:s19], $0x4000  }
0xd6: {  	[sflag:s19] =	ssyncset.done $0x0  }
0xd7: {  	s29 =	sadd.s32 $0x180, s29;
	[sflag:s19] =	ssyncadd.s32 $0xFFFFC000  }
0xd8: {  	[tilespmem:s22], [sflag:$0x2] =	stream.indirect.gather [hbm4b:s4+s21], $0x80, s29, s21, $0xb8;
	[tilespmem:$0x1F800] =	vst v63  }
0xd9: {  	_ =	swait.ge [sflag:s23], $0x4000  }
0xda: {  	[sflag:s23] =	ssyncset.done $0x0  }
0xdb: {  	[sflag:s23] =	ssyncadd.s32 $0xFFFFC000  }
0xdc: {  	[spmem:s1] =	stream.indirect.scatter.add.f32 [tilespmem:s18], [sflag:$0x3], $0x80, s25, s21, $0xb8;
	[tilespmem:$0x1F800] =	vst v63  }
0xdd: {  	_ =	swait.ge [sflag:s19], $0x4000  }
0xde: {  	[sflag:s19] =	ssyncset.done $0x0  }
0xdf: {  	[sflag:s19] =	ssyncadd.s32 $0xFFFFC000  }
0xe0: {  	_ =	swait.ge [sflag:s24], $0x4000  }
0xe1: {  	[sflag:s24] =	ssyncset.done $0x0  }
0xe2: {  	[sflag:s24] =	ssyncadd.s32 $0xFFFFC000  }
0xe3: {  	[spmem:s1] =	stream.indirect.scatter.add.f32 [tilespmem:s22], [sflag:$0x3], $0x80, s26, s21, $0xb8;
	[tilespmem:$0x1F800] =	vst v63  }
0xe4: {  	_ =	swait.ge [sflag:s19], $0x4000  }
0xe5: {  	s28 =	sshll.u32 s2, $0x6;
	s3 =	sadd.s32 $0x1, s3;
	[sflag:s19] =	ssyncset.done $0x0  }
0xe6: {  	s31 =	sshrl.u32 s5, $0x3;
	p0 =	sne.s32 s3, s17;
	[sflag:s19] =	ssyncadd.s32 $0xFFFFC000  }
.Ltmp4:
0xe7: {  	s28 =	sor.u32 $0x1C03, s28;
	[bflag:$0x0] =	sbarrier.arrive $0xFFFF;
	(pc) =	sbr.rel @p0 .LBB2_1-.Ltmp4, $4  }
0xe8: {  	[hbm:s16], [sflag:s28] =	dma.local [spmem:s31], $0x2800  }
0xe9: {  	_ =	swait.ge [sflag:s19], $0x2800  }
0xea: {  	[sflag:s19] =	ssyncset.done $0x0  }
0xeb: {  	[sflag:s19] =	ssyncadd.s32 $0xFFFFD800  }
0xec: {  	_ =	sfence.sel $0x180000  }
0xed: {  	[bflag:$0x0] =	sbarrier.arrive $0xFFFF  }
0xee: {  	p0 =	sne.s32 s2, $0x0;
	_ =	strace $0x90000050  }
0xef: {  	s0 =	sadd.s32 @!p0 $0x100000, s0;
	[bflag:$0x2] =	sbarrier.arrive $0xFFFF  }
0xf0: {  	[sflag:s0] =	ssyncadd.tile.s32 @!p0 $0x1;
	_ =	shalt  }
.Lfunc_end2:
_tile_overlayer_lowered:
.L_overlay_start_2:
0xf1: {  	(tag) =	ssettag $0x2  }
0xf2: {  	s0 =	rddreg [dreg:$0x0];
	s2 =	stileid.u32  }
0xf3: {  	s1 =	rddreg [dreg:$0x1];
	p0 =	sne.s32 s2, $0x0  }
0xf4: {  	s3 =	rddreg [dreg:$0x2];
	[bflag:$0x3] =	sbarrier.arrive $0xFFFF;
	s2 =	simm.s32 @!p0 $0x1C03  }
0xf5: {  	[timem:s3], [sflag:s2] =	dma.local @!p0 [hbm:s0], s1  }
0xf6: {  	s0 =	simm.s32 @!p0 $0x3  }
0xf7: {  	_ =	swait.ge @!p0 [sflag:s0], s1  }
0xf8: {  	s1 =	ssub.s32 @!p0 $0x0, s1;
	[sflag:s0] =	ssyncset.done @!p0 $0x0  }
0xf9: {  	[sflag:s0] =	ssyncadd.s32 @!p0 s1  }
0xfa: {  	[bflag:$0x3] =	sbarrier.arrive $0xFFFF  }
0xfb: {  	_ =	shalt  }

</sc_bundles>
